<compile_context>
chip_gen: v7x
topology: tpu7x:2x2x1
jax: 0.10.2.dev20260603
libtpu: 0.0.44.dev20260713+nightly
codegen_flags: <defaults>
</compile_context>

<pallas_src>
import functools

import jax
import jax.numpy as jnp
from jax import lax
from jax.experimental import pallas as pl
from jax.experimental.pallas import tpu as pltpu
from jax.experimental.pallas import tpu_sc as plsc

N = 489
NP = 512
FEAT = 512
H1 = 256
H2 = 128
E = 31296
DRUG = 271
MIC = N - DRUG
GAMMA = 0.5

NSUB = 16
EPAD = 32768
EPS = EPAD // NSUB
IRW = 16
TBL = NP * NP
TSLICE = TBL // NSUB
ZCH = 2048
SENT = TBL - 1


@functools.cache
def _adj_sc():
    mesh = plsc.VectorSubcoreMesh(core_axis_name="c", subcore_axis_name="s")
    return pl.kernel(
        _adj_sc_body,
        out_type=(jax.ShapeDtypeStruct((TBL,), jnp.float32),
                  jax.ShapeDtypeStruct((TBL,), jnp.float32)),
        mesh=mesh,
        scratch_types=[
            pltpu.VMEM((EPS,), jnp.int32),
            pltpu.VMEM((IRW, 128), jnp.int32),
            pltpu.VMEM((128,), jnp.float32),
            pltpu.VMEM((ZCH,), jnp.float32),
            pltpu.VMEM_SHARED((TBL,), jnp.float32),
            pltpu.SemaphoreType.DMA,
            pltpu.SemaphoreType.DMA,
            pltpu.SemaphoreType.DMA,
        ],
    )


def _adj_sc_body(idx_hbm, out0_hbm, out1_hbm,
                 idx1d, idxb, onesb, zerob, table,
                 sem_z, sem_e, sem_s):
    cid = lax.axis_index("c")
    sid = lax.axis_index("s")

    zeros16 = jnp.zeros((16,), jnp.float32)
    ones16 = jnp.ones((16,), jnp.float32)
    for i in range(ZCH // 16):
        zerob[pl.ds(i * 16, 16)] = zeros16
    for i in range(128 // 16):
        onesb[pl.ds(i * 16, 16)] = ones16

    for j in range(TSLICE // ZCH):
        pltpu.async_copy(zerob, table.at[pl.ds(sid * TSLICE + j * ZCH, ZCH)],
                         sem_z)

    base = cid * EPAD + sid * EPS
    pltpu.async_copy(idx_hbm.at[pl.ds(base, EPS)],
                     idx1d.at[pl.ds(0, EPS)], sem_e)
    pltpu.make_async_copy(idx_hbm.at[pl.ds(0, EPS)],
                          idx1d.at[pl.ds(0, EPS)], sem_e).wait()

    for g in range(EPS // 16):
        idxb[g // 8, pl.ds((g % 8) * 16, 16)] = idx1d[pl.ds(g * 16, 16)]

    for j in range(TSLICE // ZCH):
        pltpu.make_async_copy(zerob, table.at[pl.ds(j * ZCH, ZCH)],
                              sem_z).wait()
    plsc.subcore_barrier()

    for r in range(IRW):
        pltpu.async_copy(onesb, table.at[idxb.at[r]], sem_s, add=True)
    for r in range(IRW):
        pltpu.make_async_copy(onesb, table.at[idxb.at[0]], sem_s).wait()

    plsc.subcore_barrier()

    @pl.when(cid == 0)
    def _():
        pltpu.sync_copy(table.at[pl.ds(sid * TSLICE, TSLICE)],
                        out0_hbm.at[pl.ds(sid * TSLICE, TSLICE)])

    @pl.when(cid == 1)
    def _():
        pltpu.sync_copy(table.at[pl.ds(sid * TSLICE, TSLICE)],
                        out1_hbm.at[pl.ds(sid * TSLICE, TSLICE)])


_PRE_SHAPES = tuple(jax.ShapeDtypeStruct((N, H1), jnp.float32)
                    for _ in range(4))

_OUT_SHAPES = (
    jax.ShapeDtypeStruct((DRUG, MIC), jnp.float32),
    jax.ShapeDtypeStruct((4, N), jnp.float32),
    jax.ShapeDtypeStruct((N, H1), jnp.float32),
)


def _dot(a, b):
    return lax.dot_general(a, b, (((1,), (0,)), ((), ())),
                           preferred_element_type=jnp.float32)


def _dot_t(a, b):
    return lax.dot_general(a, b, (((1,), (1,)), ((), ())),
                           preferred_element_type=jnp.float32)


_IDX_SHAPES = jax.ShapeDtypeStruct((2 * EPAD,), jnp.int32)


def _idx_kernel(eio_ref, eis_ref, io_ref):
    pad = jnp.full((1, EPAD - E), SENT, jnp.int32)
    for half, ref in enumerate((eio_ref, eis_ref)):
        idx = ref[1:2, :] * NP + ref[0:1, :]
        io_ref[pl.ds(half * EPAD, EPAD)] = jnp.concatenate(
            [idx, pad], axis=1).reshape(EPAD)


def _pre_kernel(xo_ref, xa_ref, Wo1_ref, Ws1_ref,
                xwoo_ref, xwos_ref, xwao_ref, xwas_ref):
    xo = xo_ref[:]
    xa = xa_ref[:]
    Wo1 = Wo1_ref[:]
    Ws1 = Ws1_ref[:]
    xwoo_ref[:] = _dot(xo, Wo1)
    xwos_ref[:] = _dot(xo, Ws1)
    xwao_ref[:] = _dot(xa, Wo1)
    xwas_ref[:] = _dot(xa, Ws1)


def _gip(y, m):
    mn = jnp.min(y, axis=1, keepdims=True)
    mx = jnp.max(y, axis=1, keepdims=True)
    yn = (y - mn) / (mx - mn)
    k = _dot_t(yn, yn)
    r = lax.broadcasted_iota(jnp.int32, (m, m), 0)
    c = lax.broadcasted_iota(jnp.int32, (m, m), 1)
    eye = (r == c).astype(jnp.float32)
    dcol = jnp.sum(k * eye, axis=1, keepdims=True)
    md = jnp.sum(dcol) / m
    k = k / md
    dcol = dcol / md
    drow = jnp.sum(k * eye, axis=0, keepdims=True)
    dist = dcol + drow - 2.0 * k
    kk = jnp.abs(jnp.exp(dist * (-GAMMA)))
    mp = jnp.min(jnp.where(kk > 0.0, kk, jnp.inf))
    min_v = jnp.where(mp == jnp.inf, 0.0, mp)
    kk = jnp.where(kk == 0.0, min_v, kk)
    dg_c = jnp.sqrt(jnp.sum(kk * eye, axis=1, keepdims=True))
    dg_r = jnp.sqrt(jnp.sum(kk * eye, axis=0, keepdims=True))
    return kk / (dg_c * dg_r)


def _mngnn_kernel(adjo_ref, adjs_ref,
                  xwoo_ref, xwos_ref, xwao_ref, xwas_ref,
                  Wo2_ref, Ws2_ref, dW_ref,
                  b1o_ref, b1s_ref, b2o_ref, b2s_ref, db_ref,
                  a1_ref, a2r_ref,
                  out_ref, ret_ref, x2_ref):
    r = lax.broadcasted_iota(jnp.int32, (N, N), 0)
    c = lax.broadcasted_iota(jnp.int32, (N, N), 1)
    eye = (r == c).astype(jnp.float32)

    def make_A(adj_ref):
        adj = adj_ref[:].reshape(NP, NP)[0:N, 0:N]
        deg = jnp.sum(adj, axis=1, keepdims=True) + 1.0
        dinv = 1.0 / jnp.sqrt(deg)
        dinv_r = jnp.sum(dinv * eye, axis=0, keepdims=True)
        return adj * dinv * dinv_r + eye * (dinv * dinv)

    A_o = make_A(adjo_ref)
    A_s = make_A(adjs_ref)

    Wo2a = Wo2_ref[0:H1, :]
    Wo2b = Wo2_ref[H1:2 * H1, :]
    Ws2a = Ws2_ref[0:H1, :]
    Ws2b = Ws2_ref[H1:2 * H1, :]
    b1o = b1o_ref[:]
    b1s = b1s_ref[:]
    b2o = b2o_ref[:]
    b2s = b2s_ref[:]

    def gnn(xwo, xws):
        x1o = jnp.maximum(_dot(A_o, xwo) + b1o, 0.0)
        x1s = jnp.maximum(_dot(A_s, xws) + b1s, 0.0)
        x2o = _dot(A_o, _dot(x1o, Wo2a) + _dot(x1s, Wo2b)) + b2o
        x2s = _dot(A_s, _dot(x1o, Ws2a) + _dot(x1s, Ws2b)) + b2s
        return jnp.concatenate([x2o, x2s], axis=1)

    x2 = gnn(xwoo_ref[:], xwos_ref[:])
    x2a = gnn(xwao_ref[:], xwas_ref[:])

    h = jax.nn.sigmoid(jnp.sum(x2, axis=0, keepdims=True) / N)
    ha = jax.nn.sigmoid(jnp.sum(x2a, axis=0, keepdims=True) / N)

    dW = dW_ref[:]
    db = db_ref[:]
    v = _dot_t(h, dW)
    va = _dot_t(ha, dW)
    sc1 = _dot_t(v, x2)
    sc2 = _dot_t(v, x2a)
    sc1a = _dot_t(va, x2a)
    sc2a = _dot_t(va, x2)
    ret_ref[:] = jnp.concatenate([sc1, sc2, sc1a, sc2a], axis=0) + db

    drug_k = _gip(x2[0:DRUG, :], DRUG)
    mic_k = _gip(x2[DRUG:N, :], MIC)
    out1 = _dot(drug_k, a1_ref[:])
    out2t = _dot(a2r_ref[:], mic_k)
    out_ref[:] = (out1 + out2t) * 0.5
    x2_ref[:] = x2


@jax.jit
def _fwd(x_o, x_a, edge_index_o, edge_index_s, W_o1, b_o1, W_s1, b_s1,
         W_o2, b_o2, W_s2, b_s2, disc_W, disc_b, alpha1, alpha2):
    idx = pl.pallas_call(_idx_kernel, out_shape=_IDX_SHAPES)(
        edge_index_o, edge_index_s)
    adj0, adj1 = _adj_sc()(idx)
    xw = pl.pallas_call(_pre_kernel, out_shape=_PRE_SHAPES)(
        x_o, x_a, W_o1, W_s1)
    out, ret4, x2 = pl.pallas_call(_mngnn_kernel, out_shape=_OUT_SHAPES)(
        adj0.reshape(NP * 4, NP // 4), adj1.reshape(NP * 4, NP // 4), *xw,
        W_o2, W_s2, disc_W,
        b_o1.reshape(1, H1), b_s1.reshape(1, H1),
        b_o2.reshape(1, H2), b_s2.reshape(1, H2),
        disc_b.reshape(1, 1), alpha1, alpha2.T)
    return out, ret4[0:2].T, ret4[2:4].T, x2


def kernel(x_o, x_a, edge_index_o, edge_index_s, W_o1, b_o1, W_s1, b_s1,
           W_o2, b_o2, W_s2, b_s2, disc_W, disc_b, alpha1, alpha2):
    out, ros, rosa, x2 = _fwd(
        x_o, x_a, edge_index_o, edge_index_s, W_o1, b_o1, W_s1, b_s1,
        W_o2, b_o2, W_s2, b_s2, disc_W, disc_b, alpha1, alpha2)
    return (out, ros, rosa, x2)

# --- scband reference (transcript-rebuilt; emitter-appended) ---
"""Pipeline reference for scband-mngnn-43731357008670 (READ-ONLY COPY).

The authoritative reference and input builder live on the scoring server;
editing this copy changes nothing except your own understanding.
"""

import jax, jax.numpy as jnp
import numpy as np

N = 489
DRUG = 271
FEAT = 512
H1 = 256
H2 = 128
E = 31296
GAMMA = 0.5

def gcn_conv(x, ei, W, b):
    n = x.shape[0]
    sl = jnp.arange(n, dtype=ei.dtype)
    src = jnp.concatenate([ei[0], sl])
    dst = jnp.concatenate([ei[1], sl])
    deg = jnp.zeros((n,), x.dtype).at[dst].add(jnp.ones_like(src, dtype=x.dtype))
    dinv = jnp.where(deg > 0, 1.0 / jnp.sqrt(deg), 0.0)
    norm = dinv[src] * dinv[dst]
    xw = x @ W
    msg = jnp.take(xw, src, axis=0) * norm[:, None]
    out = jnp.zeros((n, W.shape[1]), x.dtype).at[dst].add(msg)
    return out + b

def bilinear_score(h, c, Wb, bb):
    return (h @ (Wb @ c))[:, None] + bb

def discriminator(c, h_pl, h_mi, Wb, bb):
    sc1 = bilinear_score(h_pl, c, Wb, bb)
    sc2 = bilinear_score(h_mi, c, Wb, bb)
    return jnp.concatenate([sc1, sc2], axis=1)

def normalized_embedding(y):
    mn = jnp.min(y, axis=1, keepdims=True)
    mx = jnp.max(y, axis=1, keepdims=True)
    return (y - mn) / (mx - mn)

def kernel_to_distance(k):
    di = jnp.diag(k)
    return di[:, None] + di[None, :] - 2.0 * k

def get_gip_kernel(y, gamma):
    y = normalized_embedding(y)
    krnl = y @ y.T
    krnl = krnl / jnp.mean(jnp.diag(krnl))
    return jnp.exp(-kernel_to_distance(krnl) * gamma)

def normalized_kernel(K):
    K = jnp.abs(K)
    kflat = jnp.sort(K.reshape(-1))
    min_v = kflat[jnp.argmax(kflat > 0)]
    K = jnp.where(K == 0.0, min_v, K)
    D = jnp.sqrt(jnp.diag(K))
    return K / (D[:, None] * D[None, :])

def setup_inputs(seed: int = 0):
    key = jax.random.key(seed)
    ks = jax.random.split(key, 20)
    s = 0.05
    inp = {}
    inp["x_o"] = jax.random.normal(ks[0], (N, FEAT), dtype=jnp.float32)
    inp["x_a"] = jax.random.normal(ks[1], (N, FEAT), dtype=jnp.float32)
    inp["edge_index_o"] = jax.random.randint(ks[2], (2, E), 0, N, dtype=jnp.int32)
    inp["edge_index_s"] = jax.random.randint(ks[3], (2, E), 0, N, dtype=jnp.int32)
    inp["W_o1"] = jax.random.normal(ks[4], (FEAT, H1), dtype=jnp.float32) * s
    inp["b_o1"] = jnp.zeros((H1,), dtype=jnp.float32)
    inp["W_s1"] = jax.random.normal(ks[5], (FEAT, H1), dtype=jnp.float32) * s
    inp["b_s1"] = jnp.zeros((H1,), dtype=jnp.float32)
    inp["W_o2"] = jax.random.normal(ks[6], (2 * H1, H2), dtype=jnp.float32) * s
    inp["b_o2"] = jnp.zeros((H2,), dtype=jnp.float32)
    inp["W_s2"] = jax.random.normal(ks[7], (2 * H1, H2), dtype=jnp.float32) * s
    inp["b_s2"] = jnp.zeros((H2,), dtype=jnp.float32)
    inp["disc_W"] = jax.random.normal(ks[8], (2 * H2, 2 * H2), dtype=jnp.float32) * s
    inp["disc_b"] = jnp.zeros((1,), dtype=jnp.float32)
    inp["alpha1"] = jax.random.normal(ks[9], (DRUG, N - DRUG), dtype=jnp.float32)
    inp["alpha2"] = jax.random.normal(ks[10], (N - DRUG, DRUG), dtype=jnp.float32)
    return inp

def reference(x_o, x_a, edge_index_o, edge_index_s, W_o1, b_o1, W_s1, b_s1, W_o2, b_o2, W_s2, b_s2, disc_W, disc_b, alpha1, alpha2):
    adj, adj2 = edge_index_o, edge_index_s
    # dropout is identity in eval mode
    x1_o = jax.nn.relu(gcn_conv(x_o, adj, W_o1, b_o1))
    x1_s = jax.nn.relu(gcn_conv(x_o, adj2, W_s1, b_s1))
    x1_os = jnp.concatenate([x1_o, x1_s], axis=1)
    x2_o = gcn_conv(x1_os, adj, W_o2, b_o2)
    x2_s = gcn_conv(x1_os, adj2, W_s2, b_s2)
    x2_os = jnp.concatenate([x2_o, x2_s], axis=1)
    x1_o_a = jax.nn.relu(gcn_conv(x_a, adj, W_o1, b_o1))
    x1_s_a = jax.nn.relu(gcn_conv(x_a, adj2, W_s1, b_s1))
    x1_os_a = jnp.concatenate([x1_o_a, x1_s_a], axis=1)
    x2_o_a = gcn_conv(x1_os_a, adj, W_o2, b_o2)
    x2_s_a = gcn_conv(x1_os_a, adj2, W_s2, b_s2)
    x2_os_a = jnp.concatenate([x2_o_a, x2_s_a], axis=1)
    h_os = jax.nn.sigmoid(jnp.mean(x2_os, axis=0))
    h_os_a = jax.nn.sigmoid(jnp.mean(x2_os_a, axis=0))
    ret_os = discriminator(h_os, x2_os, x2_os_a, disc_W, disc_b)
    ret_os_a = discriminator(h_os_a, x2_os_a, x2_os, disc_W, disc_b)
    drug_k = normalized_kernel(get_gip_kernel(x2_os[:DRUG], GAMMA))
    mic_k = normalized_kernel(get_gip_kernel(x2_os[DRUG:], GAMMA))
    out1 = drug_k @ alpha1
    out2 = mic_k @ alpha2
    out = (out1 + out2.T) / 2.0
    return (out, ret_os, ret_os_a, x2_os)

if __name__ == "__main__":
    import jax
    _d = setup_inputs()
    print(jax.jit(kernel)(*tuple(_d.values())))

</pallas_src>

<mosaic_0001>
#map = affine_map<(d0, d1) -> (0)>
module attributes {stable_mosaic.version = 14 : i64} {
  func.func @_adj_sc_body(%arg0: i32, %arg1: i32, %arg2: memref<65536xi32, #tpu.memory_space<hbm>>, %arg3: memref<262144xf32, #tpu.memory_space<hbm>>, %arg4: memref<262144xf32, #tpu.memory_space<hbm>>, %arg5: memref<2048xi32, #tpu.memory_space<vmem>>, %arg6: memref<16x128xi32, #tpu.memory_space<vmem>>, %arg7: memref<128xf32, #tpu.memory_space<vmem>>, %arg8: memref<2048xf32, #tpu.memory_space<vmem>>, %arg9: memref<262144xf32, #tpu.memory_space<vmem_shared>>, %arg10: memref<!tpu.dma_semaphore, #tpu.memory_space<semaphore_mem>>, %arg11: memref<!tpu.dma_semaphore, #tpu.memory_space<semaphore_mem>>, %arg12: memref<!tpu.dma_semaphore, #tpu.memory_space<semaphore_mem>>) attributes {dimension_semantics = [#tpu.dimension_semantics<core_parallel>, #tpu.dimension_semantics<subcore_parallel>], iteration_bounds = array<i64: 2, 16>, scalar_prefetch = 0 : i64, scratch_operands = 8 : i64, tpu.core_type = #tpu.core_type<sc_vector_subcore>, window_params = [{transform_indices = #map}, {transform_indices = #map}, {transform_indices = #map}]} {
    %broadcast_in_dim3A = arith.constant 0.000000e+00 : f32
    %broadcast_in_dim3A_0 = vector.broadcast %broadcast_in_dim3A : f32 to vector<16xf32>
    %broadcast_in_dim3A_1 = arith.constant 1.000000e+00 : f32
    %broadcast_in_dim3A_2 = vector.broadcast %broadcast_in_dim3A_1 : f32 to vector<16xf32>
    %swap3A = arith.constant 0 : index
    %swap3A_3 = tpu.vector_load %arg8[%swap3A] {strides = array<i32>} : memref<2048xf32, #tpu.memory_space<vmem>>, vector<16xf32>,
    %swap3A_4 = vector.shape_cast %swap3A_3 : vector<16xf32> to vector<16xf32>
    %swap3A_5 = vector.shape_cast %broadcast_in_dim3A_0 : vector<16xf32> to vector<16xf32>
    tpu.vector_store %arg8[%swap3A], %swap3A_5 {strides = array<i32>} : memref<2048xf32, #tpu.memory_space<vmem>>, vector<16xf32>,
    %swap3A_6 = arith.constant 16 : index
    %swap3A_7 = tpu.vector_load %arg8[%swap3A_6] {strides = array<i32>} : memref<2048xf32, #tpu.memory_space<vmem>>, vector<16xf32>,
    %swap3A_8 = vector.shape_cast %swap3A_7 : vector<16xf32> to vector<16xf32>
    %swap3A_9 = vector.shape_cast %broadcast_in_dim3A_0 : vector<16xf32> to vector<16xf32>
    tpu.vector_store %arg8[%swap3A_6], %swap3A_9 {strides = array<i32>} : memref<2048xf32, #tpu.memory_space<vmem>>, vector<16xf32>,
    %swap3A_10 = arith.constant 32 : index
    %swap3A_11 = tpu.vector_load %arg8[%swap3A_10] {strides = array<i32>} : memref<2048xf32, #tpu.memory_space<vmem>>, vector<16xf32>,
    %swap3A_12 = vector.shape_cast %swap3A_11 : vector<16xf32> to vector<16xf32>
    %swap3A_13 = vector.shape_cast %broadcast_in_dim3A_0 : vector<16xf32> to vector<16xf32>
    tpu.vector_store %arg8[%swap3A_10], %swap3A_13 {strides = array<i32>} : memref<2048xf32, #tpu.memory_space<vmem>>, vector<16xf32>,
    %swap3A_14 = arith.constant 48 : index
    %swap3A_15 = tpu.vector_load %arg8[%swap3A_14] {strides = array<i32>} : memref<2048xf32, #tpu.memory_space<vmem>>, vector<16xf32>,
    %swap3A_16 = vector.shape_cast %swap3A_15 : vector<16xf32> to vector<16xf32>
    %swap3A_17 = vector.shape_cast %broadcast_in_dim3A_0 : vector<16xf32> to vector<16xf32>
    tpu.vector_store %arg8[%swap3A_14], %swap3A_17 {strides = array<i32>} : memref<2048xf32, #tpu.memory_space<vmem>>, vector<16xf32>,
    %swap3A_18 = arith.constant 64 : index
    %swap3A_19 = tpu.vector_load %arg8[%swap3A_18] {strides = array<i32>} : memref<2048xf32, #tpu.memory_space<vmem>>, vector<16xf32>,
    %swap3A_20 = vector.shape_cast %swap3A_19 : vector<16xf32> to vector<16xf32>
    %swap3A_21 = vector.shape_cast %broadcast_in_dim3A_0 : vector<16xf32> to vector<16xf32>
    tpu.vector_store %arg8[%swap3A_18], %swap3A_21 {strides = array<i32>} : memref<2048xf32, #tpu.memory_space<vmem>>, vector<16xf32>,
    %swap3A_22 = arith.constant 80 : index
    %swap3A_23 = tpu.vector_load %arg8[%swap3A_22] {strides = array<i32>} : memref<2048xf32, #tpu.memory_space<vmem>>, vector<16xf32>,
    %swap3A_24 = vector.shape_cast %swap3A_23 : vector<16xf32> to vector<16xf32>
    %swap3A_25 = vector.shape_cast %broadcast_in_dim3A_0 : vector<16xf32> to vector<16xf32>
    tpu.vector_store %arg8[%swap3A_22], %swap3A_25 {strides = array<i32>} : memref<2048xf32, #tpu.memory_space<vmem>>, vector<16xf32>,
    %swap3A_26 = arith.constant 96 : index
    %swap3A_27 = tpu.vector_load %arg8[%swap3A_26] {strides = array<i32>} : memref<2048xf32, #tpu.memory_space<vmem>>, vector<16xf32>,
    %swap3A_28 = vector.shape_cast %swap3A_27 : vector<16xf32> to vector<16xf32>
    %swap3A_29 = vector.shape_cast %broadcast_in_dim3A_0 : vector<16xf32> to vector<16xf32>
    tpu.vector_store %arg8[%swap3A_26], %swap3A_29 {strides = array<i32>} : memref<2048xf32, #tpu.memory_space<vmem>>, vector<16xf32>,
    %swap3A_30 = arith.constant 112 : index
    %swap3A_31 = tpu.vector_load %arg8[%swap3A_30] {strides = array<i32>} : memref<2048xf32, #tpu.memory_space<vmem>>, vector<16xf32>,
    %swap3A_32 = vector.shape_cast %swap3A_31 : vector<16xf32> to vector<16xf32>
    %swap3A_33 = vector.shape_cast %broadcast_in_dim3A_0 : vector<16xf32> to vector<16xf32>
    tpu.vector_store %arg8[%swap3A_30], %swap3A_33 {strides = array<i32>} : memref<2048xf32, #tpu.memory_space<vmem>>, vector<16xf32>,
    %swap3A_34 = arith.constant 128 : index
    %swap3A_35 = tpu.vector_load %arg8[%swap3A_34] {strides = array<i32>} : memref<2048xf32, #tpu.memory_space<vmem>>, vector<16xf32>,
    %swap3A_36 = vector.shape_cast %swap3A_35 : vector<16xf32> to vector<16xf32>
    %swap3A_37 = vector.shape_cast %broadcast_in_dim3A_0 : vector<16xf32> to vector<16xf32>
    tpu.vector_store %arg8[%swap3A_34], %swap3A_37 {strides = array<i32>} : memref<2048xf32, #tpu.memory_space<vmem>>, vector<16xf32>,
    %swap3A_38 = arith.constant 144 : index
    %swap3A_39 = tpu.vector_load %arg8[%swap3A_38] {strides = array<i32>} : memref<2048xf32, #tpu.memory_space<vmem>>, vector<16xf32>,
    %swap3A_40 = vector.shape_cast %swap3A_39 : vector<16xf32> to vector<16xf32>
    %swap3A_41 = vector.shape_cast %broadcast_in_dim3A_0 : vector<16xf32> to vector<16xf32>
    tpu.vector_store %arg8[%swap3A_38], %swap3A_41 {strides = array<i32>} : memref<2048xf32, #tpu.memory_space<vmem>>, vector<16xf32>,
    %swap3A_42 = arith.constant 160 : index
    %swap3A_43 = tpu.vector_load %arg8[%swap3A_42] {strides = array<i32>} : memref<2048xf32, #tpu.memory_space<vmem>>, vector<16xf32>,
    %swap3A_44 = vector.shape_cast %swap3A_43 : vector<16xf32> to vector<16xf32>
    %swap3A_45 = vector.shape_cast %broadcast_in_dim3A_0 : vector<16xf32> to vector<16xf32>
    tpu.vector_store %arg8[%swap3A_42], %swap3A_45 {strides = array<i32>} : memref<2048xf32, #tpu.memory_space<vmem>>, vector<16xf32>,
    %swap3A_46 = arith.constant 176 : index
    %swap3A_47 = tpu.vector_load %arg8[%swap3A_46] {strides = array<i32>} : memref<2048xf32, #tpu.memory_space<vmem>>, vector<16xf32>,
    %swap3A_48 = vector.shape_cast %swap3A_47 : vector<16xf32> to vector<16xf32>
    %swap3A_49 = vector.shape_cast %broadcast_in_dim3A_0 : vector<16xf32> to vector<16xf32>
    tpu.vector_store %arg8[%swap3A_46], %swap3A_49 {strides = array<i32>} : memref<2048xf32, #tpu.memory_space<vmem>>, vector<16xf32>,
    %swap3A_50 = arith.constant 192 : index
    %swap3A_51 = tpu.vector_load %arg8[%swap3A_50] {strides = array<i32>} : memref<2048xf32, #tpu.memory_space<vmem>>, vector<16xf32>,
    %swap3A_52 = vector.shape_cast %swap3A_51 : vector<16xf32> to vector<16xf32>
    %swap3A_53 = vector.shape_cast %broadcast_in_dim3A_0 : vector<16xf32> to vector<16xf32>
    tpu.vector_store %arg8[%swap3A_50], %swap3A_53 {strides = array<i32>} : memref<2048xf32, #tpu.memory_space<vmem>>, vector<16xf32>,
    %swap3A_54 = arith.constant 208 : index
    %swap3A_55 = tpu.vector_load %arg8[%swap3A_54] {strides = array<i32>} : memref<2048xf32, #tpu.memory_space<vmem>>, vector<16xf32>,
    %swap3A_56 = vector.shape_cast %swap3A_55 : vector<16xf32> to vector<16xf32>
    %swap3A_57 = vector.shape_cast %broadcast_in_dim3A_0 : vector<16xf32> to vector<16xf32>
    tpu.vector_store %arg8[%swap3A_54], %swap3A_57 {strides = array<i32>} : memref<2048xf32, #tpu.memory_space<vmem>>, vector<16xf32>,
    %swap3A_58 = arith.constant 224 : index
    %swap3A_59 = tpu.vector_load %arg8[%swap3A_58] {strides = array<i32>} : memref<2048xf32, #tpu.memory_space<vmem>>, vector<16xf32>,
    %swap3A_60 = vector.shape_cast %swap3A_59 : vector<16xf32> to vector<16xf32>
    %swap3A_61 = vector.shape_cast %broadcast_in_dim3A_0 : vector<16xf32> to vector<16xf32>
    tpu.vector_store %arg8[%swap3A_58], %swap3A_61 {strides = array<i32>} : memref<2048xf32, #tpu.memory_space<vmem>>, vector<16xf32>,
    %swap3A_62 = arith.constant 240 : index
    %swap3A_63 = tpu.vector_load %arg8[%swap3A_62] {strides = array<i32>} : memref<2048xf32, #tpu.memory_space<vmem>>, vector<16xf32>,
    %swap3A_64 = vector.shape_cast %swap3A_63 : vector<16xf32> to vector<16xf32>
    %swap3A_65 = vector.shape_cast %broadcast_in_dim3A_0 : vector<16xf32> to vector<16xf32>
    tpu.vector_store %arg8[%swap3A_62], %swap3A_65 {strides = array<i32>} : memref<2048xf32, #tpu.memory_space<vmem>>, vector<16xf32>,
    %swap3A_66 = arith.constant 256 : index
    %swap3A_67 = tpu.vector_load %arg8[%swap3A_66] {strides = array<i32>} : memref<2048xf32, #tpu.memory_space<vmem>>, vector<16xf32>,
    %swap3A_68 = vector.shape_cast %swap3A_67 : vector<16xf32> to vector<16xf32>
    %swap3A_69 = vector.shape_cast %broadcast_in_dim3A_0 : vector<16xf32> to vector<16xf32>
    tpu.vector_store %arg8[%swap3A_66], %swap3A_69 {strides = array<i32>} : memref<2048xf32, #tpu.memory_space<vmem>>, vector<16xf32>,
    %swap3A_70 = arith.constant 272 : index
    %swap3A_71 = tpu.vector_load %arg8[%swap3A_70] {strides = array<i32>} : memref<2048xf32, #tpu.memory_space<vmem>>, vector<16xf32>,
    %swap3A_72 = vector.shape_cast %swap3A_71 : vector<16xf32> to vector<16xf32>
    %swap3A_73 = vector.shape_cast %broadcast_in_dim3A_0 : vector<16xf32> to vector<16xf32>
    tpu.vector_store %arg8[%swap3A_70], %swap3A_73 {strides = array<i32>} : memref<2048xf32, #tpu.memory_space<vmem>>, vector<16xf32>,
    %swap3A_74 = arith.constant 288 : index
    %swap3A_75 = tpu.vector_load %arg8[%swap3A_74] {strides = array<i32>} : memref<2048xf32, #tpu.memory_space<vmem>>, vector<16xf32>,
    %swap3A_76 = vector.shape_cast %swap3A_75 : vector<16xf32> to vector<16xf32>
    %swap3A_77 = vector.shape_cast %broadcast_in_dim3A_0 : vector<16xf32> to vector<16xf32>
    tpu.vector_store %arg8[%swap3A_74], %swap3A_77 {strides = array<i32>} : memref<2048xf32, #tpu.memory_space<vmem>>, vector<16xf32>,
    %swap3A_78 = arith.constant 304 : index
    %swap3A_79 = tpu.vector_load %arg8[%swap3A_78] {strides = array<i32>} : memref<2048xf32, #tpu.memory_space<vmem>>, vector<16xf32>,
    %swap3A_80 = vector.shape_cast %swap3A_79 : vector<16xf32> to vector<16xf32>
    %swap3A_81 = vector.shape_cast %broadcast_in_dim3A_0 : vector<16xf32> to vector<16xf32>
    tpu.vector_store %arg8[%swap3A_78], %swap3A_81 {strides = array<i32>} : memref<2048xf32, #tpu.memory_space<vmem>>, vector<16xf32>,
    %swap3A_82 = arith.constant 320 : index
    %swap3A_83 = tpu.vector_load %arg8[%swap3A_82] {strides = array<i32>} : memref<2048xf32, #tpu.memory_space<vmem>>, vector<16xf32>,
    %swap3A_84 = vector.shape_cast %swap3A_83 : vector<16xf32> to vector<16xf32>
    %swap3A_85 = vector.shape_cast %broadcast_in_dim3A_0 : vector<16xf32> to vector<16xf32>
    tpu.vector_store %arg8[%swap3A_82], %swap3A_85 {strides = array<i32>} : memref<2048xf32, #tpu.memory_space<vmem>>, vector<16xf32>,
    %swap3A_86 = arith.constant 336 : index
    %swap3A_87 = tpu.vector_load %arg8[%swap3A_86] {strides = array<i32>} : memref<2048xf32, #tpu.memory_space<vmem>>, vector<16xf32>,
    %swap3A_88 = vector.shape_cast %swap3A_87 : vector<16xf32> to vector<16xf32>
    %swap3A_89 = vector.shape_cast %broadcast_in_dim3A_0 : vector<16xf32> to vector<16xf32>
    tpu.vector_store %arg8[%swap3A_86], %swap3A_89 {strides = array<i32>} : memref<2048xf32, #tpu.memory_space<vmem>>, vector<16xf32>,
    %swap3A_90 = arith.constant 352 : index
    %swap3A_91 = tpu.vector_load %arg8[%swap3A_90] {strides = array<i32>} : memref<2048xf32, #tpu.memory_space<vmem>>, vector<16xf32>,
    %swap3A_92 = vector.shape_cast %swap3A_91 : vector<16xf32> to vector<16xf32>
    %swap3A_93 = vector.shape_cast %broadcast_in_dim3A_0 : vector<16xf32> to vector<16xf32>
    tpu.vector_store %arg8[%swap3A_90], %swap3A_93 {strides = array<i32>} : memref<2048xf32, #tpu.memory_space<vmem>>, vector<16xf32>,
    %swap3A_94 = arith.constant 368 : index
    %swap3A_95 = tpu.vector_load %arg8[%swap3A_94] {strides = array<i32>} : memref<2048xf32, #tpu.memory_space<vmem>>, vector<16xf32>,
    %swap3A_96 = vector.shape_cast %swap3A_95 : vector<16xf32> to vector<16xf32>
    %swap3A_97 = vector.shape_cast %broadcast_in_dim3A_0 : vector<16xf32> to vector<16xf32>
    tpu.vector_store %arg8[%swap3A_94], %swap3A_97 {strides = array<i32>} : memref<2048xf32, #tpu.memory_space<vmem>>, vector<16xf32>,
    %swap3A_98 = arith.constant 384 : index
    %swap3A_99 = tpu.vector_load %arg8[%swap3A_98] {strides = array<i32>} : memref<2048xf32, #tpu.memory_space<vmem>>, vector<16xf32>,
    %swap3A_100 = vector.shape_cast %swap3A_99 : vector<16xf32> to vector<16xf32>
    %swap3A_101 = vector.shape_cast %broadcast_in_dim3A_0 : vector<16xf32> to vector<16xf32>
    tpu.vector_store %arg8[%swap3A_98], %swap3A_101 {strides = array<i32>} : memref<2048xf32, #tpu.memory_space<vmem>>, vector<16xf32>,
    %swap3A_102 = arith.constant 400 : index
    %swap3A_103 = tpu.vector_load %arg8[%swap3A_102] {strides = array<i32>} : memref<2048xf32, #tpu.memory_space<vmem>>, vector<16xf32>,
    %swap3A_104 = vector.shape_cast %swap3A_103 : vector<16xf32> to vector<16xf32>
    %swap3A_105 = vector.shape_cast %broadcast_in_dim3A_0 : vector<16xf32> to vector<16xf32>
    tpu.vector_store %arg8[%swap3A_102], %swap3A_105 {strides = array<i32>} : memref<2048xf32, #tpu.memory_space<vmem>>, vector<16xf32>,
    %swap3A_106 = arith.constant 416 : index
    %swap3A_107 = tpu.vector_load %arg8[%swap3A_106] {strides = array<i32>} : memref<2048xf32, #tpu.memory_space<vmem>>, vector<16xf32>,
    %swap3A_108 = vector.shape_cast %swap3A_107 : vector<16xf32> to vector<16xf32>
    %swap3A_109 = vector.shape_cast %broadcast_in_dim3A_0 : vector<16xf32> to vector<16xf32>
    tpu.vector_store %arg8[%swap3A_106], %swap3A_109 {strides = array<i32>} : memref<2048xf32, #tpu.memory_space<vmem>>, vector<16xf32>,
    %swap3A_110 = arith.constant 432 : index
    %swap3A_111 = tpu.vector_load %arg8[%swap3A_110] {strides = array<i32>} : memref<2048xf32, #tpu.memory_space<vmem>>, vector<16xf32>,
    %swap3A_112 = vector.shape_cast %swap3A_111 : vector<16xf32> to vector<16xf32>
    %swap3A_113 = vector.shape_cast %broadcast_in_dim3A_0 : vector<16xf32> to vector<16xf32>
    tpu.vector_store %arg8[%swap3A_110], %swap3A_113 {strides = array<i32>} : memref<2048xf32, #tpu.memory_space<vmem>>, vector<16xf32>,
    %swap3A_114 = arith.constant 448 : index
    %swap3A_115 = tpu.vector_load %arg8[%swap3A_114] {strides = array<i32>} : memref<2048xf32, #tpu.memory_space<vmem>>, vector<16xf32>,
    %swap3A_116 = vector.shape_cast %swap3A_115 : vector<16xf32> to vector<16xf32>
    %swap3A_117 = vector.shape_cast %broadcast_in_dim3A_0 : vector<16xf32> to vector<16xf32>
    tpu.vector_store %arg8[%swap3A_114], %swap3A_117 {strides = array<i32>} : memref<2048xf32, #tpu.memory_space<vmem>>, vector<16xf32>,
    %swap3A_118 = arith.constant 464 : index
    %swap3A_119 = tpu.vector_load %arg8[%swap3A_118] {strides = array<i32>} : memref<2048xf32, #tpu.memory_space<vmem>>, vector<16xf32>,
    %swap3A_120 = vector.shape_cast %swap3A_119 : vector<16xf32> to vector<16xf32>
    %swap3A_121 = vector.shape_cast %broadcast_in_dim3A_0 : vector<16xf32> to vector<16xf32>
    tpu.vector_store %arg8[%swap3A_118], %swap3A_121 {strides = array<i32>} : memref<2048xf32, #tpu.memory_space<vmem>>, vector<16xf32>,
    %swap3A_122 = arith.constant 480 : index
    %swap3A_123 = tpu.vector_load %arg8[%swap3A_122] {strides = array<i32>} : memref<2048xf32, #tpu.memory_space<vmem>>, vector<16xf32>,
    %swap3A_124 = vector.shape_cast %swap3A_123 : vector<16xf32> to vector<16xf32>
    %swap3A_125 = vector.shape_cast %broadcast_in_dim3A_0 : vector<16xf32> to vector<16xf32>
    tpu.vector_store %arg8[%swap3A_122], %swap3A_125 {strides = array<i32>} : memref<2048xf32, #tpu.memory_space<vmem>>, vector<16xf32>,
    %swap3A_126 = arith.constant 496 : index
    %swap3A_127 = tpu.vector_load %arg8[%swap3A_126] {strides = array<i32>} : memref<2048xf32, #tpu.memory_space<vmem>>, vector<16xf32>,
    %swap3A_128 = vector.shape_cast %swap3A_127 : vector<16xf32> to vector<16xf32>
    %swap3A_129 = vector.shape_cast %broadcast_in_dim3A_0 : vector<16xf32> to vector<16xf32>
    tpu.vector_store %arg8[%swap3A_126], %swap3A_129 {strides = array<i32>} : memref<2048xf32, #tpu.memory_space<vmem>>, vector<16xf32>,
    %swap3A_130 = arith.constant 512 : index
    %swap3A_131 = tpu.vector_load %arg8[%swap3A_130] {strides = array<i32>} : memref<2048xf32, #tpu.memory_space<vmem>>, vector<16xf32>,
    %swap3A_132 = vector.shape_cast %swap3A_131 : vector<16xf32> to vector<16xf32>
    %swap3A_133 = vector.shape_cast %broadcast_in_dim3A_0 : vector<16xf32> to vector<16xf32>
    tpu.vector_store %arg8[%swap3A_130], %swap3A_133 {strides = array<i32>} : memref<2048xf32, #tpu.memory_space<vmem>>, vector<16xf32>,
    %swap3A_134 = arith.constant 528 : index
    %swap3A_135 = tpu.vector_load %arg8[%swap3A_134] {strides = array<i32>} : memref<2048xf32, #tpu.memory_space<vmem>>, vector<16xf32>,
    %swap3A_136 = vector.shape_cast %swap3A_135 : vector<16xf32> to vector<16xf32>
    %swap3A_137 = vector.shape_cast %broadcast_in_dim3A_0 : vector<16xf32> to vector<16xf32>
    tpu.vector_store %arg8[%swap3A_134], %swap3A_137 {strides = array<i32>} : memref<2048xf32, #tpu.memory_space<vmem>>, vector<16xf32>,
    %swap3A_138 = arith.constant 544 : index
    %swap3A_139 = tpu.vector_load %arg8[%swap3A_138] {strides = array<i32>} : memref<2048xf32, #tpu.memory_space<vmem>>, vector<16xf32>,
    %swap3A_140 = vector.shape_cast %swap3A_139 : vector<16xf32> to vector<16xf32>
    %swap3A_141 = vector.shape_cast %broadcast_in_dim3A_0 : vector<16xf32> to vector<16xf32>
    tpu.vector_store %arg8[%swap3A_138], %swap3A_141 {strides = array<i32>} : memref<2048xf32, #tpu.memory_space<vmem>>, vector<16xf32>,
    %swap3A_142 = arith.constant 560 : index
    %swap3A_143 = tpu.vector_load %arg8[%swap3A_142] {strides = array<i32>} : memref<2048xf32, #tpu.memory_space<vmem>>, vector<16xf32>,
    %swap3A_144 = vector.shape_cast %swap3A_143 : vector<16xf32> to vector<16xf32>
    %swap3A_145 = vector.shape_cast %broadcast_in_dim3A_0 : vector<16xf32> to vector<16xf32>
    tpu.vector_store %arg8[%swap3A_142], %swap3A_145 {strides = array<i32>} : memref<2048xf32, #tpu.memory_space<vmem>>, vector<16xf32>,
    %swap3A_146 = arith.constant 576 : index
    %swap3A_147 = tpu.vector_load %arg8[%swap3A_146] {strides = array<i32>} : memref<2048xf32, #tpu.memory_space<vmem>>, vector<16xf32>,
    %swap3A_148 = vector.shape_cast %swap3A_147 : vector<16xf32> to vector<16xf32>
    %swap3A_149 = vector.shape_cast %broadcast_in_dim3A_0 : vector<16xf32> to vector<16xf32>
    tpu.vector_store %arg8[%swap3A_146], %swap3A_149 {strides = array<i32>} : memref<2048xf32, #tpu.memory_space<vmem>>, vector<16xf32>,
    %swap3A_150 = arith.constant 592 : index
    %swap3A_151 = tpu.vector_load %arg8[%swap3A_150] {strides = array<i32>} : memref<2048xf32, #tpu.memory_space<vmem>>, vector<16xf32>,
    %swap3A_152 = vector.shape_cast %swap3A_151 : vector<16xf32> to vector<16xf32>
    %swap3A_153 = vector.shape_cast %broadcast_in_dim3A_0 : vector<16xf32> to vector<16xf32>
    tpu.vector_store %arg8[%swap3A_150], %swap3A_153 {strides = array<i32>} : memref<2048xf32, #tpu.memory_space<vmem>>, vector<16xf32>,
    %swap3A_154 = arith.constant 608 : index
    %swap3A_155 = tpu.vector_load %arg8[%swap3A_154] {strides = array<i32>} : memref<2048xf32, #tpu.memory_space<vmem>>, vector<16xf32>,
    %swap3A_156 = vector.shape_cast %swap3A_155 : vector<16xf32> to vector<16xf32>
    %swap3A_157 = vector.shape_cast %broadcast_in_dim3A_0 : vector<16xf32> to vector<16xf32>
    tpu.vector_store %arg8[%swap3A_154], %swap3A_157 {strides = array<i32>} : memref<2048xf32, #tpu.memory_space<vmem>>, vector<16xf32>,
    %swap3A_158 = arith.constant 624 : index
    %swap3A_159 = tpu.vector_load %arg8[%swap3A_158] {strides = array<i32>} : memref<2048xf32, #tpu.memory_space<vmem>>, vector<16xf32>,
    %swap3A_160 = vector.shape_cast %swap3A_159 : vector<16xf32> to vector<16xf32>
    %swap3A_161 = vector.shape_cast %broadcast_in_dim3A_0 : vector<16xf32> to vector<16xf32>
    tpu.vector_store %arg8[%swap3A_158], %swap3A_161 {strides = array<i32>} : memref<2048xf32, #tpu.memory_space<vmem>>, vector<16xf32>,
    %swap3A_162 = arith.constant 640 : index
    %swap3A_163 = tpu.vector_load %arg8[%swap3A_162] {strides = array<i32>} : memref<2048xf32, #tpu.memory_space<vmem>>, vector<16xf32>,
    %swap3A_164 = vector.shape_cast %swap3A_163 : vector<16xf32> to vector<16xf32>
    %swap3A_165 = vector.shape_cast %broadcast_in_dim3A_0 : vector<16xf32> to vector<16xf32>
    tpu.vector_store %arg8[%swap3A_162], %swap3A_165 {strides = array<i32>} : memref<2048xf32, #tpu.memory_space<vmem>>, vector<16xf32>,
    %swap3A_166 = arith.constant 656 : index
    %swap3A_167 = tpu.vector_load %arg8[%swap3A_166] {strides = array<i32>} : memref<2048xf32, #tpu.memory_space<vmem>>, vector<16xf32>,
    %swap3A_168 = vector.shape_cast %swap3A_167 : vector<16xf32> to vector<16xf32>
    %swap3A_169 = vector.shape_cast %broadcast_in_dim3A_0 : vector<16xf32> to vector<16xf32>
    tpu.vector_store %arg8[%swap3A_166], %swap3A_169 {strides = array<i32>} : memref<2048xf32, #tpu.memory_space<vmem>>, vector<16xf32>,
    %swap3A_170 = arith.constant 672 : index
    %swap3A_171 = tpu.vector_load %arg8[%swap3A_170] {strides = array<i32>} : memref<2048xf32, #tpu.memory_space<vmem>>, vector<16xf32>,
    %swap3A_172 = vector.shape_cast %swap3A_171 : vector<16xf32> to vector<16xf32>
    %swap3A_173 = vector.shape_cast %broadcast_in_dim3A_0 : vector<16xf32> to vector<16xf32>
    tpu.vector_store %arg8[%swap3A_170], %swap3A_173 {strides = array<i32>} : memref<2048xf32, #tpu.memory_space<vmem>>, vector<16xf32>,
    %swap3A_174 = arith.constant 688 : index
    %swap3A_175 = tpu.vector_load %arg8[%swap3A_174] {strides = array<i32>} : memref<2048xf32, #tpu.memory_space<vmem>>, vector<16xf32>,
    %swap3A_176 = vector.shape_cast %swap3A_175 : vector<16xf32> to vector<16xf32>
    %swap3A_177 = vector.shape_cast %broadcast_in_dim3A_0 : vector<16xf32> to vector<16xf32>
    tpu.vector_store %arg8[%swap3A_174], %swap3A_177 {strides = array<i32>} : memref<2048xf32, #tpu.memory_space<vmem>>, vector<16xf32>,
    %swap3A_178 = arith.constant 704 : index
    %swap3A_179 = tpu.vector_load %arg8[%swap3A_178] {strides = array<i32>} : memref<2048xf32, #tpu.memory_space<vmem>>, vector<16xf32>,
    %swap3A_180 = vector.shape_cast %swap3A_179 : vector<16xf32> to vector<16xf32>
    %swap3A_181 = vector.shape_cast %broadcast_in_dim3A_0 : vector<16xf32> to vector<16xf32>
    tpu.vector_store %arg8[%swap3A_178], %swap3A_181 {strides = array<i32>} : memref<2048xf32, #tpu.memory_space<vmem>>, vector<16xf32>,
    %swap3A_182 = arith.constant 720 : index
    %swap3A_183 = tpu.vector_load %arg8[%swap3A_182] {strides = array<i32>} : memref<2048xf32, #tpu.memory_space<vmem>>, vector<16xf32>,
    %swap3A_184 = vector.shape_cast %swap3A_183 : vector<16xf32> to vector<16xf32>
    %swap3A_185 = vector.shape_cast %broadcast_in_dim3A_0 : vector<16xf32> to vector<16xf32>
    tpu.vector_store %arg8[%swap3A_182], %swap3A_185 {strides = array<i32>} : memref<2048xf32, #tpu.memory_space<vmem>>, vector<16xf32>,
    %swap3A_186 = arith.constant 736 : index
    %swap3A_187 = tpu.vector_load %arg8[%swap3A_186] {strides = array<i32>} : memref<2048xf32, #tpu.memory_space<vmem>>, vector<16xf32>,
    %swap3A_188 = vector.shape_cast %swap3A_187 : vector<16xf32> to vector<16xf32>
    %swap3A_189 = vector.shape_cast %broadcast_in_dim3A_0 : vector<16xf32> to vector<16xf32>
    tpu.vector_store %arg8[%swap3A_186], %swap3A_189 {strides = array<i32>} : memref<2048xf32, #tpu.memory_space<vmem>>, vector<16xf32>,
    %swap3A_190 = arith.constant 752 : index
    %swap3A_191 = tpu.vector_load %arg8[%swap3A_190] {strides = array<i32>} : memref<2048xf32, #tpu.memory_space<vmem>>, vector<16xf32>,
    %swap3A_192 = vector.shape_cast %swap3A_191 : vector<16xf32> to vector<16xf32>
    %swap3A_193 = vector.shape_cast %broadcast_in_dim3A_0 : vector<16xf32> to vector<16xf32>
    tpu.vector_store %arg8[%swap3A_190], %swap3A_193 {strides = array<i32>} : memref<2048xf32, #tpu.memory_space<vmem>>, vector<16xf32>,
    %swap3A_194 = arith.constant 768 : index
    %swap3A_195 = tpu.vector_load %arg8[%swap3A_194] {strides = array<i32>} : memref<2048xf32, #tpu.memory_space<vmem>>, vector<16xf32>,
    %swap3A_196 = vector.shape_cast %swap3A_195 : vector<16xf32> to vector<16xf32>
    %swap3A_197 = vector.shape_cast %broadcast_in_dim3A_0 : vector<16xf32> to vector<16xf32>
    tpu.vector_store %arg8[%swap3A_194], %swap3A_197 {strides = array<i32>} : memref<2048xf32, #tpu.memory_space<vmem>>, vector<16xf32>,
    %swap3A_198 = arith.constant 784 : index
    %swap3A_199 = tpu.vector_load %arg8[%swap3A_198] {strides = array<i32>} : memref<2048xf32, #tpu.memory_space<vmem>>, vector<16xf32>,
    %swap3A_200 = vector.shape_cast %swap3A_199 : vector<16xf32> to vector<16xf32>
    %swap3A_201 = vector.shape_cast %broadcast_in_dim3A_0 : vector<16xf32> to vector<16xf32>
    tpu.vector_store %arg8[%swap3A_198], %swap3A_201 {strides = array<i32>} : memref<2048xf32, #tpu.memory_space<vmem>>, vector<16xf32>,
    %swap3A_202 = arith.constant 800 : index
    %swap3A_203 = tpu.vector_load %arg8[%swap3A_202] {strides = array<i32>} : memref<2048xf32, #tpu.memory_space<vmem>>, vector<16xf32>,
    %swap3A_204 = vector.shape_cast %swap3A_203 : vector<16xf32> to vector<16xf32>
    %swap3A_205 = vector.shape_cast %broadcast_in_dim3A_0 : vector<16xf32> to vector<16xf32>
    tpu.vector_store %arg8[%swap3A_202], %swap3A_205 {strides = array<i32>} : memref<2048xf32, #tpu.memory_space<vmem>>, vector<16xf32>,
    %swap3A_206 = arith.constant 816 : index
    %swap3A_207 = tpu.vector_load %arg8[%swap3A_206] {strides = array<i32>} : memref<2048xf32, #tpu.memory_space<vmem>>, vector<16xf32>,
    %swap3A_208 = vector.shape_cast %swap3A_207 : vector<16xf32> to vector<16xf32>
    %swap3A_209 = vector.shape_cast %broadcast_in_dim3A_0 : vector<16xf32> to vector<16xf32>
    tpu.vector_store %arg8[%swap3A_206], %swap3A_209 {strides = array<i32>} : memref<2048xf32, #tpu.memory_space<vmem>>, vector<16xf32>,
    %swap3A_210 = arith.constant 832 : index
    %swap3A_211 = tpu.vector_load %arg8[%swap3A_210] {strides = array<i32>} : memref<2048xf32, #tpu.memory_space<vmem>>, vector<16xf32>,
    %swap3A_212 = vector.shape_cast %swap3A_211 : vector<16xf32> to vector<16xf32>
    %swap3A_213 = vector.shape_cast %broadcast_in_dim3A_0 : vector<16xf32> to vector<16xf32>
    tpu.vector_store %arg8[%swap3A_210], %swap3A_213 {strides = array<i32>} : memref<2048xf32, #tpu.memory_space<vmem>>, vector<16xf32>,
    %swap3A_214 = arith.constant 848 : index
    %swap3A_215 = tpu.vector_load %arg8[%swap3A_214] {strides = array<i32>} : memref<2048xf32, #tpu.memory_space<vmem>>, vector<16xf32>,
    %swap3A_216 = vector.shape_cast %swap3A_215 : vector<16xf32> to vector<16xf32>
    %swap3A_217 = vector.shape_cast %broadcast_in_dim3A_0 : vector<16xf32> to vector<16xf32>
    tpu.vector_store %arg8[%swap3A_214], %swap3A_217 {strides = array<i32>} : memref<2048xf32, #tpu.memory_space<vmem>>, vector<16xf32>,
    %swap3A_218 = arith.constant 864 : index
    %swap3A_219 = tpu.vector_load %arg8[%swap3A_218] {strides = array<i32>} : memref<2048xf32, #tpu.memory_space<vmem>>, vector<16xf32>,
    %swap3A_220 = vector.shape_cast %swap3A_219 : vector<16xf32> to vector<16xf32>
    %swap3A_221 = vector.shape_cast %broadcast_in_dim3A_0 : vector<16xf32> to vector<16xf32>
    tpu.vector_store %arg8[%swap3A_218], %swap3A_221 {strides = array<i32>} : memref<2048xf32, #tpu.memory_space<vmem>>, vector<16xf32>,
    %swap3A_222 = arith.constant 880 : index
    %swap3A_223 = tpu.vector_load %arg8[%swap3A_222] {strides = array<i32>} : memref<2048xf32, #tpu.memory_space<vmem>>, vector<16xf32>,
    %swap3A_224 = vector.shape_cast %swap3A_223 : vector<16xf32> to vector<16xf32>
    %swap3A_225 = vector.shape_cast %broadcast_in_dim3A_0 : vector<16xf32> to vector<16xf32>
    tpu.vector_store %arg8[%swap3A_222], %swap3A_225 {strides = array<i32>} : memref<2048xf32, #tpu.memory_space<vmem>>, vector<16xf32>,
    %swap3A_226 = arith.constant 896 : index
    %swap3A_227 = tpu.vector_load %arg8[%swap3A_226] {strides = array<i32>} : memref<2048xf32, #tpu.memory_space<vmem>>, vector<16xf32>,
    %swap3A_228 = vector.shape_cast %swap3A_227 : vector<16xf32> to vector<16xf32>
    %swap3A_229 = vector.shape_cast %broadcast_in_dim3A_0 : vector<16xf32> to vector<16xf32>
    tpu.vector_store %arg8[%swap3A_226], %swap3A_229 {strides = array<i32>} : memref<2048xf32, #tpu.memory_space<vmem>>, vector<16xf32>,
    %swap3A_230 = arith.constant 912 : index
    %swap3A_231 = tpu.vector_load %arg8[%swap3A_230] {strides = array<i32>} : memref<2048xf32, #tpu.memory_space<vmem>>, vector<16xf32>,
    %swap3A_232 = vector.shape_cast %swap3A_231 : vector<16xf32> to vector<16xf32>
    %swap3A_233 = vector.shape_cast %broadcast_in_dim3A_0 : vector<16xf32> to vector<16xf32>
    tpu.vector_store %arg8[%swap3A_230], %swap3A_233 {strides = array<i32>} : memref<2048xf32, #tpu.memory_space<vmem>>, vector<16xf32>,
    %swap3A_234 = arith.constant 928 : index
    %swap3A_235 = tpu.vector_load %arg8[%swap3A_234] {strides = array<i32>} : memref<2048xf32, #tpu.memory_space<vmem>>, vector<16xf32>,
    %swap3A_236 = vector.shape_cast %swap3A_235 : vector<16xf32> to vector<16xf32>
    %swap3A_237 = vector.shape_cast %broadcast_in_dim3A_0 : vector<16xf32> to vector<16xf32>
    tpu.vector_store %arg8[%swap3A_234], %swap3A_237 {strides = array<i32>} : memref<2048xf32, #tpu.memory_space<vmem>>, vector<16xf32>,
    %swap3A_238 = arith.constant 944 : index
    %swap3A_239 = tpu.vector_load %arg8[%swap3A_238] {strides = array<i32>} : memref<2048xf32, #tpu.memory_space<vmem>>, vector<16xf32>,
    %swap3A_240 = vector.shape_cast %swap3A_239 : vector<16xf32> to vector<16xf32>
    %swap3A_241 = vector.shape_cast %broadcast_in_dim3A_0 : vector<16xf32> to vector<16xf32>
    tpu.vector_store %arg8[%swap3A_238], %swap3A_241 {strides = array<i32>} : memref<2048xf32, #tpu.memory_space<vmem>>, vector<16xf32>,
    %swap3A_242 = arith.constant 960 : index
    %swap3A_243 = tpu.vector_load %arg8[%swap3A_242] {strides = array<i32>} : memref<2048xf32, #tpu.memory_space<vmem>>, vector<16xf32>,
    %swap3A_244 = vector.shape_cast %swap3A_243 : vector<16xf32> to vector<16xf32>
    %swap3A_245 = vector.shape_cast %broadcast_in_dim3A_0 : vector<16xf32> to vector<16xf32>
    tpu.vector_store %arg8[%swap3A_242], %swap3A_245 {strides = array<i32>} : memref<2048xf32, #tpu.memory_space<vmem>>, vector<16xf32>,
    %swap3A_246 = arith.constant 976 : index
    %swap3A_247 = tpu.vector_load %arg8[%swap3A_246] {strides = array<i32>} : memref<2048xf32, #tpu.memory_space<vmem>>, vector<16xf32>,
    %swap3A_248 = vector.shape_cast %swap3A_247 : vector<16xf32> to vector<16xf32>
    %swap3A_249 = vector.shape_cast %broadcast_in_dim3A_0 : vector<16xf32> to vector<16xf32>
    tpu.vector_store %arg8[%swap3A_246], %swap3A_249 {strides = array<i32>} : memref<2048xf32, #tpu.memory_space<vmem>>, vector<16xf32>,
    %swap3A_250 = arith.constant 992 : index
    %swap3A_251 = tpu.vector_load %arg8[%swap3A_250] {strides = array<i32>} : memref<2048xf32, #tpu.memory_space<vmem>>, vector<16xf32>,
    %swap3A_252 = vector.shape_cast %swap3A_251 : vector<16xf32> to vector<16xf32>
    %swap3A_253 = vector.shape_cast %broadcast_in_dim3A_0 : vector<16xf32> to vector<16xf32>
    tpu.vector_store %arg8[%swap3A_250], %swap3A_253 {strides = array<i32>} : memref<2048xf32, #tpu.memory_space<vmem>>, vector<16xf32>,
    %swap3A_254 = arith.constant 1008 : index
    %swap3A_255 = tpu.vector_load %arg8[%swap3A_254] {strides = array<i32>} : memref<2048xf32, #tpu.memory_space<vmem>>, vector<16xf32>,
    %swap3A_256 = vector.shape_cast %swap3A_255 : vector<16xf32> to vector<16xf32>
    %swap3A_257 = vector.shape_cast %broadcast_in_dim3A_0 : vector<16xf32> to vector<16xf32>
    tpu.vector_store %arg8[%swap3A_254], %swap3A_257 {strides = array<i32>} : memref<2048xf32, #tpu.memory_space<vmem>>, vector<16xf32>,
    %swap3A_258 = arith.constant 1024 : index
    %swap3A_259 = tpu.vector_load %arg8[%swap3A_258] {strides = array<i32>} : memref<2048xf32, #tpu.memory_space<vmem>>, vector<16xf32>,
    %swap3A_260 = vector.shape_cast %swap3A_259 : vector<16xf32> to vector<16xf32>
    %swap3A_261 = vector.shape_cast %broadcast_in_dim3A_0 : vector<16xf32> to vector<16xf32>
    tpu.vector_store %arg8[%swap3A_258], %swap3A_261 {strides = array<i32>} : memref<2048xf32, #tpu.memory_space<vmem>>, vector<16xf32>,
    %swap3A_262 = arith.constant 1040 : index
    %swap3A_263 = tpu.vector_load %arg8[%swap3A_262] {strides = array<i32>} : memref<2048xf32, #tpu.memory_space<vmem>>, vector<16xf32>,
    %swap3A_264 = vector.shape_cast %swap3A_263 : vector<16xf32> to vector<16xf32>
    %swap3A_265 = vector.shape_cast %broadcast_in_dim3A_0 : vector<16xf32> to vector<16xf32>
    tpu.vector_store %arg8[%swap3A_262], %swap3A_265 {strides = array<i32>} : memref<2048xf32, #tpu.memory_space<vmem>>, vector<16xf32>,
    %swap3A_266 = arith.constant 1056 : index
    %swap3A_267 = tpu.vector_load %arg8[%swap3A_266] {strides = array<i32>} : memref<2048xf32, #tpu.memory_space<vmem>>, vector<16xf32>,
    %swap3A_268 = vector.shape_cast %swap3A_267 : vector<16xf32> to vector<16xf32>
    %swap3A_269 = vector.shape_cast %broadcast_in_dim3A_0 : vector<16xf32> to vector<16xf32>
    tpu.vector_store %arg8[%swap3A_266], %swap3A_269 {strides = array<i32>} : memref<2048xf32, #tpu.memory_space<vmem>>, vector<16xf32>,
    %swap3A_270 = arith.constant 1072 : index
    %swap3A_271 = tpu.vector_load %arg8[%swap3A_270] {strides = array<i32>} : memref<2048xf32, #tpu.memory_space<vmem>>, vector<16xf32>,
    %swap3A_272 = vector.shape_cast %swap3A_271 : vector<16xf32> to vector<16xf32>
    %swap3A_273 = vector.shape_cast %broadcast_in_dim3A_0 : vector<16xf32> to vector<16xf32>
    tpu.vector_store %arg8[%swap3A_270], %swap3A_273 {strides = array<i32>} : memref<2048xf32, #tpu.memory_space<vmem>>, vector<16xf32>,
    %swap3A_274 = arith.constant 1088 : index
    %swap3A_275 = tpu.vector_load %arg8[%swap3A_274] {strides = array<i32>} : memref<2048xf32, #tpu.memory_space<vmem>>, vector<16xf32>,
    %swap3A_276 = vector.shape_cast %swap3A_275 : vector<16xf32> to vector<16xf32>
    %swap3A_277 = vector.shape_cast %broadcast_in_dim3A_0 : vector<16xf32> to vector<16xf32>
    tpu.vector_store %arg8[%swap3A_274], %swap3A_277 {strides = array<i32>} : memref<2048xf32, #tpu.memory_space<vmem>>, vector<16xf32>,
    %swap3A_278 = arith.constant 1104 : index
    %swap3A_279 = tpu.vector_load %arg8[%swap3A_278] {strides = array<i32>} : memref<2048xf32, #tpu.memory_space<vmem>>, vector<16xf32>,
    %swap3A_280 = vector.shape_cast %swap3A_279 : vector<16xf32> to vector<16xf32>
    %swap3A_281 = vector.shape_cast %broadcast_in_dim3A_0 : vector<16xf32> to vector<16xf32>
    tpu.vector_store %arg8[%swap3A_278], %swap3A_281 {strides = array<i32>} : memref<2048xf32, #tpu.memory_space<vmem>>, vector<16xf32>,
    %swap3A_282 = arith.constant 1120 : index
    %swap3A_283 = tpu.vector_load %arg8[%swap3A_282] {strides = array<i32>} : memref<2048xf32, #tpu.memory_space<vmem>>, vector<16xf32>,
    %swap3A_284 = vector.shape_cast %swap3A_283 : vector<16xf32> to vector<16xf32>
    %swap3A_285 = vector.shape_cast %broadcast_in_dim3A_0 : vector<16xf32> to vector<16xf32>
    tpu.vector_store %arg8[%swap3A_282], %swap3A_285 {strides = array<i32>} : memref<2048xf32, #tpu.memory_space<vmem>>, vector<16xf32>,
    %swap3A_286 = arith.constant 1136 : index
    %swap3A_287 = tpu.vector_load %arg8[%swap3A_286] {strides = array<i32>} : memref<2048xf32, #tpu.memory_space<vmem>>, vector<16xf32>,
    %swap3A_288 = vector.shape_cast %swap3A_287 : vector<16xf32> to vector<16xf32>
    %swap3A_289 = vector.shape_cast %broadcast_in_dim3A_0 : vector<16xf32> to vector<16xf32>
    tpu.vector_store %arg8[%swap3A_286], %swap3A_289 {strides = array<i32>} : memref<2048xf32, #tpu.memory_space<vmem>>, vector<16xf32>,
    %swap3A_290 = arith.constant 1152 : index
    %swap3A_291 = tpu.vector_load %arg8[%swap3A_290] {strides = array<i32>} : memref<2048xf32, #tpu.memory_space<vmem>>, vector<16xf32>,
    %swap3A_292 = vector.shape_cast %swap3A_291 : vector<16xf32> to vector<16xf32>
    %swap3A_293 = vector.shape_cast %broadcast_in_dim3A_0 : vector<16xf32> to vector<16xf32>
    tpu.vector_store %arg8[%swap3A_290], %swap3A_293 {strides = array<i32>} : memref<2048xf32, #tpu.memory_space<vmem>>, vector<16xf32>,
    %swap3A_294 = arith.constant 1168 : index
    %swap3A_295 = tpu.vector_load %arg8[%swap3A_294] {strides = array<i32>} : memref<2048xf32, #tpu.memory_space<vmem>>, vector<16xf32>,
    %swap3A_296 = vector.shape_cast %swap3A_295 : vector<16xf32> to vector<16xf32>
    %swap3A_297 = vector.shape_cast %broadcast_in_dim3A_0 : vector<16xf32> to vector<16xf32>
    tpu.vector_store %arg8[%swap3A_294], %swap3A_297 {strides = array<i32>} : memref<2048xf32, #tpu.memory_space<vmem>>, vector<16xf32>,
    %swap3A_298 = arith.constant 1184 : index
    %swap3A_299 = tpu.vector_load %arg8[%swap3A_298] {strides = array<i32>} : memref<2048xf32, #tpu.memory_space<vmem>>, vector<16xf32>,
    %swap3A_300 = vector.shape_cast %swap3A_299 : vector<16xf32> to vector<16xf32>
    %swap3A_301 = vector.shape_cast %broadcast_in_dim3A_0 : vector<16xf32> to vector<16xf32>
    tpu.vector_store %arg8[%swap3A_298], %swap3A_301 {strides = array<i32>} : memref<2048xf32, #tpu.memory_space<vmem>>, vector<16xf32>,
    %swap3A_302 = arith.constant 1200 : index
    %swap3A_303 = tpu.vector_load %arg8[%swap3A_302] {strides = array<i32>} : memref<2048xf32, #tpu.memory_space<vmem>>, vector<16xf32>,
    %swap3A_304 = vector.shape_cast %swap3A_303 : vector<16xf32> to vector<16xf32>
    %swap3A_305 = vector.shape_cast %broadcast_in_dim3A_0 : vector<16xf32> to vector<16xf32>
    tpu.vector_store %arg8[%swap3A_302], %swap3A_305 {strides = array<i32>} : memref<2048xf32, #tpu.memory_space<vmem>>, vector<16xf32>,
    %swap3A_306 = arith.constant 1216 : index
    %swap3A_307 = tpu.vector_load %arg8[%swap3A_306] {strides = array<i32>} : memref<2048xf32, #tpu.memory_space<vmem>>, vector<16xf32>,
    %swap3A_308 = vector.shape_cast %swap3A_307 : vector<16xf32> to vector<16xf32>
    %swap3A_309 = vector.shape_cast %broadcast_in_dim3A_0 : vector<16xf32> to vector<16xf32>
    tpu.vector_store %arg8[%swap3A_306], %swap3A_309 {strides = array<i32>} : memref<2048xf32, #tpu.memory_space<vmem>>, vector<16xf32>,
    %swap3A_310 = arith.constant 1232 : index
    %swap3A_311 = tpu.vector_load %arg8[%swap3A_310] {strides = array<i32>} : memref<2048xf32, #tpu.memory_space<vmem>>, vector<16xf32>,
    %swap3A_312 = vector.shape_cast %swap3A_311 : vector<16xf32> to vector<16xf32>
    %swap3A_313 = vector.shape_cast %broadcast_in_dim3A_0 : vector<16xf32> to vector<16xf32>
    tpu.vector_store %arg8[%swap3A_310], %swap3A_313 {strides = array<i32>} : memref<2048xf32, #tpu.memory_space<vmem>>, vector<16xf32>,
    %swap3A_314 = arith.constant 1248 : index
    %swap3A_315 = tpu.vector_load %arg8[%swap3A_314] {strides = array<i32>} : memref<2048xf32, #tpu.memory_space<vmem>>, vector<16xf32>,
    %swap3A_316 = vector.shape_cast %swap3A_315 : vector<16xf32> to vector<16xf32>
    %swap3A_317 = vector.shape_cast %broadcast_in_dim3A_0 : vector<16xf32> to vector<16xf32>
    tpu.vector_store %arg8[%swap3A_314], %swap3A_317 {strides = array<i32>} : memref<2048xf32, #tpu.memory_space<vmem>>, vector<16xf32>,
    %swap3A_318 = arith.constant 1264 : index
    %swap3A_319 = tpu.vector_load %arg8[%swap3A_318] {strides = array<i32>} : memref<2048xf32, #tpu.memory_space<vmem>>, vector<16xf32>,
    %swap3A_320 = vector.shape_cast %swap3A_319 : vector<16xf32> to vector<16xf32>
    %swap3A_321 = vector.shape_cast %broadcast_in_dim3A_0 : vector<16xf32> to vector<16xf32>
    tpu.vector_store %arg8[%swap3A_318], %swap3A_321 {strides = array<i32>} : memref<2048xf32, #tpu.memory_space<vmem>>, vector<16xf32>,
    %swap3A_322 = arith.constant 1280 : index
    %swap3A_323 = tpu.vector_load %arg8[%swap3A_322] {strides = array<i32>} : memref<2048xf32, #tpu.memory_space<vmem>>, vector<16xf32>,
    %swap3A_324 = vector.shape_cast %swap3A_323 : vector<16xf32> to vector<16xf32>
    %swap3A_325 = vector.shape_cast %broadcast_in_dim3A_0 : vector<16xf32> to vector<16xf32>
    tpu.vector_store %arg8[%swap3A_322], %swap3A_325 {strides = array<i32>} : memref<2048xf32, #tpu.memory_space<vmem>>, vector<16xf32>,
    %swap3A_326 = arith.constant 1296 : index
    %swap3A_327 = tpu.vector_load %arg8[%swap3A_326] {strides = array<i32>} : memref<2048xf32, #tpu.memory_space<vmem>>, vector<16xf32>,
    %swap3A_328 = vector.shape_cast %swap3A_327 : vector<16xf32> to vector<16xf32>
    %swap3A_329 = vector.shape_cast %broadcast_in_dim3A_0 : vector<16xf32> to vector<16xf32>
    tpu.vector_store %arg8[%swap3A_326], %swap3A_329 {strides = array<i32>} : memref<2048xf32, #tpu.memory_space<vmem>>, vector<16xf32>,
    %swap3A_330 = arith.constant 1312 : index
    %swap3A_331 = tpu.vector_load %arg8[%swap3A_330] {strides = array<i32>} : memref<2048xf32, #tpu.memory_space<vmem>>, vector<16xf32>,
    %swap3A_332 = vector.shape_cast %swap3A_331 : vector<16xf32> to vector<16xf32>
    %swap3A_333 = vector.shape_cast %broadcast_in_dim3A_0 : vector<16xf32> to vector<16xf32>
    tpu.vector_store %arg8[%swap3A_330], %swap3A_333 {strides = array<i32>} : memref<2048xf32, #tpu.memory_space<vmem>>, vector<16xf32>,
    %swap3A_334 = arith.constant 1328 : index
    %swap3A_335 = tpu.vector_load %arg8[%swap3A_334] {strides = array<i32>} : memref<2048xf32, #tpu.memory_space<vmem>>, vector<16xf32>,
    %swap3A_336 = vector.shape_cast %swap3A_335 : vector<16xf32> to vector<16xf32>
    %swap3A_337 = vector.shape_cast %broadcast_in_dim3A_0 : vector<16xf32> to vector<16xf32>
    tpu.vector_store %arg8[%swap3A_334], %swap3A_337 {strides = array<i32>} : memref<2048xf32, #tpu.memory_space<vmem>>, vector<16xf32>,
    %swap3A_338 = arith.constant 1344 : index
    %swap3A_339 = tpu.vector_load %arg8[%swap3A_338] {strides = array<i32>} : memref<2048xf32, #tpu.memory_space<vmem>>, vector<16xf32>,
    %swap3A_340 = vector.shape_cast %swap3A_339 : vector<16xf32> to vector<16xf32>
    %swap3A_341 = vector.shape_cast %broadcast_in_dim3A_0 : vector<16xf32> to vector<16xf32>
    tpu.vector_store %arg8[%swap3A_338], %swap3A_341 {strides = array<i32>} : memref<2048xf32, #tpu.memory_space<vmem>>, vector<16xf32>,
    %swap3A_342 = arith.constant 1360 : index
    %swap3A_343 = tpu.vector_load %arg8[%swap3A_342] {strides = array<i32>} : memref<2048xf32, #tpu.memory_space<vmem>>, vector<16xf32>,
    %swap3A_344 = vector.shape_cast %swap3A_343 : vector<16xf32> to vector<16xf32>
    %swap3A_345 = vector.shape_cast %broadcast_in_dim3A_0 : vector<16xf32> to vector<16xf32>
    tpu.vector_store %arg8[%swap3A_342], %swap3A_345 {strides = array<i32>} : memref<2048xf32, #tpu.memory_space<vmem>>, vector<16xf32>,
    %swap3A_346 = arith.constant 1376 : index
    %swap3A_347 = tpu.vector_load %arg8[%swap3A_346] {strides = array<i32>} : memref<2048xf32, #tpu.memory_space<vmem>>, vector<16xf32>,
    %swap3A_348 = vector.shape_cast %swap3A_347 : vector<16xf32> to vector<16xf32>
    %swap3A_349 = vector.shape_cast %broadcast_in_dim3A_0 : vector<16xf32> to vector<16xf32>
    tpu.vector_store %arg8[%swap3A_346], %swap3A_349 {strides = array<i32>} : memref<2048xf32, #tpu.memory_space<vmem>>, vector<16xf32>,
    %swap3A_350 = arith.constant 1392 : index
    %swap3A_351 = tpu.vector_load %arg8[%swap3A_350] {strides = array<i32>} : memref<2048xf32, #tpu.memory_space<vmem>>, vector<16xf32>,
    %swap3A_352 = vector.shape_cast %swap3A_351 : vector<16xf32> to vector<16xf32>
    %swap3A_353 = vector.shape_cast %broadcast_in_dim3A_0 : vector<16xf32> to vector<16xf32>
    tpu.vector_store %arg8[%swap3A_350], %swap3A_353 {strides = array<i32>} : memref<2048xf32, #tpu.memory_space<vmem>>, vector<16xf32>,
    %swap3A_354 = arith.constant 1408 : index
    %swap3A_355 = tpu.vector_load %arg8[%swap3A_354] {strides = array<i32>} : memref<2048xf32, #tpu.memory_space<vmem>>, vector<16xf32>,
    %swap3A_356 = vector.shape_cast %swap3A_355 : vector<16xf32> to vector<16xf32>
    %swap3A_357 = vector.shape_cast %broadcast_in_dim3A_0 : vector<16xf32> to vector<16xf32>
    tpu.vector_store %arg8[%swap3A_354], %swap3A_357 {strides = array<i32>} : memref<2048xf32, #tpu.memory_space<vmem>>, vector<16xf32>,
    %swap3A_358 = arith.constant 1424 : index
    %swap3A_359 = tpu.vector_load %arg8[%swap3A_358] {strides = array<i32>} : memref<2048xf32, #tpu.memory_space<vmem>>, vector<16xf32>,
    %swap3A_360 = vector.shape_cast %swap3A_359 : vector<16xf32> to vector<16xf32>
    %swap3A_361 = vector.shape_cast %broadcast_in_dim3A_0 : vector<16xf32> to vector<16xf32>
    tpu.vector_store %arg8[%swap3A_358], %swap3A_361 {strides = array<i32>} : memref<2048xf32, #tpu.memory_space<vmem>>, vector<16xf32>,
    %swap3A_362 = arith.constant 1440 : index
    %swap3A_363 = tpu.vector_load %arg8[%swap3A_362] {strides = array<i32>} : memref<2048xf32, #tpu.memory_space<vmem>>, vector<16xf32>,
    %swap3A_364 = vector.shape_cast %swap3A_363 : vector<16xf32> to vector<16xf32>
    %swap3A_365 = vector.shape_cast %broadcast_in_dim3A_0 : vector<16xf32> to vector<16xf32>
    tpu.vector_store %arg8[%swap3A_362], %swap3A_365 {strides = array<i32>} : memref<2048xf32, #tpu.memory_space<vmem>>, vector<16xf32>,
    %swap3A_366 = arith.constant 1456 : index
    %swap3A_367 = tpu.vector_load %arg8[%swap3A_366] {strides = array<i32>} : memref<2048xf32, #tpu.memory_space<vmem>>, vector<16xf32>,
    %swap3A_368 = vector.shape_cast %swap3A_367 : vector<16xf32> to vector<16xf32>
    %swap3A_369 = vector.shape_cast %broadcast_in_dim3A_0 : vector<16xf32> to vector<16xf32>
    tpu.vector_store %arg8[%swap3A_366], %swap3A_369 {strides = array<i32>} : memref<2048xf32, #tpu.memory_space<vmem>>, vector<16xf32>,
    %swap3A_370 = arith.constant 1472 : index
    %swap3A_371 = tpu.vector_load %arg8[%swap3A_370] {strides = array<i32>} : memref<2048xf32, #tpu.memory_space<vmem>>, vector<16xf32>,
    %swap3A_372 = vector.shape_cast %swap3A_371 : vector<16xf32> to vector<16xf32>
    %swap3A_373 = vector.shape_cast %broadcast_in_dim3A_0 : vector<16xf32> to vector<16xf32>
    tpu.vector_store %arg8[%swap3A_370], %swap3A_373 {strides = array<i32>} : memref<2048xf32, #tpu.memory_space<vmem>>, vector<16xf32>,
    %swap3A_374 = arith.constant 1488 : index
    %swap3A_375 = tpu.vector_load %arg8[%swap3A_374] {strides = array<i32>} : memref<2048xf32, #tpu.memory_space<vmem>>, vector<16xf32>,
    %swap3A_376 = vector.shape_cast %swap3A_375 : vector<16xf32> to vector<16xf32>
    %swap3A_377 = vector.shape_cast %broadcast_in_dim3A_0 : vector<16xf32> to vector<16xf32>
    tpu.vector_store %arg8[%swap3A_374], %swap3A_377 {strides = array<i32>} : memref<2048xf32, #tpu.memory_space<vmem>>, vector<16xf32>,
    %swap3A_378 = arith.constant 1504 : index
    %swap3A_379 = tpu.vector_load %arg8[%swap3A_378] {strides = array<i32>} : memref<2048xf32, #tpu.memory_space<vmem>>, vector<16xf32>,
    %swap3A_380 = vector.shape_cast %swap3A_379 : vector<16xf32> to vector<16xf32>
    %swap3A_381 = vector.shape_cast %broadcast_in_dim3A_0 : vector<16xf32> to vector<16xf32>
    tpu.vector_store %arg8[%swap3A_378], %swap3A_381 {strides = array<i32>} : memref<2048xf32, #tpu.memory_space<vmem>>, vector<16xf32>,
    %swap3A_382 = arith.constant 1520 : index
    %swap3A_383 = tpu.vector_load %arg8[%swap3A_382] {strides = array<i32>} : memref<2048xf32, #tpu.memory_space<vmem>>, vector<16xf32>,
    %swap3A_384 = vector.shape_cast %swap3A_383 : vector<16xf32> to vector<16xf32>
    %swap3A_385 = vector.shape_cast %broadcast_in_dim3A_0 : vector<16xf32> to vector<16xf32>
    tpu.vector_store %arg8[%swap3A_382], %swap3A_385 {strides = array<i32>} : memref<2048xf32, #tpu.memory_space<vmem>>, vector<16xf32>,
    %swap3A_386 = arith.constant 1536 : index
    %swap3A_387 = tpu.vector_load %arg8[%swap3A_386] {strides = array<i32>} : memref<2048xf32, #tpu.memory_space<vmem>>, vector<16xf32>,
    %swap3A_388 = vector.shape_cast %swap3A_387 : vector<16xf32> to vector<16xf32>
    %swap3A_389 = vector.shape_cast %broadcast_in_dim3A_0 : vector<16xf32> to vector<16xf32>
    tpu.vector_store %arg8[%swap3A_386], %swap3A_389 {strides = array<i32>} : memref<2048xf32, #tpu.memory_space<vmem>>, vector<16xf32>,
    %swap3A_390 = arith.constant 1552 : index
    %swap3A_391 = tpu.vector_load %arg8[%swap3A_390] {strides = array<i32>} : memref<2048xf32, #tpu.memory_space<vmem>>, vector<16xf32>,
    %swap3A_392 = vector.shape_cast %swap3A_391 : vector<16xf32> to vector<16xf32>
    %swap3A_393 = vector.shape_cast %broadcast_in_dim3A_0 : vector<16xf32> to vector<16xf32>
    tpu.vector_store %arg8[%swap3A_390], %swap3A_393 {strides = array<i32>} : memref<2048xf32, #tpu.memory_space<vmem>>, vector<16xf32>,
    %swap3A_394 = arith.constant 1568 : index
    %swap3A_395 = tpu.vector_load %arg8[%swap3A_394] {strides = array<i32>} : memref<2048xf32, #tpu.memory_space<vmem>>, vector<16xf32>,
    %swap3A_396 = vector.shape_cast %swap3A_395 : vector<16xf32> to vector<16xf32>
    %swap3A_397 = vector.shape_cast %broadcast_in_dim3A_0 : vector<16xf32> to vector<16xf32>
    tpu.vector_store %arg8[%swap3A_394], %swap3A_397 {strides = array<i32>} : memref<2048xf32, #tpu.memory_space<vmem>>, vector<16xf32>,
    %swap3A_398 = arith.constant 1584 : index
    %swap3A_399 = tpu.vector_load %arg8[%swap3A_398] {strides = array<i32>} : memref<2048xf32, #tpu.memory_space<vmem>>, vector<16xf32>,
    %swap3A_400 = vector.shape_cast %swap3A_399 : vector<16xf32> to vector<16xf32>
    %swap3A_401 = vector.shape_cast %broadcast_in_dim3A_0 : vector<16xf32> to vector<16xf32>
    tpu.vector_store %arg8[%swap3A_398], %swap3A_401 {strides = array<i32>} : memref<2048xf32, #tpu.memory_space<vmem>>, vector<16xf32>,
    %swap3A_402 = arith.constant 1600 : index
    %swap3A_403 = tpu.vector_load %arg8[%swap3A_402] {strides = array<i32>} : memref<2048xf32, #tpu.memory_space<vmem>>, vector<16xf32>,
    %swap3A_404 = vector.shape_cast %swap3A_403 : vector<16xf32> to vector<16xf32>
    %swap3A_405 = vector.shape_cast %broadcast_in_dim3A_0 : vector<16xf32> to vector<16xf32>
    tpu.vector_store %arg8[%swap3A_402], %swap3A_405 {strides = array<i32>} : memref<2048xf32, #tpu.memory_space<vmem>>, vector<16xf32>,
    %swap3A_406 = arith.constant 1616 : index
    %swap3A_407 = tpu.vector_load %arg8[%swap3A_406] {strides = array<i32>} : memref<2048xf32, #tpu.memory_space<vmem>>, vector<16xf32>,
    %swap3A_408 = vector.shape_cast %swap3A_407 : vector<16xf32> to vector<16xf32>
    %swap3A_409 = vector.shape_cast %broadcast_in_dim3A_0 : vector<16xf32> to vector<16xf32>
    tpu.vector_store %arg8[%swap3A_406], %swap3A_409 {strides = array<i32>} : memref<2048xf32, #tpu.memory_space<vmem>>, vector<16xf32>,
    %swap3A_410 = arith.constant 1632 : index
    %swap3A_411 = tpu.vector_load %arg8[%swap3A_410] {strides = array<i32>} : memref<2048xf32, #tpu.memory_space<vmem>>, vector<16xf32>,
    %swap3A_412 = vector.shape_cast %swap3A_411 : vector<16xf32> to vector<16xf32>
    %swap3A_413 = vector.shape_cast %broadcast_in_dim3A_0 : vector<16xf32> to vector<16xf32>
    tpu.vector_store %arg8[%swap3A_410], %swap3A_413 {strides = array<i32>} : memref<2048xf32, #tpu.memory_space<vmem>>, vector<16xf32>,
    %swap3A_414 = arith.constant 1648 : index
    %swap3A_415 = tpu.vector_load %arg8[%swap3A_414] {strides = array<i32>} : memref<2048xf32, #tpu.memory_space<vmem>>, vector<16xf32>,
    %swap3A_416 = vector.shape_cast %swap3A_415 : vector<16xf32> to vector<16xf32>
    %swap3A_417 = vector.shape_cast %broadcast_in_dim3A_0 : vector<16xf32> to vector<16xf32>
    tpu.vector_store %arg8[%swap3A_414], %swap3A_417 {strides = array<i32>} : memref<2048xf32, #tpu.memory_space<vmem>>, vector<16xf32>,
    %swap3A_418 = arith.constant 1664 : index
    %swap3A_419 = tpu.vector_load %arg8[%swap3A_418] {strides = array<i32>} : memref<2048xf32, #tpu.memory_space<vmem>>, vector<16xf32>,
    %swap3A_420 = vector.shape_cast %swap3A_419 : vector<16xf32> to vector<16xf32>
    %swap3A_421 = vector.shape_cast %broadcast_in_dim3A_0 : vector<16xf32> to vector<16xf32>
    tpu.vector_store %arg8[%swap3A_418], %swap3A_421 {strides = array<i32>} : memref<2048xf32, #tpu.memory_space<vmem>>, vector<16xf32>,
    %swap3A_422 = arith.constant 1680 : index
    %swap3A_423 = tpu.vector_load %arg8[%swap3A_422] {strides = array<i32>} : memref<2048xf32, #tpu.memory_space<vmem>>, vector<16xf32>,
    %swap3A_424 = vector.shape_cast %swap3A_423 : vector<16xf32> to vector<16xf32>
    %swap3A_425 = vector.shape_cast %broadcast_in_dim3A_0 : vector<16xf32> to vector<16xf32>
    tpu.vector_store %arg8[%swap3A_422], %swap3A_425 {strides = array<i32>} : memref<2048xf32, #tpu.memory_space<vmem>>, vector<16xf32>,
    %swap3A_426 = arith.constant 1696 : index
    %swap3A_427 = tpu.vector_load %arg8[%swap3A_426] {strides = array<i32>} : memref<2048xf32, #tpu.memory_space<vmem>>, vector<16xf32>,
    %swap3A_428 = vector.shape_cast %swap3A_427 : vector<16xf32> to vector<16xf32>
    %swap3A_429 = vector.shape_cast %broadcast_in_dim3A_0 : vector<16xf32> to vector<16xf32>
    tpu.vector_store %arg8[%swap3A_426], %swap3A_429 {strides = array<i32>} : memref<2048xf32, #tpu.memory_space<vmem>>, vector<16xf32>,
    %swap3A_430 = arith.constant 1712 : index
    %swap3A_431 = tpu.vector_load %arg8[%swap3A_430] {strides = array<i32>} : memref<2048xf32, #tpu.memory_space<vmem>>, vector<16xf32>,
    %swap3A_432 = vector.shape_cast %swap3A_431 : vector<16xf32> to vector<16xf32>
    %swap3A_433 = vector.shape_cast %broadcast_in_dim3A_0 : vector<16xf32> to vector<16xf32>
    tpu.vector_store %arg8[%swap3A_430], %swap3A_433 {strides = array<i32>} : memref<2048xf32, #tpu.memory_space<vmem>>, vector<16xf32>,
    %swap3A_434 = arith.constant 1728 : index
    %swap3A_435 = tpu.vector_load %arg8[%swap3A_434] {strides = array<i32>} : memref<2048xf32, #tpu.memory_space<vmem>>, vector<16xf32>,
    %swap3A_436 = vector.shape_cast %swap3A_435 : vector<16xf32> to vector<16xf32>
    %swap3A_437 = vector.shape_cast %broadcast_in_dim3A_0 : vector<16xf32> to vector<16xf32>
    tpu.vector_store %arg8[%swap3A_434], %swap3A_437 {strides = array<i32>} : memref<2048xf32, #tpu.memory_space<vmem>>, vector<16xf32>,
    %swap3A_438 = arith.constant 1744 : index
    %swap3A_439 = tpu.vector_load %arg8[%swap3A_438] {strides = array<i32>} : memref<2048xf32, #tpu.memory_space<vmem>>, vector<16xf32>,
    %swap3A_440 = vector.shape_cast %swap3A_439 : vector<16xf32> to vector<16xf32>
    %swap3A_441 = vector.shape_cast %broadcast_in_dim3A_0 : vector<16xf32> to vector<16xf32>
    tpu.vector_store %arg8[%swap3A_438], %swap3A_441 {strides = array<i32>} : memref<2048xf32, #tpu.memory_space<vmem>>, vector<16xf32>,
    %swap3A_442 = arith.constant 1760 : index
    %swap3A_443 = tpu.vector_load %arg8[%swap3A_442] {strides = array<i32>} : memref<2048xf32, #tpu.memory_space<vmem>>, vector<16xf32>,
    %swap3A_444 = vector.shape_cast %swap3A_443 : vector<16xf32> to vector<16xf32>
    %swap3A_445 = vector.shape_cast %broadcast_in_dim3A_0 : vector<16xf32> to vector<16xf32>
    tpu.vector_store %arg8[%swap3A_442], %swap3A_445 {strides = array<i32>} : memref<2048xf32, #tpu.memory_space<vmem>>, vector<16xf32>,
    %swap3A_446 = arith.constant 1776 : index
    %swap3A_447 = tpu.vector_load %arg8[%swap3A_446] {strides = array<i32>} : memref<2048xf32, #tpu.memory_space<vmem>>, vector<16xf32>,
    %swap3A_448 = vector.shape_cast %swap3A_447 : vector<16xf32> to vector<16xf32>
    %swap3A_449 = vector.shape_cast %broadcast_in_dim3A_0 : vector<16xf32> to vector<16xf32>
    tpu.vector_store %arg8[%swap3A_446], %swap3A_449 {strides = array<i32>} : memref<2048xf32, #tpu.memory_space<vmem>>, vector<16xf32>,
    %swap3A_450 = arith.constant 1792 : index
    %swap3A_451 = tpu.vector_load %arg8[%swap3A_450] {strides = array<i32>} : memref<2048xf32, #tpu.memory_space<vmem>>, vector<16xf32>,
    %swap3A_452 = vector.shape_cast %swap3A_451 : vector<16xf32> to vector<16xf32>
    %swap3A_453 = vector.shape_cast %broadcast_in_dim3A_0 : vector<16xf32> to vector<16xf32>
    tpu.vector_store %arg8[%swap3A_450], %swap3A_453 {strides = array<i32>} : memref<2048xf32, #tpu.memory_space<vmem>>, vector<16xf32>,
    %swap3A_454 = arith.constant 1808 : index
    %swap3A_455 = tpu.vector_load %arg8[%swap3A_454] {strides = array<i32>} : memref<2048xf32, #tpu.memory_space<vmem>>, vector<16xf32>,
    %swap3A_456 = vector.shape_cast %swap3A_455 : vector<16xf32> to vector<16xf32>
    %swap3A_457 = vector.shape_cast %broadcast_in_dim3A_0 : vector<16xf32> to vector<16xf32>
    tpu.vector_store %arg8[%swap3A_454], %swap3A_457 {strides = array<i32>} : memref<2048xf32, #tpu.memory_space<vmem>>, vector<16xf32>,
    %swap3A_458 = arith.constant 1824 : index
    %swap3A_459 = tpu.vector_load %arg8[%swap3A_458] {strides = array<i32>} : memref<2048xf32, #tpu.memory_space<vmem>>, vector<16xf32>,
    %swap3A_460 = vector.shape_cast %swap3A_459 : vector<16xf32> to vector<16xf32>
    %swap3A_461 = vector.shape_cast %broadcast_in_dim3A_0 : vector<16xf32> to vector<16xf32>
    tpu.vector_store %arg8[%swap3A_458], %swap3A_461 {strides = array<i32>} : memref<2048xf32, #tpu.memory_space<vmem>>, vector<16xf32>,
    %swap3A_462 = arith.constant 1840 : index
    %swap3A_463 = tpu.vector_load %arg8[%swap3A_462] {strides = array<i32>} : memref<2048xf32, #tpu.memory_space<vmem>>, vector<16xf32>,
    %swap3A_464 = vector.shape_cast %swap3A_463 : vector<16xf32> to vector<16xf32>
    %swap3A_465 = vector.shape_cast %broadcast_in_dim3A_0 : vector<16xf32> to vector<16xf32>
    tpu.vector_store %arg8[%swap3A_462], %swap3A_465 {strides = array<i32>} : memref<2048xf32, #tpu.memory_space<vmem>>, vector<16xf32>,
    %swap3A_466 = arith.constant 1856 : index
    %swap3A_467 = tpu.vector_load %arg8[%swap3A_466] {strides = array<i32>} : memref<2048xf32, #tpu.memory_space<vmem>>, vector<16xf32>,
    %swap3A_468 = vector.shape_cast %swap3A_467 : vector<16xf32> to vector<16xf32>
    %swap3A_469 = vector.shape_cast %broadcast_in_dim3A_0 : vector<16xf32> to vector<16xf32>
    tpu.vector_store %arg8[%swap3A_466], %swap3A_469 {strides = array<i32>} : memref<2048xf32, #tpu.memory_space<vmem>>, vector<16xf32>,
    %swap3A_470 = arith.constant 1872 : index
    %swap3A_471 = tpu.vector_load %arg8[%swap3A_470] {strides = array<i32>} : memref<2048xf32, #tpu.memory_space<vmem>>, vector<16xf32>,
    %swap3A_472 = vector.shape_cast %swap3A_471 : vector<16xf32> to vector<16xf32>
    %swap3A_473 = vector.shape_cast %broadcast_in_dim3A_0 : vector<16xf32> to vector<16xf32>
    tpu.vector_store %arg8[%swap3A_470], %swap3A_473 {strides = array<i32>} : memref<2048xf32, #tpu.memory_space<vmem>>, vector<16xf32>,
    %swap3A_474 = arith.constant 1888 : index
    %swap3A_475 = tpu.vector_load %arg8[%swap3A_474] {strides = array<i32>} : memref<2048xf32, #tpu.memory_space<vmem>>, vector<16xf32>,
    %swap3A_476 = vector.shape_cast %swap3A_475 : vector<16xf32> to vector<16xf32>
    %swap3A_477 = vector.shape_cast %broadcast_in_dim3A_0 : vector<16xf32> to vector<16xf32>
    tpu.vector_store %arg8[%swap3A_474], %swap3A_477 {strides = array<i32>} : memref<2048xf32, #tpu.memory_space<vmem>>, vector<16xf32>,
    %swap3A_478 = arith.constant 1904 : index
    %swap3A_479 = tpu.vector_load %arg8[%swap3A_478] {strides = array<i32>} : memref<2048xf32, #tpu.memory_space<vmem>>, vector<16xf32>,
    %swap3A_480 = vector.shape_cast %swap3A_479 : vector<16xf32> to vector<16xf32>
    %swap3A_481 = vector.shape_cast %broadcast_in_dim3A_0 : vector<16xf32> to vector<16xf32>
    tpu.vector_store %arg8[%swap3A_478], %swap3A_481 {strides = array<i32>} : memref<2048xf32, #tpu.memory_space<vmem>>, vector<16xf32>,
    %swap3A_482 = arith.constant 1920 : index
    %swap3A_483 = tpu.vector_load %arg8[%swap3A_482] {strides = array<i32>} : memref<2048xf32, #tpu.memory_space<vmem>>, vector<16xf32>,
    %swap3A_484 = vector.shape_cast %swap3A_483 : vector<16xf32> to vector<16xf32>
    %swap3A_485 = vector.shape_cast %broadcast_in_dim3A_0 : vector<16xf32> to vector<16xf32>
    tpu.vector_store %arg8[%swap3A_482], %swap3A_485 {strides = array<i32>} : memref<2048xf32, #tpu.memory_space<vmem>>, vector<16xf32>,
    %swap3A_486 = arith.constant 1936 : index
    %swap3A_487 = tpu.vector_load %arg8[%swap3A_486] {strides = array<i32>} : memref<2048xf32, #tpu.memory_space<vmem>>, vector<16xf32>,
    %swap3A_488 = vector.shape_cast %swap3A_487 : vector<16xf32> to vector<16xf32>
    %swap3A_489 = vector.shape_cast %broadcast_in_dim3A_0 : vector<16xf32> to vector<16xf32>
    tpu.vector_store %arg8[%swap3A_486], %swap3A_489 {strides = array<i32>} : memref<2048xf32, #tpu.memory_space<vmem>>, vector<16xf32>,
    %swap3A_490 = arith.constant 1952 : index
    %swap3A_491 = tpu.vector_load %arg8[%swap3A_490] {strides = array<i32>} : memref<2048xf32, #tpu.memory_space<vmem>>, vector<16xf32>,
    %swap3A_492 = vector.shape_cast %swap3A_491 : vector<16xf32> to vector<16xf32>
    %swap3A_493 = vector.shape_cast %broadcast_in_dim3A_0 : vector<16xf32> to vector<16xf32>
    tpu.vector_store %arg8[%swap3A_490], %swap3A_493 {strides = array<i32>} : memref<2048xf32, #tpu.memory_space<vmem>>, vector<16xf32>,
    %swap3A_494 = arith.constant 1968 : index
    %swap3A_495 = tpu.vector_load %arg8[%swap3A_494] {strides = array<i32>} : memref<2048xf32, #tpu.memory_space<vmem>>, vector<16xf32>,
    %swap3A_496 = vector.shape_cast %swap3A_495 : vector<16xf32> to vector<16xf32>
    %swap3A_497 = vector.shape_cast %broadcast_in_dim3A_0 : vector<16xf32> to vector<16xf32>
    tpu.vector_store %arg8[%swap3A_494], %swap3A_497 {strides = array<i32>} : memref<2048xf32, #tpu.memory_space<vmem>>, vector<16xf32>,
    %swap3A_498 = arith.constant 1984 : index
    %swap3A_499 = tpu.vector_load %arg8[%swap3A_498] {strides = array<i32>} : memref<2048xf32, #tpu.memory_space<vmem>>, vector<16xf32>,
    %swap3A_500 = vector.shape_cast %swap3A_499 : vector<16xf32> to vector<16xf32>
    %swap3A_501 = vector.shape_cast %broadcast_in_dim3A_0 : vector<16xf32> to vector<16xf32>
    tpu.vector_store %arg8[%swap3A_498], %swap3A_501 {strides = array<i32>} : memref<2048xf32, #tpu.memory_space<vmem>>, vector<16xf32>,
    %swap3A_502 = arith.constant 2000 : index
    %swap3A_503 = tpu.vector_load %arg8[%swap3A_502] {strides = array<i32>} : memref<2048xf32, #tpu.memory_space<vmem>>, vector<16xf32>,
    %swap3A_504 = vector.shape_cast %swap3A_503 : vector<16xf32> to vector<16xf32>
    %swap3A_505 = vector.shape_cast %broadcast_in_dim3A_0 : vector<16xf32> to vector<16xf32>
    tpu.vector_store %arg8[%swap3A_502], %swap3A_505 {strides = array<i32>} : memref<2048xf32, #tpu.memory_space<vmem>>, vector<16xf32>,
    %swap3A_506 = arith.constant 2016 : index
    %swap3A_507 = tpu.vector_load %arg8[%swap3A_506] {strides = array<i32>} : memref<2048xf32, #tpu.memory_space<vmem>>, vector<16xf32>,
    %swap3A_508 = vector.shape_cast %swap3A_507 : vector<16xf32> to vector<16xf32>
    %swap3A_509 = vector.shape_cast %broadcast_in_dim3A_0 : vector<16xf32> to vector<16xf32>
    tpu.vector_store %arg8[%swap3A_506], %swap3A_509 {strides = array<i32>} : memref<2048xf32, #tpu.memory_space<vmem>>, vector<16xf32>,
    %swap3A_510 = arith.constant 2032 : index
    %swap3A_511 = tpu.vector_load %arg8[%swap3A_510] {strides = array<i32>} : memref<2048xf32, #tpu.memory_space<vmem>>, vector<16xf32>,
    %swap3A_512 = vector.shape_cast %swap3A_511 : vector<16xf32> to vector<16xf32>
    %swap3A_513 = vector.shape_cast %broadcast_in_dim3A_0 : vector<16xf32> to vector<16xf32>
    tpu.vector_store %arg8[%swap3A_510], %swap3A_513 {strides = array<i32>} : memref<2048xf32, #tpu.memory_space<vmem>>, vector<16xf32>,
    %swap3A_514 = arith.constant 0 : index
    %swap3A_515 = tpu.vector_load %arg7[%swap3A_514] {strides = array<i32>} : memref<128xf32, #tpu.memory_space<vmem>>, vector<16xf32>,
    %swap3A_516 = vector.shape_cast %swap3A_515 : vector<16xf32> to vector<16xf32>
    %swap3A_517 = vector.shape_cast %broadcast_in_dim3A_2 : vector<16xf32> to vector<16xf32>
    tpu.vector_store %arg7[%swap3A_514], %swap3A_517 {strides = array<i32>} : memref<128xf32, #tpu.memory_space<vmem>>, vector<16xf32>,
    %swap3A_518 = arith.constant 16 : index
    %swap3A_519 = tpu.vector_load %arg7[%swap3A_518] {strides = array<i32>} : memref<128xf32, #tpu.memory_space<vmem>>, vector<16xf32>,
    %swap3A_520 = vector.shape_cast %swap3A_519 : vector<16xf32> to vector<16xf32>
    %swap3A_521 = vector.shape_cast %broadcast_in_dim3A_2 : vector<16xf32> to vector<16xf32>
    tpu.vector_store %arg7[%swap3A_518], %swap3A_521 {strides = array<i32>} : memref<128xf32, #tpu.memory_space<vmem>>, vector<16xf32>,
    %swap3A_522 = arith.constant 32 : index
    %swap3A_523 = tpu.vector_load %arg7[%swap3A_522] {strides = array<i32>} : memref<128xf32, #tpu.memory_space<vmem>>, vector<16xf32>,
    %swap3A_524 = vector.shape_cast %swap3A_523 : vector<16xf32> to vector<16xf32>
    %swap3A_525 = vector.shape_cast %broadcast_in_dim3A_2 : vector<16xf32> to vector<16xf32>
    tpu.vector_store %arg7[%swap3A_522], %swap3A_525 {strides = array<i32>} : memref<128xf32, #tpu.memory_space<vmem>>, vector<16xf32>,
    %swap3A_526 = arith.constant 48 : index
    %swap3A_527 = tpu.vector_load %arg7[%swap3A_526] {strides = array<i32>} : memref<128xf32, #tpu.memory_space<vmem>>, vector<16xf32>,
    %swap3A_528 = vector.shape_cast %swap3A_527 : vector<16xf32> to vector<16xf32>
    %swap3A_529 = vector.shape_cast %broadcast_in_dim3A_2 : vector<16xf32> to vector<16xf32>
    tpu.vector_store %arg7[%swap3A_526], %swap3A_529 {strides = array<i32>} : memref<128xf32, #tpu.memory_space<vmem>>, vector<16xf32>,
    %swap3A_530 = arith.constant 64 : index
    %swap3A_531 = tpu.vector_load %arg7[%swap3A_530] {strides = array<i32>} : memref<128xf32, #tpu.memory_space<vmem>>, vector<16xf32>,
    %swap3A_532 = vector.shape_cast %swap3A_531 : vector<16xf32> to vector<16xf32>
    %swap3A_533 = vector.shape_cast %broadcast_in_dim3A_2 : vector<16xf32> to vector<16xf32>
    tpu.vector_store %arg7[%swap3A_530], %swap3A_533 {strides = array<i32>} : memref<128xf32, #tpu.memory_space<vmem>>, vector<16xf32>,
    %swap3A_534 = arith.constant 80 : index
    %swap3A_535 = tpu.vector_load %arg7[%swap3A_534] {strides = array<i32>} : memref<128xf32, #tpu.memory_space<vmem>>, vector<16xf32>,
    %swap3A_536 = vector.shape_cast %swap3A_535 : vector<16xf32> to vector<16xf32>
    %swap3A_537 = vector.shape_cast %broadcast_in_dim3A_2 : vector<16xf32> to vector<16xf32>
    tpu.vector_store %arg7[%swap3A_534], %swap3A_537 {strides = array<i32>} : memref<128xf32, #tpu.memory_space<vmem>>, vector<16xf32>,
    %swap3A_538 = arith.constant 96 : index
    %swap3A_539 = tpu.vector_load %arg7[%swap3A_538] {strides = array<i32>} : memref<128xf32, #tpu.memory_space<vmem>>, vector<16xf32>,
    %swap3A_540 = vector.shape_cast %swap3A_539 : vector<16xf32> to vector<16xf32>
    %swap3A_541 = vector.shape_cast %broadcast_in_dim3A_2 : vector<16xf32> to vector<16xf32>
    tpu.vector_store %arg7[%swap3A_538], %swap3A_541 {strides = array<i32>} : memref<128xf32, #tpu.memory_space<vmem>>, vector<16xf32>,
    %swap3A_542 = arith.constant 112 : index
    %swap3A_543 = tpu.vector_load %arg7[%swap3A_542] {strides = array<i32>} : memref<128xf32, #tpu.memory_space<vmem>>, vector<16xf32>,
    %swap3A_544 = vector.shape_cast %swap3A_543 : vector<16xf32> to vector<16xf32>
    %swap3A_545 = vector.shape_cast %broadcast_in_dim3A_2 : vector<16xf32> to vector<16xf32>
    tpu.vector_store %arg7[%swap3A_542], %swap3A_545 {strides = array<i32>} : memref<128xf32, #tpu.memory_space<vmem>>, vector<16xf32>,
    %mul3A = arith.constant 16384 : i32
    %mul3A_546 = arith.muli %arg1, %mul3A : i32
    %add3A = arith.constant 0 : i32
    %add3A_547 = arith.addi %mul3A_546, %add3A : i32
    %dma_start3A = tpu.memref_slice %arg9[%add3A_547] : memref<262144xf32, #tpu.memory_space<vmem_shared>> -> memref<2048xf32, #tpu.memory_space<vmem_shared>>
    %dma_start3A_548 = tpu.memref_slice %arg9[%add3A_547] : memref<262144xf32, #tpu.memory_space<vmem_shared>> -> memref<2048xf32, #tpu.memory_space<vmem_shared>>
    tpu.enqueue_dma source(%arg8 : memref<2048xf32, #tpu.memory_space<vmem>>) target(%dma_start3A_548 : memref<2048xf32, #tpu.memory_space<vmem_shared>>) target_semaphore(%arg10 : memref<!tpu.dma_semaphore, #tpu.memory_space<semaphore_mem>>)
    %mul3A_549 = arith.constant 16384 : i32
    %mul3A_550 = arith.muli %arg1, %mul3A_549 : i32
    %add3A_551 = arith.constant 2048 : i32
    %add3A_552 = arith.addi %mul3A_550, %add3A_551 : i32
    %dma_start3A_553 = tpu.memref_slice %arg9[%add3A_552] : memref<262144xf32, #tpu.memory_space<vmem_shared>> -> memref<2048xf32, #tpu.memory_space<vmem_shared>>
    %dma_start3A_554 = tpu.memref_slice %arg9[%add3A_552] : memref<262144xf32, #tpu.memory_space<vmem_shared>> -> memref<2048xf32, #tpu.memory_space<vmem_shared>>
    tpu.enqueue_dma source(%arg8 : memref<2048xf32, #tpu.memory_space<vmem>>) target(%dma_start3A_554 : memref<2048xf32, #tpu.memory_space<vmem_shared>>) target_semaphore(%arg10 : memref<!tpu.dma_semaphore, #tpu.memory_space<semaphore_mem>>)
    %mul3A_555 = arith.constant 16384 : i32
    %mul3A_556 = arith.muli %arg1, %mul3A_555 : i32
    %add3A_557 = arith.constant 4096 : i32
    %add3A_558 = arith.addi %mul3A_556, %add3A_557 : i32
    %dma_start3A_559 = tpu.memref_slice %arg9[%add3A_558] : memref<262144xf32, #tpu.memory_space<vmem_shared>> -> memref<2048xf32, #tpu.memory_space<vmem_shared>>
    %dma_start3A_560 = tpu.memref_slice %arg9[%add3A_558] : memref<262144xf32, #tpu.memory_space<vmem_shared>> -> memref<2048xf32, #tpu.memory_space<vmem_shared>>
    tpu.enqueue_dma source(%arg8 : memref<2048xf32, #tpu.memory_space<vmem>>) target(%dma_start3A_560 : memref<2048xf32, #tpu.memory_space<vmem_shared>>) target_semaphore(%arg10 : memref<!tpu.dma_semaphore, #tpu.memory_space<semaphore_mem>>)
    %mul3A_561 = arith.constant 16384 : i32
    %mul3A_562 = arith.muli %arg1, %mul3A_561 : i32
    %add3A_563 = arith.constant 6144 : i32
    %add3A_564 = arith.addi %mul3A_562, %add3A_563 : i32
    %dma_start3A_565 = tpu.memref_slice %arg9[%add3A_564] : memref<262144xf32, #tpu.memory_space<vmem_shared>> -> memref<2048xf32, #tpu.memory_space<vmem_shared>>
    %dma_start3A_566 = tpu.memref_slice %arg9[%add3A_564] : memref<262144xf32, #tpu.memory_space<vmem_shared>> -> memref<2048xf32, #tpu.memory_space<vmem_shared>>
    tpu.enqueue_dma source(%arg8 : memref<2048xf32, #tpu.memory_space<vmem>>) target(%dma_start3A_566 : memref<2048xf32, #tpu.memory_space<vmem_shared>>) target_semaphore(%arg10 : memref<!tpu.dma_semaphore, #tpu.memory_space<semaphore_mem>>)
    %mul3A_567 = arith.constant 16384 : i32
    %mul3A_568 = arith.muli %arg1, %mul3A_567 : i32
    %add3A_569 = arith.constant 8192 : i32
    %add3A_570 = arith.addi %mul3A_568, %add3A_569 : i32
    %dma_start3A_571 = tpu.memref_slice %arg9[%add3A_570] : memref<262144xf32, #tpu.memory_space<vmem_shared>> -> memref<2048xf32, #tpu.memory_space<vmem_shared>>
    %dma_start3A_572 = tpu.memref_slice %arg9[%add3A_570] : memref<262144xf32, #tpu.memory_space<vmem_shared>> -> memref<2048xf32, #tpu.memory_space<vmem_shared>>
    tpu.enqueue_dma source(%arg8 : memref<2048xf32, #tpu.memory_space<vmem>>) target(%dma_start3A_572 : memref<2048xf32, #tpu.memory_space<vmem_shared>>) target_semaphore(%arg10 : memref<!tpu.dma_semaphore, #tpu.memory_space<semaphore_mem>>)
    %mul3A_573 = arith.constant 16384 : i32
    %mul3A_574 = arith.muli %arg1, %mul3A_573 : i32
    %add3A_575 = arith.constant 10240 : i32
    %add3A_576 = arith.addi %mul3A_574, %add3A_575 : i32
    %dma_start3A_577 = tpu.memref_slice %arg9[%add3A_576] : memref<262144xf32, #tpu.memory_space<vmem_shared>> -> memref<2048xf32, #tpu.memory_space<vmem_shared>>
    %dma_start3A_578 = tpu.memref_slice %arg9[%add3A_576] : memref<262144xf32, #tpu.memory_space<vmem_shared>> -> memref<2048xf32, #tpu.memory_space<vmem_shared>>
    tpu.enqueue_dma source(%arg8 : memref<2048xf32, #tpu.memory_space<vmem>>) target(%dma_start3A_578 : memref<2048xf32, #tpu.memory_space<vmem_shared>>) target_semaphore(%arg10 : memref<!tpu.dma_semaphore, #tpu.memory_space<semaphore_mem>>)
    %mul3A_579 = arith.constant 16384 : i32
    %mul3A_580 = arith.muli %arg1, %mul3A_579 : i32
    %add3A_581 = arith.constant 12288 : i32
    %add3A_582 = arith.addi %mul3A_580, %add3A_581 : i32
    %dma_start3A_583 = tpu.memref_slice %arg9[%add3A_582] : memref<262144xf32, #tpu.memory_space<vmem_shared>> -> memref<2048xf32, #tpu.memory_space<vmem_shared>>
    %dma_start3A_584 = tpu.memref_slice %arg9[%add3A_582] : memref<262144xf32, #tpu.memory_space<vmem_shared>> -> memref<2048xf32, #tpu.memory_space<vmem_shared>>
    tpu.enqueue_dma source(%arg8 : memref<2048xf32, #tpu.memory_space<vmem>>) target(%dma_start3A_584 : memref<2048xf32, #tpu.memory_space<vmem_shared>>) target_semaphore(%arg10 : memref<!tpu.dma_semaphore, #tpu.memory_space<semaphore_mem>>)
    %mul3A_585 = arith.constant 16384 : i32
    %mul3A_586 = arith.muli %arg1, %mul3A_585 : i32
    %add3A_587 = arith.constant 14336 : i32
    %add3A_588 = arith.addi %mul3A_586, %add3A_587 : i32
    %dma_start3A_589 = tpu.memref_slice %arg9[%add3A_588] : memref<262144xf32, #tpu.memory_space<vmem_shared>> -> memref<2048xf32, #tpu.memory_space<vmem_shared>>
    %dma_start3A_590 = tpu.memref_slice %arg9[%add3A_588] : memref<262144xf32, #tpu.memory_space<vmem_shared>> -> memref<2048xf32, #tpu.memory_space<vmem_shared>>
    tpu.enqueue_dma source(%arg8 : memref<2048xf32, #tpu.memory_space<vmem>>) target(%dma_start3A_590 : memref<2048xf32, #tpu.memory_space<vmem_shared>>) target_semaphore(%arg10 : memref<!tpu.dma_semaphore, #tpu.memory_space<semaphore_mem>>)
    %mul3A_591 = arith.constant 32768 : i32
    %mul3A_592 = arith.muli %arg0, %mul3A_591 : i32
    %mul3A_593 = arith.constant 2048 : i32
    %mul3A_594 = arith.muli %arg1, %mul3A_593 : i32
    %add3A_595 = arith.addi %mul3A_592, %mul3A_594 : i32
    %dma_start3A_596 = arith.constant 0 : i32
    %dma_start3A_597 = tpu.memref_slice %arg5[%dma_start3A_596] : memref<2048xi32, #tpu.memory_space<vmem>> -> memref<2048xi32, #tpu.memory_space<vmem>>
    %dma_start3A_598 = tpu.memref_slice %arg2[%add3A_595] : memref<65536xi32, #tpu.memory_space<hbm>> -> memref<2048xi32, #tpu.memory_space<hbm>>
    %dma_start3A_599 = arith.constant 0 : i32
    %dma_start3A_600 = tpu.memref_slice %arg5[%dma_start3A_599] : memref<2048xi32, #tpu.memory_space<vmem>> -> memref<2048xi32, #tpu.memory_space<vmem>>
    %dma_start3A_601 = tpu.memref_slice %arg2[%add3A_595] : memref<65536xi32, #tpu.memory_space<hbm>> -> memref<2048xi32, #tpu.memory_space<hbm>>
    tpu.enqueue_dma source(%dma_start3A_601 : memref<2048xi32, #tpu.memory_space<hbm>>) target(%dma_start3A_600 : memref<2048xi32, #tpu.memory_space<vmem>>) target_semaphore(%arg11 : memref<!tpu.dma_semaphore, #tpu.memory_space<semaphore_mem>>)
    %dma_wait3A = arith.constant 0 : i32
    %dma_wait3A_602 = tpu.memref_slice %arg5[%dma_wait3A] : memref<2048xi32, #tpu.memory_space<vmem>> -> memref<2048xi32, #tpu.memory_space<vmem>>
    %dma_wait3A_603 = arith.constant 0 : i32
    %dma_wait3A_604 = tpu.memref_slice %arg2[%dma_wait3A_603] : memref<65536xi32, #tpu.memory_space<hbm>> -> memref<2048xi32, #tpu.memory_space<hbm>>
    %dma_wait3A_605 = arith.constant 0 : i32
    %dma_wait3A_606 = tpu.memref_slice %arg5[%dma_wait3A_605] : memref<2048xi32, #tpu.memory_space<vmem>> -> memref<2048xi32, #tpu.memory_space<vmem>>
    %dma_wait3A_607 = arith.constant 0 : i32
    %dma_wait3A_608 = tpu.memref_slice %arg2[%dma_wait3A_607] : memref<65536xi32, #tpu.memory_space<hbm>> -> memref<2048xi32, #tpu.memory_space<hbm>>
    tpu.wait_dma2 semaphore(%arg11 : memref<!tpu.dma_semaphore, #tpu.memory_space<semaphore_mem>>) src(%dma_wait3A_608 : memref<2048xi32, #tpu.memory_space<hbm>>) dst(%dma_wait3A_606 : memref<2048xi32, #tpu.memory_space<vmem>>)
    %get3A = arith.constant 0 : index
    %get3A_609 = tpu.vector_load %arg5[%get3A] {strides = array<i32>} : memref<2048xi32, #tpu.memory_space<vmem>>, vector<16xi32>,
    %get3A_610 = vector.shape_cast %get3A_609 : vector<16xi32> to vector<16xi32>
    %swap3A_611 = arith.constant 0 : i32
    %swap3A_612 = arith.index_cast %swap3A_611 : i32 to index
    %swap3A_613 = arith.constant 0 : index
    %swap3A_614 = tpu.vector_load %arg6[%swap3A_612, %swap3A_613] {strides = array<i32>} : memref<16x128xi32, #tpu.memory_space<vmem>>, vector<1x16xi32>,
    %swap3A_615 = vector.shape_cast %swap3A_614 : vector<1x16xi32> to vector<16xi32>
    %swap3A_616 = vector.shape_cast %get3A_610 : vector<16xi32> to vector<1x16xi32>
    tpu.vector_store %arg6[%swap3A_612, %swap3A_613], %swap3A_616 {strides = array<i32>} : memref<16x128xi32, #tpu.memory_space<vmem>>, vector<1x16xi32>,
    %get3A_617 = arith.constant 16 : index
    %get3A_618 = tpu.vector_load %arg5[%get3A_617] {strides = array<i32>} : memref<2048xi32, #tpu.memory_space<vmem>>, vector<16xi32>,
    %get3A_619 = vector.shape_cast %get3A_618 : vector<16xi32> to vector<16xi32>
    %swap3A_620 = arith.constant 0 : i32
    %swap3A_621 = arith.index_cast %swap3A_620 : i32 to index
    %swap3A_622 = arith.constant 16 : index
    %swap3A_623 = tpu.vector_load %arg6[%swap3A_621, %swap3A_622] {strides = array<i32>} : memref<16x128xi32, #tpu.memory_space<vmem>>, vector<1x16xi32>,
    %swap3A_624 = vector.shape_cast %swap3A_623 : vector<1x16xi32> to vector<16xi32>
    %swap3A_625 = vector.shape_cast %get3A_619 : vector<16xi32> to vector<1x16xi32>
    tpu.vector_store %arg6[%swap3A_621, %swap3A_622], %swap3A_625 {strides = array<i32>} : memref<16x128xi32, #tpu.memory_space<vmem>>, vector<1x16xi32>,
    %get3A_626 = arith.constant 32 : index
    %get3A_627 = tpu.vector_load %arg5[%get3A_626] {strides = array<i32>} : memref<2048xi32, #tpu.memory_space<vmem>>, vector<16xi32>,
    %get3A_628 = vector.shape_cast %get3A_627 : vector<16xi32> to vector<16xi32>
    %swap3A_629 = arith.constant 0 : i32
    %swap3A_630 = arith.index_cast %swap3A_629 : i32 to index
    %swap3A_631 = arith.constant 32 : index
    %swap3A_632 = tpu.vector_load %arg6[%swap3A_630, %swap3A_631] {strides = array<i32>} : memref<16x128xi32, #tpu.memory_space<vmem>>, vector<1x16xi32>,
    %swap3A_633 = vector.shape_cast %swap3A_632 : vector<1x16xi32> to vector<16xi32>
    %swap3A_634 = vector.shape_cast %get3A_628 : vector<16xi32> to vector<1x16xi32>
    tpu.vector_store %arg6[%swap3A_630, %swap3A_631], %swap3A_634 {strides = array<i32>} : memref<16x128xi32, #tpu.memory_space<vmem>>, vector<1x16xi32>,
    %get3A_635 = arith.constant 48 : index
    %get3A_636 = tpu.vector_load %arg5[%get3A_635] {strides = array<i32>} : memref<2048xi32, #tpu.memory_space<vmem>>, vector<16xi32>,
    %get3A_637 = vector.shape_cast %get3A_636 : vector<16xi32> to vector<16xi32>
    %swap3A_638 = arith.constant 0 : i32
    %swap3A_639 = arith.index_cast %swap3A_638 : i32 to index
    %swap3A_640 = arith.constant 48 : index
    %swap3A_641 = tpu.vector_load %arg6[%swap3A_639, %swap3A_640] {strides = array<i32>} : memref<16x128xi32, #tpu.memory_space<vmem>>, vector<1x16xi32>,
    %swap3A_642 = vector.shape_cast %swap3A_641 : vector<1x16xi32> to vector<16xi32>
    %swap3A_643 = vector.shape_cast %get3A_637 : vector<16xi32> to vector<1x16xi32>
    tpu.vector_store %arg6[%swap3A_639, %swap3A_640], %swap3A_643 {strides = array<i32>} : memref<16x128xi32, #tpu.memory_space<vmem>>, vector<1x16xi32>,
    %get3A_644 = arith.constant 64 : index
    %get3A_645 = tpu.vector_load %arg5[%get3A_644] {strides = array<i32>} : memref<2048xi32, #tpu.memory_space<vmem>>, vector<16xi32>,
    %get3A_646 = vector.shape_cast %get3A_645 : vector<16xi32> to vector<16xi32>
    %swap3A_647 = arith.constant 0 : i32
    %swap3A_648 = arith.index_cast %swap3A_647 : i32 to index
    %swap3A_649 = arith.constant 64 : index
    %swap3A_650 = tpu.vector_load %arg6[%swap3A_648, %swap3A_649] {strides = array<i32>} : memref<16x128xi32, #tpu.memory_space<vmem>>, vector<1x16xi32>,
    %swap3A_651 = vector.shape_cast %swap3A_650 : vector<1x16xi32> to vector<16xi32>
    %swap3A_652 = vector.shape_cast %get3A_646 : vector<16xi32> to vector<1x16xi32>
    tpu.vector_store %arg6[%swap3A_648, %swap3A_649], %swap3A_652 {strides = array<i32>} : memref<16x128xi32, #tpu.memory_space<vmem>>, vector<1x16xi32>,
    %get3A_653 = arith.constant 80 : index
    %get3A_654 = tpu.vector_load %arg5[%get3A_653] {strides = array<i32>} : memref<2048xi32, #tpu.memory_space<vmem>>, vector<16xi32>,
    %get3A_655 = vector.shape_cast %get3A_654 : vector<16xi32> to vector<16xi32>
    %swap3A_656 = arith.constant 0 : i32
    %swap3A_657 = arith.index_cast %swap3A_656 : i32 to index
    %swap3A_658 = arith.constant 80 : index
    %swap3A_659 = tpu.vector_load %arg6[%swap3A_657, %swap3A_658] {strides = array<i32>} : memref<16x128xi32, #tpu.memory_space<vmem>>, vector<1x16xi32>,
    %swap3A_660 = vector.shape_cast %swap3A_659 : vector<1x16xi32> to vector<16xi32>
    %swap3A_661 = vector.shape_cast %get3A_655 : vector<16xi32> to vector<1x16xi32>
    tpu.vector_store %arg6[%swap3A_657, %swap3A_658], %swap3A_661 {strides = array<i32>} : memref<16x128xi32, #tpu.memory_space<vmem>>, vector<1x16xi32>,
    %get3A_662 = arith.constant 96 : index
    %get3A_663 = tpu.vector_load %arg5[%get3A_662] {strides = array<i32>} : memref<2048xi32, #tpu.memory_space<vmem>>, vector<16xi32>,
    %get3A_664 = vector.shape_cast %get3A_663 : vector<16xi32> to vector<16xi32>
    %swap3A_665 = arith.constant 0 : i32
    %swap3A_666 = arith.index_cast %swap3A_665 : i32 to index
    %swap3A_667 = arith.constant 96 : index
    %swap3A_668 = tpu.vector_load %arg6[%swap3A_666, %swap3A_667] {strides = array<i32>} : memref<16x128xi32, #tpu.memory_space<vmem>>, vector<1x16xi32>,
    %swap3A_669 = vector.shape_cast %swap3A_668 : vector<1x16xi32> to vector<16xi32>
    %swap3A_670 = vector.shape_cast %get3A_664 : vector<16xi32> to vector<1x16xi32>
    tpu.vector_store %arg6[%swap3A_666, %swap3A_667], %swap3A_670 {strides = array<i32>} : memref<16x128xi32, #tpu.memory_space<vmem>>, vector<1x16xi32>,
    %get3A_671 = arith.constant 112 : index
    %get3A_672 = tpu.vector_load %arg5[%get3A_671] {strides = array<i32>} : memref<2048xi32, #tpu.memory_space<vmem>>, vector<16xi32>,
    %get3A_673 = vector.shape_cast %get3A_672 : vector<16xi32> to vector<16xi32>
    %swap3A_674 = arith.constant 0 : i32
    %swap3A_675 = arith.index_cast %swap3A_674 : i32 to index
    %swap3A_676 = arith.constant 112 : index
    %swap3A_677 = tpu.vector_load %arg6[%swap3A_675, %swap3A_676] {strides = array<i32>} : memref<16x128xi32, #tpu.memory_space<vmem>>, vector<1x16xi32>,
    %swap3A_678 = vector.shape_cast %swap3A_677 : vector<1x16xi32> to vector<16xi32>
    %swap3A_679 = vector.shape_cast %get3A_673 : vector<16xi32> to vector<1x16xi32>
    tpu.vector_store %arg6[%swap3A_675, %swap3A_676], %swap3A_679 {strides = array<i32>} : memref<16x128xi32, #tpu.memory_space<vmem>>, vector<1x16xi32>,
    %get3A_680 = arith.constant 128 : index
    %get3A_681 = tpu.vector_load %arg5[%get3A_680] {strides = array<i32>} : memref<2048xi32, #tpu.memory_space<vmem>>, vector<16xi32>,
    %get3A_682 = vector.shape_cast %get3A_681 : vector<16xi32> to vector<16xi32>
    %swap3A_683 = arith.constant 1 : i32
    %swap3A_684 = arith.index_cast %swap3A_683 : i32 to index
    %swap3A_685 = arith.constant 0 : index
    %swap3A_686 = tpu.vector_load %arg6[%swap3A_684, %swap3A_685] {strides = array<i32>} : memref<16x128xi32, #tpu.memory_space<vmem>>, vector<1x16xi32>,
    %swap3A_687 = vector.shape_cast %swap3A_686 : vector<1x16xi32> to vector<16xi32>
    %swap3A_688 = vector.shape_cast %get3A_682 : vector<16xi32> to vector<1x16xi32>
    tpu.vector_store %arg6[%swap3A_684, %swap3A_685], %swap3A_688 {strides = array<i32>} : memref<16x128xi32, #tpu.memory_space<vmem>>, vector<1x16xi32>,
    %get3A_689 = arith.constant 144 : index
    %get3A_690 = tpu.vector_load %arg5[%get3A_689] {strides = array<i32>} : memref<2048xi32, #tpu.memory_space<vmem>>, vector<16xi32>,
    %get3A_691 = vector.shape_cast %get3A_690 : vector<16xi32> to vector<16xi32>
    %swap3A_692 = arith.constant 1 : i32
    %swap3A_693 = arith.index_cast %swap3A_692 : i32 to index
    %swap3A_694 = arith.constant 16 : index
    %swap3A_695 = tpu.vector_load %arg6[%swap3A_693, %swap3A_694] {strides = array<i32>} : memref<16x128xi32, #tpu.memory_space<vmem>>, vector<1x16xi32>,
    %swap3A_696 = vector.shape_cast %swap3A_695 : vector<1x16xi32> to vector<16xi32>
    %swap3A_697 = vector.shape_cast %get3A_691 : vector<16xi32> to vector<1x16xi32>
    tpu.vector_store %arg6[%swap3A_693, %swap3A_694], %swap3A_697 {strides = array<i32>} : memref<16x128xi32, #tpu.memory_space<vmem>>, vector<1x16xi32>,
    %get3A_698 = arith.constant 160 : index
    %get3A_699 = tpu.vector_load %arg5[%get3A_698] {strides = array<i32>} : memref<2048xi32, #tpu.memory_space<vmem>>, vector<16xi32>,
    %get3A_700 = vector.shape_cast %get3A_699 : vector<16xi32> to vector<16xi32>
    %swap3A_701 = arith.constant 1 : i32
    %swap3A_702 = arith.index_cast %swap3A_701 : i32 to index
    %swap3A_703 = arith.constant 32 : index
    %swap3A_704 = tpu.vector_load %arg6[%swap3A_702, %swap3A_703] {strides = array<i32>} : memref<16x128xi32, #tpu.memory_space<vmem>>, vector<1x16xi32>,
    %swap3A_705 = vector.shape_cast %swap3A_704 : vector<1x16xi32> to vector<16xi32>
    %swap3A_706 = vector.shape_cast %get3A_700 : vector<16xi32> to vector<1x16xi32>
    tpu.vector_store %arg6[%swap3A_702, %swap3A_703], %swap3A_706 {strides = array<i32>} : memref<16x128xi32, #tpu.memory_space<vmem>>, vector<1x16xi32>,
    %get3A_707 = arith.constant 176 : index
    %get3A_708 = tpu.vector_load %arg5[%get3A_707] {strides = array<i32>} : memref<2048xi32, #tpu.memory_space<vmem>>, vector<16xi32>,
    %get3A_709 = vector.shape_cast %get3A_708 : vector<16xi32> to vector<16xi32>
    %swap3A_710 = arith.constant 1 : i32
    %swap3A_711 = arith.index_cast %swap3A_710 : i32 to index
    %swap3A_712 = arith.constant 48 : index
    %swap3A_713 = tpu.vector_load %arg6[%swap3A_711, %swap3A_712] {strides = array<i32>} : memref<16x128xi32, #tpu.memory_space<vmem>>, vector<1x16xi32>,
    %swap3A_714 = vector.shape_cast %swap3A_713 : vector<1x16xi32> to vector<16xi32>
    %swap3A_715 = vector.shape_cast %get3A_709 : vector<16xi32> to vector<1x16xi32>
    tpu.vector_store %arg6[%swap3A_711, %swap3A_712], %swap3A_715 {strides = array<i32>} : memref<16x128xi32, #tpu.memory_space<vmem>>, vector<1x16xi32>,
    %get3A_716 = arith.constant 192 : index
    %get3A_717 = tpu.vector_load %arg5[%get3A_716] {strides = array<i32>} : memref<2048xi32, #tpu.memory_space<vmem>>, vector<16xi32>,
    %get3A_718 = vector.shape_cast %get3A_717 : vector<16xi32> to vector<16xi32>
    %swap3A_719 = arith.constant 1 : i32
    %swap3A_720 = arith.index_cast %swap3A_719 : i32 to index
    %swap3A_721 = arith.constant 64 : index
    %swap3A_722 = tpu.vector_load %arg6[%swap3A_720, %swap3A_721] {strides = array<i32>} : memref<16x128xi32, #tpu.memory_space<vmem>>, vector<1x16xi32>,
    %swap3A_723 = vector.shape_cast %swap3A_722 : vector<1x16xi32> to vector<16xi32>
    %swap3A_724 = vector.shape_cast %get3A_718 : vector<16xi32> to vector<1x16xi32>
    tpu.vector_store %arg6[%swap3A_720, %swap3A_721], %swap3A_724 {strides = array<i32>} : memref<16x128xi32, #tpu.memory_space<vmem>>, vector<1x16xi32>,
    %get3A_725 = arith.constant 208 : index
    %get3A_726 = tpu.vector_load %arg5[%get3A_725] {strides = array<i32>} : memref<2048xi32, #tpu.memory_space<vmem>>, vector<16xi32>,
    %get3A_727 = vector.shape_cast %get3A_726 : vector<16xi32> to vector<16xi32>
    %swap3A_728 = arith.constant 1 : i32
    %swap3A_729 = arith.index_cast %swap3A_728 : i32 to index
    %swap3A_730 = arith.constant 80 : index
    %swap3A_731 = tpu.vector_load %arg6[%swap3A_729, %swap3A_730] {strides = array<i32>} : memref<16x128xi32, #tpu.memory_space<vmem>>, vector<1x16xi32>,
    %swap3A_732 = vector.shape_cast %swap3A_731 : vector<1x16xi32> to vector<16xi32>
    %swap3A_733 = vector.shape_cast %get3A_727 : vector<16xi32> to vector<1x16xi32>
    tpu.vector_store %arg6[%swap3A_729, %swap3A_730], %swap3A_733 {strides = array<i32>} : memref<16x128xi32, #tpu.memory_space<vmem>>, vector<1x16xi32>,
    %get3A_734 = arith.constant 224 : index
    %get3A_735 = tpu.vector_load %arg5[%get3A_734] {strides = array<i32>} : memref<2048xi32, #tpu.memory_space<vmem>>, vector<16xi32>,
    %get3A_736 = vector.shape_cast %get3A_735 : vector<16xi32> to vector<16xi32>
    %swap3A_737 = arith.constant 1 : i32
    %swap3A_738 = arith.index_cast %swap3A_737 : i32 to index
    %swap3A_739 = arith.constant 96 : index
    %swap3A_740 = tpu.vector_load %arg6[%swap3A_738, %swap3A_739] {strides = array<i32>} : memref<16x128xi32, #tpu.memory_space<vmem>>, vector<1x16xi32>,
    %swap3A_741 = vector.shape_cast %swap3A_740 : vector<1x16xi32> to vector<16xi32>
    %swap3A_742 = vector.shape_cast %get3A_736 : vector<16xi32> to vector<1x16xi32>
    tpu.vector_store %arg6[%swap3A_738, %swap3A_739], %swap3A_742 {strides = array<i32>} : memref<16x128xi32, #tpu.memory_space<vmem>>, vector<1x16xi32>,
    %get3A_743 = arith.constant 240 : index
    %get3A_744 = tpu.vector_load %arg5[%get3A_743] {strides = array<i32>} : memref<2048xi32, #tpu.memory_space<vmem>>, vector<16xi32>,
    %get3A_745 = vector.shape_cast %get3A_744 : vector<16xi32> to vector<16xi32>
    %swap3A_746 = arith.constant 1 : i32
    %swap3A_747 = arith.index_cast %swap3A_746 : i32 to index
    %swap3A_748 = arith.constant 112 : index
    %swap3A_749 = tpu.vector_load %arg6[%swap3A_747, %swap3A_748] {strides = array<i32>} : memref<16x128xi32, #tpu.memory_space<vmem>>, vector<1x16xi32>,
    %swap3A_750 = vector.shape_cast %swap3A_749 : vector<1x16xi32> to vector<16xi32>
    %swap3A_751 = vector.shape_cast %get3A_745 : vector<16xi32> to vector<1x16xi32>
    tpu.vector_store %arg6[%swap3A_747, %swap3A_748], %swap3A_751 {strides = array<i32>} : memref<16x128xi32, #tpu.memory_space<vmem>>, vector<1x16xi32>,
    %get3A_752 = arith.constant 256 : index
    %get3A_753 = tpu.vector_load %arg5[%get3A_752] {strides = array<i32>} : memref<2048xi32, #tpu.memory_space<vmem>>, vector<16xi32>,
    %get3A_754 = vector.shape_cast %get3A_753 : vector<16xi32> to vector<16xi32>
    %swap3A_755 = arith.constant 2 : i32
    %swap3A_756 = arith.index_cast %swap3A_755 : i32 to index
    %swap3A_757 = arith.constant 0 : index
    %swap3A_758 = tpu.vector_load %arg6[%swap3A_756, %swap3A_757] {strides = array<i32>} : memref<16x128xi32, #tpu.memory_space<vmem>>, vector<1x16xi32>,
    %swap3A_759 = vector.shape_cast %swap3A_758 : vector<1x16xi32> to vector<16xi32>
    %swap3A_760 = vector.shape_cast %get3A_754 : vector<16xi32> to vector<1x16xi32>
    tpu.vector_store %arg6[%swap3A_756, %swap3A_757], %swap3A_760 {strides = array<i32>} : memref<16x128xi32, #tpu.memory_space<vmem>>, vector<1x16xi32>,
    %get3A_761 = arith.constant 272 : index
    %get3A_762 = tpu.vector_load %arg5[%get3A_761] {strides = array<i32>} : memref<2048xi32, #tpu.memory_space<vmem>>, vector<16xi32>,
    %get3A_763 = vector.shape_cast %get3A_762 : vector<16xi32> to vector<16xi32>
    %swap3A_764 = arith.constant 2 : i32
    %swap3A_765 = arith.index_cast %swap3A_764 : i32 to index
    %swap3A_766 = arith.constant 16 : index
    %swap3A_767 = tpu.vector_load %arg6[%swap3A_765, %swap3A_766] {strides = array<i32>} : memref<16x128xi32, #tpu.memory_space<vmem>>, vector<1x16xi32>,
    %swap3A_768 = vector.shape_cast %swap3A_767 : vector<1x16xi32> to vector<16xi32>
    %swap3A_769 = vector.shape_cast %get3A_763 : vector<16xi32> to vector<1x16xi32>
    tpu.vector_store %arg6[%swap3A_765, %swap3A_766], %swap3A_769 {strides = array<i32>} : memref<16x128xi32, #tpu.memory_space<vmem>>, vector<1x16xi32>,
    %get3A_770 = arith.constant 288 : index
    %get3A_771 = tpu.vector_load %arg5[%get3A_770] {strides = array<i32>} : memref<2048xi32, #tpu.memory_space<vmem>>, vector<16xi32>,
    %get3A_772 = vector.shape_cast %get3A_771 : vector<16xi32> to vector<16xi32>
    %swap3A_773 = arith.constant 2 : i32
    %swap3A_774 = arith.index_cast %swap3A_773 : i32 to index
    %swap3A_775 = arith.constant 32 : index
    %swap3A_776 = tpu.vector_load %arg6[%swap3A_774, %swap3A_775] {strides = array<i32>} : memref<16x128xi32, #tpu.memory_space<vmem>>, vector<1x16xi32>,
    %swap3A_777 = vector.shape_cast %swap3A_776 : vector<1x16xi32> to vector<16xi32>
    %swap3A_778 = vector.shape_cast %get3A_772 : vector<16xi32> to vector<1x16xi32>
    tpu.vector_store %arg6[%swap3A_774, %swap3A_775], %swap3A_778 {strides = array<i32>} : memref<16x128xi32, #tpu.memory_space<vmem>>, vector<1x16xi32>,
    %get3A_779 = arith.constant 304 : index
    %get3A_780 = tpu.vector_load %arg5[%get3A_779] {strides = array<i32>} : memref<2048xi32, #tpu.memory_space<vmem>>, vector<16xi32>,
    %get3A_781 = vector.shape_cast %get3A_780 : vector<16xi32> to vector<16xi32>
    %swap3A_782 = arith.constant 2 : i32
    %swap3A_783 = arith.index_cast %swap3A_782 : i32 to index
    %swap3A_784 = arith.constant 48 : index
    %swap3A_785 = tpu.vector_load %arg6[%swap3A_783, %swap3A_784] {strides = array<i32>} : memref<16x128xi32, #tpu.memory_space<vmem>>, vector<1x16xi32>,
    %swap3A_786 = vector.shape_cast %swap3A_785 : vector<1x16xi32> to vector<16xi32>
    %swap3A_787 = vector.shape_cast %get3A_781 : vector<16xi32> to vector<1x16xi32>
    tpu.vector_store %arg6[%swap3A_783, %swap3A_784], %swap3A_787 {strides = array<i32>} : memref<16x128xi32, #tpu.memory_space<vmem>>, vector<1x16xi32>,
    %get3A_788 = arith.constant 320 : index
    %get3A_789 = tpu.vector_load %arg5[%get3A_788] {strides = array<i32>} : memref<2048xi32, #tpu.memory_space<vmem>>, vector<16xi32>,
    %get3A_790 = vector.shape_cast %get3A_789 : vector<16xi32> to vector<16xi32>
    %swap3A_791 = arith.constant 2 : i32
    %swap3A_792 = arith.index_cast %swap3A_791 : i32 to index
    %swap3A_793 = arith.constant 64 : index
    %swap3A_794 = tpu.vector_load %arg6[%swap3A_792, %swap3A_793] {strides = array<i32>} : memref<16x128xi32, #tpu.memory_space<vmem>>, vector<1x16xi32>,
    %swap3A_795 = vector.shape_cast %swap3A_794 : vector<1x16xi32> to vector<16xi32>
    %swap3A_796 = vector.shape_cast %get3A_790 : vector<16xi32> to vector<1x16xi32>
    tpu.vector_store %arg6[%swap3A_792, %swap3A_793], %swap3A_796 {strides = array<i32>} : memref<16x128xi32, #tpu.memory_space<vmem>>, vector<1x16xi32>,
    %get3A_797 = arith.constant 336 : index
    %get3A_798 = tpu.vector_load %arg5[%get3A_797] {strides = array<i32>} : memref<2048xi32, #tpu.memory_space<vmem>>, vector<16xi32>,
    %get3A_799 = vector.shape_cast %get3A_798 : vector<16xi32> to vector<16xi32>
    %swap3A_800 = arith.constant 2 : i32
    %swap3A_801 = arith.index_cast %swap3A_800 : i32 to index
    %swap3A_802 = arith.constant 80 : index
    %swap3A_803 = tpu.vector_load %arg6[%swap3A_801, %swap3A_802] {strides = array<i32>} : memref<16x128xi32, #tpu.memory_space<vmem>>, vector<1x16xi32>,
    %swap3A_804 = vector.shape_cast %swap3A_803 : vector<1x16xi32> to vector<16xi32>
    %swap3A_805 = vector.shape_cast %get3A_799 : vector<16xi32> to vector<1x16xi32>
    tpu.vector_store %arg6[%swap3A_801, %swap3A_802], %swap3A_805 {strides = array<i32>} : memref<16x128xi32, #tpu.memory_space<vmem>>, vector<1x16xi32>,
    %get3A_806 = arith.constant 352 : index
    %get3A_807 = tpu.vector_load %arg5[%get3A_806] {strides = array<i32>} : memref<2048xi32, #tpu.memory_space<vmem>>, vector<16xi32>,
    %get3A_808 = vector.shape_cast %get3A_807 : vector<16xi32> to vector<16xi32>
    %swap3A_809 = arith.constant 2 : i32
    %swap3A_810 = arith.index_cast %swap3A_809 : i32 to index
    %swap3A_811 = arith.constant 96 : index
    %swap3A_812 = tpu.vector_load %arg6[%swap3A_810, %swap3A_811] {strides = array<i32>} : memref<16x128xi32, #tpu.memory_space<vmem>>, vector<1x16xi32>,
    %swap3A_813 = vector.shape_cast %swap3A_812 : vector<1x16xi32> to vector<16xi32>
    %swap3A_814 = vector.shape_cast %get3A_808 : vector<16xi32> to vector<1x16xi32>
    tpu.vector_store %arg6[%swap3A_810, %swap3A_811], %swap3A_814 {strides = array<i32>} : memref<16x128xi32, #tpu.memory_space<vmem>>, vector<1x16xi32>,
    %get3A_815 = arith.constant 368 : index
    %get3A_816 = tpu.vector_load %arg5[%get3A_815] {strides = array<i32>} : memref<2048xi32, #tpu.memory_space<vmem>>, vector<16xi32>,
    %get3A_817 = vector.shape_cast %get3A_816 : vector<16xi32> to vector<16xi32>
    %swap3A_818 = arith.constant 2 : i32
    %swap3A_819 = arith.index_cast %swap3A_818 : i32 to index
    %swap3A_820 = arith.constant 112 : index
    %swap3A_821 = tpu.vector_load %arg6[%swap3A_819, %swap3A_820] {strides = array<i32>} : memref<16x128xi32, #tpu.memory_space<vmem>>, vector<1x16xi32>,
    %swap3A_822 = vector.shape_cast %swap3A_821 : vector<1x16xi32> to vector<16xi32>
    %swap3A_823 = vector.shape_cast %get3A_817 : vector<16xi32> to vector<1x16xi32>
    tpu.vector_store %arg6[%swap3A_819, %swap3A_820], %swap3A_823 {strides = array<i32>} : memref<16x128xi32, #tpu.memory_space<vmem>>, vector<1x16xi32>,
    %get3A_824 = arith.constant 384 : index
    %get3A_825 = tpu.vector_load %arg5[%get3A_824] {strides = array<i32>} : memref<2048xi32, #tpu.memory_space<vmem>>, vector<16xi32>,
    %get3A_826 = vector.shape_cast %get3A_825 : vector<16xi32> to vector<16xi32>
    %swap3A_827 = arith.constant 3 : i32
    %swap3A_828 = arith.index_cast %swap3A_827 : i32 to index
    %swap3A_829 = arith.constant 0 : index
    %swap3A_830 = tpu.vector_load %arg6[%swap3A_828, %swap3A_829] {strides = array<i32>} : memref<16x128xi32, #tpu.memory_space<vmem>>, vector<1x16xi32>,
    %swap3A_831 = vector.shape_cast %swap3A_830 : vector<1x16xi32> to vector<16xi32>
    %swap3A_832 = vector.shape_cast %get3A_826 : vector<16xi32> to vector<1x16xi32>
    tpu.vector_store %arg6[%swap3A_828, %swap3A_829], %swap3A_832 {strides = array<i32>} : memref<16x128xi32, #tpu.memory_space<vmem>>, vector<1x16xi32>,
    %get3A_833 = arith.constant 400 : index
    %get3A_834 = tpu.vector_load %arg5[%get3A_833] {strides = array<i32>} : memref<2048xi32, #tpu.memory_space<vmem>>, vector<16xi32>,
    %get3A_835 = vector.shape_cast %get3A_834 : vector<16xi32> to vector<16xi32>
    %swap3A_836 = arith.constant 3 : i32
    %swap3A_837 = arith.index_cast %swap3A_836 : i32 to index
    %swap3A_838 = arith.constant 16 : index
    %swap3A_839 = tpu.vector_load %arg6[%swap3A_837, %swap3A_838] {strides = array<i32>} : memref<16x128xi32, #tpu.memory_space<vmem>>, vector<1x16xi32>,
    %swap3A_840 = vector.shape_cast %swap3A_839 : vector<1x16xi32> to vector<16xi32>
    %swap3A_841 = vector.shape_cast %get3A_835 : vector<16xi32> to vector<1x16xi32>
    tpu.vector_store %arg6[%swap3A_837, %swap3A_838], %swap3A_841 {strides = array<i32>} : memref<16x128xi32, #tpu.memory_space<vmem>>, vector<1x16xi32>,
    %get3A_842 = arith.constant 416 : index
    %get3A_843 = tpu.vector_load %arg5[%get3A_842] {strides = array<i32>} : memref<2048xi32, #tpu.memory_space<vmem>>, vector<16xi32>,
    %get3A_844 = vector.shape_cast %get3A_843 : vector<16xi32> to vector<16xi32>
    %swap3A_845 = arith.constant 3 : i32
    %swap3A_846 = arith.index_cast %swap3A_845 : i32 to index
    %swap3A_847 = arith.constant 32 : index
    %swap3A_848 = tpu.vector_load %arg6[%swap3A_846, %swap3A_847] {strides = array<i32>} : memref<16x128xi32, #tpu.memory_space<vmem>>, vector<1x16xi32>,
    %swap3A_849 = vector.shape_cast %swap3A_848 : vector<1x16xi32> to vector<16xi32>
    %swap3A_850 = vector.shape_cast %get3A_844 : vector<16xi32> to vector<1x16xi32>
    tpu.vector_store %arg6[%swap3A_846, %swap3A_847], %swap3A_850 {strides = array<i32>} : memref<16x128xi32, #tpu.memory_space<vmem>>, vector<1x16xi32>,
    %get3A_851 = arith.constant 432 : index
    %get3A_852 = tpu.vector_load %arg5[%get3A_851] {strides = array<i32>} : memref<2048xi32, #tpu.memory_space<vmem>>, vector<16xi32>,
    %get3A_853 = vector.shape_cast %get3A_852 : vector<16xi32> to vector<16xi32>
    %swap3A_854 = arith.constant 3 : i32
    %swap3A_855 = arith.index_cast %swap3A_854 : i32 to index
    %swap3A_856 = arith.constant 48 : index
    %swap3A_857 = tpu.vector_load %arg6[%swap3A_855, %swap3A_856] {strides = array<i32>} : memref<16x128xi32, #tpu.memory_space<vmem>>, vector<1x16xi32>,
    %swap3A_858 = vector.shape_cast %swap3A_857 : vector<1x16xi32> to vector<16xi32>
    %swap3A_859 = vector.shape_cast %get3A_853 : vector<16xi32> to vector<1x16xi32>
    tpu.vector_store %arg6[%swap3A_855, %swap3A_856], %swap3A_859 {strides = array<i32>} : memref<16x128xi32, #tpu.memory_space<vmem>>, vector<1x16xi32>,
    %get3A_860 = arith.constant 448 : index
    %get3A_861 = tpu.vector_load %arg5[%get3A_860] {strides = array<i32>} : memref<2048xi32, #tpu.memory_space<vmem>>, vector<16xi32>,
    %get3A_862 = vector.shape_cast %get3A_861 : vector<16xi32> to vector<16xi32>
    %swap3A_863 = arith.constant 3 : i32
    %swap3A_864 = arith.index_cast %swap3A_863 : i32 to index
    %swap3A_865 = arith.constant 64 : index
    %swap3A_866 = tpu.vector_load %arg6[%swap3A_864, %swap3A_865] {strides = array<i32>} : memref<16x128xi32, #tpu.memory_space<vmem>>, vector<1x16xi32>,
    %swap3A_867 = vector.shape_cast %swap3A_866 : vector<1x16xi32> to vector<16xi32>
    %swap3A_868 = vector.shape_cast %get3A_862 : vector<16xi32> to vector<1x16xi32>
    tpu.vector_store %arg6[%swap3A_864, %swap3A_865], %swap3A_868 {strides = array<i32>} : memref<16x128xi32, #tpu.memory_space<vmem>>, vector<1x16xi32>,
    %get3A_869 = arith.constant 464 : index
    %get3A_870 = tpu.vector_load %arg5[%get3A_869] {strides = array<i32>} : memref<2048xi32, #tpu.memory_space<vmem>>, vector<16xi32>,
    %get3A_871 = vector.shape_cast %get3A_870 : vector<16xi32> to vector<16xi32>
    %swap3A_872 = arith.constant 3 : i32
    %swap3A_873 = arith.index_cast %swap3A_872 : i32 to index
    %swap3A_874 = arith.constant 80 : index
    %swap3A_875 = tpu.vector_load %arg6[%swap3A_873, %swap3A_874] {strides = array<i32>} : memref<16x128xi32, #tpu.memory_space<vmem>>, vector<1x16xi32>,
    %swap3A_876 = vector.shape_cast %swap3A_875 : vector<1x16xi32> to vector<16xi32>
    %swap3A_877 = vector.shape_cast %get3A_871 : vector<16xi32> to vector<1x16xi32>
    tpu.vector_store %arg6[%swap3A_873, %swap3A_874], %swap3A_877 {strides = array<i32>} : memref<16x128xi32, #tpu.memory_space<vmem>>, vector<1x16xi32>,
    %get3A_878 = arith.constant 480 : index
    %get3A_879 = tpu.vector_load %arg5[%get3A_878] {strides = array<i32>} : memref<2048xi32, #tpu.memory_space<vmem>>, vector<16xi32>,
    %get3A_880 = vector.shape_cast %get3A_879 : vector<16xi32> to vector<16xi32>
    %swap3A_881 = arith.constant 3 : i32
    %swap3A_882 = arith.index_cast %swap3A_881 : i32 to index
    %swap3A_883 = arith.constant 96 : index
    %swap3A_884 = tpu.vector_load %arg6[%swap3A_882, %swap3A_883] {strides = array<i32>} : memref<16x128xi32, #tpu.memory_space<vmem>>, vector<1x16xi32>,
    %swap3A_885 = vector.shape_cast %swap3A_884 : vector<1x16xi32> to vector<16xi32>
    %swap3A_886 = vector.shape_cast %get3A_880 : vector<16xi32> to vector<1x16xi32>
    tpu.vector_store %arg6[%swap3A_882, %swap3A_883], %swap3A_886 {strides = array<i32>} : memref<16x128xi32, #tpu.memory_space<vmem>>, vector<1x16xi32>,
    %get3A_887 = arith.constant 496 : index
    %get3A_888 = tpu.vector_load %arg5[%get3A_887] {strides = array<i32>} : memref<2048xi32, #tpu.memory_space<vmem>>, vector<16xi32>,
    %get3A_889 = vector.shape_cast %get3A_888 : vector<16xi32> to vector<16xi32>
    %swap3A_890 = arith.constant 3 : i32
    %swap3A_891 = arith.index_cast %swap3A_890 : i32 to index
    %swap3A_892 = arith.constant 112 : index
    %swap3A_893 = tpu.vector_load %arg6[%swap3A_891, %swap3A_892] {strides = array<i32>} : memref<16x128xi32, #tpu.memory_space<vmem>>, vector<1x16xi32>,
    %swap3A_894 = vector.shape_cast %swap3A_893 : vector<1x16xi32> to vector<16xi32>
    %swap3A_895 = vector.shape_cast %get3A_889 : vector<16xi32> to vector<1x16xi32>
    tpu.vector_store %arg6[%swap3A_891, %swap3A_892], %swap3A_895 {strides = array<i32>} : memref<16x128xi32, #tpu.memory_space<vmem>>, vector<1x16xi32>,
    %get3A_896 = arith.constant 512 : index
    %get3A_897 = tpu.vector_load %arg5[%get3A_896] {strides = array<i32>} : memref<2048xi32, #tpu.memory_space<vmem>>, vector<16xi32>,
    %get3A_898 = vector.shape_cast %get3A_897 : vector<16xi32> to vector<16xi32>
    %swap3A_899 = arith.constant 4 : i32
    %swap3A_900 = arith.index_cast %swap3A_899 : i32 to index
    %swap3A_901 = arith.constant 0 : index
    %swap3A_902 = tpu.vector_load %arg6[%swap3A_900, %swap3A_901] {strides = array<i32>} : memref<16x128xi32, #tpu.memory_space<vmem>>, vector<1x16xi32>,
    %swap3A_903 = vector.shape_cast %swap3A_902 : vector<1x16xi32> to vector<16xi32>
    %swap3A_904 = vector.shape_cast %get3A_898 : vector<16xi32> to vector<1x16xi32>
    tpu.vector_store %arg6[%swap3A_900, %swap3A_901], %swap3A_904 {strides = array<i32>} : memref<16x128xi32, #tpu.memory_space<vmem>>, vector<1x16xi32>,
    %get3A_905 = arith.constant 528 : index
    %get3A_906 = tpu.vector_load %arg5[%get3A_905] {strides = array<i32>} : memref<2048xi32, #tpu.memory_space<vmem>>, vector<16xi32>,
    %get3A_907 = vector.shape_cast %get3A_906 : vector<16xi32> to vector<16xi32>
    %swap3A_908 = arith.constant 4 : i32
    %swap3A_909 = arith.index_cast %swap3A_908 : i32 to index
    %swap3A_910 = arith.constant 16 : index
    %swap3A_911 = tpu.vector_load %arg6[%swap3A_909, %swap3A_910] {strides = array<i32>} : memref<16x128xi32, #tpu.memory_space<vmem>>, vector<1x16xi32>,
    %swap3A_912 = vector.shape_cast %swap3A_911 : vector<1x16xi32> to vector<16xi32>
    %swap3A_913 = vector.shape_cast %get3A_907 : vector<16xi32> to vector<1x16xi32>
    tpu.vector_store %arg6[%swap3A_909, %swap3A_910], %swap3A_913 {strides = array<i32>} : memref<16x128xi32, #tpu.memory_space<vmem>>, vector<1x16xi32>,
    %get3A_914 = arith.constant 544 : index
    %get3A_915 = tpu.vector_load %arg5[%get3A_914] {strides = array<i32>} : memref<2048xi32, #tpu.memory_space<vmem>>, vector<16xi32>,
    %get3A_916 = vector.shape_cast %get3A_915 : vector<16xi32> to vector<16xi32>
    %swap3A_917 = arith.constant 4 : i32
    %swap3A_918 = arith.index_cast %swap3A_917 : i32 to index
    %swap3A_919 = arith.constant 32 : index
    %swap3A_920 = tpu.vector_load %arg6[%swap3A_918, %swap3A_919] {strides = array<i32>} : memref<16x128xi32, #tpu.memory_space<vmem>>, vector<1x16xi32>,
    %swap3A_921 = vector.shape_cast %swap3A_920 : vector<1x16xi32> to vector<16xi32>
    %swap3A_922 = vector.shape_cast %get3A_916 : vector<16xi32> to vector<1x16xi32>
    tpu.vector_store %arg6[%swap3A_918, %swap3A_919], %swap3A_922 {strides = array<i32>} : memref<16x128xi32, #tpu.memory_space<vmem>>, vector<1x16xi32>,
    %get3A_923 = arith.constant 560 : index
    %get3A_924 = tpu.vector_load %arg5[%get3A_923] {strides = array<i32>} : memref<2048xi32, #tpu.memory_space<vmem>>, vector<16xi32>,
    %get3A_925 = vector.shape_cast %get3A_924 : vector<16xi32> to vector<16xi32>
    %swap3A_926 = arith.constant 4 : i32
    %swap3A_927 = arith.index_cast %swap3A_926 : i32 to index
    %swap3A_928 = arith.constant 48 : index
    %swap3A_929 = tpu.vector_load %arg6[%swap3A_927, %swap3A_928] {strides = array<i32>} : memref<16x128xi32, #tpu.memory_space<vmem>>, vector<1x16xi32>,
    %swap3A_930 = vector.shape_cast %swap3A_929 : vector<1x16xi32> to vector<16xi32>
    %swap3A_931 = vector.shape_cast %get3A_925 : vector<16xi32> to vector<1x16xi32>
    tpu.vector_store %arg6[%swap3A_927, %swap3A_928], %swap3A_931 {strides = array<i32>} : memref<16x128xi32, #tpu.memory_space<vmem>>, vector<1x16xi32>,
    %get3A_932 = arith.constant 576 : index
    %get3A_933 = tpu.vector_load %arg5[%get3A_932] {strides = array<i32>} : memref<2048xi32, #tpu.memory_space<vmem>>, vector<16xi32>,
    %get3A_934 = vector.shape_cast %get3A_933 : vector<16xi32> to vector<16xi32>
    %swap3A_935 = arith.constant 4 : i32
    %swap3A_936 = arith.index_cast %swap3A_935 : i32 to index
    %swap3A_937 = arith.constant 64 : index
    %swap3A_938 = tpu.vector_load %arg6[%swap3A_936, %swap3A_937] {strides = array<i32>} : memref<16x128xi32, #tpu.memory_space<vmem>>, vector<1x16xi32>,
    %swap3A_939 = vector.shape_cast %swap3A_938 : vector<1x16xi32> to vector<16xi32>
    %swap3A_940 = vector.shape_cast %get3A_934 : vector<16xi32> to vector<1x16xi32>
    tpu.vector_store %arg6[%swap3A_936, %swap3A_937], %swap3A_940 {strides = array<i32>} : memref<16x128xi32, #tpu.memory_space<vmem>>, vector<1x16xi32>,
    %get3A_941 = arith.constant 592 : index
    %get3A_942 = tpu.vector_load %arg5[%get3A_941] {strides = array<i32>} : memref<2048xi32, #tpu.memory_space<vmem>>, vector<16xi32>,
    %get3A_943 = vector.shape_cast %get3A_942 : vector<16xi32> to vector<16xi32>
    %swap3A_944 = arith.constant 4 : i32
    %swap3A_945 = arith.index_cast %swap3A_944 : i32 to index
    %swap3A_946 = arith.constant 80 : index
    %swap3A_947 = tpu.vector_load %arg6[%swap3A_945, %swap3A_946] {strides = array<i32>} : memref<16x128xi32, #tpu.memory_space<vmem>>, vector<1x16xi32>,
    %swap3A_948 = vector.shape_cast %swap3A_947 : vector<1x16xi32> to vector<16xi32>
    %swap3A_949 = vector.shape_cast %get3A_943 : vector<16xi32> to vector<1x16xi32>
    tpu.vector_store %arg6[%swap3A_945, %swap3A_946], %swap3A_949 {strides = array<i32>} : memref<16x128xi32, #tpu.memory_space<vmem>>, vector<1x16xi32>,
    %get3A_950 = arith.constant 608 : index
    %get3A_951 = tpu.vector_load %arg5[%get3A_950] {strides = array<i32>} : memref<2048xi32, #tpu.memory_space<vmem>>, vector<16xi32>,
    %get3A_952 = vector.shape_cast %get3A_951 : vector<16xi32> to vector<16xi32>
    %swap3A_953 = arith.constant 4 : i32
    %swap3A_954 = arith.index_cast %swap3A_953 : i32 to index
    %swap3A_955 = arith.constant 96 : index
    %swap3A_956 = tpu.vector_load %arg6[%swap3A_954, %swap3A_955] {strides = array<i32>} : memref<16x128xi32, #tpu.memory_space<vmem>>, vector<1x16xi32>,
    %swap3A_957 = vector.shape_cast %swap3A_956 : vector<1x16xi32> to vector<16xi32>
    %swap3A_958 = vector.shape_cast %get3A_952 : vector<16xi32> to vector<1x16xi32>
    tpu.vector_store %arg6[%swap3A_954, %swap3A_955], %swap3A_958 {strides = array<i32>} : memref<16x128xi32, #tpu.memory_space<vmem>>, vector<1x16xi32>,
    %get3A_959 = arith.constant 624 : index
    %get3A_960 = tpu.vector_load %arg5[%get3A_959] {strides = array<i32>} : memref<2048xi32, #tpu.memory_space<vmem>>, vector<16xi32>,
    %get3A_961 = vector.shape_cast %get3A_960 : vector<16xi32> to vector<16xi32>
    %swap3A_962 = arith.constant 4 : i32
    %swap3A_963 = arith.index_cast %swap3A_962 : i32 to index
    %swap3A_964 = arith.constant 112 : index
    %swap3A_965 = tpu.vector_load %arg6[%swap3A_963, %swap3A_964] {strides = array<i32>} : memref<16x128xi32, #tpu.memory_space<vmem>>, vector<1x16xi32>,
    %swap3A_966 = vector.shape_cast %swap3A_965 : vector<1x16xi32> to vector<16xi32>
    %swap3A_967 = vector.shape_cast %get3A_961 : vector<16xi32> to vector<1x16xi32>
    tpu.vector_store %arg6[%swap3A_963, %swap3A_964], %swap3A_967 {strides = array<i32>} : memref<16x128xi32, #tpu.memory_space<vmem>>, vector<1x16xi32>,
    %get3A_968 = arith.constant 640 : index
    %get3A_969 = tpu.vector_load %arg5[%get3A_968] {strides = array<i32>} : memref<2048xi32, #tpu.memory_space<vmem>>, vector<16xi32>,
    %get3A_970 = vector.shape_cast %get3A_969 : vector<16xi32> to vector<16xi32>
    %swap3A_971 = arith.constant 5 : i32
    %swap3A_972 = arith.index_cast %swap3A_971 : i32 to index
    %swap3A_973 = arith.constant 0 : index
    %swap3A_974 = tpu.vector_load %arg6[%swap3A_972, %swap3A_973] {strides = array<i32>} : memref<16x128xi32, #tpu.memory_space<vmem>>, vector<1x16xi32>,
    %swap3A_975 = vector.shape_cast %swap3A_974 : vector<1x16xi32> to vector<16xi32>
    %swap3A_976 = vector.shape_cast %get3A_970 : vector<16xi32> to vector<1x16xi32>
    tpu.vector_store %arg6[%swap3A_972, %swap3A_973], %swap3A_976 {strides = array<i32>} : memref<16x128xi32, #tpu.memory_space<vmem>>, vector<1x16xi32>,
    %get3A_977 = arith.constant 656 : index
    %get3A_978 = tpu.vector_load %arg5[%get3A_977] {strides = array<i32>} : memref<2048xi32, #tpu.memory_space<vmem>>, vector<16xi32>,
    %get3A_979 = vector.shape_cast %get3A_978 : vector<16xi32> to vector<16xi32>
    %swap3A_980 = arith.constant 5 : i32
    %swap3A_981 = arith.index_cast %swap3A_980 : i32 to index
    %swap3A_982 = arith.constant 16 : index
    %swap3A_983 = tpu.vector_load %arg6[%swap3A_981, %swap3A_982] {strides = array<i32>} : memref<16x128xi32, #tpu.memory_space<vmem>>, vector<1x16xi32>,
    %swap3A_984 = vector.shape_cast %swap3A_983 : vector<1x16xi32> to vector<16xi32>
    %swap3A_985 = vector.shape_cast %get3A_979 : vector<16xi32> to vector<1x16xi32>
    tpu.vector_store %arg6[%swap3A_981, %swap3A_982], %swap3A_985 {strides = array<i32>} : memref<16x128xi32, #tpu.memory_space<vmem>>, vector<1x16xi32>,
    %get3A_986 = arith.constant 672 : index
    %get3A_987 = tpu.vector_load %arg5[%get3A_986] {strides = array<i32>} : memref<2048xi32, #tpu.memory_space<vmem>>, vector<16xi32>,
    %get3A_988 = vector.shape_cast %get3A_987 : vector<16xi32> to vector<16xi32>
    %swap3A_989 = arith.constant 5 : i32
    %swap3A_990 = arith.index_cast %swap3A_989 : i32 to index
    %swap3A_991 = arith.constant 32 : index
    %swap3A_992 = tpu.vector_load %arg6[%swap3A_990, %swap3A_991] {strides = array<i32>} : memref<16x128xi32, #tpu.memory_space<vmem>>, vector<1x16xi32>,
    %swap3A_993 = vector.shape_cast %swap3A_992 : vector<1x16xi32> to vector<16xi32>
    %swap3A_994 = vector.shape_cast %get3A_988 : vector<16xi32> to vector<1x16xi32>
    tpu.vector_store %arg6[%swap3A_990, %swap3A_991], %swap3A_994 {strides = array<i32>} : memref<16x128xi32, #tpu.memory_space<vmem>>, vector<1x16xi32>,
    %get3A_995 = arith.constant 688 : index
    %get3A_996 = tpu.vector_load %arg5[%get3A_995] {strides = array<i32>} : memref<2048xi32, #tpu.memory_space<vmem>>, vector<16xi32>,
    %get3A_997 = vector.shape_cast %get3A_996 : vector<16xi32> to vector<16xi32>
    %swap3A_998 = arith.constant 5 : i32
    %swap3A_999 = arith.index_cast %swap3A_998 : i32 to index
    %swap3A_1000 = arith.constant 48 : index
    %swap3A_1001 = tpu.vector_load %arg6[%swap3A_999, %swap3A_1000] {strides = array<i32>} : memref<16x128xi32, #tpu.memory_space<vmem>>, vector<1x16xi32>,
    %swap3A_1002 = vector.shape_cast %swap3A_1001 : vector<1x16xi32> to vector<16xi32>
    %swap3A_1003 = vector.shape_cast %get3A_997 : vector<16xi32> to vector<1x16xi32>
    tpu.vector_store %arg6[%swap3A_999, %swap3A_1000], %swap3A_1003 {strides = array<i32>} : memref<16x128xi32, #tpu.memory_space<vmem>>, vector<1x16xi32>,
    %get3A_1004 = arith.constant 704 : index
    %get3A_1005 = tpu.vector_load %arg5[%get3A_1004] {strides = array<i32>} : memref<2048xi32, #tpu.memory_space<vmem>>, vector<16xi32>,
    %get3A_1006 = vector.shape_cast %get3A_1005 : vector<16xi32> to vector<16xi32>
    %swap3A_1007 = arith.constant 5 : i32
    %swap3A_1008 = arith.index_cast %swap3A_1007 : i32 to index
    %swap3A_1009 = arith.constant 64 : index
    %swap3A_1010 = tpu.vector_load %arg6[%swap3A_1008, %swap3A_1009] {strides = array<i32>} : memref<16x128xi32, #tpu.memory_space<vmem>>, vector<1x16xi32>,
    %swap3A_1011 = vector.shape_cast %swap3A_1010 : vector<1x16xi32> to vector<16xi32>
    %swap3A_1012 = vector.shape_cast %get3A_1006 : vector<16xi32> to vector<1x16xi32>
    tpu.vector_store %arg6[%swap3A_1008, %swap3A_1009], %swap3A_1012 {strides = array<i32>} : memref<16x128xi32, #tpu.memory_space<vmem>>, vector<1x16xi32>,
    %get3A_1013 = arith.constant 720 : index
    %get3A_1014 = tpu.vector_load %arg5[%get3A_1013] {strides = array<i32>} : memref<2048xi32, #tpu.memory_space<vmem>>, vector<16xi32>,
    %get3A_1015 = vector.shape_cast %get3A_1014 : vector<16xi32> to vector<16xi32>
    %swap3A_1016 = arith.constant 5 : i32
    %swap3A_1017 = arith.index_cast %swap3A_1016 : i32 to index
    %swap3A_1018 = arith.constant 80 : index
    %swap3A_1019 = tpu.vector_load %arg6[%swap3A_1017, %swap3A_1018] {strides = array<i32>} : memref<16x128xi32, #tpu.memory_space<vmem>>, vector<1x16xi32>,
    %swap3A_1020 = vector.shape_cast %swap3A_1019 : vector<1x16xi32> to vector<16xi32>
    %swap3A_1021 = vector.shape_cast %get3A_1015 : vector<16xi32> to vector<1x16xi32>
    tpu.vector_store %arg6[%swap3A_1017, %swap3A_1018], %swap3A_1021 {strides = array<i32>} : memref<16x128xi32, #tpu.memory_space<vmem>>, vector<1x16xi32>,
    %get3A_1022 = arith.constant 736 : index
    %get3A_1023 = tpu.vector_load %arg5[%get3A_1022] {strides = array<i32>} : memref<2048xi32, #tpu.memory_space<vmem>>, vector<16xi32>,
    %get3A_1024 = vector.shape_cast %get3A_1023 : vector<16xi32> to vector<16xi32>
    %swap3A_1025 = arith.constant 5 : i32
    %swap3A_1026 = arith.index_cast %swap3A_1025 : i32 to index
    %swap3A_1027 = arith.constant 96 : index
    %swap3A_1028 = tpu.vector_load %arg6[%swap3A_1026, %swap3A_1027] {strides = array<i32>} : memref<16x128xi32, #tpu.memory_space<vmem>>, vector<1x16xi32>,
    %swap3A_1029 = vector.shape_cast %swap3A_1028 : vector<1x16xi32> to vector<16xi32>
    %swap3A_1030 = vector.shape_cast %get3A_1024 : vector<16xi32> to vector<1x16xi32>
    tpu.vector_store %arg6[%swap3A_1026, %swap3A_1027], %swap3A_1030 {strides = array<i32>} : memref<16x128xi32, #tpu.memory_space<vmem>>, vector<1x16xi32>,
    %get3A_1031 = arith.constant 752 : index
    %get3A_1032 = tpu.vector_load %arg5[%get3A_1031] {strides = array<i32>} : memref<2048xi32, #tpu.memory_space<vmem>>, vector<16xi32>,
    %get3A_1033 = vector.shape_cast %get3A_1032 : vector<16xi32> to vector<16xi32>
    %swap3A_1034 = arith.constant 5 : i32
    %swap3A_1035 = arith.index_cast %swap3A_1034 : i32 to index
    %swap3A_1036 = arith.constant 112 : index
    %swap3A_1037 = tpu.vector_load %arg6[%swap3A_1035, %swap3A_1036] {strides = array<i32>} : memref<16x128xi32, #tpu.memory_space<vmem>>, vector<1x16xi32>,
    %swap3A_1038 = vector.shape_cast %swap3A_1037 : vector<1x16xi32> to vector<16xi32>
    %swap3A_1039 = vector.shape_cast %get3A_1033 : vector<16xi32> to vector<1x16xi32>
    tpu.vector_store %arg6[%swap3A_1035, %swap3A_1036], %swap3A_1039 {strides = array<i32>} : memref<16x128xi32, #tpu.memory_space<vmem>>, vector<1x16xi32>,
    %get3A_1040 = arith.constant 768 : index
    %get3A_1041 = tpu.vector_load %arg5[%get3A_1040] {strides = array<i32>} : memref<2048xi32, #tpu.memory_space<vmem>>, vector<16xi32>,
    %get3A_1042 = vector.shape_cast %get3A_1041 : vector<16xi32> to vector<16xi32>
    %swap3A_1043 = arith.constant 6 : i32
    %swap3A_1044 = arith.index_cast %swap3A_1043 : i32 to index
    %swap3A_1045 = arith.constant 0 : index
    %swap3A_1046 = tpu.vector_load %arg6[%swap3A_1044, %swap3A_1045] {strides = array<i32>} : memref<16x128xi32, #tpu.memory_space<vmem>>, vector<1x16xi32>,
    %swap3A_1047 = vector.shape_cast %swap3A_1046 : vector<1x16xi32> to vector<16xi32>
    %swap3A_1048 = vector.shape_cast %get3A_1042 : vector<16xi32> to vector<1x16xi32>
    tpu.vector_store %arg6[%swap3A_1044, %swap3A_1045], %swap3A_1048 {strides = array<i32>} : memref<16x128xi32, #tpu.memory_space<vmem>>, vector<1x16xi32>,
    %get3A_1049 = arith.constant 784 : index
    %get3A_1050 = tpu.vector_load %arg5[%get3A_1049] {strides = array<i32>} : memref<2048xi32, #tpu.memory_space<vmem>>, vector<16xi32>,
    %get3A_1051 = vector.shape_cast %get3A_1050 : vector<16xi32> to vector<16xi32>
    %swap3A_1052 = arith.constant 6 : i32
    %swap3A_1053 = arith.index_cast %swap3A_1052 : i32 to index
    %swap3A_1054 = arith.constant 16 : index
    %swap3A_1055 = tpu.vector_load %arg6[%swap3A_1053, %swap3A_1054] {strides = array<i32>} : memref<16x128xi32, #tpu.memory_space<vmem>>, vector<1x16xi32>,
    %swap3A_1056 = vector.shape_cast %swap3A_1055 : vector<1x16xi32> to vector<16xi32>
    %swap3A_1057 = vector.shape_cast %get3A_1051 : vector<16xi32> to vector<1x16xi32>
    tpu.vector_store %arg6[%swap3A_1053, %swap3A_1054], %swap3A_1057 {strides = array<i32>} : memref<16x128xi32, #tpu.memory_space<vmem>>, vector<1x16xi32>,
    %get3A_1058 = arith.constant 800 : index
    %get3A_1059 = tpu.vector_load %arg5[%get3A_1058] {strides = array<i32>} : memref<2048xi32, #tpu.memory_space<vmem>>, vector<16xi32>,
    %get3A_1060 = vector.shape_cast %get3A_1059 : vector<16xi32> to vector<16xi32>
    %swap3A_1061 = arith.constant 6 : i32
    %swap3A_1062 = arith.index_cast %swap3A_1061 : i32 to index
    %swap3A_1063 = arith.constant 32 : index
    %swap3A_1064 = tpu.vector_load %arg6[%swap3A_1062, %swap3A_1063] {strides = array<i32>} : memref<16x128xi32, #tpu.memory_space<vmem>>, vector<1x16xi32>,
    %swap3A_1065 = vector.shape_cast %swap3A_1064 : vector<1x16xi32> to vector<16xi32>
    %swap3A_1066 = vector.shape_cast %get3A_1060 : vector<16xi32> to vector<1x16xi32>
    tpu.vector_store %arg6[%swap3A_1062, %swap3A_1063], %swap3A_1066 {strides = array<i32>} : memref<16x128xi32, #tpu.memory_space<vmem>>, vector<1x16xi32>,
    %get3A_1067 = arith.constant 816 : index
    %get3A_1068 = tpu.vector_load %arg5[%get3A_1067] {strides = array<i32>} : memref<2048xi32, #tpu.memory_space<vmem>>, vector<16xi32>,
    %get3A_1069 = vector.shape_cast %get3A_1068 : vector<16xi32> to vector<16xi32>
    %swap3A_1070 = arith.constant 6 : i32
    %swap3A_1071 = arith.index_cast %swap3A_1070 : i32 to index
    %swap3A_1072 = arith.constant 48 : index
    %swap3A_1073 = tpu.vector_load %arg6[%swap3A_1071, %swap3A_1072] {strides = array<i32>} : memref<16x128xi32, #tpu.memory_space<vmem>>, vector<1x16xi32>,
    %swap3A_1074 = vector.shape_cast %swap3A_1073 : vector<1x16xi32> to vector<16xi32>
    %swap3A_1075 = vector.shape_cast %get3A_1069 : vector<16xi32> to vector<1x16xi32>
    tpu.vector_store %arg6[%swap3A_1071, %swap3A_1072], %swap3A_1075 {strides = array<i32>} : memref<16x128xi32, #tpu.memory_space<vmem>>, vector<1x16xi32>,
    %get3A_1076 = arith.constant 832 : index
    %get3A_1077 = tpu.vector_load %arg5[%get3A_1076] {strides = array<i32>} : memref<2048xi32, #tpu.memory_space<vmem>>, vector<16xi32>,
    %get3A_1078 = vector.shape_cast %get3A_1077 : vector<16xi32> to vector<16xi32>
    %swap3A_1079 = arith.constant 6 : i32
    %swap3A_1080 = arith.index_cast %swap3A_1079 : i32 to index
    %swap3A_1081 = arith.constant 64 : index
    %swap3A_1082 = tpu.vector_load %arg6[%swap3A_1080, %swap3A_1081] {strides = array<i32>} : memref<16x128xi32, #tpu.memory_space<vmem>>, vector<1x16xi32>,
    %swap3A_1083 = vector.shape_cast %swap3A_1082 : vector<1x16xi32> to vector<16xi32>
    %swap3A_1084 = vector.shape_cast %get3A_1078 : vector<16xi32> to vector<1x16xi32>
    tpu.vector_store %arg6[%swap3A_1080, %swap3A_1081], %swap3A_1084 {strides = array<i32>} : memref<16x128xi32, #tpu.memory_space<vmem>>, vector<1x16xi32>,
    %get3A_1085 = arith.constant 848 : index
    %get3A_1086 = tpu.vector_load %arg5[%get3A_1085] {strides = array<i32>} : memref<2048xi32, #tpu.memory_space<vmem>>, vector<16xi32>,
    %get3A_1087 = vector.shape_cast %get3A_1086 : vector<16xi32> to vector<16xi32>
    %swap3A_1088 = arith.constant 6 : i32
    %swap3A_1089 = arith.index_cast %swap3A_1088 : i32 to index
    %swap3A_1090 = arith.constant 80 : index
    %swap3A_1091 = tpu.vector_load %arg6[%swap3A_1089, %swap3A_1090] {strides = array<i32>} : memref<16x128xi32, #tpu.memory_space<vmem>>, vector<1x16xi32>,
    %swap3A_1092 = vector.shape_cast %swap3A_1091 : vector<1x16xi32> to vector<16xi32>
    %swap3A_1093 = vector.shape_cast %get3A_1087 : vector<16xi32> to vector<1x16xi32>
    tpu.vector_store %arg6[%swap3A_1089, %swap3A_1090], %swap3A_1093 {strides = array<i32>} : memref<16x128xi32, #tpu.memory_space<vmem>>, vector<1x16xi32>,
    %get3A_1094 = arith.constant 864 : index
    %get3A_1095 = tpu.vector_load %arg5[%get3A_1094] {strides = array<i32>} : memref<2048xi32, #tpu.memory_space<vmem>>, vector<16xi32>,
    %get3A_1096 = vector.shape_cast %get3A_1095 : vector<16xi32> to vector<16xi32>
    %swap3A_1097 = arith.constant 6 : i32
    %swap3A_1098 = arith.index_cast %swap3A_1097 : i32 to index
    %swap3A_1099 = arith.constant 96 : index
    %swap3A_1100 = tpu.vector_load %arg6[%swap3A_1098, %swap3A_1099] {strides = array<i32>} : memref<16x128xi32, #tpu.memory_space<vmem>>, vector<1x16xi32>,
    %swap3A_1101 = vector.shape_cast %swap3A_1100 : vector<1x16xi32> to vector<16xi32>
    %swap3A_1102 = vector.shape_cast %get3A_1096 : vector<16xi32> to vector<1x16xi32>
    tpu.vector_store %arg6[%swap3A_1098, %swap3A_1099], %swap3A_1102 {strides = array<i32>} : memref<16x128xi32, #tpu.memory_space<vmem>>, vector<1x16xi32>,
    %get3A_1103 = arith.constant 880 : index
    %get3A_1104 = tpu.vector_load %arg5[%get3A_1103] {strides = array<i32>} : memref<2048xi32, #tpu.memory_space<vmem>>, vector<16xi32>,
    %get3A_1105 = vector.shape_cast %get3A_1104 : vector<16xi32> to vector<16xi32>
    %swap3A_1106 = arith.constant 6 : i32
    %swap3A_1107 = arith.index_cast %swap3A_1106 : i32 to index
    %swap3A_1108 = arith.constant 112 : index
    %swap3A_1109 = tpu.vector_load %arg6[%swap3A_1107, %swap3A_1108] {strides = array<i32>} : memref<16x128xi32, #tpu.memory_space<vmem>>, vector<1x16xi32>,
    %swap3A_1110 = vector.shape_cast %swap3A_1109 : vector<1x16xi32> to vector<16xi32>
    %swap3A_1111 = vector.shape_cast %get3A_1105 : vector<16xi32> to vector<1x16xi32>
    tpu.vector_store %arg6[%swap3A_1107, %swap3A_1108], %swap3A_1111 {strides = array<i32>} : memref<16x128xi32, #tpu.memory_space<vmem>>, vector<1x16xi32>,
    %get3A_1112 = arith.constant 896 : index
    %get3A_1113 = tpu.vector_load %arg5[%get3A_1112] {strides = array<i32>} : memref<2048xi32, #tpu.memory_space<vmem>>, vector<16xi32>,
    %get3A_1114 = vector.shape_cast %get3A_1113 : vector<16xi32> to vector<16xi32>
    %swap3A_1115 = arith.constant 7 : i32
    %swap3A_1116 = arith.index_cast %swap3A_1115 : i32 to index
    %swap3A_1117 = arith.constant 0 : index
    %swap3A_1118 = tpu.vector_load %arg6[%swap3A_1116, %swap3A_1117] {strides = array<i32>} : memref<16x128xi32, #tpu.memory_space<vmem>>, vector<1x16xi32>,
    %swap3A_1119 = vector.shape_cast %swap3A_1118 : vector<1x16xi32> to vector<16xi32>
    %swap3A_1120 = vector.shape_cast %get3A_1114 : vector<16xi32> to vector<1x16xi32>
    tpu.vector_store %arg6[%swap3A_1116, %swap3A_1117], %swap3A_1120 {strides = array<i32>} : memref<16x128xi32, #tpu.memory_space<vmem>>, vector<1x16xi32>,
    %get3A_1121 = arith.constant 912 : index
    %get3A_1122 = tpu.vector_load %arg5[%get3A_1121] {strides = array<i32>} : memref<2048xi32, #tpu.memory_space<vmem>>, vector<16xi32>,
    %get3A_1123 = vector.shape_cast %get3A_1122 : vector<16xi32> to vector<16xi32>
    %swap3A_1124 = arith.constant 7 : i32
    %swap3A_1125 = arith.index_cast %swap3A_1124 : i32 to index
    %swap3A_1126 = arith.constant 16 : index
    %swap3A_1127 = tpu.vector_load %arg6[%swap3A_1125, %swap3A_1126] {strides = array<i32>} : memref<16x128xi32, #tpu.memory_space<vmem>>, vector<1x16xi32>,
    %swap3A_1128 = vector.shape_cast %swap3A_1127 : vector<1x16xi32> to vector<16xi32>
    %swap3A_1129 = vector.shape_cast %get3A_1123 : vector<16xi32> to vector<1x16xi32>
    tpu.vector_store %arg6[%swap3A_1125, %swap3A_1126], %swap3A_1129 {strides = array<i32>} : memref<16x128xi32, #tpu.memory_space<vmem>>, vector<1x16xi32>,
    %get3A_1130 = arith.constant 928 : index
    %get3A_1131 = tpu.vector_load %arg5[%get3A_1130] {strides = array<i32>} : memref<2048xi32, #tpu.memory_space<vmem>>, vector<16xi32>,
    %get3A_1132 = vector.shape_cast %get3A_1131 : vector<16xi32> to vector<16xi32>
    %swap3A_1133 = arith.constant 7 : i32
    %swap3A_1134 = arith.index_cast %swap3A_1133 : i32 to index
    %swap3A_1135 = arith.constant 32 : index
    %swap3A_1136 = tpu.vector_load %arg6[%swap3A_1134, %swap3A_1135] {strides = array<i32>} : memref<16x128xi32, #tpu.memory_space<vmem>>, vector<1x16xi32>,
    %swap3A_1137 = vector.shape_cast %swap3A_1136 : vector<1x16xi32> to vector<16xi32>
    %swap3A_1138 = vector.shape_cast %get3A_1132 : vector<16xi32> to vector<1x16xi32>
    tpu.vector_store %arg6[%swap3A_1134, %swap3A_1135], %swap3A_1138 {strides = array<i32>} : memref<16x128xi32, #tpu.memory_space<vmem>>, vector<1x16xi32>,
    %get3A_1139 = arith.constant 944 : index
    %get3A_1140 = tpu.vector_load %arg5[%get3A_1139] {strides = array<i32>} : memref<2048xi32, #tpu.memory_space<vmem>>, vector<16xi32>,
    %get3A_1141 = vector.shape_cast %get3A_1140 : vector<16xi32> to vector<16xi32>
    %swap3A_1142 = arith.constant 7 : i32
    %swap3A_1143 = arith.index_cast %swap3A_1142 : i32 to index
    %swap3A_1144 = arith.constant 48 : index
    %swap3A_1145 = tpu.vector_load %arg6[%swap3A_1143, %swap3A_1144] {strides = array<i32>} : memref<16x128xi32, #tpu.memory_space<vmem>>, vector<1x16xi32>,
    %swap3A_1146 = vector.shape_cast %swap3A_1145 : vector<1x16xi32> to vector<16xi32>
    %swap3A_1147 = vector.shape_cast %get3A_1141 : vector<16xi32> to vector<1x16xi32>
    tpu.vector_store %arg6[%swap3A_1143, %swap3A_1144], %swap3A_1147 {strides = array<i32>} : memref<16x128xi32, #tpu.memory_space<vmem>>, vector<1x16xi32>,
    %get3A_1148 = arith.constant 960 : index
    %get3A_1149 = tpu.vector_load %arg5[%get3A_1148] {strides = array<i32>} : memref<2048xi32, #tpu.memory_space<vmem>>, vector<16xi32>,
    %get3A_1150 = vector.shape_cast %get3A_1149 : vector<16xi32> to vector<16xi32>
    %swap3A_1151 = arith.constant 7 : i32
    %swap3A_1152 = arith.index_cast %swap3A_1151 : i32 to index
    %swap3A_1153 = arith.constant 64 : index
    %swap3A_1154 = tpu.vector_load %arg6[%swap3A_1152, %swap3A_1153] {strides = array<i32>} : memref<16x128xi32, #tpu.memory_space<vmem>>, vector<1x16xi32>,
    %swap3A_1155 = vector.shape_cast %swap3A_1154 : vector<1x16xi32> to vector<16xi32>
    %swap3A_1156 = vector.shape_cast %get3A_1150 : vector<16xi32> to vector<1x16xi32>
    tpu.vector_store %arg6[%swap3A_1152, %swap3A_1153], %swap3A_1156 {strides = array<i32>} : memref<16x128xi32, #tpu.memory_space<vmem>>, vector<1x16xi32>,
    %get3A_1157 = arith.constant 976 : index
    %get3A_1158 = tpu.vector_load %arg5[%get3A_1157] {strides = array<i32>} : memref<2048xi32, #tpu.memory_space<vmem>>, vector<16xi32>,
    %get3A_1159 = vector.shape_cast %get3A_1158 : vector<16xi32> to vector<16xi32>
    %swap3A_1160 = arith.constant 7 : i32
    %swap3A_1161 = arith.index_cast %swap3A_1160 : i32 to index
    %swap3A_1162 = arith.constant 80 : index
    %swap3A_1163 = tpu.vector_load %arg6[%swap3A_1161, %swap3A_1162] {strides = array<i32>} : memref<16x128xi32, #tpu.memory_space<vmem>>, vector<1x16xi32>,
    %swap3A_1164 = vector.shape_cast %swap3A_1163 : vector<1x16xi32> to vector<16xi32>
    %swap3A_1165 = vector.shape_cast %get3A_1159 : vector<16xi32> to vector<1x16xi32>
    tpu.vector_store %arg6[%swap3A_1161, %swap3A_1162], %swap3A_1165 {strides = array<i32>} : memref<16x128xi32, #tpu.memory_space<vmem>>, vector<1x16xi32>,
    %get3A_1166 = arith.constant 992 : index
    %get3A_1167 = tpu.vector_load %arg5[%get3A_1166] {strides = array<i32>} : memref<2048xi32, #tpu.memory_space<vmem>>, vector<16xi32>,
    %get3A_1168 = vector.shape_cast %get3A_1167 : vector<16xi32> to vector<16xi32>
    %swap3A_1169 = arith.constant 7 : i32
    %swap3A_1170 = arith.index_cast %swap3A_1169 : i32 to index
    %swap3A_1171 = arith.constant 96 : index
    %swap3A_1172 = tpu.vector_load %arg6[%swap3A_1170, %swap3A_1171] {strides = array<i32>} : memref<16x128xi32, #tpu.memory_space<vmem>>, vector<1x16xi32>,
    %swap3A_1173 = vector.shape_cast %swap3A_1172 : vector<1x16xi32> to vector<16xi32>
    %swap3A_1174 = vector.shape_cast %get3A_1168 : vector<16xi32> to vector<1x16xi32>
    tpu.vector_store %arg6[%swap3A_1170, %swap3A_1171], %swap3A_1174 {strides = array<i32>} : memref<16x128xi32, #tpu.memory_space<vmem>>, vector<1x16xi32>,
    %get3A_1175 = arith.constant 1008 : index
    %get3A_1176 = tpu.vector_load %arg5[%get3A_1175] {strides = array<i32>} : memref<2048xi32, #tpu.memory_space<vmem>>, vector<16xi32>,
    %get3A_1177 = vector.shape_cast %get3A_1176 : vector<16xi32> to vector<16xi32>
    %swap3A_1178 = arith.constant 7 : i32
    %swap3A_1179 = arith.index_cast %swap3A_1178 : i32 to index
    %swap3A_1180 = arith.constant 112 : index
    %swap3A_1181 = tpu.vector_load %arg6[%swap3A_1179, %swap3A_1180] {strides = array<i32>} : memref<16x128xi32, #tpu.memory_space<vmem>>, vector<1x16xi32>,
    %swap3A_1182 = vector.shape_cast %swap3A_1181 : vector<1x16xi32> to vector<16xi32>
    %swap3A_1183 = vector.shape_cast %get3A_1177 : vector<16xi32> to vector<1x16xi32>
    tpu.vector_store %arg6[%swap3A_1179, %swap3A_1180], %swap3A_1183 {strides = array<i32>} : memref<16x128xi32, #tpu.memory_space<vmem>>, vector<1x16xi32>,
    %get3A_1184 = arith.constant 1024 : index
    %get3A_1185 = tpu.vector_load %arg5[%get3A_1184] {strides = array<i32>} : memref<2048xi32, #tpu.memory_space<vmem>>, vector<16xi32>,
    %get3A_1186 = vector.shape_cast %get3A_1185 : vector<16xi32> to vector<16xi32>
    %swap3A_1187 = arith.constant 8 : i32
    %swap3A_1188 = arith.index_cast %swap3A_1187 : i32 to index
    %swap3A_1189 = arith.constant 0 : index
    %swap3A_1190 = tpu.vector_load %arg6[%swap3A_1188, %swap3A_1189] {strides = array<i32>} : memref<16x128xi32, #tpu.memory_space<vmem>>, vector<1x16xi32>,
    %swap3A_1191 = vector.shape_cast %swap3A_1190 : vector<1x16xi32> to vector<16xi32>
    %swap3A_1192 = vector.shape_cast %get3A_1186 : vector<16xi32> to vector<1x16xi32>
    tpu.vector_store %arg6[%swap3A_1188, %swap3A_1189], %swap3A_1192 {strides = array<i32>} : memref<16x128xi32, #tpu.memory_space<vmem>>, vector<1x16xi32>,
    %get3A_1193 = arith.constant 1040 : index
    %get3A_1194 = tpu.vector_load %arg5[%get3A_1193] {strides = array<i32>} : memref<2048xi32, #tpu.memory_space<vmem>>, vector<16xi32>,
    %get3A_1195 = vector.shape_cast %get3A_1194 : vector<16xi32> to vector<16xi32>
    %swap3A_1196 = arith.constant 8 : i32
    %swap3A_1197 = arith.index_cast %swap3A_1196 : i32 to index
    %swap3A_1198 = arith.constant 16 : index
    %swap3A_1199 = tpu.vector_load %arg6[%swap3A_1197, %swap3A_1198] {strides = array<i32>} : memref<16x128xi32, #tpu.memory_space<vmem>>, vector<1x16xi32>,
    %swap3A_1200 = vector.shape_cast %swap3A_1199 : vector<1x16xi32> to vector<16xi32>
    %swap3A_1201 = vector.shape_cast %get3A_1195 : vector<16xi32> to vector<1x16xi32>
    tpu.vector_store %arg6[%swap3A_1197, %swap3A_1198], %swap3A_1201 {strides = array<i32>} : memref<16x128xi32, #tpu.memory_space<vmem>>, vector<1x16xi32>,
    %get3A_1202 = arith.constant 1056 : index
    %get3A_1203 = tpu.vector_load %arg5[%get3A_1202] {strides = array<i32>} : memref<2048xi32, #tpu.memory_space<vmem>>, vector<16xi32>,
    %get3A_1204 = vector.shape_cast %get3A_1203 : vector<16xi32> to vector<16xi32>
    %swap3A_1205 = arith.constant 8 : i32
    %swap3A_1206 = arith.index_cast %swap3A_1205 : i32 to index
    %swap3A_1207 = arith.constant 32 : index
    %swap3A_1208 = tpu.vector_load %arg6[%swap3A_1206, %swap3A_1207] {strides = array<i32>} : memref<16x128xi32, #tpu.memory_space<vmem>>, vector<1x16xi32>,
    %swap3A_1209 = vector.shape_cast %swap3A_1208 : vector<1x16xi32> to vector<16xi32>
    %swap3A_1210 = vector.shape_cast %get3A_1204 : vector<16xi32> to vector<1x16xi32>
    tpu.vector_store %arg6[%swap3A_1206, %swap3A_1207], %swap3A_1210 {strides = array<i32>} : memref<16x128xi32, #tpu.memory_space<vmem>>, vector<1x16xi32>,
    %get3A_1211 = arith.constant 1072 : index
    %get3A_1212 = tpu.vector_load %arg5[%get3A_1211] {strides = array<i32>} : memref<2048xi32, #tpu.memory_space<vmem>>, vector<16xi32>,
    %get3A_1213 = vector.shape_cast %get3A_1212 : vector<16xi32> to vector<16xi32>
    %swap3A_1214 = arith.constant 8 : i32
    %swap3A_1215 = arith.index_cast %swap3A_1214 : i32 to index
    %swap3A_1216 = arith.constant 48 : index
    %swap3A_1217 = tpu.vector_load %arg6[%swap3A_1215, %swap3A_1216] {strides = array<i32>} : memref<16x128xi32, #tpu.memory_space<vmem>>, vector<1x16xi32>,
    %swap3A_1218 = vector.shape_cast %swap3A_1217 : vector<1x16xi32> to vector<16xi32>
    %swap3A_1219 = vector.shape_cast %get3A_1213 : vector<16xi32> to vector<1x16xi32>
    tpu.vector_store %arg6[%swap3A_1215, %swap3A_1216], %swap3A_1219 {strides = array<i32>} : memref<16x128xi32, #tpu.memory_space<vmem>>, vector<1x16xi32>,
    %get3A_1220 = arith.constant 1088 : index
    %get3A_1221 = tpu.vector_load %arg5[%get3A_1220] {strides = array<i32>} : memref<2048xi32, #tpu.memory_space<vmem>>, vector<16xi32>,
    %get3A_1222 = vector.shape_cast %get3A_1221 : vector<16xi32> to vector<16xi32>
    %swap3A_1223 = arith.constant 8 : i32
    %swap3A_1224 = arith.index_cast %swap3A_1223 : i32 to index
    %swap3A_1225 = arith.constant 64 : index
    %swap3A_1226 = tpu.vector_load %arg6[%swap3A_1224, %swap3A_1225] {strides = array<i32>} : memref<16x128xi32, #tpu.memory_space<vmem>>, vector<1x16xi32>,
    %swap3A_1227 = vector.shape_cast %swap3A_1226 : vector<1x16xi32> to vector<16xi32>
    %swap3A_1228 = vector.shape_cast %get3A_1222 : vector<16xi32> to vector<1x16xi32>
    tpu.vector_store %arg6[%swap3A_1224, %swap3A_1225], %swap3A_1228 {strides = array<i32>} : memref<16x128xi32, #tpu.memory_space<vmem>>, vector<1x16xi32>,
    %get3A_1229 = arith.constant 1104 : index
    %get3A_1230 = tpu.vector_load %arg5[%get3A_1229] {strides = array<i32>} : memref<2048xi32, #tpu.memory_space<vmem>>, vector<16xi32>,
    %get3A_1231 = vector.shape_cast %get3A_1230 : vector<16xi32> to vector<16xi32>
    %swap3A_1232 = arith.constant 8 : i32
    %swap3A_1233 = arith.index_cast %swap3A_1232 : i32 to index
    %swap3A_1234 = arith.constant 80 : index
    %swap3A_1235 = tpu.vector_load %arg6[%swap3A_1233, %swap3A_1234] {strides = array<i32>} : memref<16x128xi32, #tpu.memory_space<vmem>>, vector<1x16xi32>,
    %swap3A_1236 = vector.shape_cast %swap3A_1235 : vector<1x16xi32> to vector<16xi32>
    %swap3A_1237 = vector.shape_cast %get3A_1231 : vector<16xi32> to vector<1x16xi32>
    tpu.vector_store %arg6[%swap3A_1233, %swap3A_1234], %swap3A_1237 {strides = array<i32>} : memref<16x128xi32, #tpu.memory_space<vmem>>, vector<1x16xi32>,
    %get3A_1238 = arith.constant 1120 : index
    %get3A_1239 = tpu.vector_load %arg5[%get3A_1238] {strides = array<i32>} : memref<2048xi32, #tpu.memory_space<vmem>>, vector<16xi32>,
    %get3A_1240 = vector.shape_cast %get3A_1239 : vector<16xi32> to vector<16xi32>
    %swap3A_1241 = arith.constant 8 : i32
    %swap3A_1242 = arith.index_cast %swap3A_1241 : i32 to index
    %swap3A_1243 = arith.constant 96 : index
    %swap3A_1244 = tpu.vector_load %arg6[%swap3A_1242, %swap3A_1243] {strides = array<i32>} : memref<16x128xi32, #tpu.memory_space<vmem>>, vector<1x16xi32>,
    %swap3A_1245 = vector.shape_cast %swap3A_1244 : vector<1x16xi32> to vector<16xi32>
    %swap3A_1246 = vector.shape_cast %get3A_1240 : vector<16xi32> to vector<1x16xi32>
    tpu.vector_store %arg6[%swap3A_1242, %swap3A_1243], %swap3A_1246 {strides = array<i32>} : memref<16x128xi32, #tpu.memory_space<vmem>>, vector<1x16xi32>,
    %get3A_1247 = arith.constant 1136 : index
    %get3A_1248 = tpu.vector_load %arg5[%get3A_1247] {strides = array<i32>} : memref<2048xi32, #tpu.memory_space<vmem>>, vector<16xi32>,
    %get3A_1249 = vector.shape_cast %get3A_1248 : vector<16xi32> to vector<16xi32>
    %swap3A_1250 = arith.constant 8 : i32
    %swap3A_1251 = arith.index_cast %swap3A_1250 : i32 to index
    %swap3A_1252 = arith.constant 112 : index
    %swap3A_1253 = tpu.vector_load %arg6[%swap3A_1251, %swap3A_1252] {strides = array<i32>} : memref<16x128xi32, #tpu.memory_space<vmem>>, vector<1x16xi32>,
    %swap3A_1254 = vector.shape_cast %swap3A_1253 : vector<1x16xi32> to vector<16xi32>
    %swap3A_1255 = vector.shape_cast %get3A_1249 : vector<16xi32> to vector<1x16xi32>
    tpu.vector_store %arg6[%swap3A_1251, %swap3A_1252], %swap3A_1255 {strides = array<i32>} : memref<16x128xi32, #tpu.memory_space<vmem>>, vector<1x16xi32>,
    %get3A_1256 = arith.constant 1152 : index
    %get3A_1257 = tpu.vector_load %arg5[%get3A_1256] {strides = array<i32>} : memref<2048xi32, #tpu.memory_space<vmem>>, vector<16xi32>,
    %get3A_1258 = vector.shape_cast %get3A_1257 : vector<16xi32> to vector<16xi32>
    %swap3A_1259 = arith.constant 9 : i32
    %swap3A_1260 = arith.index_cast %swap3A_1259 : i32 to index
    %swap3A_1261 = arith.constant 0 : index
    %swap3A_1262 = tpu.vector_load %arg6[%swap3A_1260, %swap3A_1261] {strides = array<i32>} : memref<16x128xi32, #tpu.memory_space<vmem>>, vector<1x16xi32>,
    %swap3A_1263 = vector.shape_cast %swap3A_1262 : vector<1x16xi32> to vector<16xi32>
    %swap3A_1264 = vector.shape_cast %get3A_1258 : vector<16xi32> to vector<1x16xi32>
    tpu.vector_store %arg6[%swap3A_1260, %swap3A_1261], %swap3A_1264 {strides = array<i32>} : memref<16x128xi32, #tpu.memory_space<vmem>>, vector<1x16xi32>,
    %get3A_1265 = arith.constant 1168 : index
    %get3A_1266 = tpu.vector_load %arg5[%get3A_1265] {strides = array<i32>} : memref<2048xi32, #tpu.memory_space<vmem>>, vector<16xi32>,
    %get3A_1267 = vector.shape_cast %get3A_1266 : vector<16xi32> to vector<16xi32>
    %swap3A_1268 = arith.constant 9 : i32
    %swap3A_1269 = arith.index_cast %swap3A_1268 : i32 to index
    %swap3A_1270 = arith.constant 16 : index
    %swap3A_1271 = tpu.vector_load %arg6[%swap3A_1269, %swap3A_1270] {strides = array<i32>} : memref<16x128xi32, #tpu.memory_space<vmem>>, vector<1x16xi32>,
    %swap3A_1272 = vector.shape_cast %swap3A_1271 : vector<1x16xi32> to vector<16xi32>
    %swap3A_1273 = vector.shape_cast %get3A_1267 : vector<16xi32> to vector<1x16xi32>
    tpu.vector_store %arg6[%swap3A_1269, %swap3A_1270], %swap3A_1273 {strides = array<i32>} : memref<16x128xi32, #tpu.memory_space<vmem>>, vector<1x16xi32>,
    %get3A_1274 = arith.constant 1184 : index
    %get3A_1275 = tpu.vector_load %arg5[%get3A_1274] {strides = array<i32>} : memref<2048xi32, #tpu.memory_space<vmem>>, vector<16xi32>,
    %get3A_1276 = vector.shape_cast %get3A_1275 : vector<16xi32> to vector<16xi32>
    %swap3A_1277 = arith.constant 9 : i32
    %swap3A_1278 = arith.index_cast %swap3A_1277 : i32 to index
    %swap3A_1279 = arith.constant 32 : index
    %swap3A_1280 = tpu.vector_load %arg6[%swap3A_1278, %swap3A_1279] {strides = array<i32>} : memref<16x128xi32, #tpu.memory_space<vmem>>, vector<1x16xi32>,
    %swap3A_1281 = vector.shape_cast %swap3A_1280 : vector<1x16xi32> to vector<16xi32>
    %swap3A_1282 = vector.shape_cast %get3A_1276 : vector<16xi32> to vector<1x16xi32>
    tpu.vector_store %arg6[%swap3A_1278, %swap3A_1279], %swap3A_1282 {strides = array<i32>} : memref<16x128xi32, #tpu.memory_space<vmem>>, vector<1x16xi32>,
    %get3A_1283 = arith.constant 1200 : index
    %get3A_1284 = tpu.vector_load %arg5[%get3A_1283] {strides = array<i32>} : memref<2048xi32, #tpu.memory_space<vmem>>, vector<16xi32>,
    %get3A_1285 = vector.shape_cast %get3A_1284 : vector<16xi32> to vector<16xi32>
    %swap3A_1286 = arith.constant 9 : i32
    %swap3A_1287 = arith.index_cast %swap3A_1286 : i32 to index
    %swap3A_1288 = arith.constant 48 : index
    %swap3A_1289 = tpu.vector_load %arg6[%swap3A_1287, %swap3A_1288] {strides = array<i32>} : memref<16x128xi32, #tpu.memory_space<vmem>>, vector<1x16xi32>,
    %swap3A_1290 = vector.shape_cast %swap3A_1289 : vector<1x16xi32> to vector<16xi32>
    %swap3A_1291 = vector.shape_cast %get3A_1285 : vector<16xi32> to vector<1x16xi32>
    tpu.vector_store %arg6[%swap3A_1287, %swap3A_1288], %swap3A_1291 {strides = array<i32>} : memref<16x128xi32, #tpu.memory_space<vmem>>, vector<1x16xi32>,
    %get3A_1292 = arith.constant 1216 : index
    %get3A_1293 = tpu.vector_load %arg5[%get3A_1292] {strides = array<i32>} : memref<2048xi32, #tpu.memory_space<vmem>>, vector<16xi32>,
    %get3A_1294 = vector.shape_cast %get3A_1293 : vector<16xi32> to vector<16xi32>
    %swap3A_1295 = arith.constant 9 : i32
    %swap3A_1296 = arith.index_cast %swap3A_1295 : i32 to index
    %swap3A_1297 = arith.constant 64 : index
    %swap3A_1298 = tpu.vector_load %arg6[%swap3A_1296, %swap3A_1297] {strides = array<i32>} : memref<16x128xi32, #tpu.memory_space<vmem>>, vector<1x16xi32>,
    %swap3A_1299 = vector.shape_cast %swap3A_1298 : vector<1x16xi32> to vector<16xi32>
    %swap3A_1300 = vector.shape_cast %get3A_1294 : vector<16xi32> to vector<1x16xi32>
    tpu.vector_store %arg6[%swap3A_1296, %swap3A_1297], %swap3A_1300 {strides = array<i32>} : memref<16x128xi32, #tpu.memory_space<vmem>>, vector<1x16xi32>,
    %get3A_1301 = arith.constant 1232 : index
    %get3A_1302 = tpu.vector_load %arg5[%get3A_1301] {strides = array<i32>} : memref<2048xi32, #tpu.memory_space<vmem>>, vector<16xi32>,
    %get3A_1303 = vector.shape_cast %get3A_1302 : vector<16xi32> to vector<16xi32>
    %swap3A_1304 = arith.constant 9 : i32
    %swap3A_1305 = arith.index_cast %swap3A_1304 : i32 to index
    %swap3A_1306 = arith.constant 80 : index
    %swap3A_1307 = tpu.vector_load %arg6[%swap3A_1305, %swap3A_1306] {strides = array<i32>} : memref<16x128xi32, #tpu.memory_space<vmem>>, vector<1x16xi32>,
    %swap3A_1308 = vector.shape_cast %swap3A_1307 : vector<1x16xi32> to vector<16xi32>
    %swap3A_1309 = vector.shape_cast %get3A_1303 : vector<16xi32> to vector<1x16xi32>
    tpu.vector_store %arg6[%swap3A_1305, %swap3A_1306], %swap3A_1309 {strides = array<i32>} : memref<16x128xi32, #tpu.memory_space<vmem>>, vector<1x16xi32>,
    %get3A_1310 = arith.constant 1248 : index
    %get3A_1311 = tpu.vector_load %arg5[%get3A_1310] {strides = array<i32>} : memref<2048xi32, #tpu.memory_space<vmem>>, vector<16xi32>,
    %get3A_1312 = vector.shape_cast %get3A_1311 : vector<16xi32> to vector<16xi32>
    %swap3A_1313 = arith.constant 9 : i32
    %swap3A_1314 = arith.index_cast %swap3A_1313 : i32 to index
    %swap3A_1315 = arith.constant 96 : index
    %swap3A_1316 = tpu.vector_load %arg6[%swap3A_1314, %swap3A_1315] {strides = array<i32>} : memref<16x128xi32, #tpu.memory_space<vmem>>, vector<1x16xi32>,
    %swap3A_1317 = vector.shape_cast %swap3A_1316 : vector<1x16xi32> to vector<16xi32>
    %swap3A_1318 = vector.shape_cast %get3A_1312 : vector<16xi32> to vector<1x16xi32>
    tpu.vector_store %arg6[%swap3A_1314, %swap3A_1315], %swap3A_1318 {strides = array<i32>} : memref<16x128xi32, #tpu.memory_space<vmem>>, vector<1x16xi32>,
    %get3A_1319 = arith.constant 1264 : index
    %get3A_1320 = tpu.vector_load %arg5[%get3A_1319] {strides = array<i32>} : memref<2048xi32, #tpu.memory_space<vmem>>, vector<16xi32>,
    %get3A_1321 = vector.shape_cast %get3A_1320 : vector<16xi32> to vector<16xi32>
    %swap3A_1322 = arith.constant 9 : i32
    %swap3A_1323 = arith.index_cast %swap3A_1322 : i32 to index
    %swap3A_1324 = arith.constant 112 : index
    %swap3A_1325 = tpu.vector_load %arg6[%swap3A_1323, %swap3A_1324] {strides = array<i32>} : memref<16x128xi32, #tpu.memory_space<vmem>>, vector<1x16xi32>,
    %swap3A_1326 = vector.shape_cast %swap3A_1325 : vector<1x16xi32> to vector<16xi32>
    %swap3A_1327 = vector.shape_cast %get3A_1321 : vector<16xi32> to vector<1x16xi32>
    tpu.vector_store %arg6[%swap3A_1323, %swap3A_1324], %swap3A_1327 {strides = array<i32>} : memref<16x128xi32, #tpu.memory_space<vmem>>, vector<1x16xi32>,
    %get3A_1328 = arith.constant 1280 : index
    %get3A_1329 = tpu.vector_load %arg5[%get3A_1328] {strides = array<i32>} : memref<2048xi32, #tpu.memory_space<vmem>>, vector<16xi32>,
    %get3A_1330 = vector.shape_cast %get3A_1329 : vector<16xi32> to vector<16xi32>
    %swap3A_1331 = arith.constant 10 : i32
    %swap3A_1332 = arith.index_cast %swap3A_1331 : i32 to index
    %swap3A_1333 = arith.constant 0 : index
    %swap3A_1334 = tpu.vector_load %arg6[%swap3A_1332, %swap3A_1333] {strides = array<i32>} : memref<16x128xi32, #tpu.memory_space<vmem>>, vector<1x16xi32>,
    %swap3A_1335 = vector.shape_cast %swap3A_1334 : vector<1x16xi32> to vector<16xi32>
    %swap3A_1336 = vector.shape_cast %get3A_1330 : vector<16xi32> to vector<1x16xi32>
    tpu.vector_store %arg6[%swap3A_1332, %swap3A_1333], %swap3A_1336 {strides = array<i32>} : memref<16x128xi32, #tpu.memory_space<vmem>>, vector<1x16xi32>,
    %get3A_1337 = arith.constant 1296 : index
    %get3A_1338 = tpu.vector_load %arg5[%get3A_1337] {strides = array<i32>} : memref<2048xi32, #tpu.memory_space<vmem>>, vector<16xi32>,
    %get3A_1339 = vector.shape_cast %get3A_1338 : vector<16xi32> to vector<16xi32>
    %swap3A_1340 = arith.constant 10 : i32
    %swap3A_1341 = arith.index_cast %swap3A_1340 : i32 to index
    %swap3A_1342 = arith.constant 16 : index
    %swap3A_1343 = tpu.vector_load %arg6[%swap3A_1341, %swap3A_1342] {strides = array<i32>} : memref<16x128xi32, #tpu.memory_space<vmem>>, vector<1x16xi32>,
    %swap3A_1344 = vector.shape_cast %swap3A_1343 : vector<1x16xi32> to vector<16xi32>
    %swap3A_1345 = vector.shape_cast %get3A_1339 : vector<16xi32> to vector<1x16xi32>
    tpu.vector_store %arg6[%swap3A_1341, %swap3A_1342], %swap3A_1345 {strides = array<i32>} : memref<16x128xi32, #tpu.memory_space<vmem>>, vector<1x16xi32>,
    %get3A_1346 = arith.constant 1312 : index
    %get3A_1347 = tpu.vector_load %arg5[%get3A_1346] {strides = array<i32>} : memref<2048xi32, #tpu.memory_space<vmem>>, vector<16xi32>,
    %get3A_1348 = vector.shape_cast %get3A_1347 : vector<16xi32> to vector<16xi32>
    %swap3A_1349 = arith.constant 10 : i32
    %swap3A_1350 = arith.index_cast %swap3A_1349 : i32 to index
    %swap3A_1351 = arith.constant 32 : index
    %swap3A_1352 = tpu.vector_load %arg6[%swap3A_1350, %swap3A_1351] {strides = array<i32>} : memref<16x128xi32, #tpu.memory_space<vmem>>, vector<1x16xi32>,
    %swap3A_1353 = vector.shape_cast %swap3A_1352 : vector<1x16xi32> to vector<16xi32>
    %swap3A_1354 = vector.shape_cast %get3A_1348 : vector<16xi32> to vector<1x16xi32>
    tpu.vector_store %arg6[%swap3A_1350, %swap3A_1351], %swap3A_1354 {strides = array<i32>} : memref<16x128xi32, #tpu.memory_space<vmem>>, vector<1x16xi32>,
    %get3A_1355 = arith.constant 1328 : index
    %get3A_1356 = tpu.vector_load %arg5[%get3A_1355] {strides = array<i32>} : memref<2048xi32, #tpu.memory_space<vmem>>, vector<16xi32>,
    %get3A_1357 = vector.shape_cast %get3A_1356 : vector<16xi32> to vector<16xi32>
    %swap3A_1358 = arith.constant 10 : i32
    %swap3A_1359 = arith.index_cast %swap3A_1358 : i32 to index
    %swap3A_1360 = arith.constant 48 : index
    %swap3A_1361 = tpu.vector_load %arg6[%swap3A_1359, %swap3A_1360] {strides = array<i32>} : memref<16x128xi32, #tpu.memory_space<vmem>>, vector<1x16xi32>,
    %swap3A_1362 = vector.shape_cast %swap3A_1361 : vector<1x16xi32> to vector<16xi32>
    %swap3A_1363 = vector.shape_cast %get3A_1357 : vector<16xi32> to vector<1x16xi32>
    tpu.vector_store %arg6[%swap3A_1359, %swap3A_1360], %swap3A_1363 {strides = array<i32>} : memref<16x128xi32, #tpu.memory_space<vmem>>, vector<1x16xi32>,
    %get3A_1364 = arith.constant 1344 : index
    %get3A_1365 = tpu.vector_load %arg5[%get3A_1364] {strides = array<i32>} : memref<2048xi32, #tpu.memory_space<vmem>>, vector<16xi32>,
    %get3A_1366 = vector.shape_cast %get3A_1365 : vector<16xi32> to vector<16xi32>
    %swap3A_1367 = arith.constant 10 : i32
    %swap3A_1368 = arith.index_cast %swap3A_1367 : i32 to index
    %swap3A_1369 = arith.constant 64 : index
    %swap3A_1370 = tpu.vector_load %arg6[%swap3A_1368, %swap3A_1369] {strides = array<i32>} : memref<16x128xi32, #tpu.memory_space<vmem>>, vector<1x16xi32>,
    %swap3A_1371 = vector.shape_cast %swap3A_1370 : vector<1x16xi32> to vector<16xi32>
    %swap3A_1372 = vector.shape_cast %get3A_1366 : vector<16xi32> to vector<1x16xi32>
    tpu.vector_store %arg6[%swap3A_1368, %swap3A_1369], %swap3A_1372 {strides = array<i32>} : memref<16x128xi32, #tpu.memory_space<vmem>>, vector<1x16xi32>,
    %get3A_1373 = arith.constant 1360 : index
    %get3A_1374 = tpu.vector_load %arg5[%get3A_1373] {strides = array<i32>} : memref<2048xi32, #tpu.memory_space<vmem>>, vector<16xi32>,
    %get3A_1375 = vector.shape_cast %get3A_1374 : vector<16xi32> to vector<16xi32>
    %swap3A_1376 = arith.constant 10 : i32
    %swap3A_1377 = arith.index_cast %swap3A_1376 : i32 to index
    %swap3A_1378 = arith.constant 80 : index
    %swap3A_1379 = tpu.vector_load %arg6[%swap3A_1377, %swap3A_1378] {strides = array<i32>} : memref<16x128xi32, #tpu.memory_space<vmem>>, vector<1x16xi32>,
    %swap3A_1380 = vector.shape_cast %swap3A_1379 : vector<1x16xi32> to vector<16xi32>
    %swap3A_1381 = vector.shape_cast %get3A_1375 : vector<16xi32> to vector<1x16xi32>
    tpu.vector_store %arg6[%swap3A_1377, %swap3A_1378], %swap3A_1381 {strides = array<i32>} : memref<16x128xi32, #tpu.memory_space<vmem>>, vector<1x16xi32>,
    %get3A_1382 = arith.constant 1376 : index
    %get3A_1383 = tpu.vector_load %arg5[%get3A_1382] {strides = array<i32>} : memref<2048xi32, #tpu.memory_space<vmem>>, vector<16xi32>,
    %get3A_1384 = vector.shape_cast %get3A_1383 : vector<16xi32> to vector<16xi32>
    %swap3A_1385 = arith.constant 10 : i32
    %swap3A_1386 = arith.index_cast %swap3A_1385 : i32 to index
    %swap3A_1387 = arith.constant 96 : index
    %swap3A_1388 = tpu.vector_load %arg6[%swap3A_1386, %swap3A_1387] {strides = array<i32>} : memref<16x128xi32, #tpu.memory_space<vmem>>, vector<1x16xi32>,
    %swap3A_1389 = vector.shape_cast %swap3A_1388 : vector<1x16xi32> to vector<16xi32>
    %swap3A_1390 = vector.shape_cast %get3A_1384 : vector<16xi32> to vector<1x16xi32>
    tpu.vector_store %arg6[%swap3A_1386, %swap3A_1387], %swap3A_1390 {strides = array<i32>} : memref<16x128xi32, #tpu.memory_space<vmem>>, vector<1x16xi32>,
    %get3A_1391 = arith.constant 1392 : index
    %get3A_1392 = tpu.vector_load %arg5[%get3A_1391] {strides = array<i32>} : memref<2048xi32, #tpu.memory_space<vmem>>, vector<16xi32>,
    %get3A_1393 = vector.shape_cast %get3A_1392 : vector<16xi32> to vector<16xi32>
    %swap3A_1394 = arith.constant 10 : i32
    %swap3A_1395 = arith.index_cast %swap3A_1394 : i32 to index
    %swap3A_1396 = arith.constant 112 : index
    %swap3A_1397 = tpu.vector_load %arg6[%swap3A_1395, %swap3A_1396] {strides = array<i32>} : memref<16x128xi32, #tpu.memory_space<vmem>>, vector<1x16xi32>,
    %swap3A_1398 = vector.shape_cast %swap3A_1397 : vector<1x16xi32> to vector<16xi32>
    %swap3A_1399 = vector.shape_cast %get3A_1393 : vector<16xi32> to vector<1x16xi32>
    tpu.vector_store %arg6[%swap3A_1395, %swap3A_1396], %swap3A_1399 {strides = array<i32>} : memref<16x128xi32, #tpu.memory_space<vmem>>, vector<1x16xi32>,
    %get3A_1400 = arith.constant 1408 : index
    %get3A_1401 = tpu.vector_load %arg5[%get3A_1400] {strides = array<i32>} : memref<2048xi32, #tpu.memory_space<vmem>>, vector<16xi32>,
    %get3A_1402 = vector.shape_cast %get3A_1401 : vector<16xi32> to vector<16xi32>
    %swap3A_1403 = arith.constant 11 : i32
    %swap3A_1404 = arith.index_cast %swap3A_1403 : i32 to index
    %swap3A_1405 = arith.constant 0 : index
    %swap3A_1406 = tpu.vector_load %arg6[%swap3A_1404, %swap3A_1405] {strides = array<i32>} : memref<16x128xi32, #tpu.memory_space<vmem>>, vector<1x16xi32>,
    %swap3A_1407 = vector.shape_cast %swap3A_1406 : vector<1x16xi32> to vector<16xi32>
    %swap3A_1408 = vector.shape_cast %get3A_1402 : vector<16xi32> to vector<1x16xi32>
    tpu.vector_store %arg6[%swap3A_1404, %swap3A_1405], %swap3A_1408 {strides = array<i32>} : memref<16x128xi32, #tpu.memory_space<vmem>>, vector<1x16xi32>,
    %get3A_1409 = arith.constant 1424 : index
    %get3A_1410 = tpu.vector_load %arg5[%get3A_1409] {strides = array<i32>} : memref<2048xi32, #tpu.memory_space<vmem>>, vector<16xi32>,
    %get3A_1411 = vector.shape_cast %get3A_1410 : vector<16xi32> to vector<16xi32>
    %swap3A_1412 = arith.constant 11 : i32
    %swap3A_1413 = arith.index_cast %swap3A_1412 : i32 to index
    %swap3A_1414 = arith.constant 16 : index
    %swap3A_1415 = tpu.vector_load %arg6[%swap3A_1413, %swap3A_1414] {strides = array<i32>} : memref<16x128xi32, #tpu.memory_space<vmem>>, vector<1x16xi32>,
    %swap3A_1416 = vector.shape_cast %swap3A_1415 : vector<1x16xi32> to vector<16xi32>
    %swap3A_1417 = vector.shape_cast %get3A_1411 : vector<16xi32> to vector<1x16xi32>
    tpu.vector_store %arg6[%swap3A_1413, %swap3A_1414], %swap3A_1417 {strides = array<i32>} : memref<16x128xi32, #tpu.memory_space<vmem>>, vector<1x16xi32>,
    %get3A_1418 = arith.constant 1440 : index
    %get3A_1419 = tpu.vector_load %arg5[%get3A_1418] {strides = array<i32>} : memref<2048xi32, #tpu.memory_space<vmem>>, vector<16xi32>,
    %get3A_1420 = vector.shape_cast %get3A_1419 : vector<16xi32> to vector<16xi32>
    %swap3A_1421 = arith.constant 11 : i32
    %swap3A_1422 = arith.index_cast %swap3A_1421 : i32 to index
    %swap3A_1423 = arith.constant 32 : index
    %swap3A_1424 = tpu.vector_load %arg6[%swap3A_1422, %swap3A_1423] {strides = array<i32>} : memref<16x128xi32, #tpu.memory_space<vmem>>, vector<1x16xi32>,
    %swap3A_1425 = vector.shape_cast %swap3A_1424 : vector<1x16xi32> to vector<16xi32>
    %swap3A_1426 = vector.shape_cast %get3A_1420 : vector<16xi32> to vector<1x16xi32>
    tpu.vector_store %arg6[%swap3A_1422, %swap3A_1423], %swap3A_1426 {strides = array<i32>} : memref<16x128xi32, #tpu.memory_space<vmem>>, vector<1x16xi32>,
    %get3A_1427 = arith.constant 1456 : index
    %get3A_1428 = tpu.vector_load %arg5[%get3A_1427] {strides = array<i32>} : memref<2048xi32, #tpu.memory_space<vmem>>, vector<16xi32>,
    %get3A_1429 = vector.shape_cast %get3A_1428 : vector<16xi32> to vector<16xi32>
    %swap3A_1430 = arith.constant 11 : i32
    %swap3A_1431 = arith.index_cast %swap3A_1430 : i32 to index
    %swap3A_1432 = arith.constant 48 : index
    %swap3A_1433 = tpu.vector_load %arg6[%swap3A_1431, %swap3A_1432] {strides = array<i32>} : memref<16x128xi32, #tpu.memory_space<vmem>>, vector<1x16xi32>,
    %swap3A_1434 = vector.shape_cast %swap3A_1433 : vector<1x16xi32> to vector<16xi32>
    %swap3A_1435 = vector.shape_cast %get3A_1429 : vector<16xi32> to vector<1x16xi32>
    tpu.vector_store %arg6[%swap3A_1431, %swap3A_1432], %swap3A_1435 {strides = array<i32>} : memref<16x128xi32, #tpu.memory_space<vmem>>, vector<1x16xi32>,
    %get3A_1436 = arith.constant 1472 : index
    %get3A_1437 = tpu.vector_load %arg5[%get3A_1436] {strides = array<i32>} : memref<2048xi32, #tpu.memory_space<vmem>>, vector<16xi32>,
    %get3A_1438 = vector.shape_cast %get3A_1437 : vector<16xi32> to vector<16xi32>
    %swap3A_1439 = arith.constant 11 : i32
    %swap3A_1440 = arith.index_cast %swap3A_1439 : i32 to index
    %swap3A_1441 = arith.constant 64 : index
    %swap3A_1442 = tpu.vector_load %arg6[%swap3A_1440, %swap3A_1441] {strides = array<i32>} : memref<16x128xi32, #tpu.memory_space<vmem>>, vector<1x16xi32>,
    %swap3A_1443 = vector.shape_cast %swap3A_1442 : vector<1x16xi32> to vector<16xi32>
    %swap3A_1444 = vector.shape_cast %get3A_1438 : vector<16xi32> to vector<1x16xi32>
    tpu.vector_store %arg6[%swap3A_1440, %swap3A_1441], %swap3A_1444 {strides = array<i32>} : memref<16x128xi32, #tpu.memory_space<vmem>>, vector<1x16xi32>,
    %get3A_1445 = arith.constant 1488 : index
    %get3A_1446 = tpu.vector_load %arg5[%get3A_1445] {strides = array<i32>} : memref<2048xi32, #tpu.memory_space<vmem>>, vector<16xi32>,
    %get3A_1447 = vector.shape_cast %get3A_1446 : vector<16xi32> to vector<16xi32>
    %swap3A_1448 = arith.constant 11 : i32
    %swap3A_1449 = arith.index_cast %swap3A_1448 : i32 to index
    %swap3A_1450 = arith.constant 80 : index
    %swap3A_1451 = tpu.vector_load %arg6[%swap3A_1449, %swap3A_1450] {strides = array<i32>} : memref<16x128xi32, #tpu.memory_space<vmem>>, vector<1x16xi32>,
    %swap3A_1452 = vector.shape_cast %swap3A_1451 : vector<1x16xi32> to vector<16xi32>
    %swap3A_1453 = vector.shape_cast %get3A_1447 : vector<16xi32> to vector<1x16xi32>
    tpu.vector_store %arg6[%swap3A_1449, %swap3A_1450], %swap3A_1453 {strides = array<i32>} : memref<16x128xi32, #tpu.memory_space<vmem>>, vector<1x16xi32>,
    %get3A_1454 = arith.constant 1504 : index
    %get3A_1455 = tpu.vector_load %arg5[%get3A_1454] {strides = array<i32>} : memref<2048xi32, #tpu.memory_space<vmem>>, vector<16xi32>,
    %get3A_1456 = vector.shape_cast %get3A_1455 : vector<16xi32> to vector<16xi32>
    %swap3A_1457 = arith.constant 11 : i32
    %swap3A_1458 = arith.index_cast %swap3A_1457 : i32 to index
    %swap3A_1459 = arith.constant 96 : index
    %swap3A_1460 = tpu.vector_load %arg6[%swap3A_1458, %swap3A_1459] {strides = array<i32>} : memref<16x128xi32, #tpu.memory_space<vmem>>, vector<1x16xi32>,
    %swap3A_1461 = vector.shape_cast %swap3A_1460 : vector<1x16xi32> to vector<16xi32>
    %swap3A_1462 = vector.shape_cast %get3A_1456 : vector<16xi32> to vector<1x16xi32>
    tpu.vector_store %arg6[%swap3A_1458, %swap3A_1459], %swap3A_1462 {strides = array<i32>} : memref<16x128xi32, #tpu.memory_space<vmem>>, vector<1x16xi32>,
    %get3A_1463 = arith.constant 1520 : index
    %get3A_1464 = tpu.vector_load %arg5[%get3A_1463] {strides = array<i32>} : memref<2048xi32, #tpu.memory_space<vmem>>, vector<16xi32>,
    %get3A_1465 = vector.shape_cast %get3A_1464 : vector<16xi32> to vector<16xi32>
    %swap3A_1466 = arith.constant 11 : i32
    %swap3A_1467 = arith.index_cast %swap3A_1466 : i32 to index
    %swap3A_1468 = arith.constant 112 : index
    %swap3A_1469 = tpu.vector_load %arg6[%swap3A_1467, %swap3A_1468] {strides = array<i32>} : memref<16x128xi32, #tpu.memory_space<vmem>>, vector<1x16xi32>,
    %swap3A_1470 = vector.shape_cast %swap3A_1469 : vector<1x16xi32> to vector<16xi32>
    %swap3A_1471 = vector.shape_cast %get3A_1465 : vector<16xi32> to vector<1x16xi32>
    tpu.vector_store %arg6[%swap3A_1467, %swap3A_1468], %swap3A_1471 {strides = array<i32>} : memref<16x128xi32, #tpu.memory_space<vmem>>, vector<1x16xi32>,
    %get3A_1472 = arith.constant 1536 : index
    %get3A_1473 = tpu.vector_load %arg5[%get3A_1472] {strides = array<i32>} : memref<2048xi32, #tpu.memory_space<vmem>>, vector<16xi32>,
    %get3A_1474 = vector.shape_cast %get3A_1473 : vector<16xi32> to vector<16xi32>
    %swap3A_1475 = arith.constant 12 : i32
    %swap3A_1476 = arith.index_cast %swap3A_1475 : i32 to index
    %swap3A_1477 = arith.constant 0 : index
    %swap3A_1478 = tpu.vector_load %arg6[%swap3A_1476, %swap3A_1477] {strides = array<i32>} : memref<16x128xi32, #tpu.memory_space<vmem>>, vector<1x16xi32>,
    %swap3A_1479 = vector.shape_cast %swap3A_1478 : vector<1x16xi32> to vector<16xi32>
    %swap3A_1480 = vector.shape_cast %get3A_1474 : vector<16xi32> to vector<1x16xi32>
    tpu.vector_store %arg6[%swap3A_1476, %swap3A_1477], %swap3A_1480 {strides = array<i32>} : memref<16x128xi32, #tpu.memory_space<vmem>>, vector<1x16xi32>,
    %get3A_1481 = arith.constant 1552 : index
    %get3A_1482 = tpu.vector_load %arg5[%get3A_1481] {strides = array<i32>} : memref<2048xi32, #tpu.memory_space<vmem>>, vector<16xi32>,
    %get3A_1483 = vector.shape_cast %get3A_1482 : vector<16xi32> to vector<16xi32>
    %swap3A_1484 = arith.constant 12 : i32
    %swap3A_1485 = arith.index_cast %swap3A_1484 : i32 to index
    %swap3A_1486 = arith.constant 16 : index
    %swap3A_1487 = tpu.vector_load %arg6[%swap3A_1485, %swap3A_1486] {strides = array<i32>} : memref<16x128xi32, #tpu.memory_space<vmem>>, vector<1x16xi32>,
    %swap3A_1488 = vector.shape_cast %swap3A_1487 : vector<1x16xi32> to vector<16xi32>
    %swap3A_1489 = vector.shape_cast %get3A_1483 : vector<16xi32> to vector<1x16xi32>
    tpu.vector_store %arg6[%swap3A_1485, %swap3A_1486], %swap3A_1489 {strides = array<i32>} : memref<16x128xi32, #tpu.memory_space<vmem>>, vector<1x16xi32>,
    %get3A_1490 = arith.constant 1568 : index
    %get3A_1491 = tpu.vector_load %arg5[%get3A_1490] {strides = array<i32>} : memref<2048xi32, #tpu.memory_space<vmem>>, vector<16xi32>,
    %get3A_1492 = vector.shape_cast %get3A_1491 : vector<16xi32> to vector<16xi32>
    %swap3A_1493 = arith.constant 12 : i32
    %swap3A_1494 = arith.index_cast %swap3A_1493 : i32 to index
    %swap3A_1495 = arith.constant 32 : index
    %swap3A_1496 = tpu.vector_load %arg6[%swap3A_1494, %swap3A_1495] {strides = array<i32>} : memref<16x128xi32, #tpu.memory_space<vmem>>, vector<1x16xi32>,
    %swap3A_1497 = vector.shape_cast %swap3A_1496 : vector<1x16xi32> to vector<16xi32>
    %swap3A_1498 = vector.shape_cast %get3A_1492 : vector<16xi32> to vector<1x16xi32>
    tpu.vector_store %arg6[%swap3A_1494, %swap3A_1495], %swap3A_1498 {strides = array<i32>} : memref<16x128xi32, #tpu.memory_space<vmem>>, vector<1x16xi32>,
    %get3A_1499 = arith.constant 1584 : index
    %get3A_1500 = tpu.vector_load %arg5[%get3A_1499] {strides = array<i32>} : memref<2048xi32, #tpu.memory_space<vmem>>, vector<16xi32>,
    %get3A_1501 = vector.shape_cast %get3A_1500 : vector<16xi32> to vector<16xi32>
    %swap3A_1502 = arith.constant 12 : i32
    %swap3A_1503 = arith.index_cast %swap3A_1502 : i32 to index
    %swap3A_1504 = arith.constant 48 : index
    %swap3A_1505 = tpu.vector_load %arg6[%swap3A_1503, %swap3A_1504] {strides = array<i32>} : memref<16x128xi32, #tpu.memory_space<vmem>>, vector<1x16xi32>,
    %swap3A_1506 = vector.shape_cast %swap3A_1505 : vector<1x16xi32> to vector<16xi32>
    %swap3A_1507 = vector.shape_cast %get3A_1501 : vector<16xi32> to vector<1x16xi32>
    tpu.vector_store %arg6[%swap3A_1503, %swap3A_1504], %swap3A_1507 {strides = array<i32>} : memref<16x128xi32, #tpu.memory_space<vmem>>, vector<1x16xi32>,
    %get3A_1508 = arith.constant 1600 : index
    %get3A_1509 = tpu.vector_load %arg5[%get3A_1508] {strides = array<i32>} : memref<2048xi32, #tpu.memory_space<vmem>>, vector<16xi32>,
    %get3A_1510 = vector.shape_cast %get3A_1509 : vector<16xi32> to vector<16xi32>
    %swap3A_1511 = arith.constant 12 : i32
    %swap3A_1512 = arith.index_cast %swap3A_1511 : i32 to index
    %swap3A_1513 = arith.constant 64 : index
    %swap3A_1514 = tpu.vector_load %arg6[%swap3A_1512, %swap3A_1513] {strides = array<i32>} : memref<16x128xi32, #tpu.memory_space<vmem>>, vector<1x16xi32>,
    %swap3A_1515 = vector.shape_cast %swap3A_1514 : vector<1x16xi32> to vector<16xi32>
    %swap3A_1516 = vector.shape_cast %get3A_1510 : vector<16xi32> to vector<1x16xi32>
    tpu.vector_store %arg6[%swap3A_1512, %swap3A_1513], %swap3A_1516 {strides = array<i32>} : memref<16x128xi32, #tpu.memory_space<vmem>>, vector<1x16xi32>,
    %get3A_1517 = arith.constant 1616 : index
    %get3A_1518 = tpu.vector_load %arg5[%get3A_1517] {strides = array<i32>} : memref<2048xi32, #tpu.memory_space<vmem>>, vector<16xi32>,
    %get3A_1519 = vector.shape_cast %get3A_1518 : vector<16xi32> to vector<16xi32>
    %swap3A_1520 = arith.constant 12 : i32
    %swap3A_1521 = arith.index_cast %swap3A_1520 : i32 to index
    %swap3A_1522 = arith.constant 80 : index
    %swap3A_1523 = tpu.vector_load %arg6[%swap3A_1521, %swap3A_1522] {strides = array<i32>} : memref<16x128xi32, #tpu.memory_space<vmem>>, vector<1x16xi32>,
    %swap3A_1524 = vector.shape_cast %swap3A_1523 : vector<1x16xi32> to vector<16xi32>
    %swap3A_1525 = vector.shape_cast %get3A_1519 : vector<16xi32> to vector<1x16xi32>
    tpu.vector_store %arg6[%swap3A_1521, %swap3A_1522], %swap3A_1525 {strides = array<i32>} : memref<16x128xi32, #tpu.memory_space<vmem>>, vector<1x16xi32>,
    %get3A_1526 = arith.constant 1632 : index
    %get3A_1527 = tpu.vector_load %arg5[%get3A_1526] {strides = array<i32>} : memref<2048xi32, #tpu.memory_space<vmem>>, vector<16xi32>,
    %get3A_1528 = vector.shape_cast %get3A_1527 : vector<16xi32> to vector<16xi32>
    %swap3A_1529 = arith.constant 12 : i32
    %swap3A_1530 = arith.index_cast %swap3A_1529 : i32 to index
    %swap3A_1531 = arith.constant 96 : index
    %swap3A_1532 = tpu.vector_load %arg6[%swap3A_1530, %swap3A_1531] {strides = array<i32>} : memref<16x128xi32, #tpu.memory_space<vmem>>, vector<1x16xi32>,
    %swap3A_1533 = vector.shape_cast %swap3A_1532 : vector<1x16xi32> to vector<16xi32>
    %swap3A_1534 = vector.shape_cast %get3A_1528 : vector<16xi32> to vector<1x16xi32>
    tpu.vector_store %arg6[%swap3A_1530, %swap3A_1531], %swap3A_1534 {strides = array<i32>} : memref<16x128xi32, #tpu.memory_space<vmem>>, vector<1x16xi32>,
    %get3A_1535 = arith.constant 1648 : index
    %get3A_1536 = tpu.vector_load %arg5[%get3A_1535] {strides = array<i32>} : memref<2048xi32, #tpu.memory_space<vmem>>, vector<16xi32>,
    %get3A_1537 = vector.shape_cast %get3A_1536 : vector<16xi32> to vector<16xi32>
    %swap3A_1538 = arith.constant 12 : i32
    %swap3A_1539 = arith.index_cast %swap3A_1538 : i32 to index
    %swap3A_1540 = arith.constant 112 : index
    %swap3A_1541 = tpu.vector_load %arg6[%swap3A_1539, %swap3A_1540] {strides = array<i32>} : memref<16x128xi32, #tpu.memory_space<vmem>>, vector<1x16xi32>,
    %swap3A_1542 = vector.shape_cast %swap3A_1541 : vector<1x16xi32> to vector<16xi32>
    %swap3A_1543 = vector.shape_cast %get3A_1537 : vector<16xi32> to vector<1x16xi32>
    tpu.vector_store %arg6[%swap3A_1539, %swap3A_1540], %swap3A_1543 {strides = array<i32>} : memref<16x128xi32, #tpu.memory_space<vmem>>, vector<1x16xi32>,
    %get3A_1544 = arith.constant 1664 : index
    %get3A_1545 = tpu.vector_load %arg5[%get3A_1544] {strides = array<i32>} : memref<2048xi32, #tpu.memory_space<vmem>>, vector<16xi32>,
    %get3A_1546 = vector.shape_cast %get3A_1545 : vector<16xi32> to vector<16xi32>
    %swap3A_1547 = arith.constant 13 : i32
    %swap3A_1548 = arith.index_cast %swap3A_1547 : i32 to index
    %swap3A_1549 = arith.constant 0 : index
    %swap3A_1550 = tpu.vector_load %arg6[%swap3A_1548, %swap3A_1549] {strides = array<i32>} : memref<16x128xi32, #tpu.memory_space<vmem>>, vector<1x16xi32>,
    %swap3A_1551 = vector.shape_cast %swap3A_1550 : vector<1x16xi32> to vector<16xi32>
    %swap3A_1552 = vector.shape_cast %get3A_1546 : vector<16xi32> to vector<1x16xi32>
    tpu.vector_store %arg6[%swap3A_1548, %swap3A_1549], %swap3A_1552 {strides = array<i32>} : memref<16x128xi32, #tpu.memory_space<vmem>>, vector<1x16xi32>,
    %get3A_1553 = arith.constant 1680 : index
    %get3A_1554 = tpu.vector_load %arg5[%get3A_1553] {strides = array<i32>} : memref<2048xi32, #tpu.memory_space<vmem>>, vector<16xi32>,
    %get3A_1555 = vector.shape_cast %get3A_1554 : vector<16xi32> to vector<16xi32>
    %swap3A_1556 = arith.constant 13 : i32
    %swap3A_1557 = arith.index_cast %swap3A_1556 : i32 to index
    %swap3A_1558 = arith.constant 16 : index
    %swap3A_1559 = tpu.vector_load %arg6[%swap3A_1557, %swap3A_1558] {strides = array<i32>} : memref<16x128xi32, #tpu.memory_space<vmem>>, vector<1x16xi32>,
    %swap3A_1560 = vector.shape_cast %swap3A_1559 : vector<1x16xi32> to vector<16xi32>
    %swap3A_1561 = vector.shape_cast %get3A_1555 : vector<16xi32> to vector<1x16xi32>
    tpu.vector_store %arg6[%swap3A_1557, %swap3A_1558], %swap3A_1561 {strides = array<i32>} : memref<16x128xi32, #tpu.memory_space<vmem>>, vector<1x16xi32>,
    %get3A_1562 = arith.constant 1696 : index
    %get3A_1563 = tpu.vector_load %arg5[%get3A_1562] {strides = array<i32>} : memref<2048xi32, #tpu.memory_space<vmem>>, vector<16xi32>,
    %get3A_1564 = vector.shape_cast %get3A_1563 : vector<16xi32> to vector<16xi32>
    %swap3A_1565 = arith.constant 13 : i32
    %swap3A_1566 = arith.index_cast %swap3A_1565 : i32 to index
    %swap3A_1567 = arith.constant 32 : index
    %swap3A_1568 = tpu.vector_load %arg6[%swap3A_1566, %swap3A_1567] {strides = array<i32>} : memref<16x128xi32, #tpu.memory_space<vmem>>, vector<1x16xi32>,
    %swap3A_1569 = vector.shape_cast %swap3A_1568 : vector<1x16xi32> to vector<16xi32>
    %swap3A_1570 = vector.shape_cast %get3A_1564 : vector<16xi32> to vector<1x16xi32>
    tpu.vector_store %arg6[%swap3A_1566, %swap3A_1567], %swap3A_1570 {strides = array<i32>} : memref<16x128xi32, #tpu.memory_space<vmem>>, vector<1x16xi32>,
    %get3A_1571 = arith.constant 1712 : index
    %get3A_1572 = tpu.vector_load %arg5[%get3A_1571] {strides = array<i32>} : memref<2048xi32, #tpu.memory_space<vmem>>, vector<16xi32>,
    %get3A_1573 = vector.shape_cast %get3A_1572 : vector<16xi32> to vector<16xi32>
    %swap3A_1574 = arith.constant 13 : i32
    %swap3A_1575 = arith.index_cast %swap3A_1574 : i32 to index
    %swap3A_1576 = arith.constant 48 : index
    %swap3A_1577 = tpu.vector_load %arg6[%swap3A_1575, %swap3A_1576] {strides = array<i32>} : memref<16x128xi32, #tpu.memory_space<vmem>>, vector<1x16xi32>,
    %swap3A_1578 = vector.shape_cast %swap3A_1577 : vector<1x16xi32> to vector<16xi32>
    %swap3A_1579 = vector.shape_cast %get3A_1573 : vector<16xi32> to vector<1x16xi32>
    tpu.vector_store %arg6[%swap3A_1575, %swap3A_1576], %swap3A_1579 {strides = array<i32>} : memref<16x128xi32, #tpu.memory_space<vmem>>, vector<1x16xi32>,
    %get3A_1580 = arith.constant 1728 : index
    %get3A_1581 = tpu.vector_load %arg5[%get3A_1580] {strides = array<i32>} : memref<2048xi32, #tpu.memory_space<vmem>>, vector<16xi32>,
    %get3A_1582 = vector.shape_cast %get3A_1581 : vector<16xi32> to vector<16xi32>
    %swap3A_1583 = arith.constant 13 : i32
    %swap3A_1584 = arith.index_cast %swap3A_1583 : i32 to index
    %swap3A_1585 = arith.constant 64 : index
    %swap3A_1586 = tpu.vector_load %arg6[%swap3A_1584, %swap3A_1585] {strides = array<i32>} : memref<16x128xi32, #tpu.memory_space<vmem>>, vector<1x16xi32>,
    %swap3A_1587 = vector.shape_cast %swap3A_1586 : vector<1x16xi32> to vector<16xi32>
    %swap3A_1588 = vector.shape_cast %get3A_1582 : vector<16xi32> to vector<1x16xi32>
    tpu.vector_store %arg6[%swap3A_1584, %swap3A_1585], %swap3A_1588 {strides = array<i32>} : memref<16x128xi32, #tpu.memory_space<vmem>>, vector<1x16xi32>,
    %get3A_1589 = arith.constant 1744 : index
    %get3A_1590 = tpu.vector_load %arg5[%get3A_1589] {strides = array<i32>} : memref<2048xi32, #tpu.memory_space<vmem>>, vector<16xi32>,
    %get3A_1591 = vector.shape_cast %get3A_1590 : vector<16xi32> to vector<16xi32>
    %swap3A_1592 = arith.constant 13 : i32
    %swap3A_1593 = arith.index_cast %swap3A_1592 : i32 to index
    %swap3A_1594 = arith.constant 80 : index
    %swap3A_1595 = tpu.vector_load %arg6[%swap3A_1593, %swap3A_1594] {strides = array<i32>} : memref<16x128xi32, #tpu.memory_space<vmem>>, vector<1x16xi32>,
    %swap3A_1596 = vector.shape_cast %swap3A_1595 : vector<1x16xi32> to vector<16xi32>
    %swap3A_1597 = vector.shape_cast %get3A_1591 : vector<16xi32> to vector<1x16xi32>
    tpu.vector_store %arg6[%swap3A_1593, %swap3A_1594], %swap3A_1597 {strides = array<i32>} : memref<16x128xi32, #tpu.memory_space<vmem>>, vector<1x16xi32>,
    %get3A_1598 = arith.constant 1760 : index
    %get3A_1599 = tpu.vector_load %arg5[%get3A_1598] {strides = array<i32>} : memref<2048xi32, #tpu.memory_space<vmem>>, vector<16xi32>,
    %get3A_1600 = vector.shape_cast %get3A_1599 : vector<16xi32> to vector<16xi32>
    %swap3A_1601 = arith.constant 13 : i32
    %swap3A_1602 = arith.index_cast %swap3A_1601 : i32 to index
    %swap3A_1603 = arith.constant 96 : index
    %swap3A_1604 = tpu.vector_load %arg6[%swap3A_1602, %swap3A_1603] {strides = array<i32>} : memref<16x128xi32, #tpu.memory_space<vmem>>, vector<1x16xi32>,
    %swap3A_1605 = vector.shape_cast %swap3A_1604 : vector<1x16xi32> to vector<16xi32>
    %swap3A_1606 = vector.shape_cast %get3A_1600 : vector<16xi32> to vector<1x16xi32>
    tpu.vector_store %arg6[%swap3A_1602, %swap3A_1603], %swap3A_1606 {strides = array<i32>} : memref<16x128xi32, #tpu.memory_space<vmem>>, vector<1x16xi32>,
    %get3A_1607 = arith.constant 1776 : index
    %get3A_1608 = tpu.vector_load %arg5[%get3A_1607] {strides = array<i32>} : memref<2048xi32, #tpu.memory_space<vmem>>, vector<16xi32>,
    %get3A_1609 = vector.shape_cast %get3A_1608 : vector<16xi32> to vector<16xi32>
    %swap3A_1610 = arith.constant 13 : i32
    %swap3A_1611 = arith.index_cast %swap3A_1610 : i32 to index
    %swap3A_1612 = arith.constant 112 : index
    %swap3A_1613 = tpu.vector_load %arg6[%swap3A_1611, %swap3A_1612] {strides = array<i32>} : memref<16x128xi32, #tpu.memory_space<vmem>>, vector<1x16xi32>,
    %swap3A_1614 = vector.shape_cast %swap3A_1613 : vector<1x16xi32> to vector<16xi32>
    %swap3A_1615 = vector.shape_cast %get3A_1609 : vector<16xi32> to vector<1x16xi32>
    tpu.vector_store %arg6[%swap3A_1611, %swap3A_1612], %swap3A_1615 {strides = array<i32>} : memref<16x128xi32, #tpu.memory_space<vmem>>, vector<1x16xi32>,
    %get3A_1616 = arith.constant 1792 : index
    %get3A_1617 = tpu.vector_load %arg5[%get3A_1616] {strides = array<i32>} : memref<2048xi32, #tpu.memory_space<vmem>>, vector<16xi32>,
    %get3A_1618 = vector.shape_cast %get3A_1617 : vector<16xi32> to vector<16xi32>
    %swap3A_1619 = arith.constant 14 : i32
    %swap3A_1620 = arith.index_cast %swap3A_1619 : i32 to index
    %swap3A_1621 = arith.constant 0 : index
    %swap3A_1622 = tpu.vector_load %arg6[%swap3A_1620, %swap3A_1621] {strides = array<i32>} : memref<16x128xi32, #tpu.memory_space<vmem>>, vector<1x16xi32>,
    %swap3A_1623 = vector.shape_cast %swap3A_1622 : vector<1x16xi32> to vector<16xi32>
    %swap3A_1624 = vector.shape_cast %get3A_1618 : vector<16xi32> to vector<1x16xi32>
    tpu.vector_store %arg6[%swap3A_1620, %swap3A_1621], %swap3A_1624 {strides = array<i32>} : memref<16x128xi32, #tpu.memory_space<vmem>>, vector<1x16xi32>,
    %get3A_1625 = arith.constant 1808 : index
    %get3A_1626 = tpu.vector_load %arg5[%get3A_1625] {strides = array<i32>} : memref<2048xi32, #tpu.memory_space<vmem>>, vector<16xi32>,
    %get3A_1627 = vector.shape_cast %get3A_1626 : vector<16xi32> to vector<16xi32>
    %swap3A_1628 = arith.constant 14 : i32
    %swap3A_1629 = arith.index_cast %swap3A_1628 : i32 to index
    %swap3A_1630 = arith.constant 16 : index
    %swap3A_1631 = tpu.vector_load %arg6[%swap3A_1629, %swap3A_1630] {strides = array<i32>} : memref<16x128xi32, #tpu.memory_space<vmem>>, vector<1x16xi32>,
    %swap3A_1632 = vector.shape_cast %swap3A_1631 : vector<1x16xi32> to vector<16xi32>
    %swap3A_1633 = vector.shape_cast %get3A_1627 : vector<16xi32> to vector<1x16xi32>
    tpu.vector_store %arg6[%swap3A_1629, %swap3A_1630], %swap3A_1633 {strides = array<i32>} : memref<16x128xi32, #tpu.memory_space<vmem>>, vector<1x16xi32>,
    %get3A_1634 = arith.constant 1824 : index
    %get3A_1635 = tpu.vector_load %arg5[%get3A_1634] {strides = array<i32>} : memref<2048xi32, #tpu.memory_space<vmem>>, vector<16xi32>,
    %get3A_1636 = vector.shape_cast %get3A_1635 : vector<16xi32> to vector<16xi32>
    %swap3A_1637 = arith.constant 14 : i32
    %swap3A_1638 = arith.index_cast %swap3A_1637 : i32 to index
    %swap3A_1639 = arith.constant 32 : index
    %swap3A_1640 = tpu.vector_load %arg6[%swap3A_1638, %swap3A_1639] {strides = array<i32>} : memref<16x128xi32, #tpu.memory_space<vmem>>, vector<1x16xi32>,
    %swap3A_1641 = vector.shape_cast %swap3A_1640 : vector<1x16xi32> to vector<16xi32>
    %swap3A_1642 = vector.shape_cast %get3A_1636 : vector<16xi32> to vector<1x16xi32>
    tpu.vector_store %arg6[%swap3A_1638, %swap3A_1639], %swap3A_1642 {strides = array<i32>} : memref<16x128xi32, #tpu.memory_space<vmem>>, vector<1x16xi32>,
    %get3A_1643 = arith.constant 1840 : index
    %get3A_1644 = tpu.vector_load %arg5[%get3A_1643] {strides = array<i32>} : memref<2048xi32, #tpu.memory_space<vmem>>, vector<16xi32>,
    %get3A_1645 = vector.shape_cast %get3A_1644 : vector<16xi32> to vector<16xi32>
    %swap3A_1646 = arith.constant 14 : i32
    %swap3A_1647 = arith.index_cast %swap3A_1646 : i32 to index
    %swap3A_1648 = arith.constant 48 : index
    %swap3A_1649 = tpu.vector_load %arg6[%swap3A_1647, %swap3A_1648] {strides = array<i32>} : memref<16x128xi32, #tpu.memory_space<vmem>>, vector<1x16xi32>,
    %swap3A_1650 = vector.shape_cast %swap3A_1649 : vector<1x16xi32> to vector<16xi32>
    %swap3A_1651 = vector.shape_cast %get3A_1645 : vector<16xi32> to vector<1x16xi32>
    tpu.vector_store %arg6[%swap3A_1647, %swap3A_1648], %swap3A_1651 {strides = array<i32>} : memref<16x128xi32, #tpu.memory_space<vmem>>, vector<1x16xi32>,
    %get3A_1652 = arith.constant 1856 : index
    %get3A_1653 = tpu.vector_load %arg5[%get3A_1652] {strides = array<i32>} : memref<2048xi32, #tpu.memory_space<vmem>>, vector<16xi32>,
    %get3A_1654 = vector.shape_cast %get3A_1653 : vector<16xi32> to vector<16xi32>
    %swap3A_1655 = arith.constant 14 : i32
    %swap3A_1656 = arith.index_cast %swap3A_1655 : i32 to index
    %swap3A_1657 = arith.constant 64 : index
    %swap3A_1658 = tpu.vector_load %arg6[%swap3A_1656, %swap3A_1657] {strides = array<i32>} : memref<16x128xi32, #tpu.memory_space<vmem>>, vector<1x16xi32>,
    %swap3A_1659 = vector.shape_cast %swap3A_1658 : vector<1x16xi32> to vector<16xi32>
    %swap3A_1660 = vector.shape_cast %get3A_1654 : vector<16xi32> to vector<1x16xi32>
    tpu.vector_store %arg6[%swap3A_1656, %swap3A_1657], %swap3A_1660 {strides = array<i32>} : memref<16x128xi32, #tpu.memory_space<vmem>>, vector<1x16xi32>,
    %get3A_1661 = arith.constant 1872 : index
    %get3A_1662 = tpu.vector_load %arg5[%get3A_1661] {strides = array<i32>} : memref<2048xi32, #tpu.memory_space<vmem>>, vector<16xi32>,
    %get3A_1663 = vector.shape_cast %get3A_1662 : vector<16xi32> to vector<16xi32>
    %swap3A_1664 = arith.constant 14 : i32
    %swap3A_1665 = arith.index_cast %swap3A_1664 : i32 to index
    %swap3A_1666 = arith.constant 80 : index
    %swap3A_1667 = tpu.vector_load %arg6[%swap3A_1665, %swap3A_1666] {strides = array<i32>} : memref<16x128xi32, #tpu.memory_space<vmem>>, vector<1x16xi32>,
    %swap3A_1668 = vector.shape_cast %swap3A_1667 : vector<1x16xi32> to vector<16xi32>
    %swap3A_1669 = vector.shape_cast %get3A_1663 : vector<16xi32> to vector<1x16xi32>
    tpu.vector_store %arg6[%swap3A_1665, %swap3A_1666], %swap3A_1669 {strides = array<i32>} : memref<16x128xi32, #tpu.memory_space<vmem>>, vector<1x16xi32>,
    %get3A_1670 = arith.constant 1888 : index
    %get3A_1671 = tpu.vector_load %arg5[%get3A_1670] {strides = array<i32>} : memref<2048xi32, #tpu.memory_space<vmem>>, vector<16xi32>,
    %get3A_1672 = vector.shape_cast %get3A_1671 : vector<16xi32> to vector<16xi32>
    %swap3A_1673 = arith.constant 14 : i32
    %swap3A_1674 = arith.index_cast %swap3A_1673 : i32 to index
    %swap3A_1675 = arith.constant 96 : index
    %swap3A_1676 = tpu.vector_load %arg6[%swap3A_1674, %swap3A_1675] {strides = array<i32>} : memref<16x128xi32, #tpu.memory_space<vmem>>, vector<1x16xi32>,
    %swap3A_1677 = vector.shape_cast %swap3A_1676 : vector<1x16xi32> to vector<16xi32>
    %swap3A_1678 = vector.shape_cast %get3A_1672 : vector<16xi32> to vector<1x16xi32>
    tpu.vector_store %arg6[%swap3A_1674, %swap3A_1675], %swap3A_1678 {strides = array<i32>} : memref<16x128xi32, #tpu.memory_space<vmem>>, vector<1x16xi32>,
    %get3A_1679 = arith.constant 1904 : index
    %get3A_1680 = tpu.vector_load %arg5[%get3A_1679] {strides = array<i32>} : memref<2048xi32, #tpu.memory_space<vmem>>, vector<16xi32>,
    %get3A_1681 = vector.shape_cast %get3A_1680 : vector<16xi32> to vector<16xi32>
    %swap3A_1682 = arith.constant 14 : i32
    %swap3A_1683 = arith.index_cast %swap3A_1682 : i32 to index
    %swap3A_1684 = arith.constant 112 : index
    %swap3A_1685 = tpu.vector_load %arg6[%swap3A_1683, %swap3A_1684] {strides = array<i32>} : memref<16x128xi32, #tpu.memory_space<vmem>>, vector<1x16xi32>,
    %swap3A_1686 = vector.shape_cast %swap3A_1685 : vector<1x16xi32> to vector<16xi32>
    %swap3A_1687 = vector.shape_cast %get3A_1681 : vector<16xi32> to vector<1x16xi32>
    tpu.vector_store %arg6[%swap3A_1683, %swap3A_1684], %swap3A_1687 {strides = array<i32>} : memref<16x128xi32, #tpu.memory_space<vmem>>, vector<1x16xi32>,
    %get3A_1688 = arith.constant 1920 : index
    %get3A_1689 = tpu.vector_load %arg5[%get3A_1688] {strides = array<i32>} : memref<2048xi32, #tpu.memory_space<vmem>>, vector<16xi32>,
    %get3A_1690 = vector.shape_cast %get3A_1689 : vector<16xi32> to vector<16xi32>
    %swap3A_1691 = arith.constant 15 : i32
    %swap3A_1692 = arith.index_cast %swap3A_1691 : i32 to index
    %swap3A_1693 = arith.constant 0 : index
    %swap3A_1694 = tpu.vector_load %arg6[%swap3A_1692, %swap3A_1693] {strides = array<i32>} : memref<16x128xi32, #tpu.memory_space<vmem>>, vector<1x16xi32>,
    %swap3A_1695 = vector.shape_cast %swap3A_1694 : vector<1x16xi32> to vector<16xi32>
    %swap3A_1696 = vector.shape_cast %get3A_1690 : vector<16xi32> to vector<1x16xi32>
    tpu.vector_store %arg6[%swap3A_1692, %swap3A_1693], %swap3A_1696 {strides = array<i32>} : memref<16x128xi32, #tpu.memory_space<vmem>>, vector<1x16xi32>,
    %get3A_1697 = arith.constant 1936 : index
    %get3A_1698 = tpu.vector_load %arg5[%get3A_1697] {strides = array<i32>} : memref<2048xi32, #tpu.memory_space<vmem>>, vector<16xi32>,
    %get3A_1699 = vector.shape_cast %get3A_1698 : vector<16xi32> to vector<16xi32>
    %swap3A_1700 = arith.constant 15 : i32
    %swap3A_1701 = arith.index_cast %swap3A_1700 : i32 to index
    %swap3A_1702 = arith.constant 16 : index
    %swap3A_1703 = tpu.vector_load %arg6[%swap3A_1701, %swap3A_1702] {strides = array<i32>} : memref<16x128xi32, #tpu.memory_space<vmem>>, vector<1x16xi32>,
    %swap3A_1704 = vector.shape_cast %swap3A_1703 : vector<1x16xi32> to vector<16xi32>
    %swap3A_1705 = vector.shape_cast %get3A_1699 : vector<16xi32> to vector<1x16xi32>
    tpu.vector_store %arg6[%swap3A_1701, %swap3A_1702], %swap3A_1705 {strides = array<i32>} : memref<16x128xi32, #tpu.memory_space<vmem>>, vector<1x16xi32>,
    %get3A_1706 = arith.constant 1952 : index
    %get3A_1707 = tpu.vector_load %arg5[%get3A_1706] {strides = array<i32>} : memref<2048xi32, #tpu.memory_space<vmem>>, vector<16xi32>,
    %get3A_1708 = vector.shape_cast %get3A_1707 : vector<16xi32> to vector<16xi32>
    %swap3A_1709 = arith.constant 15 : i32
    %swap3A_1710 = arith.index_cast %swap3A_1709 : i32 to index
    %swap3A_1711 = arith.constant 32 : index
    %swap3A_1712 = tpu.vector_load %arg6[%swap3A_1710, %swap3A_1711] {strides = array<i32>} : memref<16x128xi32, #tpu.memory_space<vmem>>, vector<1x16xi32>,
    %swap3A_1713 = vector.shape_cast %swap3A_1712 : vector<1x16xi32> to vector<16xi32>
    %swap3A_1714 = vector.shape_cast %get3A_1708 : vector<16xi32> to vector<1x16xi32>
    tpu.vector_store %arg6[%swap3A_1710, %swap3A_1711], %swap3A_1714 {strides = array<i32>} : memref<16x128xi32, #tpu.memory_space<vmem>>, vector<1x16xi32>,
    %get3A_1715 = arith.constant 1968 : index
    %get3A_1716 = tpu.vector_load %arg5[%get3A_1715] {strides = array<i32>} : memref<2048xi32, #tpu.memory_space<vmem>>, vector<16xi32>,
    %get3A_1717 = vector.shape_cast %get3A_1716 : vector<16xi32> to vector<16xi32>
    %swap3A_1718 = arith.constant 15 : i32
    %swap3A_1719 = arith.index_cast %swap3A_1718 : i32 to index
    %swap3A_1720 = arith.constant 48 : index
    %swap3A_1721 = tpu.vector_load %arg6[%swap3A_1719, %swap3A_1720] {strides = array<i32>} : memref<16x128xi32, #tpu.memory_space<vmem>>, vector<1x16xi32>,
    %swap3A_1722 = vector.shape_cast %swap3A_1721 : vector<1x16xi32> to vector<16xi32>
    %swap3A_1723 = vector.shape_cast %get3A_1717 : vector<16xi32> to vector<1x16xi32>
    tpu.vector_store %arg6[%swap3A_1719, %swap3A_1720], %swap3A_1723 {strides = array<i32>} : memref<16x128xi32, #tpu.memory_space<vmem>>, vector<1x16xi32>,
    %get3A_1724 = arith.constant 1984 : index
    %get3A_1725 = tpu.vector_load %arg5[%get3A_1724] {strides = array<i32>} : memref<2048xi32, #tpu.memory_space<vmem>>, vector<16xi32>,
    %get3A_1726 = vector.shape_cast %get3A_1725 : vector<16xi32> to vector<16xi32>
    %swap3A_1727 = arith.constant 15 : i32
    %swap3A_1728 = arith.index_cast %swap3A_1727 : i32 to index
    %swap3A_1729 = arith.constant 64 : index
    %swap3A_1730 = tpu.vector_load %arg6[%swap3A_1728, %swap3A_1729] {strides = array<i32>} : memref<16x128xi32, #tpu.memory_space<vmem>>, vector<1x16xi32>,
    %swap3A_1731 = vector.shape_cast %swap3A_1730 : vector<1x16xi32> to vector<16xi32>
    %swap3A_1732 = vector.shape_cast %get3A_1726 : vector<16xi32> to vector<1x16xi32>
    tpu.vector_store %arg6[%swap3A_1728, %swap3A_1729], %swap3A_1732 {strides = array<i32>} : memref<16x128xi32, #tpu.memory_space<vmem>>, vector<1x16xi32>,
    %get3A_1733 = arith.constant 2000 : index
    %get3A_1734 = tpu.vector_load %arg5[%get3A_1733] {strides = array<i32>} : memref<2048xi32, #tpu.memory_space<vmem>>, vector<16xi32>,
    %get3A_1735 = vector.shape_cast %get3A_1734 : vector<16xi32> to vector<16xi32>
    %swap3A_1736 = arith.constant 15 : i32
    %swap3A_1737 = arith.index_cast %swap3A_1736 : i32 to index
    %swap3A_1738 = arith.constant 80 : index
    %swap3A_1739 = tpu.vector_load %arg6[%swap3A_1737, %swap3A_1738] {strides = array<i32>} : memref<16x128xi32, #tpu.memory_space<vmem>>, vector<1x16xi32>,
    %swap3A_1740 = vector.shape_cast %swap3A_1739 : vector<1x16xi32> to vector<16xi32>
    %swap3A_1741 = vector.shape_cast %get3A_1735 : vector<16xi32> to vector<1x16xi32>
    tpu.vector_store %arg6[%swap3A_1737, %swap3A_1738], %swap3A_1741 {strides = array<i32>} : memref<16x128xi32, #tpu.memory_space<vmem>>, vector<1x16xi32>,
    %get3A_1742 = arith.constant 2016 : index
    %get3A_1743 = tpu.vector_load %arg5[%get3A_1742] {strides = array<i32>} : memref<2048xi32, #tpu.memory_space<vmem>>, vector<16xi32>,
    %get3A_1744 = vector.shape_cast %get3A_1743 : vector<16xi32> to vector<16xi32>
    %swap3A_1745 = arith.constant 15 : i32
    %swap3A_1746 = arith.index_cast %swap3A_1745 : i32 to index
    %swap3A_1747 = arith.constant 96 : index
    %swap3A_1748 = tpu.vector_load %arg6[%swap3A_1746, %swap3A_1747] {strides = array<i32>} : memref<16x128xi32, #tpu.memory_space<vmem>>, vector<1x16xi32>,
    %swap3A_1749 = vector.shape_cast %swap3A_1748 : vector<1x16xi32> to vector<16xi32>
    %swap3A_1750 = vector.shape_cast %get3A_1744 : vector<16xi32> to vector<1x16xi32>
    tpu.vector_store %arg6[%swap3A_1746, %swap3A_1747], %swap3A_1750 {strides = array<i32>} : memref<16x128xi32, #tpu.memory_space<vmem>>, vector<1x16xi32>,
    %get3A_1751 = arith.constant 2032 : index
    %get3A_1752 = tpu.vector_load %arg5[%get3A_1751] {strides = array<i32>} : memref<2048xi32, #tpu.memory_space<vmem>>, vector<16xi32>,
    %get3A_1753 = vector.shape_cast %get3A_1752 : vector<16xi32> to vector<16xi32>
    %swap3A_1754 = arith.constant 15 : i32
    %swap3A_1755 = arith.index_cast %swap3A_1754 : i32 to index
    %swap3A_1756 = arith.constant 112 : index
    %swap3A_1757 = tpu.vector_load %arg6[%swap3A_1755, %swap3A_1756] {strides = array<i32>} : memref<16x128xi32, #tpu.memory_space<vmem>>, vector<1x16xi32>,
    %swap3A_1758 = vector.shape_cast %swap3A_1757 : vector<1x16xi32> to vector<16xi32>
    %swap3A_1759 = vector.shape_cast %get3A_1753 : vector<16xi32> to vector<1x16xi32>
    tpu.vector_store %arg6[%swap3A_1755, %swap3A_1756], %swap3A_1759 {strides = array<i32>} : memref<16x128xi32, #tpu.memory_space<vmem>>, vector<1x16xi32>,
    %dma_wait3A_1760 = arith.constant 0 : i32
    %dma_wait3A_1761 = tpu.memref_slice %arg9[%dma_wait3A_1760] : memref<262144xf32, #tpu.memory_space<vmem_shared>> -> memref<2048xf32, #tpu.memory_space<vmem_shared>>
    %dma_wait3A_1762 = arith.constant 0 : i32
    %dma_wait3A_1763 = tpu.memref_slice %arg9[%dma_wait3A_1762] : memref<262144xf32, #tpu.memory_space<vmem_shared>> -> memref<2048xf32, #tpu.memory_space<vmem_shared>>
    tpu.wait_dma2 semaphore(%arg10 : memref<!tpu.dma_semaphore, #tpu.memory_space<semaphore_mem>>) src(%arg8 : memref<2048xf32, #tpu.memory_space<vmem>>) dst(%dma_wait3A_1763 : memref<2048xf32, #tpu.memory_space<vmem_shared>>)
    %dma_wait3A_1764 = arith.constant 2048 : i32
    %dma_wait3A_1765 = tpu.memref_slice %arg9[%dma_wait3A_1764] : memref<262144xf32, #tpu.memory_space<vmem_shared>> -> memref<2048xf32, #tpu.memory_space<vmem_shared>>
    %dma_wait3A_1766 = arith.constant 2048 : i32
    %dma_wait3A_1767 = tpu.memref_slice %arg9[%dma_wait3A_1766] : memref<262144xf32, #tpu.memory_space<vmem_shared>> -> memref<2048xf32, #tpu.memory_space<vmem_shared>>
    tpu.wait_dma2 semaphore(%arg10 : memref<!tpu.dma_semaphore, #tpu.memory_space<semaphore_mem>>) src(%arg8 : memref<2048xf32, #tpu.memory_space<vmem>>) dst(%dma_wait3A_1767 : memref<2048xf32, #tpu.memory_space<vmem_shared>>)
    %dma_wait3A_1768 = arith.constant 4096 : i32
    %dma_wait3A_1769 = tpu.memref_slice %arg9[%dma_wait3A_1768] : memref<262144xf32, #tpu.memory_space<vmem_shared>> -> memref<2048xf32, #tpu.memory_space<vmem_shared>>
    %dma_wait3A_1770 = arith.constant 4096 : i32
    %dma_wait3A_1771 = tpu.memref_slice %arg9[%dma_wait3A_1770] : memref<262144xf32, #tpu.memory_space<vmem_shared>> -> memref<2048xf32, #tpu.memory_space<vmem_shared>>
    tpu.wait_dma2 semaphore(%arg10 : memref<!tpu.dma_semaphore, #tpu.memory_space<semaphore_mem>>) src(%arg8 : memref<2048xf32, #tpu.memory_space<vmem>>) dst(%dma_wait3A_1771 : memref<2048xf32, #tpu.memory_space<vmem_shared>>)
    %dma_wait3A_1772 = arith.constant 6144 : i32
    %dma_wait3A_1773 = tpu.memref_slice %arg9[%dma_wait3A_1772] : memref<262144xf32, #tpu.memory_space<vmem_shared>> -> memref<2048xf32, #tpu.memory_space<vmem_shared>>
    %dma_wait3A_1774 = arith.constant 6144 : i32
    %dma_wait3A_1775 = tpu.memref_slice %arg9[%dma_wait3A_1774] : memref<262144xf32, #tpu.memory_space<vmem_shared>> -> memref<2048xf32, #tpu.memory_space<vmem_shared>>
    tpu.wait_dma2 semaphore(%arg10 : memref<!tpu.dma_semaphore, #tpu.memory_space<semaphore_mem>>) src(%arg8 : memref<2048xf32, #tpu.memory_space<vmem>>) dst(%dma_wait3A_1775 : memref<2048xf32, #tpu.memory_space<vmem_shared>>)
    %dma_wait3A_1776 = arith.constant 8192 : i32
    %dma_wait3A_1777 = tpu.memref_slice %arg9[%dma_wait3A_1776] : memref<262144xf32, #tpu.memory_space<vmem_shared>> -> memref<2048xf32, #tpu.memory_space<vmem_shared>>
    %dma_wait3A_1778 = arith.constant 8192 : i32
    %dma_wait3A_1779 = tpu.memref_slice %arg9[%dma_wait3A_1778] : memref<262144xf32, #tpu.memory_space<vmem_shared>> -> memref<2048xf32, #tpu.memory_space<vmem_shared>>
    tpu.wait_dma2 semaphore(%arg10 : memref<!tpu.dma_semaphore, #tpu.memory_space<semaphore_mem>>) src(%arg8 : memref<2048xf32, #tpu.memory_space<vmem>>) dst(%dma_wait3A_1779 : memref<2048xf32, #tpu.memory_space<vmem_shared>>)
    %dma_wait3A_1780 = arith.constant 10240 : i32
    %dma_wait3A_1781 = tpu.memref_slice %arg9[%dma_wait3A_1780] : memref<262144xf32, #tpu.memory_space<vmem_shared>> -> memref<2048xf32, #tpu.memory_space<vmem_shared>>
    %dma_wait3A_1782 = arith.constant 10240 : i32
    %dma_wait3A_1783 = tpu.memref_slice %arg9[%dma_wait3A_1782] : memref<262144xf32, #tpu.memory_space<vmem_shared>> -> memref<2048xf32, #tpu.memory_space<vmem_shared>>
    tpu.wait_dma2 semaphore(%arg10 : memref<!tpu.dma_semaphore, #tpu.memory_space<semaphore_mem>>) src(%arg8 : memref<2048xf32, #tpu.memory_space<vmem>>) dst(%dma_wait3A_1783 : memref<2048xf32, #tpu.memory_space<vmem_shared>>)
    %dma_wait3A_1784 = arith.constant 12288 : i32
    %dma_wait3A_1785 = tpu.memref_slice %arg9[%dma_wait3A_1784] : memref<262144xf32, #tpu.memory_space<vmem_shared>> -> memref<2048xf32, #tpu.memory_space<vmem_shared>>
    %dma_wait3A_1786 = arith.constant 12288 : i32
    %dma_wait3A_1787 = tpu.memref_slice %arg9[%dma_wait3A_1786] : memref<262144xf32, #tpu.memory_space<vmem_shared>> -> memref<2048xf32, #tpu.memory_space<vmem_shared>>
    tpu.wait_dma2 semaphore(%arg10 : memref<!tpu.dma_semaphore, #tpu.memory_space<semaphore_mem>>) src(%arg8 : memref<2048xf32, #tpu.memory_space<vmem>>) dst(%dma_wait3A_1787 : memref<2048xf32, #tpu.memory_space<vmem_shared>>)
    %dma_wait3A_1788 = arith.constant 14336 : i32
    %dma_wait3A_1789 = tpu.memref_slice %arg9[%dma_wait3A_1788] : memref<262144xf32, #tpu.memory_space<vmem_shared>> -> memref<2048xf32, #tpu.memory_space<vmem_shared>>
    %dma_wait3A_1790 = arith.constant 14336 : i32
    %dma_wait3A_1791 = tpu.memref_slice %arg9[%dma_wait3A_1790] : memref<262144xf32, #tpu.memory_space<vmem_shared>> -> memref<2048xf32, #tpu.memory_space<vmem_shared>>
    tpu.wait_dma2 semaphore(%arg10 : memref<!tpu.dma_semaphore, #tpu.memory_space<semaphore_mem>>) src(%arg8 : memref<2048xf32, #tpu.memory_space<vmem>>) dst(%dma_wait3A_1791 : memref<2048xf32, #tpu.memory_space<vmem_shared>>)
    %barrier3A = arith.constant 0 : index
    tpu.barrier barrier_id(%barrier3A)
    %dma_start3A_1792 = arith.constant 0 : i32
    %dma_start3A_1793 = arith.constant 0 : i32
    %dma_start3A_1794 = tpu.memref_slice %arg6[%dma_start3A_1792, %dma_start3A_1793] : memref<16x128xi32, #tpu.memory_space<vmem>> -> memref<1x128xi32, #tpu.memory_space<vmem>>
    %dma_start3A_1795 = tpu.memref_squeeze %dma_start3A_1794 : memref<1x128xi32, #tpu.memory_space<vmem>> -> memref<128xi32, #tpu.memory_space<vmem>>
    %dma_start3A_1796 = arith.constant 0 : i32
    %dma_start3A_1797 = tpu.memref_slice %arg9[%dma_start3A_1796] : memref<262144xf32, #tpu.memory_space<vmem_shared>> -> memref<262144xf32, #tpu.memory_space<vmem_shared>>
    tpu.enqueue_indirect_dma source(%arg7 : memref<128xf32, #tpu.memory_space<vmem>>) target(%dma_start3A_1797 : memref<262144xf32, #tpu.memory_space<vmem_shared>>) offsets(%dma_start3A_1795 : memref<128xi32, #tpu.memory_space<vmem>>) semaphore(%arg12 : memref<!tpu.dma_semaphore, #tpu.memory_space<semaphore_mem>>) {add = true}
    %dma_start3A_1798 = arith.constant 1 : i32
    %dma_start3A_1799 = arith.constant 0 : i32
    %dma_start3A_1800 = tpu.memref_slice %arg6[%dma_start3A_1798, %dma_start3A_1799] : memref<16x128xi32, #tpu.memory_space<vmem>> -> memref<1x128xi32, #tpu.memory_space<vmem>>
    %dma_start3A_1801 = tpu.memref_squeeze %dma_start3A_1800 : memref<1x128xi32, #tpu.memory_space<vmem>> -> memref<128xi32, #tpu.memory_space<vmem>>
    %dma_start3A_1802 = arith.constant 0 : i32
    %dma_start3A_1803 = tpu.memref_slice %arg9[%dma_start3A_1802] : memref<262144xf32, #tpu.memory_space<vmem_shared>> -> memref<262144xf32, #tpu.memory_space<vmem_shared>>
    tpu.enqueue_indirect_dma source(%arg7 : memref<128xf32, #tpu.memory_space<vmem>>) target(%dma_start3A_1803 : memref<262144xf32, #tpu.memory_space<vmem_shared>>) offsets(%dma_start3A_1801 : memref<128xi32, #tpu.memory_space<vmem>>) semaphore(%arg12 : memref<!tpu.dma_semaphore, #tpu.memory_space<semaphore_mem>>) {add = true}
    %dma_start3A_1804 = arith.constant 2 : i32
    %dma_start3A_1805 = arith.constant 0 : i32
    %dma_start3A_1806 = tpu.memref_slice %arg6[%dma_start3A_1804, %dma_start3A_1805] : memref<16x128xi32, #tpu.memory_space<vmem>> -> memref<1x128xi32, #tpu.memory_space<vmem>>
    %dma_start3A_1807 = tpu.memref_squeeze %dma_start3A_1806 : memref<1x128xi32, #tpu.memory_space<vmem>> -> memref<128xi32, #tpu.memory_space<vmem>>
    %dma_start3A_1808 = arith.constant 0 : i32
    %dma_start3A_1809 = tpu.memref_slice %arg9[%dma_start3A_1808] : memref<262144xf32, #tpu.memory_space<vmem_shared>> -> memref<262144xf32, #tpu.memory_space<vmem_shared>>
    tpu.enqueue_indirect_dma source(%arg7 : memref<128xf32, #tpu.memory_space<vmem>>) target(%dma_start3A_1809 : memref<262144xf32, #tpu.memory_space<vmem_shared>>) offsets(%dma_start3A_1807 : memref<128xi32, #tpu.memory_space<vmem>>) semaphore(%arg12 : memref<!tpu.dma_semaphore, #tpu.memory_space<semaphore_mem>>) {add = true}
    %dma_start3A_1810 = arith.constant 3 : i32
    %dma_start3A_1811 = arith.constant 0 : i32
    %dma_start3A_1812 = tpu.memref_slice %arg6[%dma_start3A_1810, %dma_start3A_1811] : memref<16x128xi32, #tpu.memory_space<vmem>> -> memref<1x128xi32, #tpu.memory_space<vmem>>
    %dma_start3A_1813 = tpu.memref_squeeze %dma_start3A_1812 : memref<1x128xi32, #tpu.memory_space<vmem>> -> memref<128xi32, #tpu.memory_space<vmem>>
    %dma_start3A_1814 = arith.constant 0 : i32
    %dma_start3A_1815 = tpu.memref_slice %arg9[%dma_start3A_1814] : memref<262144xf32, #tpu.memory_space<vmem_shared>> -> memref<262144xf32, #tpu.memory_space<vmem_shared>>
    tpu.enqueue_indirect_dma source(%arg7 : memref<128xf32, #tpu.memory_space<vmem>>) target(%dma_start3A_1815 : memref<262144xf32, #tpu.memory_space<vmem_shared>>) offsets(%dma_start3A_1813 : memref<128xi32, #tpu.memory_space<vmem>>) semaphore(%arg12 : memref<!tpu.dma_semaphore, #tpu.memory_space<semaphore_mem>>) {add = true}
    %dma_start3A_1816 = arith.constant 4 : i32
    %dma_start3A_1817 = arith.constant 0 : i32
    %dma_start3A_1818 = tpu.memref_slice %arg6[%dma_start3A_1816, %dma_start3A_1817] : memref<16x128xi32, #tpu.memory_space<vmem>> -> memref<1x128xi32, #tpu.memory_space<vmem>>
    %dma_start3A_1819 = tpu.memref_squeeze %dma_start3A_1818 : memref<1x128xi32, #tpu.memory_space<vmem>> -> memref<128xi32, #tpu.memory_space<vmem>>
    %dma_start3A_1820 = arith.constant 0 : i32
    %dma_start3A_1821 = tpu.memref_slice %arg9[%dma_start3A_1820] : memref<262144xf32, #tpu.memory_space<vmem_shared>> -> memref<262144xf32, #tpu.memory_space<vmem_shared>>
    tpu.enqueue_indirect_dma source(%arg7 : memref<128xf32, #tpu.memory_space<vmem>>) target(%dma_start3A_1821 : memref<262144xf32, #tpu.memory_space<vmem_shared>>) offsets(%dma_start3A_1819 : memref<128xi32, #tpu.memory_space<vmem>>) semaphore(%arg12 : memref<!tpu.dma_semaphore, #tpu.memory_space<semaphore_mem>>) {add = true}
    %dma_start3A_1822 = arith.constant 5 : i32
    %dma_start3A_1823 = arith.constant 0 : i32
    %dma_start3A_1824 = tpu.memref_slice %arg6[%dma_start3A_1822, %dma_start3A_1823] : memref<16x128xi32, #tpu.memory_space<vmem>> -> memref<1x128xi32, #tpu.memory_space<vmem>>
    %dma_start3A_1825 = tpu.memref_squeeze %dma_start3A_1824 : memref<1x128xi32, #tpu.memory_space<vmem>> -> memref<128xi32, #tpu.memory_space<vmem>>
    %dma_start3A_1826 = arith.constant 0 : i32
    %dma_start3A_1827 = tpu.memref_slice %arg9[%dma_start3A_1826] : memref<262144xf32, #tpu.memory_space<vmem_shared>> -> memref<262144xf32, #tpu.memory_space<vmem_shared>>
    tpu.enqueue_indirect_dma source(%arg7 : memref<128xf32, #tpu.memory_space<vmem>>) target(%dma_start3A_1827 : memref<262144xf32, #tpu.memory_space<vmem_shared>>) offsets(%dma_start3A_1825 : memref<128xi32, #tpu.memory_space<vmem>>) semaphore(%arg12 : memref<!tpu.dma_semaphore, #tpu.memory_space<semaphore_mem>>) {add = true}
    %dma_start3A_1828 = arith.constant 6 : i32
    %dma_start3A_1829 = arith.constant 0 : i32
    %dma_start3A_1830 = tpu.memref_slice %arg6[%dma_start3A_1828, %dma_start3A_1829] : memref<16x128xi32, #tpu.memory_space<vmem>> -> memref<1x128xi32, #tpu.memory_space<vmem>>
    %dma_start3A_1831 = tpu.memref_squeeze %dma_start3A_1830 : memref<1x128xi32, #tpu.memory_space<vmem>> -> memref<128xi32, #tpu.memory_space<vmem>>
    %dma_start3A_1832 = arith.constant 0 : i32
    %dma_start3A_1833 = tpu.memref_slice %arg9[%dma_start3A_1832] : memref<262144xf32, #tpu.memory_space<vmem_shared>> -> memref<262144xf32, #tpu.memory_space<vmem_shared>>
    tpu.enqueue_indirect_dma source(%arg7 : memref<128xf32, #tpu.memory_space<vmem>>) target(%dma_start3A_1833 : memref<262144xf32, #tpu.memory_space<vmem_shared>>) offsets(%dma_start3A_1831 : memref<128xi32, #tpu.memory_space<vmem>>) semaphore(%arg12 : memref<!tpu.dma_semaphore, #tpu.memory_space<semaphore_mem>>) {add = true}
    %dma_start3A_1834 = arith.constant 7 : i32
    %dma_start3A_1835 = arith.constant 0 : i32
    %dma_start3A_1836 = tpu.memref_slice %arg6[%dma_start3A_1834, %dma_start3A_1835] : memref<16x128xi32, #tpu.memory_space<vmem>> -> memref<1x128xi32, #tpu.memory_space<vmem>>
    %dma_start3A_1837 = tpu.memref_squeeze %dma_start3A_1836 : memref<1x128xi32, #tpu.memory_space<vmem>> -> memref<128xi32, #tpu.memory_space<vmem>>
    %dma_start3A_1838 = arith.constant 0 : i32
    %dma_start3A_1839 = tpu.memref_slice %arg9[%dma_start3A_1838] : memref<262144xf32, #tpu.memory_space<vmem_shared>> -> memref<262144xf32, #tpu.memory_space<vmem_shared>>
    tpu.enqueue_indirect_dma source(%arg7 : memref<128xf32, #tpu.memory_space<vmem>>) target(%dma_start3A_1839 : memref<262144xf32, #tpu.memory_space<vmem_shared>>) offsets(%dma_start3A_1837 : memref<128xi32, #tpu.memory_space<vmem>>) semaphore(%arg12 : memref<!tpu.dma_semaphore, #tpu.memory_space<semaphore_mem>>) {add = true}
    %dma_start3A_1840 = arith.constant 8 : i32
    %dma_start3A_1841 = arith.constant 0 : i32
    %dma_start3A_1842 = tpu.memref_slice %arg6[%dma_start3A_1840, %dma_start3A_1841] : memref<16x128xi32, #tpu.memory_space<vmem>> -> memref<1x128xi32, #tpu.memory_space<vmem>>
    %dma_start3A_1843 = tpu.memref_squeeze %dma_start3A_1842 : memref<1x128xi32, #tpu.memory_space<vmem>> -> memref<128xi32, #tpu.memory_space<vmem>>
    %dma_start3A_1844 = arith.constant 0 : i32
    %dma_start3A_1845 = tpu.memref_slice %arg9[%dma_start3A_1844] : memref<262144xf32, #tpu.memory_space<vmem_shared>> -> memref<262144xf32, #tpu.memory_space<vmem_shared>>
    tpu.enqueue_indirect_dma source(%arg7 : memref<128xf32, #tpu.memory_space<vmem>>) target(%dma_start3A_1845 : memref<262144xf32, #tpu.memory_space<vmem_shared>>) offsets(%dma_start3A_1843 : memref<128xi32, #tpu.memory_space<vmem>>) semaphore(%arg12 : memref<!tpu.dma_semaphore, #tpu.memory_space<semaphore_mem>>) {add = true}
    %dma_start3A_1846 = arith.constant 9 : i32
    %dma_start3A_1847 = arith.constant 0 : i32
    %dma_start3A_1848 = tpu.memref_slice %arg6[%dma_start3A_1846, %dma_start3A_1847] : memref<16x128xi32, #tpu.memory_space<vmem>> -> memref<1x128xi32, #tpu.memory_space<vmem>>
    %dma_start3A_1849 = tpu.memref_squeeze %dma_start3A_1848 : memref<1x128xi32, #tpu.memory_space<vmem>> -> memref<128xi32, #tpu.memory_space<vmem>>
    %dma_start3A_1850 = arith.constant 0 : i32
    %dma_start3A_1851 = tpu.memref_slice %arg9[%dma_start3A_1850] : memref<262144xf32, #tpu.memory_space<vmem_shared>> -> memref<262144xf32, #tpu.memory_space<vmem_shared>>
    tpu.enqueue_indirect_dma source(%arg7 : memref<128xf32, #tpu.memory_space<vmem>>) target(%dma_start3A_1851 : memref<262144xf32, #tpu.memory_space<vmem_shared>>) offsets(%dma_start3A_1849 : memref<128xi32, #tpu.memory_space<vmem>>) semaphore(%arg12 : memref<!tpu.dma_semaphore, #tpu.memory_space<semaphore_mem>>) {add = true}
    %dma_start3A_1852 = arith.constant 10 : i32
    %dma_start3A_1853 = arith.constant 0 : i32
    %dma_start3A_1854 = tpu.memref_slice %arg6[%dma_start3A_1852, %dma_start3A_1853] : memref<16x128xi32, #tpu.memory_space<vmem>> -> memref<1x128xi32, #tpu.memory_space<vmem>>
    %dma_start3A_1855 = tpu.memref_squeeze %dma_start3A_1854 : memref<1x128xi32, #tpu.memory_space<vmem>> -> memref<128xi32, #tpu.memory_space<vmem>>
    %dma_start3A_1856 = arith.constant 0 : i32
    %dma_start3A_1857 = tpu.memref_slice %arg9[%dma_start3A_1856] : memref<262144xf32, #tpu.memory_space<vmem_shared>> -> memref<262144xf32, #tpu.memory_space<vmem_shared>>
    tpu.enqueue_indirect_dma source(%arg7 : memref<128xf32, #tpu.memory_space<vmem>>) target(%dma_start3A_1857 : memref<262144xf32, #tpu.memory_space<vmem_shared>>) offsets(%dma_start3A_1855 : memref<128xi32, #tpu.memory_space<vmem>>) semaphore(%arg12 : memref<!tpu.dma_semaphore, #tpu.memory_space<semaphore_mem>>) {add = true}
    %dma_start3A_1858 = arith.constant 11 : i32
    %dma_start3A_1859 = arith.constant 0 : i32
    %dma_start3A_1860 = tpu.memref_slice %arg6[%dma_start3A_1858, %dma_start3A_1859] : memref<16x128xi32, #tpu.memory_space<vmem>> -> memref<1x128xi32, #tpu.memory_space<vmem>>
    %dma_start3A_1861 = tpu.memref_squeeze %dma_start3A_1860 : memref<1x128xi32, #tpu.memory_space<vmem>> -> memref<128xi32, #tpu.memory_space<vmem>>
    %dma_start3A_1862 = arith.constant 0 : i32
    %dma_start3A_1863 = tpu.memref_slice %arg9[%dma_start3A_1862] : memref<262144xf32, #tpu.memory_space<vmem_shared>> -> memref<262144xf32, #tpu.memory_space<vmem_shared>>
    tpu.enqueue_indirect_dma source(%arg7 : memref<128xf32, #tpu.memory_space<vmem>>) target(%dma_start3A_1863 : memref<262144xf32, #tpu.memory_space<vmem_shared>>) offsets(%dma_start3A_1861 : memref<128xi32, #tpu.memory_space<vmem>>) semaphore(%arg12 : memref<!tpu.dma_semaphore, #tpu.memory_space<semaphore_mem>>) {add = true}
    %dma_start3A_1864 = arith.constant 12 : i32
    %dma_start3A_1865 = arith.constant 0 : i32
    %dma_start3A_1866 = tpu.memref_slice %arg6[%dma_start3A_1864, %dma_start3A_1865] : memref<16x128xi32, #tpu.memory_space<vmem>> -> memref<1x128xi32, #tpu.memory_space<vmem>>
    %dma_start3A_1867 = tpu.memref_squeeze %dma_start3A_1866 : memref<1x128xi32, #tpu.memory_space<vmem>> -> memref<128xi32, #tpu.memory_space<vmem>>
    %dma_start3A_1868 = arith.constant 0 : i32
    %dma_start3A_1869 = tpu.memref_slice %arg9[%dma_start3A_1868] : memref<262144xf32, #tpu.memory_space<vmem_shared>> -> memref<262144xf32, #tpu.memory_space<vmem_shared>>
    tpu.enqueue_indirect_dma source(%arg7 : memref<128xf32, #tpu.memory_space<vmem>>) target(%dma_start3A_1869 : memref<262144xf32, #tpu.memory_space<vmem_shared>>) offsets(%dma_start3A_1867 : memref<128xi32, #tpu.memory_space<vmem>>) semaphore(%arg12 : memref<!tpu.dma_semaphore, #tpu.memory_space<semaphore_mem>>) {add = true}
    %dma_start3A_1870 = arith.constant 13 : i32
    %dma_start3A_1871 = arith.constant 0 : i32
    %dma_start3A_1872 = tpu.memref_slice %arg6[%dma_start3A_1870, %dma_start3A_1871] : memref<16x128xi32, #tpu.memory_space<vmem>> -> memref<1x128xi32, #tpu.memory_space<vmem>>
    %dma_start3A_1873 = tpu.memref_squeeze %dma_start3A_1872 : memref<1x128xi32, #tpu.memory_space<vmem>> -> memref<128xi32, #tpu.memory_space<vmem>>
    %dma_start3A_1874 = arith.constant 0 : i32
    %dma_start3A_1875 = tpu.memref_slice %arg9[%dma_start3A_1874] : memref<262144xf32, #tpu.memory_space<vmem_shared>> -> memref<262144xf32, #tpu.memory_space<vmem_shared>>
    tpu.enqueue_indirect_dma source(%arg7 : memref<128xf32, #tpu.memory_space<vmem>>) target(%dma_start3A_1875 : memref<262144xf32, #tpu.memory_space<vmem_shared>>) offsets(%dma_start3A_1873 : memref<128xi32, #tpu.memory_space<vmem>>) semaphore(%arg12 : memref<!tpu.dma_semaphore, #tpu.memory_space<semaphore_mem>>) {add = true}
    %dma_start3A_1876 = arith.constant 14 : i32
    %dma_start3A_1877 = arith.constant 0 : i32
    %dma_start3A_1878 = tpu.memref_slice %arg6[%dma_start3A_1876, %dma_start3A_1877] : memref<16x128xi32, #tpu.memory_space<vmem>> -> memref<1x128xi32, #tpu.memory_space<vmem>>
    %dma_start3A_1879 = tpu.memref_squeeze %dma_start3A_1878 : memref<1x128xi32, #tpu.memory_space<vmem>> -> memref<128xi32, #tpu.memory_space<vmem>>
    %dma_start3A_1880 = arith.constant 0 : i32
    %dma_start3A_1881 = tpu.memref_slice %arg9[%dma_start3A_1880] : memref<262144xf32, #tpu.memory_space<vmem_shared>> -> memref<262144xf32, #tpu.memory_space<vmem_shared>>
    tpu.enqueue_indirect_dma source(%arg7 : memref<128xf32, #tpu.memory_space<vmem>>) target(%dma_start3A_1881 : memref<262144xf32, #tpu.memory_space<vmem_shared>>) offsets(%dma_start3A_1879 : memref<128xi32, #tpu.memory_space<vmem>>) semaphore(%arg12 : memref<!tpu.dma_semaphore, #tpu.memory_space<semaphore_mem>>) {add = true}
    %dma_start3A_1882 = arith.constant 15 : i32
    %dma_start3A_1883 = arith.constant 0 : i32
    %dma_start3A_1884 = tpu.memref_slice %arg6[%dma_start3A_1882, %dma_start3A_1883] : memref<16x128xi32, #tpu.memory_space<vmem>> -> memref<1x128xi32, #tpu.memory_space<vmem>>
    %dma_start3A_1885 = tpu.memref_squeeze %dma_start3A_1884 : memref<1x128xi32, #tpu.memory_space<vmem>> -> memref<128xi32, #tpu.memory_space<vmem>>
    %dma_start3A_1886 = arith.constant 0 : i32
    %dma_start3A_1887 = tpu.memref_slice %arg9[%dma_start3A_1886] : memref<262144xf32, #tpu.memory_space<vmem_shared>> -> memref<262144xf32, #tpu.memory_space<vmem_shared>>
    tpu.enqueue_indirect_dma source(%arg7 : memref<128xf32, #tpu.memory_space<vmem>>) target(%dma_start3A_1887 : memref<262144xf32, #tpu.memory_space<vmem_shared>>) offsets(%dma_start3A_1885 : memref<128xi32, #tpu.memory_space<vmem>>) semaphore(%arg12 : memref<!tpu.dma_semaphore, #tpu.memory_space<semaphore_mem>>) {add = true}
    %dma_wait3A_1888 = arith.constant 0 : i32
    %dma_wait3A_1889 = arith.constant 0 : i32
    %dma_wait3A_1890 = tpu.memref_slice %arg6[%dma_wait3A_1888, %dma_wait3A_1889] : memref<16x128xi32, #tpu.memory_space<vmem>> -> memref<1x128xi32, #tpu.memory_space<vmem>>
    %dma_wait3A_1891 = tpu.memref_squeeze %dma_wait3A_1890 : memref<1x128xi32, #tpu.memory_space<vmem>> -> memref<128xi32, #tpu.memory_space<vmem>>
    %dma_wait3A_1892 = arith.constant 0 : i32
    %dma_wait3A_1893 = tpu.memref_slice %arg9[%dma_wait3A_1892] : memref<262144xf32, #tpu.memory_space<vmem_shared>> -> memref<262144xf32, #tpu.memory_space<vmem_shared>>
    tpu.wait_indirect_dma semaphore(%arg12 : memref<!tpu.dma_semaphore, #tpu.memory_space<semaphore_mem>>) src(%arg7 : memref<128xf32, #tpu.memory_space<vmem>>) dst(%dma_wait3A_1893 : memref<262144xf32, #tpu.memory_space<vmem_shared>>)
    %dma_wait3A_1894 = arith.constant 0 : i32
    %dma_wait3A_1895 = arith.constant 0 : i32
    %dma_wait3A_1896 = tpu.memref_slice %arg6[%dma_wait3A_1894, %dma_wait3A_1895] : memref<16x128xi32, #tpu.memory_space<vmem>> -> memref<1x128xi32, #tpu.memory_space<vmem>>
    %dma_wait3A_1897 = tpu.memref_squeeze %dma_wait3A_1896 : memref<1x128xi32, #tpu.memory_space<vmem>> -> memref<128xi32, #tpu.memory_space<vmem>>
    %dma_wait3A_1898 = arith.constant 0 : i32
    %dma_wait3A_1899 = tpu.memref_slice %arg9[%dma_wait3A_1898] : memref<262144xf32, #tpu.memory_space<vmem_shared>> -> memref<262144xf32, #tpu.memory_space<vmem_shared>>
    tpu.wait_indirect_dma semaphore(%arg12 : memref<!tpu.dma_semaphore, #tpu.memory_space<semaphore_mem>>) src(%arg7 : memref<128xf32, #tpu.memory_space<vmem>>) dst(%dma_wait3A_1899 : memref<262144xf32, #tpu.memory_space<vmem_shared>>)
    %dma_wait3A_1900 = arith.constant 0 : i32
    %dma_wait3A_1901 = arith.constant 0 : i32
    %dma_wait3A_1902 = tpu.memref_slice %arg6[%dma_wait3A_1900, %dma_wait3A_1901] : memref<16x128xi32, #tpu.memory_space<vmem>> -> memref<1x128xi32, #tpu.memory_space<vmem>>
    %dma_wait3A_1903 = tpu.memref_squeeze %dma_wait3A_1902 : memref<1x128xi32, #tpu.memory_space<vmem>> -> memref<128xi32, #tpu.memory_space<vmem>>
    %dma_wait3A_1904 = arith.constant 0 : i32
    %dma_wait3A_1905 = tpu.memref_slice %arg9[%dma_wait3A_1904] : memref<262144xf32, #tpu.memory_space<vmem_shared>> -> memref<262144xf32, #tpu.memory_space<vmem_shared>>
    tpu.wait_indirect_dma semaphore(%arg12 : memref<!tpu.dma_semaphore, #tpu.memory_space<semaphore_mem>>) src(%arg7 : memref<128xf32, #tpu.memory_space<vmem>>) dst(%dma_wait3A_1905 : memref<262144xf32, #tpu.memory_space<vmem_shared>>)
    %dma_wait3A_1906 = arith.constant 0 : i32
    %dma_wait3A_1907 = arith.constant 0 : i32
    %dma_wait3A_1908 = tpu.memref_slice %arg6[%dma_wait3A_1906, %dma_wait3A_1907] : memref<16x128xi32, #tpu.memory_space<vmem>> -> memref<1x128xi32, #tpu.memory_space<vmem>>
    %dma_wait3A_1909 = tpu.memref_squeeze %dma_wait3A_1908 : memref<1x128xi32, #tpu.memory_space<vmem>> -> memref<128xi32, #tpu.memory_space<vmem>>
    %dma_wait3A_1910 = arith.constant 0 : i32
    %dma_wait3A_1911 = tpu.memref_slice %arg9[%dma_wait3A_1910] : memref<262144xf32, #tpu.memory_space<vmem_shared>> -> memref<262144xf32, #tpu.memory_space<vmem_shared>>
    tpu.wait_indirect_dma semaphore(%arg12 : memref<!tpu.dma_semaphore, #tpu.memory_space<semaphore_mem>>) src(%arg7 : memref<128xf32, #tpu.memory_space<vmem>>) dst(%dma_wait3A_1911 : memref<262144xf32, #tpu.memory_space<vmem_shared>>)
    %dma_wait3A_1912 = arith.constant 0 : i32
    %dma_wait3A_1913 = arith.constant 0 : i32
    %dma_wait3A_1914 = tpu.memref_slice %arg6[%dma_wait3A_1912, %dma_wait3A_1913] : memref<16x128xi32, #tpu.memory_space<vmem>> -> memref<1x128xi32, #tpu.memory_space<vmem>>
    %dma_wait3A_1915 = tpu.memref_squeeze %dma_wait3A_1914 : memref<1x128xi32, #tpu.memory_space<vmem>> -> memref<128xi32, #tpu.memory_space<vmem>>
    %dma_wait3A_1916 = arith.constant 0 : i32
    %dma_wait3A_1917 = tpu.memref_slice %arg9[%dma_wait3A_1916] : memref<262144xf32, #tpu.memory_space<vmem_shared>> -> memref<262144xf32, #tpu.memory_space<vmem_shared>>
    tpu.wait_indirect_dma semaphore(%arg12 : memref<!tpu.dma_semaphore, #tpu.memory_space<semaphore_mem>>) src(%arg7 : memref<128xf32, #tpu.memory_space<vmem>>) dst(%dma_wait3A_1917 : memref<262144xf32, #tpu.memory_space<vmem_shared>>)
    %dma_wait3A_1918 = arith.constant 0 : i32
    %dma_wait3A_1919 = arith.constant 0 : i32
    %dma_wait3A_1920 = tpu.memref_slice %arg6[%dma_wait3A_1918, %dma_wait3A_1919] : memref<16x128xi32, #tpu.memory_space<vmem>> -> memref<1x128xi32, #tpu.memory_space<vmem>>
    %dma_wait3A_1921 = tpu.memref_squeeze %dma_wait3A_1920 : memref<1x128xi32, #tpu.memory_space<vmem>> -> memref<128xi32, #tpu.memory_space<vmem>>
    %dma_wait3A_1922 = arith.constant 0 : i32
    %dma_wait3A_1923 = tpu.memref_slice %arg9[%dma_wait3A_1922] : memref<262144xf32, #tpu.memory_space<vmem_shared>> -> memref<262144xf32, #tpu.memory_space<vmem_shared>>
    tpu.wait_indirect_dma semaphore(%arg12 : memref<!tpu.dma_semaphore, #tpu.memory_space<semaphore_mem>>) src(%arg7 : memref<128xf32, #tpu.memory_space<vmem>>) dst(%dma_wait3A_1923 : memref<262144xf32, #tpu.memory_space<vmem_shared>>)
    %dma_wait3A_1924 = arith.constant 0 : i32
    %dma_wait3A_1925 = arith.constant 0 : i32
    %dma_wait3A_1926 = tpu.memref_slice %arg6[%dma_wait3A_1924, %dma_wait3A_1925] : memref<16x128xi32, #tpu.memory_space<vmem>> -> memref<1x128xi32, #tpu.memory_space<vmem>>
    %dma_wait3A_1927 = tpu.memref_squeeze %dma_wait3A_1926 : memref<1x128xi32, #tpu.memory_space<vmem>> -> memref<128xi32, #tpu.memory_space<vmem>>
    %dma_wait3A_1928 = arith.constant 0 : i32
    %dma_wait3A_1929 = tpu.memref_slice %arg9[%dma_wait3A_1928] : memref<262144xf32, #tpu.memory_space<vmem_shared>> -> memref<262144xf32, #tpu.memory_space<vmem_shared>>
    tpu.wait_indirect_dma semaphore(%arg12 : memref<!tpu.dma_semaphore, #tpu.memory_space<semaphore_mem>>) src(%arg7 : memref<128xf32, #tpu.memory_space<vmem>>) dst(%dma_wait3A_1929 : memref<262144xf32, #tpu.memory_space<vmem_shared>>)
    %dma_wait3A_1930 = arith.constant 0 : i32
    %dma_wait3A_1931 = arith.constant 0 : i32
    %dma_wait3A_1932 = tpu.memref_slice %arg6[%dma_wait3A_1930, %dma_wait3A_1931] : memref<16x128xi32, #tpu.memory_space<vmem>> -> memref<1x128xi32, #tpu.memory_space<vmem>>
    %dma_wait3A_1933 = tpu.memref_squeeze %dma_wait3A_1932 : memref<1x128xi32, #tpu.memory_space<vmem>> -> memref<128xi32, #tpu.memory_space<vmem>>
    %dma_wait3A_1934 = arith.constant 0 : i32
    %dma_wait3A_1935 = tpu.memref_slice %arg9[%dma_wait3A_1934] : memref<262144xf32, #tpu.memory_space<vmem_shared>> -> memref<262144xf32, #tpu.memory_space<vmem_shared>>
    tpu.wait_indirect_dma semaphore(%arg12 : memref<!tpu.dma_semaphore, #tpu.memory_space<semaphore_mem>>) src(%arg7 : memref<128xf32, #tpu.memory_space<vmem>>) dst(%dma_wait3A_1935 : memref<262144xf32, #tpu.memory_space<vmem_shared>>)
    %dma_wait3A_1936 = arith.constant 0 : i32
    %dma_wait3A_1937 = arith.constant 0 : i32
    %dma_wait3A_1938 = tpu.memref_slice %arg6[%dma_wait3A_1936, %dma_wait3A_1937] : memref<16x128xi32, #tpu.memory_space<vmem>> -> memref<1x128xi32, #tpu.memory_space<vmem>>
    %dma_wait3A_1939 = tpu.memref_squeeze %dma_wait3A_1938 : memref<1x128xi32, #tpu.memory_space<vmem>> -> memref<128xi32, #tpu.memory_space<vmem>>
    %dma_wait3A_1940 = arith.constant 0 : i32
    %dma_wait3A_1941 = tpu.memref_slice %arg9[%dma_wait3A_1940] : memref<262144xf32, #tpu.memory_space<vmem_shared>> -> memref<262144xf32, #tpu.memory_space<vmem_shared>>
    tpu.wait_indirect_dma semaphore(%arg12 : memref<!tpu.dma_semaphore, #tpu.memory_space<semaphore_mem>>) src(%arg7 : memref<128xf32, #tpu.memory_space<vmem>>) dst(%dma_wait3A_1941 : memref<262144xf32, #tpu.memory_space<vmem_shared>>)
    %dma_wait3A_1942 = arith.constant 0 : i32
    %dma_wait3A_1943 = arith.constant 0 : i32
    %dma_wait3A_1944 = tpu.memref_slice %arg6[%dma_wait3A_1942, %dma_wait3A_1943] : memref<16x128xi32, #tpu.memory_space<vmem>> -> memref<1x128xi32, #tpu.memory_space<vmem>>
    %dma_wait3A_1945 = tpu.memref_squeeze %dma_wait3A_1944 : memref<1x128xi32, #tpu.memory_space<vmem>> -> memref<128xi32, #tpu.memory_space<vmem>>
    %dma_wait3A_1946 = arith.constant 0 : i32
    %dma_wait3A_1947 = tpu.memref_slice %arg9[%dma_wait3A_1946] : memref<262144xf32, #tpu.memory_space<vmem_shared>> -> memref<262144xf32, #tpu.memory_space<vmem_shared>>
    tpu.wait_indirect_dma semaphore(%arg12 : memref<!tpu.dma_semaphore, #tpu.memory_space<semaphore_mem>>) src(%arg7 : memref<128xf32, #tpu.memory_space<vmem>>) dst(%dma_wait3A_1947 : memref<262144xf32, #tpu.memory_space<vmem_shared>>)
    %dma_wait3A_1948 = arith.constant 0 : i32
    %dma_wait3A_1949 = arith.constant 0 : i32
    %dma_wait3A_1950 = tpu.memref_slice %arg6[%dma_wait3A_1948, %dma_wait3A_1949] : memref<16x128xi32, #tpu.memory_space<vmem>> -> memref<1x128xi32, #tpu.memory_space<vmem>>
    %dma_wait3A_1951 = tpu.memref_squeeze %dma_wait3A_1950 : memref<1x128xi32, #tpu.memory_space<vmem>> -> memref<128xi32, #tpu.memory_space<vmem>>
    %dma_wait3A_1952 = arith.constant 0 : i32
    %dma_wait3A_1953 = tpu.memref_slice %arg9[%dma_wait3A_1952] : memref<262144xf32, #tpu.memory_space<vmem_shared>> -> memref<262144xf32, #tpu.memory_space<vmem_shared>>
    tpu.wait_indirect_dma semaphore(%arg12 : memref<!tpu.dma_semaphore, #tpu.memory_space<semaphore_mem>>) src(%arg7 : memref<128xf32, #tpu.memory_space<vmem>>) dst(%dma_wait3A_1953 : memref<262144xf32, #tpu.memory_space<vmem_shared>>)
    %dma_wait3A_1954 = arith.constant 0 : i32
    %dma_wait3A_1955 = arith.constant 0 : i32
    %dma_wait3A_1956 = tpu.memref_slice %arg6[%dma_wait3A_1954, %dma_wait3A_1955] : memref<16x128xi32, #tpu.memory_space<vmem>> -> memref<1x128xi32, #tpu.memory_space<vmem>>
    %dma_wait3A_1957 = tpu.memref_squeeze %dma_wait3A_1956 : memref<1x128xi32, #tpu.memory_space<vmem>> -> memref<128xi32, #tpu.memory_space<vmem>>
    %dma_wait3A_1958 = arith.constant 0 : i32
    %dma_wait3A_1959 = tpu.memref_slice %arg9[%dma_wait3A_1958] : memref<262144xf32, #tpu.memory_space<vmem_shared>> -> memref<262144xf32, #tpu.memory_space<vmem_shared>>
    tpu.wait_indirect_dma semaphore(%arg12 : memref<!tpu.dma_semaphore, #tpu.memory_space<semaphore_mem>>) src(%arg7 : memref<128xf32, #tpu.memory_space<vmem>>) dst(%dma_wait3A_1959 : memref<262144xf32, #tpu.memory_space<vmem_shared>>)
    %dma_wait3A_1960 = arith.constant 0 : i32
    %dma_wait3A_1961 = arith.constant 0 : i32
    %dma_wait3A_1962 = tpu.memref_slice %arg6[%dma_wait3A_1960, %dma_wait3A_1961] : memref<16x128xi32, #tpu.memory_space<vmem>> -> memref<1x128xi32, #tpu.memory_space<vmem>>
    %dma_wait3A_1963 = tpu.memref_squeeze %dma_wait3A_1962 : memref<1x128xi32, #tpu.memory_space<vmem>> -> memref<128xi32, #tpu.memory_space<vmem>>
    %dma_wait3A_1964 = arith.constant 0 : i32
    %dma_wait3A_1965 = tpu.memref_slice %arg9[%dma_wait3A_1964] : memref<262144xf32, #tpu.memory_space<vmem_shared>> -> memref<262144xf32, #tpu.memory_space<vmem_shared>>
    tpu.wait_indirect_dma semaphore(%arg12 : memref<!tpu.dma_semaphore, #tpu.memory_space<semaphore_mem>>) src(%arg7 : memref<128xf32, #tpu.memory_space<vmem>>) dst(%dma_wait3A_1965 : memref<262144xf32, #tpu.memory_space<vmem_shared>>)
    %dma_wait3A_1966 = arith.constant 0 : i32
    %dma_wait3A_1967 = arith.constant 0 : i32
    %dma_wait3A_1968 = tpu.memref_slice %arg6[%dma_wait3A_1966, %dma_wait3A_1967] : memref<16x128xi32, #tpu.memory_space<vmem>> -> memref<1x128xi32, #tpu.memory_space<vmem>>
    %dma_wait3A_1969 = tpu.memref_squeeze %dma_wait3A_1968 : memref<1x128xi32, #tpu.memory_space<vmem>> -> memref<128xi32, #tpu.memory_space<vmem>>
    %dma_wait3A_1970 = arith.constant 0 : i32
    %dma_wait3A_1971 = tpu.memref_slice %arg9[%dma_wait3A_1970] : memref<262144xf32, #tpu.memory_space<vmem_shared>> -> memref<262144xf32, #tpu.memory_space<vmem_shared>>
    tpu.wait_indirect_dma semaphore(%arg12 : memref<!tpu.dma_semaphore, #tpu.memory_space<semaphore_mem>>) src(%arg7 : memref<128xf32, #tpu.memory_space<vmem>>) dst(%dma_wait3A_1971 : memref<262144xf32, #tpu.memory_space<vmem_shared>>)
    %dma_wait3A_1972 = arith.constant 0 : i32
    %dma_wait3A_1973 = arith.constant 0 : i32
    %dma_wait3A_1974 = tpu.memref_slice %arg6[%dma_wait3A_1972, %dma_wait3A_1973] : memref<16x128xi32, #tpu.memory_space<vmem>> -> memref<1x128xi32, #tpu.memory_space<vmem>>
    %dma_wait3A_1975 = tpu.memref_squeeze %dma_wait3A_1974 : memref<1x128xi32, #tpu.memory_space<vmem>> -> memref<128xi32, #tpu.memory_space<vmem>>
    %dma_wait3A_1976 = arith.constant 0 : i32
    %dma_wait3A_1977 = tpu.memref_slice %arg9[%dma_wait3A_1976] : memref<262144xf32, #tpu.memory_space<vmem_shared>> -> memref<262144xf32, #tpu.memory_space<vmem_shared>>
    tpu.wait_indirect_dma semaphore(%arg12 : memref<!tpu.dma_semaphore, #tpu.memory_space<semaphore_mem>>) src(%arg7 : memref<128xf32, #tpu.memory_space<vmem>>) dst(%dma_wait3A_1977 : memref<262144xf32, #tpu.memory_space<vmem_shared>>)
    %dma_wait3A_1978 = arith.constant 0 : i32
    %dma_wait3A_1979 = arith.constant 0 : i32
    %dma_wait3A_1980 = tpu.memref_slice %arg6[%dma_wait3A_1978, %dma_wait3A_1979] : memref<16x128xi32, #tpu.memory_space<vmem>> -> memref<1x128xi32, #tpu.memory_space<vmem>>
    %dma_wait3A_1981 = tpu.memref_squeeze %dma_wait3A_1980 : memref<1x128xi32, #tpu.memory_space<vmem>> -> memref<128xi32, #tpu.memory_space<vmem>>
    %dma_wait3A_1982 = arith.constant 0 : i32
    %dma_wait3A_1983 = tpu.memref_slice %arg9[%dma_wait3A_1982] : memref<262144xf32, #tpu.memory_space<vmem_shared>> -> memref<262144xf32, #tpu.memory_space<vmem_shared>>
    tpu.wait_indirect_dma semaphore(%arg12 : memref<!tpu.dma_semaphore, #tpu.memory_space<semaphore_mem>>) src(%arg7 : memref<128xf32, #tpu.memory_space<vmem>>) dst(%dma_wait3A_1983 : memref<262144xf32, #tpu.memory_space<vmem_shared>>)
    %barrier3A_1984 = arith.constant 0 : index
    tpu.barrier barrier_id(%barrier3A_1984)
    %eq3A = arith.constant 0 : i32
    %eq3A_1985 = arith.cmpi eq, %arg0, %eq3A : i32
    %convert_element_type3A = arith.extui %eq3A_1985 : i1 to i32
    %cond3A = arith.constant 0 : i32
    %cond3A_1986 = arith.cmpi ne, %convert_element_type3A, %cond3A : i32
    scf.if %cond3A_1986 {
      %mul3A_1992 = arith.constant 16384 : i32
      %mul3A_1993 = arith.muli %arg1, %mul3A_1992 : i32
      %mul3A_1994 = arith.constant 16384 : i32
      %mul3A_1995 = arith.muli %arg1, %mul3A_1994 : i32
      "tpu.region"() ({
        %run_scoped3A = tpu.sem_alloc : memref<!tpu.dma_semaphore, #tpu.memory_space<semaphore_mem>>
        %dma_start3A_1996 = tpu.memref_slice %arg3[%mul3A_1995] : memref<262144xf32, #tpu.memory_space<hbm>> -> memref<16384xf32, #tpu.memory_space<hbm>>
        %dma_start3A_1997 = tpu.memref_slice %arg9[%mul3A_1993] : memref<262144xf32, #tpu.memory_space<vmem_shared>> -> memref<16384xf32, #tpu.memory_space<vmem_shared>>
        tpu.enqueue_dma source(%dma_start3A_1997 : memref<16384xf32, #tpu.memory_space<vmem_shared>>) target(%dma_start3A_1996 : memref<16384xf32, #tpu.memory_space<hbm>>) target_semaphore(%run_scoped3A : memref<!tpu.dma_semaphore, #tpu.memory_space<semaphore_mem>>)
        %dma_wait3A_1998 = tpu.memref_slice %arg3[%mul3A_1995] : memref<262144xf32, #tpu.memory_space<hbm>> -> memref<16384xf32, #tpu.memory_space<hbm>>
        %dma_wait3A_1999 = tpu.memref_slice %arg9[%mul3A_1993] : memref<262144xf32, #tpu.memory_space<vmem_shared>> -> memref<16384xf32, #tpu.memory_space<vmem_shared>>
        tpu.wait_dma2 semaphore(%run_scoped3A : memref<!tpu.dma_semaphore, #tpu.memory_space<semaphore_mem>>) src(%dma_wait3A_1999 : memref<16384xf32, #tpu.memory_space<vmem_shared>>) dst(%dma_wait3A_1998 : memref<16384xf32, #tpu.memory_space<hbm>>)
        tpu.yield
      }) : () -> ()
    } else {
    }
    %eq3A_1987 = arith.constant 1 : i32
    %eq3A_1988 = arith.cmpi eq, %arg0, %eq3A_1987 : i32
    %convert_element_type3A_1989 = arith.extui %eq3A_1988 : i1 to i32
    %cond3A_1990 = arith.constant 0 : i32
    %cond3A_1991 = arith.cmpi ne, %convert_element_type3A_1989, %cond3A_1990 : i32
    scf.if %cond3A_1991 {
      %mul3A_1992 = arith.constant 16384 : i32
      %mul3A_1993 = arith.muli %arg1, %mul3A_1992 : i32
      %mul3A_1994 = arith.constant 16384 : i32
      %mul3A_1995 = arith.muli %arg1, %mul3A_1994 : i32
      "tpu.region"() ({
        %run_scoped3A = tpu.sem_alloc : memref<!tpu.dma_semaphore, #tpu.memory_space<semaphore_mem>>
        %dma_start3A_1996 = tpu.memref_slice %arg4[%mul3A_1995] : memref<262144xf32, #tpu.memory_space<hbm>> -> memref<16384xf32, #tpu.memory_space<hbm>>
        %dma_start3A_1997 = tpu.memref_slice %arg9[%mul3A_1993] : memref<262144xf32, #tpu.memory_space<vmem_shared>> -> memref<16384xf32, #tpu.memory_space<vmem_shared>>
        tpu.enqueue_dma source(%dma_start3A_1997 : memref<16384xf32, #tpu.memory_space<vmem_shared>>) target(%dma_start3A_1996 : memref<16384xf32, #tpu.memory_space<hbm>>) target_semaphore(%run_scoped3A : memref<!tpu.dma_semaphore, #tpu.memory_space<semaphore_mem>>)
        %dma_wait3A_1998 = tpu.memref_slice %arg4[%mul3A_1995] : memref<262144xf32, #tpu.memory_space<hbm>> -> memref<16384xf32, #tpu.memory_space<hbm>>
        %dma_wait3A_1999 = tpu.memref_slice %arg9[%mul3A_1993] : memref<262144xf32, #tpu.memory_space<vmem_shared>> -> memref<16384xf32, #tpu.memory_space<vmem_shared>>
        tpu.wait_dma2 semaphore(%run_scoped3A : memref<!tpu.dma_semaphore, #tpu.memory_space<semaphore_mem>>) src(%dma_wait3A_1999 : memref<16384xf32, #tpu.memory_space<vmem_shared>>) dst(%dma_wait3A_1998 : memref<16384xf32, #tpu.memory_space<hbm>>)
        tpu.yield
      }) : () -> ()
    } else {
    }
    return
  }
}

module attributes {stable_mosaic.version = 14 : i64} {
  func.func @_pre_kernel(%arg0: memref<489x512xf32, #tpu.memory_space<vmem>>, %arg1: memref<489x512xf32, #tpu.memory_space<vmem>>, %arg2: memref<512x256xf32, #tpu.memory_space<vmem>>, %arg3: memref<512x256xf32, #tpu.memory_space<vmem>>, %arg4: memref<489x256xf32, #tpu.memory_space<vmem>>, %arg5: memref<489x256xf32, #tpu.memory_space<vmem>>, %arg6: memref<489x256xf32, #tpu.memory_space<vmem>>, %arg7: memref<489x256xf32, #tpu.memory_space<vmem>>) attributes {dimension_semantics = [], scalar_prefetch = 0 : i64, scratch_operands = 0 : i64, tpu.core_type = #tpu.core_type<tc>} {
    %get3A = arith.constant 0 : index
    %get3A_0 = arith.constant 0 : index
    %get3A_1 = vector.load %arg0[%get3A, %get3A_0] : memref<489x512xf32, #tpu.memory_space<vmem>>, vector<489x512xf32>
    %get3A_2 = arith.constant 0 : index
    %get3A_3 = arith.constant 0 : index
    %get3A_4 = vector.load %arg1[%get3A_2, %get3A_3] : memref<489x512xf32, #tpu.memory_space<vmem>>, vector<489x512xf32>
    %get3A_5 = arith.constant 0 : index
    %get3A_6 = arith.constant 0 : index
    %get3A_7 = vector.load %arg2[%get3A_5, %get3A_6] : memref<512x256xf32, #tpu.memory_space<vmem>>, vector<512x256xf32>
    %get3A_8 = arith.constant 0 : index
    %get3A_9 = arith.constant 0 : index
    %get3A_10 = vector.load %arg3[%get3A_8, %get3A_9] : memref<512x256xf32, #tpu.memory_space<vmem>>, vector<512x256xf32>
    %dot_general3A = arith.constant dense<0.000000e+00> : vector<489x256xf32>
    %dot_general3A_11 = tpu.matmul %get3A_1, %get3A_7, %dot_general3A {dimension_numbers = #tpu.dot_dimension_numbers<[1], [0], [0], [1], [0, 0, 1, 1], [], []>, transpose_lhs_hint = false} : vector<489x512xf32>, vector<512x256xf32>, vector<489x256xf32> -> vector<489x256xf32>
    %swap3A = arith.constant 0 : index
    %swap3A_12 = arith.constant 0 : index
    %swap3A_13 = vector.load %arg4[%swap3A, %swap3A_12] : memref<489x256xf32, #tpu.memory_space<vmem>>, vector<489x256xf32>
    tpu.vector_store %arg4[%swap3A, %swap3A_12], %dot_general3A_11 {strides = array<i32>} : memref<489x256xf32, #tpu.memory_space<vmem>>, vector<489x256xf32>,
    %dot_general3A_14 = arith.constant dense<0.000000e+00> : vector<489x256xf32>
    %dot_general3A_15 = tpu.matmul %get3A_1, %get3A_10, %dot_general3A_14 {dimension_numbers = #tpu.dot_dimension_numbers<[1], [0], [0], [1], [0, 0, 1, 1], [], []>, transpose_lhs_hint = false} : vector<489x512xf32>, vector<512x256xf32>, vector<489x256xf32> -> vector<489x256xf32>
    %swap3A_16 = arith.constant 0 : index
    %swap3A_17 = arith.constant 0 : index
    %swap3A_18 = vector.load %arg5[%swap3A_16, %swap3A_17] : memref<489x256xf32, #tpu.memory_space<vmem>>, vector<489x256xf32>
    tpu.vector_store %arg5[%swap3A_16, %swap3A_17], %dot_general3A_15 {strides = array<i32>} : memref<489x256xf32, #tpu.memory_space<vmem>>, vector<489x256xf32>,
    %dot_general3A_19 = arith.constant dense<0.000000e+00> : vector<489x256xf32>
    %dot_general3A_20 = tpu.matmul %get3A_4, %get3A_7, %dot_general3A_19 {dimension_numbers = #tpu.dot_dimension_numbers<[1], [0], [0], [1], [0, 0, 1, 1], [], []>, transpose_lhs_hint = false} : vector<489x512xf32>, vector<512x256xf32>, vector<489x256xf32> -> vector<489x256xf32>
    %swap3A_21 = arith.constant 0 : index
    %swap3A_22 = arith.constant 0 : index
    %swap3A_23 = vector.load %arg6[%swap3A_21, %swap3A_22] : memref<489x256xf32, #tpu.memory_space<vmem>>, vector<489x256xf32>
    tpu.vector_store %arg6[%swap3A_21, %swap3A_22], %dot_general3A_20 {strides = array<i32>} : memref<489x256xf32, #tpu.memory_space<vmem>>, vector<489x256xf32>,
    %dot_general3A_24 = arith.constant dense<0.000000e+00> : vector<489x256xf32>
    %dot_general3A_25 = tpu.matmul %get3A_4, %get3A_10, %dot_general3A_24 {dimension_numbers = #tpu.dot_dimension_numbers<[1], [0], [0], [1], [0, 0, 1, 1], [], []>, transpose_lhs_hint = false} : vector<489x512xf32>, vector<512x256xf32>, vector<489x256xf32> -> vector<489x256xf32>
    %swap3A_26 = arith.constant 0 : index
    %swap3A_27 = arith.constant 0 : index
    %swap3A_28 = vector.load %arg7[%swap3A_26, %swap3A_27] : memref<489x256xf32, #tpu.memory_space<vmem>>, vector<489x256xf32>
    tpu.vector_store %arg7[%swap3A_26, %swap3A_27], %dot_general3A_25 {strides = array<i32>} : memref<489x256xf32, #tpu.memory_space<vmem>>, vector<489x256xf32>,
    return
  }
}

module attributes {stable_mosaic.version = 14 : i64} {
  func.func @_mngnn_kernel(%arg0: memref<2048x128xf32, #tpu.memory_space<vmem>>, %arg1: memref<2048x128xf32, #tpu.memory_space<vmem>>, %arg2: memref<489x256xf32, #tpu.memory_space<vmem>>, %arg3: memref<489x256xf32, #tpu.memory_space<vmem>>, %arg4: memref<489x256xf32, #tpu.memory_space<vmem>>, %arg5: memref<489x256xf32, #tpu.memory_space<vmem>>, %arg6: memref<512x128xf32, #tpu.memory_space<vmem>>, %arg7: memref<512x128xf32, #tpu.memory_space<vmem>>, %arg8: memref<256x256xf32, #tpu.memory_space<vmem>>, %arg9: memref<1x256xf32, #tpu.memory_space<vmem>>, %arg10: memref<1x256xf32, #tpu.memory_space<vmem>>, %arg11: memref<1x128xf32, #tpu.memory_space<vmem>>, %arg12: memref<1x128xf32, #tpu.memory_space<vmem>>, %arg13: memref<1x1xf32, #tpu.memory_space<vmem>>, %arg14: memref<271x218xf32, #tpu.memory_space<vmem>>, %arg15: memref<271x218xf32, #tpu.memory_space<vmem>>, %arg16: memref<271x218xf32, #tpu.memory_space<vmem>>, %arg17: memref<4x489xf32, #tpu.memory_space<vmem>>, %arg18: memref<489x256xf32, #tpu.memory_space<vmem>>) attributes {dimension_semantics = [], scalar_prefetch = 0 : i64, scratch_operands = 0 : i64, tpu.core_type = #tpu.core_type<tc>} {
    %iota3A = tpu.iota {dimensions = array<i32: 0>} : vector<489x489xi32>
    %iota3A_0 = tpu.iota {dimensions = array<i32: 1>} : vector<489x489xi32>
    %eq3A = arith.cmpi eq, %iota3A, %iota3A_0 : vector<489x489xi32>
    %convert_element_type3A = arith.extui %eq3A : vector<489x489xi1> to vector<489x489xi32>
    %convert_element_type3A_1 = arith.sitofp %convert_element_type3A : vector<489x489xi32> to vector<489x489xf32>
    %get3A = arith.constant 0 : index
    %get3A_2 = arith.constant 0 : index
    %get3A_3 = vector.load %arg0[%get3A, %get3A_2] : memref<2048x128xf32, #tpu.memory_space<vmem>>, vector<2048x128xf32>
    %reshape3A = vector.shape_cast %get3A_3 : vector<2048x128xf32> to vector<512x512xf32>
    %slice3A = vector.extract_strided_slice %reshape3A {offsets = [0, 0], sizes = [489, 489], strides = [1, 1]} : vector<512x512xf32> to vector<489x489xf32>
    %reduce_sum3A = arith.constant dense<0.000000e+00> : vector<489xf32>
    %reduce_sum3A_4 = vector.multi_reduction <add>, %slice3A, %reduce_sum3A [1] : vector<489x489xf32> to vector<489xf32>
    %broadcast_in_dim3A = vector.shape_cast %reduce_sum3A_4 : vector<489xf32> to vector<489x1xf32>
    %add3A = arith.constant 1.000000e+00 : f32
    %add3A_5 = vector.broadcast %add3A : f32 to vector<489x1xf32>
    %add3A_6 = arith.addf %broadcast_in_dim3A, %add3A_5 : vector<489x1xf32>
    %sqrt3A = math.sqrt %add3A_6 : vector<489x1xf32>
    %div3A = arith.constant 1.000000e+00 : f32
    %div3A_7 = vector.broadcast %div3A : f32 to vector<489x1xf32>
    %div3A_8 = arith.divf %div3A_7, %sqrt3A : vector<489x1xf32>
    %mul3A = vector.broadcast %div3A_8 : vector<489x1xf32> to vector<489x489xf32>
    %mul3A_9 = arith.mulf %mul3A, %convert_element_type3A_1 : vector<489x489xf32>
    %reduce_sum3A_10 = arith.constant dense<0.000000e+00> : vector<489xf32>
    %reduce_sum3A_11 = vector.multi_reduction <add>, %mul3A_9, %reduce_sum3A_10 [0] : vector<489x489xf32> to vector<489xf32>
    %broadcast_in_dim3A_12 = vector.shape_cast %reduce_sum3A_11 : vector<489xf32> to vector<1x489xf32>
    %mul3A_13 = vector.broadcast %div3A_8 : vector<489x1xf32> to vector<489x489xf32>
    %mul3A_14 = arith.mulf %slice3A, %mul3A_13 : vector<489x489xf32>
    %mul3A_15 = vector.broadcast %broadcast_in_dim3A_12 : vector<1x489xf32> to vector<489x489xf32>
    %mul3A_16 = arith.mulf %mul3A_14, %mul3A_15 : vector<489x489xf32>
    %mul3A_17 = arith.mulf %div3A_8, %div3A_8 : vector<489x1xf32>
    %mul3A_18 = vector.broadcast %mul3A_17 : vector<489x1xf32> to vector<489x489xf32>
    %mul3A_19 = arith.mulf %convert_element_type3A_1, %mul3A_18 : vector<489x489xf32>
    %add3A_20 = arith.addf %mul3A_16, %mul3A_19 : vector<489x489xf32>
    %get3A_21 = arith.constant 0 : index
    %get3A_22 = arith.constant 0 : index
    %get3A_23 = vector.load %arg1[%get3A_21, %get3A_22] : memref<2048x128xf32, #tpu.memory_space<vmem>>, vector<2048x128xf32>
    %reshape3A_24 = vector.shape_cast %get3A_23 : vector<2048x128xf32> to vector<512x512xf32>
    %slice3A_25 = vector.extract_strided_slice %reshape3A_24 {offsets = [0, 0], sizes = [489, 489], strides = [1, 1]} : vector<512x512xf32> to vector<489x489xf32>
    %reduce_sum3A_26 = arith.constant dense<0.000000e+00> : vector<489xf32>
    %reduce_sum3A_27 = vector.multi_reduction <add>, %slice3A_25, %reduce_sum3A_26 [1] : vector<489x489xf32> to vector<489xf32>
    %broadcast_in_dim3A_28 = vector.shape_cast %reduce_sum3A_27 : vector<489xf32> to vector<489x1xf32>
    %add3A_29 = arith.constant 1.000000e+00 : f32
    %add3A_30 = vector.broadcast %add3A_29 : f32 to vector<489x1xf32>
    %add3A_31 = arith.addf %broadcast_in_dim3A_28, %add3A_30 : vector<489x1xf32>
    %sqrt3A_32 = math.sqrt %add3A_31 : vector<489x1xf32>
    %div3A_33 = arith.constant 1.000000e+00 : f32
    %div3A_34 = vector.broadcast %div3A_33 : f32 to vector<489x1xf32>
    %div3A_35 = arith.divf %div3A_34, %sqrt3A_32 : vector<489x1xf32>
    %mul3A_36 = vector.broadcast %div3A_35 : vector<489x1xf32> to vector<489x489xf32>
    %mul3A_37 = arith.mulf %mul3A_36, %convert_element_type3A_1 : vector<489x489xf32>
    %reduce_sum3A_38 = arith.constant dense<0.000000e+00> : vector<489xf32>
    %reduce_sum3A_39 = vector.multi_reduction <add>, %mul3A_37, %reduce_sum3A_38 [0] : vector<489x489xf32> to vector<489xf32>
    %broadcast_in_dim3A_40 = vector.shape_cast %reduce_sum3A_39 : vector<489xf32> to vector<1x489xf32>
    %mul3A_41 = vector.broadcast %div3A_35 : vector<489x1xf32> to vector<489x489xf32>
    %mul3A_42 = arith.mulf %slice3A_25, %mul3A_41 : vector<489x489xf32>
    %mul3A_43 = vector.broadcast %broadcast_in_dim3A_40 : vector<1x489xf32> to vector<489x489xf32>
    %mul3A_44 = arith.mulf %mul3A_42, %mul3A_43 : vector<489x489xf32>
    %mul3A_45 = arith.mulf %div3A_35, %div3A_35 : vector<489x1xf32>
    %mul3A_46 = vector.broadcast %mul3A_45 : vector<489x1xf32> to vector<489x489xf32>
    %mul3A_47 = arith.mulf %convert_element_type3A_1, %mul3A_46 : vector<489x489xf32>
    %add3A_48 = arith.addf %mul3A_44, %mul3A_47 : vector<489x489xf32>
    %get3A_49 = arith.constant 0 : index
    %get3A_50 = arith.constant 0 : index
    %get3A_51 = vector.load %arg6[%get3A_49, %get3A_50] : memref<512x128xf32, #tpu.memory_space<vmem>>, vector<256x128xf32>
    %get3A_52 = arith.constant 256 : index
    %get3A_53 = arith.constant 0 : index
    %get3A_54 = vector.load %arg6[%get3A_52, %get3A_53] : memref<512x128xf32, #tpu.memory_space<vmem>>, vector<256x128xf32>
    %get3A_55 = arith.constant 0 : index
    %get3A_56 = arith.constant 0 : index
    %get3A_57 = vector.load %arg7[%get3A_55, %get3A_56] : memref<512x128xf32, #tpu.memory_space<vmem>>, vector<256x128xf32>
    %get3A_58 = arith.constant 256 : index
    %get3A_59 = arith.constant 0 : index
    %get3A_60 = vector.load %arg7[%get3A_58, %get3A_59] : memref<512x128xf32, #tpu.memory_space<vmem>>, vector<256x128xf32>
    %get3A_61 = arith.constant 0 : index
    %get3A_62 = arith.constant 0 : index
    %get3A_63 = vector.load %arg9[%get3A_61, %get3A_62] : memref<1x256xf32, #tpu.memory_space<vmem>>, vector<1x256xf32>
    %get3A_64 = arith.constant 0 : index
    %get3A_65 = arith.constant 0 : index
    %get3A_66 = vector.load %arg10[%get3A_64, %get3A_65] : memref<1x256xf32, #tpu.memory_space<vmem>>, vector<1x256xf32>
    %get3A_67 = arith.constant 0 : index
    %get3A_68 = arith.constant 0 : index
    %get3A_69 = vector.load %arg11[%get3A_67, %get3A_68] : memref<1x128xf32, #tpu.memory_space<vmem>>, vector<1x128xf32>
    %get3A_70 = arith.constant 0 : index
    %get3A_71 = arith.constant 0 : index
    %get3A_72 = vector.load %arg12[%get3A_70, %get3A_71] : memref<1x128xf32, #tpu.memory_space<vmem>>, vector<1x128xf32>
    %get3A_73 = arith.constant 0 : index
    %get3A_74 = arith.constant 0 : index
    %get3A_75 = vector.load %arg2[%get3A_73, %get3A_74] : memref<489x256xf32, #tpu.memory_space<vmem>>, vector<489x256xf32>
    %get3A_76 = arith.constant 0 : index
    %get3A_77 = arith.constant 0 : index
    %get3A_78 = vector.load %arg3[%get3A_76, %get3A_77] : memref<489x256xf32, #tpu.memory_space<vmem>>, vector<489x256xf32>
    %dot_general3A = arith.constant dense<0.000000e+00> : vector<489x256xf32>
    %dot_general3A_79 = tpu.matmul %add3A_20, %get3A_75, %dot_general3A {dimension_numbers = #tpu.dot_dimension_numbers<[1], [0], [0], [1], [0, 0, 1, 1], [], []>, transpose_lhs_hint = false} : vector<489x489xf32>, vector<489x256xf32>, vector<489x256xf32> -> vector<489x256xf32>
    %add3A_80 = vector.broadcast %get3A_63 : vector<1x256xf32> to vector<489x256xf32>
    %add3A_81 = arith.addf %dot_general3A_79, %add3A_80 : vector<489x256xf32>
    %max3A = arith.constant 0.000000e+00 : f32
    %max3A_82 = vector.broadcast %max3A : f32 to vector<489x256xf32>
    %max3A_83 = arith.maximumf %add3A_81, %max3A_82 : vector<489x256xf32>
    %dot_general3A_84 = arith.constant dense<0.000000e+00> : vector<489x256xf32>
    %dot_general3A_85 = tpu.matmul %add3A_48, %get3A_78, %dot_general3A_84 {dimension_numbers = #tpu.dot_dimension_numbers<[1], [0], [0], [1], [0, 0, 1, 1], [], []>, transpose_lhs_hint = false} : vector<489x489xf32>, vector<489x256xf32>, vector<489x256xf32> -> vector<489x256xf32>
    %add3A_86 = vector.broadcast %get3A_66 : vector<1x256xf32> to vector<489x256xf32>
    %add3A_87 = arith.addf %dot_general3A_85, %add3A_86 : vector<489x256xf32>
    %max3A_88 = arith.constant 0.000000e+00 : f32
    %max3A_89 = vector.broadcast %max3A_88 : f32 to vector<489x256xf32>
    %max3A_90 = arith.maximumf %add3A_87, %max3A_89 : vector<489x256xf32>
    %dot_general3A_91 = arith.constant dense<0.000000e+00> : vector<489x128xf32>
    %dot_general3A_92 = tpu.matmul %max3A_83, %get3A_51, %dot_general3A_91 {dimension_numbers = #tpu.dot_dimension_numbers<[1], [0], [0], [1], [0, 0, 1, 1], [], []>, transpose_lhs_hint = false} : vector<489x256xf32>, vector<256x128xf32>, vector<489x128xf32> -> vector<489x128xf32>
    %dot_general3A_93 = arith.constant dense<0.000000e+00> : vector<489x128xf32>
    %dot_general3A_94 = tpu.matmul %max3A_90, %get3A_54, %dot_general3A_93 {dimension_numbers = #tpu.dot_dimension_numbers<[1], [0], [0], [1], [0, 0, 1, 1], [], []>, transpose_lhs_hint = false} : vector<489x256xf32>, vector<256x128xf32>, vector<489x128xf32> -> vector<489x128xf32>
    %add3A_95 = arith.addf %dot_general3A_92, %dot_general3A_94 : vector<489x128xf32>
    %dot_general3A_96 = arith.constant dense<0.000000e+00> : vector<489x128xf32>
    %dot_general3A_97 = tpu.matmul %add3A_20, %add3A_95, %dot_general3A_96 {dimension_numbers = #tpu.dot_dimension_numbers<[1], [0], [0], [1], [0, 0, 1, 1], [], []>, transpose_lhs_hint = false} : vector<489x489xf32>, vector<489x128xf32>, vector<489x128xf32> -> vector<489x128xf32>
    %add3A_98 = vector.broadcast %get3A_69 : vector<1x128xf32> to vector<489x128xf32>
    %add3A_99 = arith.addf %dot_general3A_97, %add3A_98 : vector<489x128xf32>
    %dot_general3A_100 = arith.constant dense<0.000000e+00> : vector<489x128xf32>
    %dot_general3A_101 = tpu.matmul %max3A_83, %get3A_57, %dot_general3A_100 {dimension_numbers = #tpu.dot_dimension_numbers<[1], [0], [0], [1], [0, 0, 1, 1], [], []>, transpose_lhs_hint = false} : vector<489x256xf32>, vector<256x128xf32>, vector<489x128xf32> -> vector<489x128xf32>
    %dot_general3A_102 = arith.constant dense<0.000000e+00> : vector<489x128xf32>
    %dot_general3A_103 = tpu.matmul %max3A_90, %get3A_60, %dot_general3A_102 {dimension_numbers = #tpu.dot_dimension_numbers<[1], [0], [0], [1], [0, 0, 1, 1], [], []>, transpose_lhs_hint = false} : vector<489x256xf32>, vector<256x128xf32>, vector<489x128xf32> -> vector<489x128xf32>
    %add3A_104 = arith.addf %dot_general3A_101, %dot_general3A_103 : vector<489x128xf32>
    %dot_general3A_105 = arith.constant dense<0.000000e+00> : vector<489x128xf32>
    %dot_general3A_106 = tpu.matmul %add3A_48, %add3A_104, %dot_general3A_105 {dimension_numbers = #tpu.dot_dimension_numbers<[1], [0], [0], [1], [0, 0, 1, 1], [], []>, transpose_lhs_hint = false} : vector<489x489xf32>, vector<489x128xf32>, vector<489x128xf32> -> vector<489x128xf32>
    %add3A_107 = vector.broadcast %get3A_72 : vector<1x128xf32> to vector<489x128xf32>
    %add3A_108 = arith.addf %dot_general3A_106, %add3A_107 : vector<489x128xf32>
    %concatenate3A = tpu.concatenate %add3A_99, %add3A_108 in 1 : vector<489x128xf32>, vector<489x128xf32> -> vector<489x256xf32>
    %get3A_109 = arith.constant 0 : index
    %get3A_110 = arith.constant 0 : index
    %get3A_111 = vector.load %arg4[%get3A_109, %get3A_110] : memref<489x256xf32, #tpu.memory_space<vmem>>, vector<489x256xf32>
    %get3A_112 = arith.constant 0 : index
    %get3A_113 = arith.constant 0 : index
    %get3A_114 = vector.load %arg5[%get3A_112, %get3A_113] : memref<489x256xf32, #tpu.memory_space<vmem>>, vector<489x256xf32>
    %dot_general3A_115 = arith.constant dense<0.000000e+00> : vector<489x256xf32>
    %dot_general3A_116 = tpu.matmul %add3A_20, %get3A_111, %dot_general3A_115 {dimension_numbers = #tpu.dot_dimension_numbers<[1], [0], [0], [1], [0, 0, 1, 1], [], []>, transpose_lhs_hint = false} : vector<489x489xf32>, vector<489x256xf32>, vector<489x256xf32> -> vector<489x256xf32>
    %add3A_117 = vector.broadcast %get3A_63 : vector<1x256xf32> to vector<489x256xf32>
    %add3A_118 = arith.addf %dot_general3A_116, %add3A_117 : vector<489x256xf32>
    %max3A_119 = arith.constant 0.000000e+00 : f32
    %max3A_120 = vector.broadcast %max3A_119 : f32 to vector<489x256xf32>
    %max3A_121 = arith.maximumf %add3A_118, %max3A_120 : vector<489x256xf32>
    %dot_general3A_122 = arith.constant dense<0.000000e+00> : vector<489x256xf32>
    %dot_general3A_123 = tpu.matmul %add3A_48, %get3A_114, %dot_general3A_122 {dimension_numbers = #tpu.dot_dimension_numbers<[1], [0], [0], [1], [0, 0, 1, 1], [], []>, transpose_lhs_hint = false} : vector<489x489xf32>, vector<489x256xf32>, vector<489x256xf32> -> vector<489x256xf32>
    %add3A_124 = vector.broadcast %get3A_66 : vector<1x256xf32> to vector<489x256xf32>
    %add3A_125 = arith.addf %dot_general3A_123, %add3A_124 : vector<489x256xf32>
    %max3A_126 = arith.constant 0.000000e+00 : f32
    %max3A_127 = vector.broadcast %max3A_126 : f32 to vector<489x256xf32>
    %max3A_128 = arith.maximumf %add3A_125, %max3A_127 : vector<489x256xf32>
    %dot_general3A_129 = arith.constant dense<0.000000e+00> : vector<489x128xf32>
    %dot_general3A_130 = tpu.matmul %max3A_121, %get3A_51, %dot_general3A_129 {dimension_numbers = #tpu.dot_dimension_numbers<[1], [0], [0], [1], [0, 0, 1, 1], [], []>, transpose_lhs_hint = false} : vector<489x256xf32>, vector<256x128xf32>, vector<489x128xf32> -> vector<489x128xf32>
    %dot_general3A_131 = arith.constant dense<0.000000e+00> : vector<489x128xf32>
    %dot_general3A_132 = tpu.matmul %max3A_128, %get3A_54, %dot_general3A_131 {dimension_numbers = #tpu.dot_dimension_numbers<[1], [0], [0], [1], [0, 0, 1, 1], [], []>, transpose_lhs_hint = false} : vector<489x256xf32>, vector<256x128xf32>, vector<489x128xf32> -> vector<489x128xf32>
    %add3A_133 = arith.addf %dot_general3A_130, %dot_general3A_132 : vector<489x128xf32>
    %dot_general3A_134 = arith.constant dense<0.000000e+00> : vector<489x128xf32>
    %dot_general3A_135 = tpu.matmul %add3A_20, %add3A_133, %dot_general3A_134 {dimension_numbers = #tpu.dot_dimension_numbers<[1], [0], [0], [1], [0, 0, 1, 1], [], []>, transpose_lhs_hint = false} : vector<489x489xf32>, vector<489x128xf32>, vector<489x128xf32> -> vector<489x128xf32>
    %add3A_136 = vector.broadcast %get3A_69 : vector<1x128xf32> to vector<489x128xf32>
    %add3A_137 = arith.addf %dot_general3A_135, %add3A_136 : vector<489x128xf32>
    %dot_general3A_138 = arith.constant dense<0.000000e+00> : vector<489x128xf32>
    %dot_general3A_139 = tpu.matmul %max3A_121, %get3A_57, %dot_general3A_138 {dimension_numbers = #tpu.dot_dimension_numbers<[1], [0], [0], [1], [0, 0, 1, 1], [], []>, transpose_lhs_hint = false} : vector<489x256xf32>, vector<256x128xf32>, vector<489x128xf32> -> vector<489x128xf32>
    %dot_general3A_140 = arith.constant dense<0.000000e+00> : vector<489x128xf32>
    %dot_general3A_141 = tpu.matmul %max3A_128, %get3A_60, %dot_general3A_140 {dimension_numbers = #tpu.dot_dimension_numbers<[1], [0], [0], [1], [0, 0, 1, 1], [], []>, transpose_lhs_hint = false} : vector<489x256xf32>, vector<256x128xf32>, vector<489x128xf32> -> vector<489x128xf32>
    %add3A_142 = arith.addf %dot_general3A_139, %dot_general3A_141 : vector<489x128xf32>
    %dot_general3A_143 = arith.constant dense<0.000000e+00> : vector<489x128xf32>
    %dot_general3A_144 = tpu.matmul %add3A_48, %add3A_142, %dot_general3A_143 {dimension_numbers = #tpu.dot_dimension_numbers<[1], [0], [0], [1], [0, 0, 1, 1], [], []>, transpose_lhs_hint = false} : vector<489x489xf32>, vector<489x128xf32>, vector<489x128xf32> -> vector<489x128xf32>
    %add3A_145 = vector.broadcast %get3A_72 : vector<1x128xf32> to vector<489x128xf32>
    %add3A_146 = arith.addf %dot_general3A_144, %add3A_145 : vector<489x128xf32>
    %concatenate3A_147 = tpu.concatenate %add3A_137, %add3A_146 in 1 : vector<489x128xf32>, vector<489x128xf32> -> vector<489x256xf32>
    %reduce_sum3A_148 = arith.constant dense<0.000000e+00> : vector<256xf32>
    %reduce_sum3A_149 = vector.multi_reduction <add>, %concatenate3A, %reduce_sum3A_148 [0] : vector<489x256xf32> to vector<256xf32>
    %broadcast_in_dim3A_150 = vector.shape_cast %reduce_sum3A_149 : vector<256xf32> to vector<1x256xf32>
    %div3A_151 = arith.constant 4.890000e+02 : f32
    %div3A_152 = vector.broadcast %div3A_151 : f32 to vector<1x256xf32>
    %div3A_153 = arith.divf %broadcast_in_dim3A_150, %div3A_152 : vector<1x256xf32>
    %logistic3A = arith.negf %div3A_153 : vector<1x256xf32>
    %logistic3A_154 = math.exp %logistic3A : vector<1x256xf32>
    %logistic3A_155 = arith.constant 1.000000e+00 : f32
    %logistic3A_156 = vector.broadcast %logistic3A_155 : f32 to vector<1x256xf32>
    %logistic3A_157 = arith.addf %logistic3A_156, %logistic3A_154 : vector<1x256xf32>
    %logistic3A_158 = arith.divf %logistic3A_156, %logistic3A_157 : vector<1x256xf32>
    %reduce_sum3A_159 = arith.constant dense<0.000000e+00> : vector<256xf32>
    %reduce_sum3A_160 = vector.multi_reduction <add>, %concatenate3A_147, %reduce_sum3A_159 [0] : vector<489x256xf32> to vector<256xf32>
    %broadcast_in_dim3A_161 = vector.shape_cast %reduce_sum3A_160 : vector<256xf32> to vector<1x256xf32>
    %div3A_162 = arith.constant 4.890000e+02 : f32
    %div3A_163 = vector.broadcast %div3A_162 : f32 to vector<1x256xf32>
    %div3A_164 = arith.divf %broadcast_in_dim3A_161, %div3A_163 : vector<1x256xf32>
    %logistic3A_165 = arith.negf %div3A_164 : vector<1x256xf32>
    %logistic3A_166 = math.exp %logistic3A_165 : vector<1x256xf32>
    %logistic3A_167 = arith.constant 1.000000e+00 : f32
    %logistic3A_168 = vector.broadcast %logistic3A_167 : f32 to vector<1x256xf32>
    %logistic3A_169 = arith.addf %logistic3A_168, %logistic3A_166 : vector<1x256xf32>
    %logistic3A_170 = arith.divf %logistic3A_168, %logistic3A_169 : vector<1x256xf32>
    %get3A_171 = arith.constant 0 : index
    %get3A_172 = arith.constant 0 : index
    %get3A_173 = vector.load %arg8[%get3A_171, %get3A_172] : memref<256x256xf32, #tpu.memory_space<vmem>>, vector<256x256xf32>
    %get3A_174 = arith.constant 0 : index
    %get3A_175 = arith.constant 0 : index
    %get3A_176 = vector.load %arg13[%get3A_174, %get3A_175] : memref<1x1xf32, #tpu.memory_space<vmem>>, vector<1x1xf32>
    %dot_general3A_177 = arith.constant dense<0.000000e+00> : vector<1x256xf32>
    %dot_general3A_178 = tpu.matmul %logistic3A_158, %get3A_173, %dot_general3A_177 {dimension_numbers = #tpu.dot_dimension_numbers<[1], [1], [0], [0], [0, 0, 1, 0], [], []>, transpose_lhs_hint = false} : vector<1x256xf32>, vector<256x256xf32>, vector<1x256xf32> -> vector<1x256xf32>
    %dot_general3A_179 = arith.constant dense<0.000000e+00> : vector<1x256xf32>
    %dot_general3A_180 = tpu.matmul %logistic3A_170, %get3A_173, %dot_general3A_179 {dimension_numbers = #tpu.dot_dimension_numbers<[1], [1], [0], [0], [0, 0, 1, 0], [], []>, transpose_lhs_hint = false} : vector<1x256xf32>, vector<256x256xf32>, vector<1x256xf32> -> vector<1x256xf32>
    %dot_general3A_181 = arith.constant dense<0.000000e+00> : vector<1x489xf32>
    %dot_general3A_182 = tpu.matmul %dot_general3A_178, %concatenate3A, %dot_general3A_181 {dimension_numbers = #tpu.dot_dimension_numbers<[1], [1], [0], [0], [0, 0, 1, 0], [], []>, transpose_lhs_hint = false} : vector<1x256xf32>, vector<489x256xf32>, vector<1x489xf32> -> vector<1x489xf32>
    %dot_general3A_183 = arith.constant dense<0.000000e+00> : vector<1x489xf32>
    %dot_general3A_184 = tpu.matmul %dot_general3A_178, %concatenate3A_147, %dot_general3A_183 {dimension_numbers = #tpu.dot_dimension_numbers<[1], [1], [0], [0], [0, 0, 1, 0], [], []>, transpose_lhs_hint = false} : vector<1x256xf32>, vector<489x256xf32>, vector<1x489xf32> -> vector<1x489xf32>
    %dot_general3A_185 = arith.constant dense<0.000000e+00> : vector<1x489xf32>
    %dot_general3A_186 = tpu.matmul %dot_general3A_180, %concatenate3A_147, %dot_general3A_185 {dimension_numbers = #tpu.dot_dimension_numbers<[1], [1], [0], [0], [0, 0, 1, 0], [], []>, transpose_lhs_hint = false} : vector<1x256xf32>, vector<489x256xf32>, vector<1x489xf32> -> vector<1x489xf32>
    %dot_general3A_187 = arith.constant dense<0.000000e+00> : vector<1x489xf32>
    %dot_general3A_188 = tpu.matmul %dot_general3A_180, %concatenate3A, %dot_general3A_187 {dimension_numbers = #tpu.dot_dimension_numbers<[1], [1], [0], [0], [0, 0, 1, 0], [], []>, transpose_lhs_hint = false} : vector<1x256xf32>, vector<489x256xf32>, vector<1x489xf32> -> vector<1x489xf32>
    %concatenate3A_189 = tpu.concatenate %dot_general3A_182, %dot_general3A_184, %dot_general3A_186, %dot_general3A_188 in 0 : vector<1x489xf32>, vector<1x489xf32>, vector<1x489xf32>, vector<1x489xf32> -> vector<4x489xf32>
    %add3A_190 = vector.broadcast %get3A_176 : vector<1x1xf32> to vector<4x489xf32>
    %add3A_191 = arith.addf %concatenate3A_189, %add3A_190 : vector<4x489xf32>
    %swap3A = arith.constant 0 : index
    %swap3A_192 = arith.constant 0 : index
    %swap3A_193 = vector.load %arg17[%swap3A, %swap3A_192] : memref<4x489xf32, #tpu.memory_space<vmem>>, vector<4x489xf32>
    tpu.vector_store %arg17[%swap3A, %swap3A_192], %add3A_191 {strides = array<i32>} : memref<4x489xf32, #tpu.memory_space<vmem>>, vector<4x489xf32>,
    %slice3A_194 = vector.extract_strided_slice %concatenate3A {offsets = [0, 0], sizes = [271, 256], strides = [1, 1]} : vector<489x256xf32> to vector<271x256xf32>
    %reduce_min3A = arith.constant dense<0x7F800000> : vector<271xf32>
    %reduce_min3A_195 = vector.multi_reduction <minimumf>, %slice3A_194, %reduce_min3A [1] : vector<271x256xf32> to vector<271xf32>
    %broadcast_in_dim3A_196 = vector.shape_cast %reduce_min3A_195 : vector<271xf32> to vector<271x1xf32>
    %reduce_max3A = arith.constant dense<0xFF800000> : vector<271xf32>
    %reduce_max3A_197 = vector.multi_reduction <maximumf>, %slice3A_194, %reduce_max3A [1] : vector<271x256xf32> to vector<271xf32>
    %broadcast_in_dim3A_198 = vector.shape_cast %reduce_max3A_197 : vector<271xf32> to vector<271x1xf32>
    %sub3A = vector.broadcast %broadcast_in_dim3A_196 : vector<271x1xf32> to vector<271x256xf32>
    %sub3A_199 = arith.subf %slice3A_194, %sub3A : vector<271x256xf32>
    %sub3A_200 = arith.subf %broadcast_in_dim3A_198, %broadcast_in_dim3A_196 : vector<271x1xf32>
    %div3A_201 = vector.broadcast %sub3A_200 : vector<271x1xf32> to vector<271x256xf32>
    %div3A_202 = arith.divf %sub3A_199, %div3A_201 : vector<271x256xf32>
    %dot_general3A_203 = arith.constant dense<0.000000e+00> : vector<271x271xf32>
    %dot_general3A_204 = tpu.matmul %div3A_202, %div3A_202, %dot_general3A_203 {dimension_numbers = #tpu.dot_dimension_numbers<[1], [1], [0], [0], [0, 0, 1, 0], [], []>, transpose_lhs_hint = false} : vector<271x256xf32>, vector<271x256xf32>, vector<271x271xf32> -> vector<271x271xf32>
    %iota3A_205 = tpu.iota {dimensions = array<i32: 0>} : vector<271x271xi32>
    %iota3A_206 = tpu.iota {dimensions = array<i32: 1>} : vector<271x271xi32>
    %eq3A_207 = arith.cmpi eq, %iota3A_205, %iota3A_206 : vector<271x271xi32>
    %convert_element_type3A_208 = arith.extui %eq3A_207 : vector<271x271xi1> to vector<271x271xi32>
    %convert_element_type3A_209 = arith.sitofp %convert_element_type3A_208 : vector<271x271xi32> to vector<271x271xf32>
    %mul3A_210 = arith.mulf %dot_general3A_204, %convert_element_type3A_209 : vector<271x271xf32>
    %reduce_sum3A_211 = arith.constant dense<0.000000e+00> : vector<271xf32>
    %reduce_sum3A_212 = vector.multi_reduction <add>, %mul3A_210, %reduce_sum3A_211 [1] : vector<271x271xf32> to vector<271xf32>
    %broadcast_in_dim3A_213 = vector.shape_cast %reduce_sum3A_212 : vector<271xf32> to vector<271x1xf32>
    %reduce_sum3A_214 = vector.shape_cast %broadcast_in_dim3A_213 : vector<271x1xf32> to vector<1x271x1xf32>
    %reduce_sum3A_215 = arith.constant dense<0.000000e+00> : vector<1xf32>
    %reduce_sum3A_216 = vector.multi_reduction <add>, %reduce_sum3A_214, %reduce_sum3A_215 [1, 2] : vector<1x271x1xf32> to vector<1xf32>
    %reduce_sum3A_217 = vector.shape_cast %reduce_sum3A_216 : vector<1xf32> to vector<1x1x1xf32>
    %reduce_sum3A_218 = vector.extract %reduce_sum3A_217[0, 0, 0] : f32 from vector<1x1x1xf32>
    %div3A_219 = arith.constant 2.710000e+02 : f32
    %div3A_220 = arith.divf %reduce_sum3A_218, %div3A_219 : f32
    %div3A_221 = vector.broadcast %div3A_220 : f32 to vector<271x271xf32>
    %div3A_222 = arith.divf %dot_general3A_204, %div3A_221 : vector<271x271xf32>
    %div3A_223 = vector.broadcast %div3A_220 : f32 to vector<271x1xf32>
    %div3A_224 = arith.divf %broadcast_in_dim3A_213, %div3A_223 : vector<271x1xf32>
    %mul3A_225 = arith.mulf %div3A_222, %convert_element_type3A_209 : vector<271x271xf32>
    %reduce_sum3A_226 = arith.constant dense<0.000000e+00> : vector<271xf32>
    %reduce_sum3A_227 = vector.multi_reduction <add>, %mul3A_225, %reduce_sum3A_226 [0] : vector<271x271xf32> to vector<271xf32>
    %broadcast_in_dim3A_228 = vector.shape_cast %reduce_sum3A_227 : vector<271xf32> to vector<1x271xf32>
    %add3A_229 = vector.broadcast %div3A_224 : vector<271x1xf32> to vector<271x271xf32>
    %add3A_230 = vector.broadcast %broadcast_in_dim3A_228 : vector<1x271xf32> to vector<271x271xf32>
    %add3A_231 = arith.addf %add3A_229, %add3A_230 : vector<271x271xf32>
    %mul3A_232 = arith.constant 2.000000e+00 : f32
    %mul3A_233 = vector.broadcast %mul3A_232 : f32 to vector<271x271xf32>
    %mul3A_234 = arith.mulf %mul3A_233, %div3A_222 : vector<271x271xf32>
    %sub3A_235 = arith.subf %add3A_231, %mul3A_234 : vector<271x271xf32>
    %mul3A_236 = arith.constant -5.000000e-01 : f32
    %mul3A_237 = vector.broadcast %mul3A_236 : f32 to vector<271x271xf32>
    %mul3A_238 = arith.mulf %sub3A_235, %mul3A_237 : vector<271x271xf32>
    %exp3A = math.exp %mul3A_238 : vector<271x271xf32>
    %abs3A = math.absf %exp3A : vector<271x271xf32>
    %gt3A = arith.constant 0.000000e+00 : f32
    %gt3A_239 = vector.broadcast %gt3A : f32 to vector<271x271xf32>
    %gt3A_240 = arith.cmpf ogt, %abs3A, %gt3A_239 : vector<271x271xf32>
    %jit3A = arith.constant 0x7F800000 : f32
    %broadcast_in_dim3A_241 = vector.broadcast %jit3A : f32 to vector<271x271xf32>
    %select_n3A = arith.select %gt3A_240, %abs3A, %broadcast_in_dim3A_241 : vector<271x271xi1>, vector<271x271xf32>
    %reduce_min3A_242 = vector.shape_cast %select_n3A : vector<271x271xf32> to vector<1x271x271xf32>
    %reduce_min3A_243 = arith.constant dense<0x7F800000> : vector<1xf32>
    %reduce_min3A_244 = vector.multi_reduction <minimumf>, %reduce_min3A_242, %reduce_min3A_243 [1, 2] : vector<1x271x271xf32> to vector<1xf32>
    %reduce_min3A_245 = vector.shape_cast %reduce_min3A_244 : vector<1xf32> to vector<1x1x1xf32>
    %reduce_min3A_246 = vector.extract %reduce_min3A_245[0, 0, 0] : f32 from vector<1x1x1xf32>
    %eq3A_247 = arith.constant 0x7F800000 : f32
    %eq3A_248 = arith.cmpf oeq, %reduce_min3A_246, %eq3A_247 : f32
    %jit3A_249 = arith.constant 0.000000e+00 : f32
    %select_n3A_250 = arith.select %eq3A_248, %jit3A_249, %reduce_min3A_246 : f32
    %eq3A_251 = arith.constant 0.000000e+00 : f32
    %eq3A_252 = vector.broadcast %eq3A_251 : f32 to vector<271x271xf32>
    %eq3A_253 = arith.cmpf oeq, %abs3A, %eq3A_252 : vector<271x271xf32>
    %broadcast_in_dim3A_254 = vector.broadcast %select_n3A_250 : f32 to vector<271x271xf32>
    %select_n3A_255 = arith.select %eq3A_253, %broadcast_in_dim3A_254, %abs3A : vector<271x271xi1>, vector<271x271xf32>
    %mul3A_256 = arith.mulf %select_n3A_255, %convert_element_type3A_209 : vector<271x271xf32>
    %reduce_sum3A_257 = arith.constant dense<0.000000e+00> : vector<271xf32>
    %reduce_sum3A_258 = vector.multi_reduction <add>, %mul3A_256, %reduce_sum3A_257 [1] : vector<271x271xf32> to vector<271xf32>
    %broadcast_in_dim3A_259 = vector.shape_cast %reduce_sum3A_258 : vector<271xf32> to vector<271x1xf32>
    %sqrt3A_260 = math.sqrt %broadcast_in_dim3A_259 : vector<271x1xf32>
    %mul3A_261 = arith.mulf %select_n3A_255, %convert_element_type3A_209 : vector<271x271xf32>
    %reduce_sum3A_262 = arith.constant dense<0.000000e+00> : vector<271xf32>
    %reduce_sum3A_263 = vector.multi_reduction <add>, %mul3A_261, %reduce_sum3A_262 [0] : vector<271x271xf32> to vector<271xf32>
    %broadcast_in_dim3A_264 = vector.shape_cast %reduce_sum3A_263 : vector<271xf32> to vector<1x271xf32>
    %sqrt3A_265 = math.sqrt %broadcast_in_dim3A_264 : vector<1x271xf32>
    %mul3A_266 = vector.broadcast %sqrt3A_260 : vector<271x1xf32> to vector<271x271xf32>
    %mul3A_267 = vector.broadcast %sqrt3A_265 : vector<1x271xf32> to vector<271x271xf32>
    %mul3A_268 = arith.mulf %mul3A_266, %mul3A_267 : vector<271x271xf32>
    %div3A_269 = arith.divf %select_n3A_255, %mul3A_268 : vector<271x271xf32>
    %slice3A_270 = vector.extract_strided_slice %concatenate3A {offsets = [271, 0], sizes = [218, 256], strides = [1, 1]} : vector<489x256xf32> to vector<218x256xf32>
    %reduce_min3A_271 = arith.constant dense<0x7F800000> : vector<218xf32>
    %reduce_min3A_272 = vector.multi_reduction <minimumf>, %slice3A_270, %reduce_min3A_271 [1] : vector<218x256xf32> to vector<218xf32>
    %broadcast_in_dim3A_273 = vector.shape_cast %reduce_min3A_272 : vector<218xf32> to vector<218x1xf32>
    %reduce_max3A_274 = arith.constant dense<0xFF800000> : vector<218xf32>
    %reduce_max3A_275 = vector.multi_reduction <maximumf>, %slice3A_270, %reduce_max3A_274 [1] : vector<218x256xf32> to vector<218xf32>
    %broadcast_in_dim3A_276 = vector.shape_cast %reduce_max3A_275 : vector<218xf32> to vector<218x1xf32>
    %sub3A_277 = vector.broadcast %broadcast_in_dim3A_273 : vector<218x1xf32> to vector<218x256xf32>
    %sub3A_278 = arith.subf %slice3A_270, %sub3A_277 : vector<218x256xf32>
    %sub3A_279 = arith.subf %broadcast_in_dim3A_276, %broadcast_in_dim3A_273 : vector<218x1xf32>
    %div3A_280 = vector.broadcast %sub3A_279 : vector<218x1xf32> to vector<218x256xf32>
    %div3A_281 = arith.divf %sub3A_278, %div3A_280 : vector<218x256xf32>
    %dot_general3A_282 = arith.constant dense<0.000000e+00> : vector<218x218xf32>
    %dot_general3A_283 = tpu.matmul %div3A_281, %div3A_281, %dot_general3A_282 {dimension_numbers = #tpu.dot_dimension_numbers<[1], [1], [0], [0], [0, 0, 1, 0], [], []>, transpose_lhs_hint = false} : vector<218x256xf32>, vector<218x256xf32>, vector<218x218xf32> -> vector<218x218xf32>
    %iota3A_284 = tpu.iota {dimensions = array<i32: 0>} : vector<218x218xi32>
    %iota3A_285 = tpu.iota {dimensions = array<i32: 1>} : vector<218x218xi32>
    %eq3A_286 = arith.cmpi eq, %iota3A_284, %iota3A_285 : vector<218x218xi32>
    %convert_element_type3A_287 = arith.extui %eq3A_286 : vector<218x218xi1> to vector<218x218xi32>
    %convert_element_type3A_288 = arith.sitofp %convert_element_type3A_287 : vector<218x218xi32> to vector<218x218xf32>
    %mul3A_289 = arith.mulf %dot_general3A_283, %convert_element_type3A_288 : vector<218x218xf32>
    %reduce_sum3A_290 = arith.constant dense<0.000000e+00> : vector<218xf32>
    %reduce_sum3A_291 = vector.multi_reduction <add>, %mul3A_289, %reduce_sum3A_290 [1] : vector<218x218xf32> to vector<218xf32>
    %broadcast_in_dim3A_292 = vector.shape_cast %reduce_sum3A_291 : vector<218xf32> to vector<218x1xf32>
    %reduce_sum3A_293 = vector.shape_cast %broadcast_in_dim3A_292 : vector<218x1xf32> to vector<1x218x1xf32>
    %reduce_sum3A_294 = arith.constant dense<0.000000e+00> : vector<1xf32>
    %reduce_sum3A_295 = vector.multi_reduction <add>, %reduce_sum3A_293, %reduce_sum3A_294 [1, 2] : vector<1x218x1xf32> to vector<1xf32>
    %reduce_sum3A_296 = vector.shape_cast %reduce_sum3A_295 : vector<1xf32> to vector<1x1x1xf32>
    %reduce_sum3A_297 = vector.extract %reduce_sum3A_296[0, 0, 0] : f32 from vector<1x1x1xf32>
    %div3A_298 = arith.constant 2.180000e+02 : f32
    %div3A_299 = arith.divf %reduce_sum3A_297, %div3A_298 : f32
    %div3A_300 = vector.broadcast %div3A_299 : f32 to vector<218x218xf32>
    %div3A_301 = arith.divf %dot_general3A_283, %div3A_300 : vector<218x218xf32>
    %div3A_302 = vector.broadcast %div3A_299 : f32 to vector<218x1xf32>
    %div3A_303 = arith.divf %broadcast_in_dim3A_292, %div3A_302 : vector<218x1xf32>
    %mul3A_304 = arith.mulf %div3A_301, %convert_element_type3A_288 : vector<218x218xf32>
    %reduce_sum3A_305 = arith.constant dense<0.000000e+00> : vector<218xf32>
    %reduce_sum3A_306 = vector.multi_reduction <add>, %mul3A_304, %reduce_sum3A_305 [0] : vector<218x218xf32> to vector<218xf32>
    %broadcast_in_dim3A_307 = vector.shape_cast %reduce_sum3A_306 : vector<218xf32> to vector<1x218xf32>
    %add3A_308 = vector.broadcast %div3A_303 : vector<218x1xf32> to vector<218x218xf32>
    %add3A_309 = vector.broadcast %broadcast_in_dim3A_307 : vector<1x218xf32> to vector<218x218xf32>
    %add3A_310 = arith.addf %add3A_308, %add3A_309 : vector<218x218xf32>
    %mul3A_311 = arith.constant 2.000000e+00 : f32
    %mul3A_312 = vector.broadcast %mul3A_311 : f32 to vector<218x218xf32>
    %mul3A_313 = arith.mulf %mul3A_312, %div3A_301 : vector<218x218xf32>
    %sub3A_314 = arith.subf %add3A_310, %mul3A_313 : vector<218x218xf32>
    %mul3A_315 = arith.constant -5.000000e-01 : f32
    %mul3A_316 = vector.broadcast %mul3A_315 : f32 to vector<218x218xf32>
    %mul3A_317 = arith.mulf %sub3A_314, %mul3A_316 : vector<218x218xf32>
    %exp3A_318 = math.exp %mul3A_317 : vector<218x218xf32>
    %abs3A_319 = math.absf %exp3A_318 : vector<218x218xf32>
    %gt3A_320 = arith.constant 0.000000e+00 : f32
    %gt3A_321 = vector.broadcast %gt3A_320 : f32 to vector<218x218xf32>
    %gt3A_322 = arith.cmpf ogt, %abs3A_319, %gt3A_321 : vector<218x218xf32>
    %jit3A_323 = arith.constant 0x7F800000 : f32
    %broadcast_in_dim3A_324 = vector.broadcast %jit3A_323 : f32 to vector<218x218xf32>
    %select_n3A_325 = arith.select %gt3A_322, %abs3A_319, %broadcast_in_dim3A_324 : vector<218x218xi1>, vector<218x218xf32>
    %reduce_min3A_326 = vector.shape_cast %select_n3A_325 : vector<218x218xf32> to vector<1x218x218xf32>
    %reduce_min3A_327 = arith.constant dense<0x7F800000> : vector<1xf32>
    %reduce_min3A_328 = vector.multi_reduction <minimumf>, %reduce_min3A_326, %reduce_min3A_327 [1, 2] : vector<1x218x218xf32> to vector<1xf32>
    %reduce_min3A_329 = vector.shape_cast %reduce_min3A_328 : vector<1xf32> to vector<1x1x1xf32>
    %reduce_min3A_330 = vector.extract %reduce_min3A_329[0, 0, 0] : f32 from vector<1x1x1xf32>
    %eq3A_331 = arith.constant 0x7F800000 : f32
    %eq3A_332 = arith.cmpf oeq, %reduce_min3A_330, %eq3A_331 : f32
    %jit3A_333 = arith.constant 0.000000e+00 : f32
    %select_n3A_334 = arith.select %eq3A_332, %jit3A_333, %reduce_min3A_330 : f32
    %eq3A_335 = arith.constant 0.000000e+00 : f32
    %eq3A_336 = vector.broadcast %eq3A_335 : f32 to vector<218x218xf32>
    %eq3A_337 = arith.cmpf oeq, %abs3A_319, %eq3A_336 : vector<218x218xf32>
    %broadcast_in_dim3A_338 = vector.broadcast %select_n3A_334 : f32 to vector<218x218xf32>
    %select_n3A_339 = arith.select %eq3A_337, %broadcast_in_dim3A_338, %abs3A_319 : vector<218x218xi1>, vector<218x218xf32>
    %mul3A_340 = arith.mulf %select_n3A_339, %convert_element_type3A_288 : vector<218x218xf32>
    %reduce_sum3A_341 = arith.constant dense<0.000000e+00> : vector<218xf32>
    %reduce_sum3A_342 = vector.multi_reduction <add>, %mul3A_340, %reduce_sum3A_341 [1] : vector<218x218xf32> to vector<218xf32>
    %broadcast_in_dim3A_343 = vector.shape_cast %reduce_sum3A_342 : vector<218xf32> to vector<218x1xf32>
    %sqrt3A_344 = math.sqrt %broadcast_in_dim3A_343 : vector<218x1xf32>
    %mul3A_345 = arith.mulf %select_n3A_339, %convert_element_type3A_288 : vector<218x218xf32>
    %reduce_sum3A_346 = arith.constant dense<0.000000e+00> : vector<218xf32>
    %reduce_sum3A_347 = vector.multi_reduction <add>, %mul3A_345, %reduce_sum3A_346 [0] : vector<218x218xf32> to vector<218xf32>
    %broadcast_in_dim3A_348 = vector.shape_cast %reduce_sum3A_347 : vector<218xf32> to vector<1x218xf32>
    %sqrt3A_349 = math.sqrt %broadcast_in_dim3A_348 : vector<1x218xf32>
    %mul3A_350 = vector.broadcast %sqrt3A_344 : vector<218x1xf32> to vector<218x218xf32>
    %mul3A_351 = vector.broadcast %sqrt3A_349 : vector<1x218xf32> to vector<218x218xf32>
    %mul3A_352 = arith.mulf %mul3A_350, %mul3A_351 : vector<218x218xf32>
    %div3A_353 = arith.divf %select_n3A_339, %mul3A_352 : vector<218x218xf32>
    %get3A_354 = arith.constant 0 : index
    %get3A_355 = arith.constant 0 : index
    %get3A_356 = vector.load %arg14[%get3A_354, %get3A_355] : memref<271x218xf32, #tpu.memory_space<vmem>>, vector<271x218xf32>
    %dot_general3A_357 = arith.constant dense<0.000000e+00> : vector<271x218xf32>
    %dot_general3A_358 = tpu.matmul %div3A_269, %get3A_356, %dot_general3A_357 {dimension_numbers = #tpu.dot_dimension_numbers<[1], [0], [0], [1], [0, 0, 1, 1], [], []>, transpose_lhs_hint = false} : vector<271x271xf32>, vector<271x218xf32>, vector<271x218xf32> -> vector<271x218xf32>
    %get3A_359 = arith.constant 0 : index
    %get3A_360 = arith.constant 0 : index
    %get3A_361 = vector.load %arg15[%get3A_359, %get3A_360] : memref<271x218xf32, #tpu.memory_space<vmem>>, vector<271x218xf32>
    %dot_general3A_362 = arith.constant dense<0.000000e+00> : vector<271x218xf32>
    %dot_general3A_363 = tpu.matmul %get3A_361, %div3A_353, %dot_general3A_362 {dimension_numbers = #tpu.dot_dimension_numbers<[1], [0], [0], [1], [0, 0, 1, 1], [], []>, transpose_lhs_hint = false} : vector<271x218xf32>, vector<218x218xf32>, vector<271x218xf32> -> vector<271x218xf32>
    %add3A_364 = arith.addf %dot_general3A_358, %dot_general3A_363 : vector<271x218xf32>
    %mul3A_365 = arith.constant 5.000000e-01 : f32
    %mul3A_366 = vector.broadcast %mul3A_365 : f32 to vector<271x218xf32>
    %mul3A_367 = arith.mulf %add3A_364, %mul3A_366 : vector<271x218xf32>
    %swap3A_368 = arith.constant 0 : index
    %swap3A_369 = arith.constant 0 : index
    %swap3A_370 = vector.load %arg16[%swap3A_368, %swap3A_369] : memref<271x218xf32, #tpu.memory_space<vmem>>, vector<271x218xf32>
    tpu.vector_store %arg16[%swap3A_368, %swap3A_369], %mul3A_367 {strides = array<i32>} : memref<271x218xf32, #tpu.memory_space<vmem>>, vector<271x218xf32>,
    %swap3A_371 = arith.constant 0 : index
    %swap3A_372 = arith.constant 0 : index
    %swap3A_373 = vector.load %arg18[%swap3A_371, %swap3A_372] : memref<489x256xf32, #tpu.memory_space<vmem>>, vector<489x256xf32>
    tpu.vector_store %arg18[%swap3A_371, %swap3A_372], %concatenate3A {strides = array<i32>} : memref<489x256xf32, #tpu.memory_space<vmem>>, vector<489x256xf32>,
    return
  }
}

module attributes {stable_mosaic.version = 14 : i64} {
  func.func @_idx_kernel(%arg0: memref<2x31296xi32, #tpu.memory_space<vmem>>, %arg1: memref<2x31296xi32, #tpu.memory_space<vmem>>, %arg2: memref<65536xi32, #tpu.memory_space<vmem>>) attributes {dimension_semantics = [], scalar_prefetch = 0 : i64, scratch_operands = 0 : i64, tpu.core_type = #tpu.core_type<tc>} {
    %broadcast_in_dim3A = arith.constant 262143 : i32
    %broadcast_in_dim3A_0 = vector.broadcast %broadcast_in_dim3A : i32 to vector<1x1472xi32>
    %get3A = arith.constant 1 : index
    %get3A_1 = arith.constant 0 : index
    %get3A_2 = vector.load %arg0[%get3A, %get3A_1] : memref<2x31296xi32, #tpu.memory_space<vmem>>, vector<1x31296xi32>
    %mul3A = arith.constant 512 : i32
    %mul3A_3 = vector.broadcast %mul3A : i32 to vector<1x31296xi32>
    %mul3A_4 = arith.muli %get3A_2, %mul3A_3 : vector<1x31296xi32>
    %get3A_5 = arith.constant 0 : index
    %get3A_6 = arith.constant 0 : index
    %get3A_7 = vector.load %arg0[%get3A_5, %get3A_6] : memref<2x31296xi32, #tpu.memory_space<vmem>>, vector<1x31296xi32>
    %add3A = arith.addi %mul3A_4, %get3A_7 : vector<1x31296xi32>
    %concatenate3A = tpu.concatenate %add3A, %broadcast_in_dim3A_0 in 1 : vector<1x31296xi32>, vector<1x1472xi32> -> vector<1x32768xi32>
    %reshape3A = vector.shape_cast %concatenate3A : vector<1x32768xi32> to vector<32768xi32>
    %swap3A = arith.constant 0 : index
    %swap3A_8 = vector.load %arg2[%swap3A] : memref<65536xi32, #tpu.memory_space<vmem>>, vector<32768xi32>
    tpu.vector_store %arg2[%swap3A], %reshape3A {strides = array<i32>} : memref<65536xi32, #tpu.memory_space<vmem>>, vector<32768xi32>,
    %get3A_9 = arith.constant 1 : index
    %get3A_10 = arith.constant 0 : index
    %get3A_11 = vector.load %arg1[%get3A_9, %get3A_10] : memref<2x31296xi32, #tpu.memory_space<vmem>>, vector<1x31296xi32>
    %mul3A_12 = arith.constant 512 : i32
    %mul3A_13 = vector.broadcast %mul3A_12 : i32 to vector<1x31296xi32>
    %mul3A_14 = arith.muli %get3A_11, %mul3A_13 : vector<1x31296xi32>
    %get3A_15 = arith.constant 0 : index
    %get3A_16 = arith.constant 0 : index
    %get3A_17 = vector.load %arg1[%get3A_15, %get3A_16] : memref<2x31296xi32, #tpu.memory_space<vmem>>, vector<1x31296xi32>
    %add3A_18 = arith.addi %mul3A_14, %get3A_17 : vector<1x31296xi32>
    %concatenate3A_19 = tpu.concatenate %add3A_18, %broadcast_in_dim3A_0 in 1 : vector<1x31296xi32>, vector<1x1472xi32> -> vector<1x32768xi32>
    %reshape3A_20 = vector.shape_cast %concatenate3A_19 : vector<1x32768xi32> to vector<32768xi32>
    %swap3A_21 = arith.constant 32768 : index
    %swap3A_22 = vector.load %arg2[%swap3A_21] : memref<65536xi32, #tpu.memory_space<vmem>>, vector<32768xi32>
    tpu.vector_store %arg2[%swap3A_21], %reshape3A_20 {strides = array<i32>} : memref<65536xi32, #tpu.memory_space<vmem>>, vector<32768xi32>,
    return
  }
}

</mosaic_0001>

<sc_bundles>
// kernel: _fwd.6.cloned.1.call-start
scs
__scs_entry_jumppad:
0x0: {  	(pc) =	sbr.rel $0x88, $3  }
0x1: {  	(tag) =	ssettag $0x0;
	lr =	simm.s32 $0x1  }
0x2: {  	[smem:$0x3F91] =	sst lr;
	_ =	strace $0xD0000000  }
0x3: {  	_ = 	snop  }
0x4: {  	_ = 	snop  }
0x5: {  	_ = 	snop  }
0x6: {  	_ = 	snop  }
0x7: {  	_ = 	snop  }
__scs_overlays_trampoline_lowered:
0x8: {  	[smem:$0x3FA0] =	sst s0  }
0x9: {  	[smem:$0x3FA1] =	sst s1  }
0xa: {  	[smem:$0x3FA2] =	sst s2  }
0xb: {  	[smem:$0x3FA3] =	sst s3  }
0xc: {  	[smem:$0x3FA4] =	sst s4  }
0xd: {  	[smem:$0x3FA5] =	sst s5  }
0xe: {  	[smem:$0x3FA6] =	sst s6  }
0xf: {  	[smem:$0x3FA7] =	sst s7  }
0x10: {  	[smem:$0x3FA8] =	sst s8  }
0x11: {  	[smem:$0x3FA9] =	sst s9;
	s0 =	simm.s32 @!p0 $0x0  }
0x12: {  	s1 =	sld [smem:$0x3F8F];
	s0 =	simm.s32 @p0 $0x1  }
0x13: {  	[smem:$0x3FAA] =	sst s0;
	s0 =	simm.s32 @!p1 $0x0  }
0x14: {  	s2 =	sld [smem:$0x3F8E];
	s0 =	simm.s32 @p1 $0x1  }
0x15: {  	[smem:$0x3FAB] =	sst s0;
	s0 =	simm.s32 @!p2 $0x0  }
0x16: {  	s3 =	sld [smem:$0x3FDB];
	s0 =	simm.s32 @p2 $0x1  }
0x17: {  	s4 =	simm.s32 $0x1BF5;
	[smem:$0x3FAD] =	sst s0  }
0x18: {  	s0 =	sld [smem:$0x3F90];
	_ =	swait.ge [sflag:s4], $0x0  }
0x19: {  	s7 =	sld [smem:$0x3F91]  }
0x1a: {  	s8 =	sadd.s32 $0xFFFFE003, lr  }
0x1b: {  	s9 =	sadd.s32 $0xFFFFFEF7, lr;
	s5 =	simm.s32 $0xFFFFFFFF;
	p2 =	slt.u32 s8, $0xFFFFF086  }
0x1c: {  	p1 =	slt.u32 s9, $0xF7A;
	s5 =	simm.s32 @!p2 $0x0  }
0x1d: {  	s5 =	simm.s32 @p1 $0x1;
	p0 =	seq.s32 s7, s2  }
0x1e: {  	s7 =	smul.u32 @!p0 $0xF7A, s2;
	p2 =	seq.s32 @!p0 s5, $0x0  }
0x1f: {  	s9 =	smul.u32 $0xF7A, s1;
	s8 =	simm.s32 @!p0 $0x1BF5;
	p2 =	por !p2, p0  }
0x20: {  	[sflag:s8] =	ssyncset.s32 @!p0 $0xFFFFF086;
	s6 =	sadd.s32 @!p0 s3, s7;
	s7 =	simm.s32 @!p0 $0x108  }
0x21: {  	s3 =	sadd.s32 s3, s9;
	s6 =	sadd.s32 @!p0 $0x88, s6;
	s7 =	simm.s32 @p2 $0x1082  }
0x22: {  	[simem:s7], [sflag:s8] =	dma.local @!p0 [hbm:s6], $0xF7A  }
0x23: {  	s9 =	sor.u32 $0xD0000000, s2;
	s6 =	simm.s32 $0x108;
	_ =	swait.ge @!p0 [sflag:s8], $0x0  }
0x24: {  	s3 =	sadd.s32 $0x88, s3;
	s6 =	simm.s32 @!p1 $0x1082;
	[sflag:s4] =	ssyncset.s32 $0xFFFFF086  }
0x25: {  	[simem:s6], [sflag:s4] =	dma.local [hbm:s3], $0xF7A  }
0x26: {  	[smem:$0x3F91] =	sst s1;
	(tag) =	ssettag s2;
	_ =	strace s9  }
0x27: {  	s1 =	sld [smem:$0x3FA1]  }
0x28: {  	s2 =	sld [smem:$0x3FA2]  }
0x29: {  	s4 =	sld [smem:$0x3FA4]  }
0x2a: {  	p0 =	seq.s32 s5, $0x0;
	s5 =	sld [smem:$0x3FA5]  }
0x2b: {  	s6 =	sld [smem:$0x3FA6]  }
0x2c: {  	s7 =	sld [smem:$0x3FA7]  }
0x2d: {  	s3 =	simm.s32 $0x108;
	s8 =	sld [smem:$0x3FA8]  }
0x2e: {  	s3 =	simm.s32 @!p0 $0x1082;
	s9 =	sld [smem:$0x3FA9]  }
0x2f: {  	lr =	sadd.s32 s0, s3;
	s0 =	sld [smem:$0x3FA0]  }
0x30: {  	s3 =	sld [smem:$0x3FA3]  }
0x31: {  	[smem:$0x3FAC] =	sst s10  }
0x32: {  	s10 =	sld [smem:$0x3FAA];
	_ =	sdelay $0x3  }
0x33: {  	p0 =	seq.s32 s10, $0x1;
	s10 =	sld [smem:$0x3FAC];
	_ =	sdelay $0x3  }
0x34: {  	[smem:$0x3FAC] =	sst s10  }
0x35: {  	s10 =	sld [smem:$0x3FAB];
	_ =	sdelay $0x3  }
0x36: {  	p1 =	seq.s32 s10, $0x1;
	s10 =	sld [smem:$0x3FAC];
	_ =	sdelay $0x3  }
0x37: {  	[smem:$0x3FAC] =	sst s10  }
0x38: {  	s10 =	sld [smem:$0x3FAD]  }
0x39: {  	_ = 	snop;
	(pc) =	sbr.ind lr, $3  }
0x3a: {  	_ = 	snop  }
0x3b: {  	_ = 	snop  }
0x3c: {  	p2 =	seq.s32 s10, $0x1;
	s10 =	sld [smem:$0x3FAC]  }
0x3d: {  	_ =	shalt  }
0x3e: {  	_ =	shalt  }
0x3f: {  	_ =	shalt  }
0x40: {  	_ =	shalt  }
0x41: {  	_ =	shalt  }
0x42: {  	_ =	shalt  }
0x43: {  	_ =	shalt  }
0x44: {  	_ =	shalt  }
0x45: {  	_ =	shalt  }
0x46: {  	_ =	shalt  }
0x47: {  	_ =	shalt  }
0x48: {  	_ =	shalt  }
0x49: {  	_ =	shalt  }
0x4a: {  	_ =	shalt  }
0x4b: {  	_ =	shalt  }
0x4c: {  	_ =	shalt  }
0x4d: {  	_ =	shalt  }
0x4e: {  	_ =	shalt  }
0x4f: {  	_ =	shalt  }
0x50: {  	_ =	shalt  }
0x51: {  	_ =	shalt  }
0x52: {  	_ =	shalt  }
0x53: {  	_ =	shalt  }
0x54: {  	_ =	shalt  }
0x55: {  	_ =	shalt  }
0x56: {  	_ =	shalt  }
0x57: {  	_ =	shalt  }
0x58: {  	_ =	shalt  }
0x59: {  	_ =	shalt  }
0x5a: {  	_ =	shalt  }
0x5b: {  	_ =	shalt  }
0x5c: {  	_ =	shalt  }
0x5d: {  	_ =	shalt  }
0x5e: {  	_ =	shalt  }
0x5f: {  	_ =	shalt  }
0x60: {  	_ =	shalt  }
0x61: {  	_ =	shalt  }
0x62: {  	_ =	shalt  }
0x63: {  	_ =	shalt  }
0x64: {  	_ =	shalt  }
0x65: {  	_ =	shalt  }
0x66: {  	_ =	shalt  }
0x67: {  	_ =	shalt  }
0x68: {  	_ =	shalt  }
0x69: {  	_ =	shalt  }
0x6a: {  	_ =	shalt  }
0x6b: {  	_ =	shalt  }
0x6c: {  	_ =	shalt  }
0x6d: {  	_ =	shalt  }
0x6e: {  	_ =	shalt  }
0x6f: {  	_ =	shalt  }
0x70: {  	_ =	shalt  }
0x71: {  	_ =	shalt  }
0x72: {  	_ =	shalt  }
0x73: {  	_ =	shalt  }
0x74: {  	_ =	shalt  }
0x75: {  	_ =	shalt  }
0x76: {  	_ =	shalt  }
0x77: {  	_ =	shalt  }
0x78: {  	_ =	shalt  }
0x79: {  	_ =	shalt  }
0x7a: {  	_ =	shalt  }
0x7b: {  	_ =	shalt  }
0x7c: {  	_ =	shalt  }
0x7d: {  	_ =	shalt  }
0x7e: {  	_ =	shalt  }
0x7f: {  	_ =	shalt  }
0x80: {  	_ =	shalt  }
0x81: {  	_ =	shalt  }
0x82: {  	_ =	shalt  }
0x83: {  	_ =	shalt  }
0x84: {  	_ =	shalt  }
0x85: {  	_ =	shalt  }
0x86: {  	_ =	shalt  }
0x87: {  	_ =	shalt  }
.Lfunc_end0:
.L_simem_size_0:
called_computation_lowered:
.L_overlay_start_0:
0x88: {  	s2 =	sld [smem:$0x3FD9]  }
0x89: {  	s3 =	sld [smem:$0x3FFE];
	_ =	sdelay $0x1  }
0x8a: {  	s1 =	srdreg.scid  }
0x8b: {  	s0 =	sand.u32 $0x1, s1  }
0x8c: {  	s14 =	sshll.u32 s0, $0xA;
	s2 =	sadd.s32 s3, s2  }
0x8d: {  	s2 =	sadd.s32 s2, s14  }
0x8e: {  	[smem:$0x3FB8] =	sst s2  }
0x8f: {  	_ = 	snop  }
0x90: {  	s2 =	sld [smem:$0x3FD0];
	_ =	sdelay $0x2  }
0x91: {  	s15 =	simm.s32 $0xA;
	s4 =	simm.s32 $0x10  }
0x92: {  	[smem:s4], [sflag:s15] =	dma.local [hbm:s2], $0x1  }
0x93: {  	_ =	swait.eq [sflag:s15], $0x1  }
0x94: {  	[sflag:s15] =	ssyncset.done $0x0  }
0x95: {  	[sflag:s15] =	ssyncadd.s32 $0xFFFFFFFF  }
0x96: {  	s16 =	sld [smem:$0x10];
	(tm) =	ssettm $0x1  }
0x97: {  	s17 =	sld [smem:$0x3FFB];
	_ =	sdelay $0x3  }
0x98: {  	_ =	strace s17  }
0x99: {  	s3 =	sld [smem:$0x3FFC];
	_ =	sdelay $0x3  }
0x9a: {  	_ =	strace s3  }
0x9b: {  	s3 =	sld [smem:$0x3FFD];
	_ =	sdelay $0x3  }
0x9c: {  	_ =	strace s3  }
0x9d: {  	_ =	strace $0x8FFFFFFF  }
0x9e: {  	s18 =	sld [smem:$0x3FDB];
	_ =	sdelay $0x1  }
0x9f: {  	s19 =	simm.s32 $_scs_section_size  }
0xa0: {  	s5 =	simm.s32 $_size__tile_overlayer_lowered;
	s6 =	simm.s32 $_tile_overlayer_lowered  }
0xa1: {  	s22 =	simm.s32 $0x1BFF;
	s21 =	sshll.u32 s6, $0x1;
	s3 =	sadd.s32 s19, s18  }
0xa2: {  	s7 =	simm.s32 $0x0;
	s20 =	sshll.u32 s5, $0x1;
	s5 =	sadd.s32 s21, s3  }
0xa3: {  	[timem:s7], [sflag:s22] =	dma.local [hbm:s5], s20  }
0xa4: {  	_ =	swait.ge [sflag:s22], s20  }
0xa5: {  	s4 =	ssub.s32 $0x0, s20;
	[sflag:s22] =	ssyncset.done $0x0  }
0xa6: {  	[sflag:s22] =	ssyncadd.s32 s4;
	_ =	sdelay $0x1  }
0xa7: {  	s23 =	simm.s32 $0x1B8B  }
0xa8: {  	_ =	swait.ge [sflag:s23], $0x1  }
0xa9: {  	[sflag:s23] =	ssyncset.done $0x0  }
0xaa: {  	s25 =	simm.s32 $0x1B8E;
	s24 =	sld [smem:$0x3FFE];
	[sflag:s23] =	ssyncadd.s32 $0xFFFFFFFF  }
0xab: {  	s26 =	simm.s32 $execute0_lowered;
	[smem:$0x3FD2] =	sst s25  }
0xac: {  	s5 =	sshll.u32 s26, $0x1;
	_ =	strace $0x80000046;
	[dreg:$0x1] =	wrdreg $0xFFFFFFFF  }
0xad: {  	s28 =	simm.s32 $_size_execute0_lowered;
	s3 =	sadd.s32 s3, s5;
	[dreg:$0x0] =	wrdreg $0x0  }
0xae: {  	s5 =	sshll.u32 s28, $0x1;
	[dreg:$0x2] =	wrdreg s3  }
0xaf: {  	[dreg:$0x3] =	wrdreg s5  }
0xb0: {  	[dreg:$0x4] =	wrdreg $0xC0  }
0xb1: {  	_ =	task [dreg:s7], $0x5FFFF  }
0xb2: {  	[dreg:$0x1] =	wrdreg $0xFFFFFFFF  }
0xb3: {  	[dreg:$0x0] =	wrdreg $0x60  }
0xb4: {  	[dreg:$0x2] =	wrdreg s16  }
0xb5: {  	[dreg:$0x3] =	wrdreg s24  }
0xb6: {  	[dreg:$0x4] =	wrdreg $0x18800  }
0xb7: {  	[dreg:$0x5] =	wrdreg $0x9  }
0xb8: {  	_ =	task.clear_ibuf [dreg:s7], $0x6FFFF;
	_ =	strace $0x90000046  }
0xb9: {  	s29 =	simm.s32 $0x9;
	_ =	strace $0x80000048  }
0xba: {  	_ =	swait.ge [sflag:s29], $0x1  }
0xbb: {  	[sflag:s29] =	ssyncadd.s32 $0xFFFFFFFF  }
0xbc: {  	_ =	strace $0x90000048  }
0xbd: {  	_ =	sfence  }
0xbe: {  	s30 =	sld [smem:$0x0];
	_ =	sdelay $0x2  }
0xbf: {  	s31 =	sshll.u32 s1, $0xD;
	s1 =	sshrl.u32 s1, $0x2  }
0xc0: {  	s3 =	sand.u32 $0x4000, s31;
	s1 =	sadd.s32 s1, s30  }
0xc1: {  	s0 =	sor.u32 s3, s0;
	s1 =	sshll.u32 s1, $0x11  }
0xc2: {  	s0 =	sor.u32 s1, s0  }
0xc3: {  	s0 =	sadd.s32 $0x8F2B, s0  }
0xc4: {  	[sflag:s0] =	ssyncadd.remote.s32 $0x1  }
0xc5: {  	_ =	sfence.sel $0xFFFF  }
0xc6: {  	[dreg:$0x0] =	wrdreg $0xFFFFFFFF;
	(pc) =	sbr.abs _section_cstart, $3  }
0xc7: {  	[dreg:$0x1] =	wrdreg $0xFFFFFFFF  }
0xc8: {  	_ =	task.clear_ibuf [dreg:s7], $0x2FFFF;
	_ =	strace $0x9FFFFFFF  }
0xc9: {  	(tm) =	ssettm $0x7FFFFFFF  }
tec
execute0_lowered:
.L_overlay_start_1:
0x0: {  	(tag) =	ssettag $0x1  }
0x1: {  	s5 =	rddreg [dreg:$0x0]  }
0x2: {  	s6 =	rddreg [dreg:$0x1]  }
0x3: {  	s2 =	rddreg [dreg:$0x2]  }
0x4: {  	s1 =	stileid.u32;
	s0 =	rddreg [dreg:$0x3];
	s3 =	simm.s32 $0x0  }
0x5: {  	s8 =	srdreg.scid;
	s31 =	simm.s32 $0x800;
	s13 =	simm.s32 $0x980  }
0x6: {  	s14 =	simm.s32 $0xA00;
	s15 =	simm.s32 $0xA80;
	s16 =	simm.s32 $0xB00  }
0x7: {  	s17 =	simm.s32 $0xB80;
	s18 =	simm.s32 $0xC00;
	s19 =	simm.s32 $0xC80  }
0x8: {  	s20 =	simm.s32 $0xD00;
	s21 =	simm.s32 $0xD80;
	s28 =	simm.s32 $0x4  }
0x9: {  	s4 =	sshll.u32 s1, $0xE;
	[smem:$0x7FF] =	sst s3;
	s8 =	sand.u32 $0x1, s8  }
0xa: {  	s11 =	sshll.u32 s1, $0xB;
	s4 =	sadd.s32 s4, s2;
	_ =	strace $0x80000047  }
0xb: {  	s9 =	ssub.s32 $0x2, s8;
	[dreg:$0xd] =	wrdreg s31;
	s7 =	sadd.s32 $0x800, s4  }
0xc: {  	s29 =	sshll.u32 s8, $0xF;
	s22 =	sadd.s32 $0x1000, s4;
	[dreg:$0x4] =	wrdreg s7  }
0xd: {  	p0 =	seq.s32 s8, $0x1;
	s23 =	sadd.s32 $0x1800, s4;
	[dreg:$0x5] =	wrdreg s22  }
0xe: {  	s8 =	simm.s32 $0xB200;
	s24 =	sadd.s32 $0x2000, s4;
	[dreg:$0x6] =	wrdreg s23  }
0xf: {  	s25 =	sadd.s32 $0x2800, s4;
	s10 =	sshrl.u32 s9, $0x1;
	[dreg:$0x7] =	wrdreg s24  }
0x10: {  	s26 =	sadd.s32 $0x3000, s4;
	s12 =	sadd.s32 $0x3800, s4;
	[dreg:$0x8] =	wrdreg s25  }
0x11: {  	s8 =	simm.s32 @!p0 $0x3200;
	[dreg:$0x9] =	wrdreg s26;
	s7 =	sor.u32 s11, s29  }
0x12: {  	[dreg:$0xa] =	wrdreg s12;
	s6 =	sadd.s32 s8, s6;
	s30 =	ssub.s32 s9, s10  }
0x13: {  	s8 =	simm.s32 $0x1;
	s9 =	simm.s32 $0x80;
	s10 =	simm.s32 $0x1000  }
0x14: {  	s12 =	simm.s32 $0x900;
	s22 =	simm.s32 $0xE00;
	s23 =	simm.s32 $0xE80  }
0x15: {  	s24 =	simm.s32 $0xF00;
	s25 =	simm.s32 $0xF80;
	s26 =	simm.s32 $0x3  }
0x16: {  	s7 =	sshrl.u32 s7, $0x3;
	s6 =	sadd.s32 s6, s11;
	s11 =	simm.s32 $0x880  }
0x17: {  	s5 =	sadd.s32 s5, s7;
	[dreg:$0xc] =	wrdreg s6;
	s6 =	simm.s32 $0x1080  }
0x18: {  	v0 =	vimm.f32 $0.0e+00;
	v1 =	vimm.f32 $1.000000000e+00;
	s7 =	simm.s32 $0x2;
	[dreg:$0xb] =	wrdreg s5;
	s5 =	smax.u32 s30, $0x1  }
.LBB2_1:
0x19: {  	[tilespmem:$0x1080] =	vst v0  }
0x1a: {  	[tilespmem:$0x1090] =	vst v0  }
0x1b: {  	[tilespmem:$0x10A0] =	vst v0  }
0x1c: {  	[tilespmem:$0x10B0] =	vst v0  }
0x1d: {  	[tilespmem:$0x10C0] =	vst v0  }
0x1e: {  	[tilespmem:$0x10D0] =	vst v0  }
0x1f: {  	[tilespmem:$0x10E0] =	vst v0  }
0x20: {  	[tilespmem:$0x10F0] =	vst v0  }
0x21: {  	[tilespmem:$0x1100] =	vst v0  }
0x22: {  	[tilespmem:$0x1110] =	vst v0  }
0x23: {  	[tilespmem:$0x1120] =	vst v0  }
0x24: {  	[tilespmem:$0x1130] =	vst v0  }
0x25: {  	[tilespmem:$0x1140] =	vst v0  }
0x26: {  	[tilespmem:$0x1150] =	vst v0  }
0x27: {  	[tilespmem:$0x1160] =	vst v0  }
0x28: {  	[tilespmem:$0x1170] =	vst v0  }
0x29: {  	[tilespmem:$0x1180] =	vst v0  }
0x2a: {  	[tilespmem:$0x1190] =	vst v0  }
0x2b: {  	[tilespmem:$0x11A0] =	vst v0  }
0x2c: {  	[tilespmem:$0x11B0] =	vst v0  }
0x2d: {  	[tilespmem:$0x11C0] =	vst v0  }
0x2e: {  	[tilespmem:$0x11D0] =	vst v0  }
0x2f: {  	[tilespmem:$0x11E0] =	vst v0  }
0x30: {  	[tilespmem:$0x11F0] =	vst v0  }
0x31: {  	[tilespmem:$0x1200] =	vst v0  }
0x32: {  	[tilespmem:$0x1210] =	vst v0  }
0x33: {  	[tilespmem:$0x1220] =	vst v0  }
0x34: {  	[tilespmem:$0x1230] =	vst v0  }
0x35: {  	[tilespmem:$0x1240] =	vst v0  }
0x36: {  	[tilespmem:$0x1250] =	vst v0  }
0x37: {  	[tilespmem:$0x1260] =	vst v0  }
0x38: {  	[tilespmem:$0x1270] =	vst v0  }
0x39: {  	[tilespmem:$0x1280] =	vst v0  }
0x3a: {  	[tilespmem:$0x1290] =	vst v0  }
0x3b: {  	[tilespmem:$0x12A0] =	vst v0  }
0x3c: {  	[tilespmem:$0x12B0] =	vst v0  }
0x3d: {  	[tilespmem:$0x12C0] =	vst v0  }
0x3e: {  	[tilespmem:$0x12D0] =	vst v0  }
0x3f: {  	[tilespmem:$0x12E0] =	vst v0  }
0x40: {  	[tilespmem:$0x12F0] =	vst v0  }
0x41: {  	[tilespmem:$0x1300] =	vst v0  }
0x42: {  	[tilespmem:$0x1310] =	vst v0  }
0x43: {  	[tilespmem:$0x1320] =	vst v0  }
0x44: {  	[tilespmem:$0x1330] =	vst v0  }
0x45: {  	[tilespmem:$0x1340] =	vst v0  }
0x46: {  	[tilespmem:$0x1350] =	vst v0  }
0x47: {  	[tilespmem:$0x1360] =	vst v0  }
0x48: {  	[tilespmem:$0x1370] =	vst v0  }
0x49: {  	[tilespmem:$0x1380] =	vst v0  }
0x4a: {  	[tilespmem:$0x1390] =	vst v0  }
0x4b: {  	[tilespmem:$0x13A0] =	vst v0  }
0x4c: {  	[tilespmem:$0x13B0] =	vst v0  }
0x4d: {  	[tilespmem:$0x13C0] =	vst v0  }
0x4e: {  	[tilespmem:$0x13D0] =	vst v0  }
0x4f: {  	[tilespmem:$0x13E0] =	vst v0  }
0x50: {  	[tilespmem:$0x13F0] =	vst v0  }
0x51: {  	[tilespmem:$0x1400] =	vst v0  }
0x52: {  	[tilespmem:$0x1410] =	vst v0  }
0x53: {  	[tilespmem:$0x1420] =	vst v0  }
0x54: {  	[tilespmem:$0x1430] =	vst v0  }
0x55: {  	[tilespmem:$0x1440] =	vst v0  }
0x56: {  	[tilespmem:$0x1450] =	vst v0  }
0x57: {  	[tilespmem:$0x1460] =	vst v0  }
0x58: {  	[tilespmem:$0x1470] =	vst v0  }
0x59: {  	[tilespmem:$0x1480] =	vst v0  }
0x5a: {  	[tilespmem:$0x1490] =	vst v0  }
0x5b: {  	[tilespmem:$0x14A0] =	vst v0  }
0x5c: {  	[tilespmem:$0x14B0] =	vst v0  }
0x5d: {  	[tilespmem:$0x14C0] =	vst v0  }
0x5e: {  	[tilespmem:$0x14D0] =	vst v0  }
0x5f: {  	[tilespmem:$0x14E0] =	vst v0  }
0x60: {  	[tilespmem:$0x14F0] =	vst v0  }
0x61: {  	[tilespmem:$0x1500] =	vst v0  }
0x62: {  	[tilespmem:$0x1510] =	vst v0  }
0x63: {  	[tilespmem:$0x1520] =	vst v0  }
0x64: {  	[tilespmem:$0x1530] =	vst v0  }
0x65: {  	[tilespmem:$0x1540] =	vst v0  }
0x66: {  	[tilespmem:$0x1550] =	vst v0  }
0x67: {  	[tilespmem:$0x1560] =	vst v0  }
0x68: {  	[tilespmem:$0x1570] =	vst v0  }
0x69: {  	[tilespmem:$0x1580] =	vst v0  }
0x6a: {  	[tilespmem:$0x1590] =	vst v0  }
0x6b: {  	[tilespmem:$0x15A0] =	vst v0  }
0x6c: {  	[tilespmem:$0x15B0] =	vst v0  }
0x6d: {  	[tilespmem:$0x15C0] =	vst v0  }
0x6e: {  	[tilespmem:$0x15D0] =	vst v0  }
0x6f: {  	[tilespmem:$0x15E0] =	vst v0  }
0x70: {  	[tilespmem:$0x15F0] =	vst v0  }
0x71: {  	[tilespmem:$0x1600] =	vst v0  }
0x72: {  	[tilespmem:$0x1610] =	vst v0  }
0x73: {  	[tilespmem:$0x1620] =	vst v0  }
0x74: {  	[tilespmem:$0x1630] =	vst v0  }
0x75: {  	[tilespmem:$0x1640] =	vst v0  }
0x76: {  	[tilespmem:$0x1650] =	vst v0  }
0x77: {  	[tilespmem:$0x1660] =	vst v0  }
0x78: {  	[tilespmem:$0x1670] =	vst v0  }
0x79: {  	[tilespmem:$0x1680] =	vst v0  }
0x7a: {  	[tilespmem:$0x1690] =	vst v0  }
0x7b: {  	[tilespmem:$0x16A0] =	vst v0  }
0x7c: {  	[tilespmem:$0x16B0] =	vst v0  }
0x7d: {  	[tilespmem:$0x16C0] =	vst v0  }
0x7e: {  	[tilespmem:$0x16D0] =	vst v0  }
0x7f: {  	[tilespmem:$0x16E0] =	vst v0  }
0x80: {  	[tilespmem:$0x16F0] =	vst v0  }
0x81: {  	[tilespmem:$0x1700] =	vst v0  }
0x82: {  	[tilespmem:$0x1710] =	vst v0  }
0x83: {  	[tilespmem:$0x1720] =	vst v0  }
0x84: {  	[tilespmem:$0x1730] =	vst v0  }
0x85: {  	[tilespmem:$0x1740] =	vst v0  }
0x86: {  	[tilespmem:$0x1750] =	vst v0  }
0x87: {  	[tilespmem:$0x1760] =	vst v0  }
0x88: {  	[tilespmem:$0x1770] =	vst v0  }
0x89: {  	[tilespmem:$0x1780] =	vst v0  }
0x8a: {  	[tilespmem:$0x1790] =	vst v0  }
0x8b: {  	[tilespmem:$0x17A0] =	vst v0  }
0x8c: {  	[tilespmem:$0x17B0] =	vst v0  }
0x8d: {  	[tilespmem:$0x17C0] =	vst v0  }
0x8e: {  	[tilespmem:$0x17D0] =	vst v0  }
0x8f: {  	[tilespmem:$0x17E0] =	vst v0  }
0x90: {  	[tilespmem:$0x17F0] =	vst v0  }
0x91: {  	[tilespmem:$0x1800] =	vst v0  }
0x92: {  	[tilespmem:$0x1810] =	vst v0  }
0x93: {  	[tilespmem:$0x1820] =	vst v0  }
0x94: {  	[tilespmem:$0x1830] =	vst v0  }
0x95: {  	[tilespmem:$0x1840] =	vst v0  }
0x96: {  	[tilespmem:$0x1850] =	vst v0  }
0x97: {  	[tilespmem:$0x1860] =	vst v0  }
0x98: {  	[tilespmem:$0x1870] =	vst v0  }
0x99: {  	[tilespmem:$0x1000] =	vst v1  }
0x9a: {  	[tilespmem:$0x1010] =	vst v1  }
0x9b: {  	[tilespmem:$0x1020] =	vst v1  }
0x9c: {  	[tilespmem:$0x1030] =	vst v1  }
0x9d: {  	[tilespmem:$0x1040] =	vst v1  }
0x9e: {  	[tilespmem:$0x1050] =	vst v1  }
0x9f: {  	[tilespmem:$0x1060] =	vst v1  }
0xa0: {  	[tilespmem:$0x1070] =	vst v1  }
0xa1: {  	[spmem:s4] =	stream.linear.scatter [tilespmem:s6], [sflag:$0x1], $0x800, $0x38;
	[tilespmem:$0x5880] =	vst v63  }
0xa2: {  	s29 =	rddreg [dreg:$0x4]  }
0xa3: {  	[spmem:s29] =	stream.linear.scatter [tilespmem:s6], [sflag:$0x1], $0x800, $0x38;
	[tilespmem:$0x5880] =	vst v63  }
0xa4: {  	s30 =	rddreg [dreg:$0x5]  }
0xa5: {  	[spmem:s30] =	stream.linear.scatter [tilespmem:s6], [sflag:$0x1], $0x800, $0x38;
	[tilespmem:$0x5880] =	vst v63  }
0xa6: {  	s29 =	rddreg [dreg:$0x6]  }
0xa7: {  	[spmem:s29] =	stream.linear.scatter [tilespmem:s6], [sflag:$0x1], $0x800, $0x38;
	[tilespmem:$0x5880] =	vst v63  }
0xa8: {  	s31 =	rddreg [dreg:$0x7]  }
0xa9: {  	[spmem:s31] =	stream.linear.scatter [tilespmem:s6], [sflag:$0x1], $0x800, $0x38;
	[tilespmem:$0x5880] =	vst v63  }
0xaa: {  	s29 =	rddreg [dreg:$0x8]  }
0xab: {  	[spmem:s29] =	stream.linear.scatter [tilespmem:s6], [sflag:$0x1], $0x800, $0x38;
	[tilespmem:$0x5880] =	vst v63  }
0xac: {  	s31 =	rddreg [dreg:$0x9]  }
0xad: {  	[spmem:s31] =	stream.linear.scatter [tilespmem:s6], [sflag:$0x1], $0x800, $0x38;
	[tilespmem:$0x5880] =	vst v63  }
0xae: {  	s29 =	rddreg [dreg:$0xa]  }
0xaf: {  	[spmem:s29] =	stream.linear.scatter [tilespmem:s6], [sflag:$0x1], $0x800, $0x38;
	[tilespmem:$0x5880] =	vst v63  }
0xb0: {  	s31 =	rddreg [dreg:$0xb]  }
0xb1: {  	[tilespmem:s3], [sflag:$0x2] =	stream.linear.gather [hbm4b:s31+s3], $0x800, $0x38;
	[tilespmem:$0x5880] =	vst v63  }
0xb2: {  	_ =	swait.ge [sflag:s7], $0x800  }
0xb3: {  	[sflag:s7] =	ssyncset.done $0x0  }
0xb4: {  	[sflag:s7] =	ssyncadd.s32 $0xFFFFF800  }
0xb5: {  	v2 =	vld [tilespmem:$0x0]  }
0xb6: {  	v3 =	vld [tilespmem:$0x10]  }
0xb7: {  	v4 =	vld [tilespmem:$0x20]  }
0xb8: {  	v5 =	vld [tilespmem:$0x30]  }
0xb9: {  	v6 =	vld [tilespmem:$0x40]  }
0xba: {  	v46 =	vld [tilespmem:$0x70];
	[tilespmem:$0x800] =	vst v2  }
0xbb: {  	v2 =	vld [tilespmem:$0x50];
	[tilespmem:$0x810] =	vst v3  }
0xbc: {  	v3 =	vld [tilespmem:$0x60];
	[tilespmem:$0x820] =	vst v4  }
0xbd: {  	v47 =	vld [tilespmem:$0x80];
	[tilespmem:$0x830] =	vst v5  }
0xbe: {  	v48 =	vld [tilespmem:$0x90];
	[tilespmem:$0x840] =	vst v6  }
0xbf: {  	v49 =	vld [tilespmem:$0xC0];
	[tilespmem:$0x870] =	vst v46  }
0xc0: {  	[tilespmem:$0x850] =	vst v2;
	v2 =	vld [tilespmem:$0xA0]  }
0xc1: {  	[tilespmem:$0x860] =	vst v3;
	v3 =	vld [tilespmem:$0xB0]  }
0xc2: {  	v50 =	vld [tilespmem:$0xD0];
	[tilespmem:$0x880] =	vst v47  }
0xc3: {  	v51 =	vld [tilespmem:$0xE0];
	[tilespmem:$0x890] =	vst v48  }
0xc4: {  	v52 =	vld [tilespmem:$0x110];
	[tilespmem:$0x8C0] =	vst v49  }
0xc5: {  	[tilespmem:$0x8A0] =	vst v2;
	v2 =	vld [tilespmem:$0xF0]  }
0xc6: {  	[tilespmem:$0x8B0] =	vst v3;
	v3 =	vld [tilespmem:$0x100]  }
0xc7: {  	v53 =	vld [tilespmem:$0x120];
	[tilespmem:$0x8D0] =	vst v50  }
0xc8: {  	v54 =	vld [tilespmem:$0x130];
	[tilespmem:$0x8E0] =	vst v51  }
0xc9: {  	v55 =	vld [tilespmem:$0x160];
	[tilespmem:$0x910] =	vst v52  }
0xca: {  	[tilespmem:$0x8F0] =	vst v2;
	v2 =	vld [tilespmem:$0x140]  }
0xcb: {  	[tilespmem:$0x900] =	vst v3;
	v3 =	vld [tilespmem:$0x150]  }
0xcc: {  	v56 =	vld [tilespmem:$0x170];
	[tilespmem:$0x920] =	vst v53  }
0xcd: {  	v57 =	vld [tilespmem:$0x180];
	[tilespmem:$0x930] =	vst v54  }
0xce: {  	v58 =	vld [tilespmem:$0x1B0];
	[tilespmem:$0x960] =	vst v55  }
0xcf: {  	[tilespmem:$0x940] =	vst v2;
	v2 =	vld [tilespmem:$0x190]  }
0xd0: {  	[tilespmem:$0x950] =	vst v3;
	v3 =	vld [tilespmem:$0x1A0]  }
0xd1: {  	v59 =	vld [tilespmem:$0x1C0];
	[tilespmem:$0x970] =	vst v56  }
0xd2: {  	v60 =	vld [tilespmem:$0x1D0];
	[tilespmem:$0x980] =	vst v57  }
0xd3: {  	v61 =	vld [tilespmem:$0x200];
	[tilespmem:$0x9B0] =	vst v58  }
0xd4: {  	[tilespmem:$0x990] =	vst v2;
	v2 =	vld [tilespmem:$0x1E0]  }
0xd5: {  	[tilespmem:$0x9A0] =	vst v3;
	v3 =	vld [tilespmem:$0x1F0]  }
0xd6: {  	v62 =	vld [tilespmem:$0x210];
	[tilespmem:$0x9C0] =	vst v59  }
0xd7: {  	v63 =	vld [tilespmem:$0x220];
	[tilespmem:$0x9D0] =	vst v60  }
0xd8: {  	v9 =	vld [tilespmem:$0x250];
	[tilespmem:$0xA00] =	vst v61  }
0xd9: {  	[tilespmem:$0x9E0] =	vst v2;
	v2 =	vld [tilespmem:$0x230]  }
0xda: {  	[tilespmem:$0x9F0] =	vst v3;
	v3 =	vld [tilespmem:$0x240]  }
0xdb: {  	v10 =	vld [tilespmem:$0x260];
	[tilespmem:$0xA10] =	vst v62  }
0xdc: {  	v11 =	vld [tilespmem:$0x270];
	[tilespmem:$0xA20] =	vst v63  }
0xdd: {  	v12 =	vld [tilespmem:$0x2A0];
	[tilespmem:$0xA50] =	vst v9  }
0xde: {  	[tilespmem:$0xA30] =	vst v2;
	v2 =	vld [tilespmem:$0x280]  }
0xdf: {  	[tilespmem:$0xA40] =	vst v3;
	v3 =	vld [tilespmem:$0x290]  }
0xe0: {  	v13 =	vld [tilespmem:$0x2B0];
	[tilespmem:$0xA60] =	vst v10  }
0xe1: {  	v14 =	vld [tilespmem:$0x2C0];
	[tilespmem:$0xA70] =	vst v11  }
0xe2: {  	v15 =	vld [tilespmem:$0x2F0];
	[tilespmem:$0xAA0] =	vst v12  }
0xe3: {  	[tilespmem:$0xA80] =	vst v2;
	v2 =	vld [tilespmem:$0x2D0]  }
0xe4: {  	[tilespmem:$0xA90] =	vst v3;
	v3 =	vld [tilespmem:$0x2E0]  }
0xe5: {  	v16 =	vld [tilespmem:$0x300];
	[tilespmem:$0xAB0] =	vst v13  }
0xe6: {  	v17 =	vld [tilespmem:$0x310];
	[tilespmem:$0xAC0] =	vst v14  }
0xe7: {  	v18 =	vld [tilespmem:$0x340];
	[tilespmem:$0xAF0] =	vst v15  }
0xe8: {  	[tilespmem:$0xAD0] =	vst v2;
	v2 =	vld [tilespmem:$0x320]  }
0xe9: {  	[tilespmem:$0xAE0] =	vst v3;
	v3 =	vld [tilespmem:$0x330]  }
0xea: {  	v19 =	vld [tilespmem:$0x350];
	[tilespmem:$0xB00] =	vst v16  }
0xeb: {  	v20 =	vld [tilespmem:$0x360];
	[tilespmem:$0xB10] =	vst v17  }
0xec: {  	v21 =	vld [tilespmem:$0x390];
	[tilespmem:$0xB40] =	vst v18  }
0xed: {  	[tilespmem:$0xB20] =	vst v2;
	v2 =	vld [tilespmem:$0x370]  }
0xee: {  	[tilespmem:$0xB30] =	vst v3;
	v3 =	vld [tilespmem:$0x380]  }
0xef: {  	v22 =	vld [tilespmem:$0x3A0];
	[tilespmem:$0xB50] =	vst v19  }
0xf0: {  	v23 =	vld [tilespmem:$0x3B0];
	[tilespmem:$0xB60] =	vst v20  }
0xf1: {  	v24 =	vld [tilespmem:$0x3E0];
	[tilespmem:$0xB90] =	vst v21  }
0xf2: {  	[tilespmem:$0xB70] =	vst v2;
	v2 =	vld [tilespmem:$0x3C0]  }
0xf3: {  	[tilespmem:$0xB80] =	vst v3;
	v3 =	vld [tilespmem:$0x3D0]  }
0xf4: {  	v25 =	vld [tilespmem:$0x3F0];
	[tilespmem:$0xBA0] =	vst v22  }
0xf5: {  	v26 =	vld [tilespmem:$0x400];
	[tilespmem:$0xBB0] =	vst v23  }
0xf6: {  	v27 =	vld [tilespmem:$0x430];
	[tilespmem:$0xBE0] =	vst v24  }
0xf7: {  	[tilespmem:$0xBC0] =	vst v2;
	v2 =	vld [tilespmem:$0x410]  }
0xf8: {  	[tilespmem:$0xBD0] =	vst v3;
	v3 =	vld [tilespmem:$0x420]  }
0xf9: {  	v28 =	vld [tilespmem:$0x440];
	[tilespmem:$0xBF0] =	vst v25  }
0xfa: {  	v29 =	vld [tilespmem:$0x450];
	[tilespmem:$0xC00] =	vst v26  }
0xfb: {  	v30 =	vld [tilespmem:$0x480];
	[tilespmem:$0xC30] =	vst v27  }
0xfc: {  	[tilespmem:$0xC10] =	vst v2;
	v2 =	vld [tilespmem:$0x460]  }
0xfd: {  	[tilespmem:$0xC20] =	vst v3;
	v3 =	vld [tilespmem:$0x470]  }
0xfe: {  	v31 =	vld [tilespmem:$0x490];
	[tilespmem:$0xC40] =	vst v28  }
0xff: {  	v32 =	vld [tilespmem:$0x4A0];
	[tilespmem:$0xC50] =	vst v29  }
0x100: {  	v33 =	vld [tilespmem:$0x4D0];
	[tilespmem:$0xC80] =	vst v30  }
0x101: {  	[tilespmem:$0xC60] =	vst v2;
	v2 =	vld [tilespmem:$0x4B0]  }
0x102: {  	[tilespmem:$0xC70] =	vst v3;
	v3 =	vld [tilespmem:$0x4C0]  }
0x103: {  	v34 =	vld [tilespmem:$0x4E0];
	[tilespmem:$0xC90] =	vst v31  }
0x104: {  	v35 =	vld [tilespmem:$0x4F0];
	[tilespmem:$0xCA0] =	vst v32  }
0x105: {  	v36 =	vld [tilespmem:$0x520];
	[tilespmem:$0xCD0] =	vst v33  }
0x106: {  	[tilespmem:$0xCB0] =	vst v2;
	v2 =	vld [tilespmem:$0x500]  }
0x107: {  	[tilespmem:$0xCC0] =	vst v3;
	v3 =	vld [tilespmem:$0x510]  }
0x108: {  	v37 =	vld [tilespmem:$0x530];
	[tilespmem:$0xCE0] =	vst v34  }
0x109: {  	v38 =	vld [tilespmem:$0x540];
	[tilespmem:$0xCF0] =	vst v35  }
0x10a: {  	v39 =	vld [tilespmem:$0x570];
	[tilespmem:$0xD20] =	vst v36  }
0x10b: {  	[tilespmem:$0xD00] =	vst v2;
	v2 =	vld [tilespmem:$0x550]  }
0x10c: {  	[tilespmem:$0xD10] =	vst v3;
	v3 =	vld [tilespmem:$0x560]  }
0x10d: {  	v40 =	vld [tilespmem:$0x580];
	[tilespmem:$0xD30] =	vst v37  }
0x10e: {  	v41 =	vld [tilespmem:$0x590];
	[tilespmem:$0xD40] =	vst v38  }
0x10f: {  	v42 =	vld [tilespmem:$0x5C0];
	[tilespmem:$0xD70] =	vst v39  }
0x110: {  	[tilespmem:$0xD50] =	vst v2;
	v2 =	vld [tilespmem:$0x5A0]  }
0x111: {  	[tilespmem:$0xD60] =	vst v3;
	v3 =	vld [tilespmem:$0x5B0]  }
0x112: {  	v43 =	vld [tilespmem:$0x5D0];
	[tilespmem:$0xD80] =	vst v40  }
0x113: {  	v44 =	vld [tilespmem:$0x5E0];
	[tilespmem:$0xD90] =	vst v41  }
0x114: {  	v45 =	vld [tilespmem:$0x610];
	[tilespmem:$0xDC0] =	vst v42  }
0x115: {  	[tilespmem:$0xDA0] =	vst v2;
	v2 =	vld [tilespmem:$0x5F0]  }
0x116: {  	[tilespmem:$0xDB0] =	vst v3;
	v3 =	vld [tilespmem:$0x600]  }
0x117: {  	[tilespmem:$0xDD0] =	vst v43;
	v46 =	vld [tilespmem:$0x620]  }
0x118: {  	[tilespmem:$0xDE0] =	vst v44;
	v47 =	vld [tilespmem:$0x630]  }
0x119: {  	[tilespmem:$0xE10] =	vst v45;
	v48 =	vld [tilespmem:$0x660]  }
0x11a: {  	[tilespmem:$0xDF0] =	vst v2;
	v2 =	vld [tilespmem:$0x640]  }
0x11b: {  	[tilespmem:$0xE00] =	vst v3;
	v3 =	vld [tilespmem:$0x650]  }
0x11c: {  	v49 =	vld [tilespmem:$0x670];
	[tilespmem:$0xE20] =	vst v46  }
0x11d: {  	v50 =	vld [tilespmem:$0x680];
	[tilespmem:$0xE30] =	vst v47  }
0x11e: {  	v51 =	vld [tilespmem:$0x6B0];
	[tilespmem:$0xE60] =	vst v48  }
0x11f: {  	[tilespmem:$0xE40] =	vst v2;
	v2 =	vld [tilespmem:$0x690]  }
0x120: {  	[tilespmem:$0xE50] =	vst v3;
	v3 =	vld [tilespmem:$0x6A0]  }
0x121: {  	v52 =	vld [tilespmem:$0x6C0];
	[tilespmem:$0xE70] =	vst v49  }
0x122: {  	v53 =	vld [tilespmem:$0x6D0];
	[tilespmem:$0xE80] =	vst v50  }
0x123: {  	v54 =	vld [tilespmem:$0x700];
	[tilespmem:$0xEB0] =	vst v51  }
0x124: {  	[tilespmem:$0xE90] =	vst v2;
	v2 =	vld [tilespmem:$0x6E0]  }
0x125: {  	[tilespmem:$0xEA0] =	vst v3;
	v3 =	vld [tilespmem:$0x6F0]  }
0x126: {  	v55 =	vld [tilespmem:$0x710];
	[tilespmem:$0xEC0] =	vst v52  }
0x127: {  	v56 =	vld [tilespmem:$0x720];
	[tilespmem:$0xED0] =	vst v53  }
0x128: {  	v57 =	vld [tilespmem:$0x750];
	[tilespmem:$0xF00] =	vst v54  }
0x129: {  	[tilespmem:$0xEE0] =	vst v2;
	v2 =	vld [tilespmem:$0x730]  }
0x12a: {  	[tilespmem:$0xEF0] =	vst v3;
	v3 =	vld [tilespmem:$0x740]  }
0x12b: {  	v58 =	vld [tilespmem:$0x760];
	[tilespmem:$0xF10] =	vst v55  }
0x12c: {  	v59 =	vld [tilespmem:$0x770];
	[tilespmem:$0xF20] =	vst v56  }
0x12d: {  	v60 =	vld [tilespmem:$0x7A0];
	[tilespmem:$0xF50] =	vst v57  }
0x12e: {  	[tilespmem:$0xF30] =	vst v2;
	v2 =	vld [tilespmem:$0x780]  }
0x12f: {  	[tilespmem:$0xF40] =	vst v3;
	v3 =	vld [tilespmem:$0x790]  }
0x130: {  	v61 =	vld [tilespmem:$0x7B0];
	[tilespmem:$0xF60] =	vst v58  }
0x131: {  	v62 =	vld [tilespmem:$0x7C0];
	[tilespmem:$0xF70] =	vst v59  }
0x132: {  	v63 =	vld [tilespmem:$0x7F0];
	[tilespmem:$0xFA0] =	vst v60  }
0x133: {  	[tilespmem:$0xF80] =	vst v2;
	v2 =	vld [tilespmem:$0x7D0]  }
0x134: {  	[tilespmem:$0xF90] =	vst v3;
	v3 =	vld [tilespmem:$0x7E0]  }
0x135: {  	[tilespmem:$0xFB0] =	vst v61  }
0x136: {  	[tilespmem:$0xFC0] =	vst v62  }
0x137: {  	[tilespmem:$0xFF0] =	vst v63  }
0x138: {  	[tilespmem:$0xFD0] =	vst v2  }
0x139: {  	[tilespmem:$0xFE0] =	vst v3  }
0x13a: {  	_ =	swait.ge [sflag:s8], $0x800  }
0x13b: {  	[sflag:s8] =	ssyncset.done $0x0  }
0x13c: {  	[sflag:s8] =	ssyncadd.s32 $0xFFFFF800  }
0x13d: {  	_ =	swait.ge [sflag:s8], $0x800  }
0x13e: {  	[sflag:s8] =	ssyncset.done $0x0  }
0x13f: {  	[sflag:s8] =	ssyncadd.s32 $0xFFFFF800  }
0x140: {  	_ =	swait.ge [sflag:s8], $0x800  }
0x141: {  	[sflag:s8] =	ssyncset.done $0x0  }
0x142: {  	[sflag:s8] =	ssyncadd.s32 $0xFFFFF800  }
0x143: {  	_ =	swait.ge [sflag:s8], $0x800  }
0x144: {  	[sflag:s8] =	ssyncset.done $0x0  }
0x145: {  	[sflag:s8] =	ssyncadd.s32 $0xFFFFF800  }
0x146: {  	_ =	swait.ge [sflag:s8], $0x800  }
0x147: {  	[sflag:s8] =	ssyncset.done $0x0  }
0x148: {  	[sflag:s8] =	ssyncadd.s32 $0xFFFFF800  }
0x149: {  	_ =	swait.ge [sflag:s8], $0x800  }
0x14a: {  	[sflag:s8] =	ssyncset.done $0x0  }
0x14b: {  	[sflag:s8] =	ssyncadd.s32 $0xFFFFF800  }
0x14c: {  	_ =	swait.ge [sflag:s8], $0x800  }
0x14d: {  	[sflag:s8] =	ssyncset.done $0x0  }
0x14e: {  	[sflag:s8] =	ssyncadd.s32 $0xFFFFF800  }
0x14f: {  	_ =	swait.ge [sflag:s8], $0x800  }
0x150: {  	[sflag:s8] =	ssyncset.done $0x0  }
0x151: {  	[sflag:s8] =	ssyncadd.s32 $0xFFFFF800  }
0x152: {  	[bflag:$0x0] =	sbarrier.arrive $0xFFFF  }
0x153: {  	s30 =	rddreg [dreg:$0xd]  }
0x154: {  	[spmem:s2] =	stream.indirect.scatter.add.f32 [tilespmem:s10], [sflag:$0x3], $0x1, s30, s9, $0xb8;
	[tilespmem:$0x5880] =	vst v63  }
0x155: {  	_ = 	snop  }
0x156: {  	[spmem:s2] =	stream.indirect.scatter.add.f32 [tilespmem:s10], [sflag:$0x3], $0x1, s11, s9, $0xb8;
	[tilespmem:$0x5880] =	vst v63  }
0x157: {  	_ = 	snop  }
0x158: {  	[spmem:s2] =	stream.indirect.scatter.add.f32 [tilespmem:s10], [sflag:$0x3], $0x1, s12, s9, $0xb8;
	[tilespmem:$0x5880] =	vst v63  }
0x159: {  	_ = 	snop  }
0x15a: {  	[spmem:s2] =	stream.indirect.scatter.add.f32 [tilespmem:s10], [sflag:$0x3], $0x1, s13, s9, $0xb8;
	[tilespmem:$0x5880] =	vst v63  }
0x15b: {  	_ = 	snop  }
0x15c: {  	[spmem:s2] =	stream.indirect.scatter.add.f32 [tilespmem:s10], [sflag:$0x3], $0x1, s14, s9, $0xb8;
	[tilespmem:$0x5880] =	vst v63  }
0x15d: {  	_ = 	snop  }
0x15e: {  	[spmem:s2] =	stream.indirect.scatter.add.f32 [tilespmem:s10], [sflag:$0x3], $0x1, s15, s9, $0xb8;
	[tilespmem:$0x5880] =	vst v63  }
0x15f: {  	_ = 	snop  }
0x160: {  	[spmem:s2] =	stream.indirect.scatter.add.f32 [tilespmem:s10], [sflag:$0x3], $0x1, s16, s9, $0xb8;
	[tilespmem:$0x5880] =	vst v63  }
0x161: {  	_ = 	snop  }
0x162: {  	[spmem:s2] =	stream.indirect.scatter.add.f32 [tilespmem:s10], [sflag:$0x3], $0x1, s17, s9, $0xb8;
	[tilespmem:$0x5880] =	vst v63  }
0x163: {  	_ = 	snop  }
0x164: {  	[spmem:s2] =	stream.indirect.scatter.add.f32 [tilespmem:s10], [sflag:$0x3], $0x1, s18, s9, $0xb8;
	[tilespmem:$0x5880] =	vst v63  }
0x165: {  	_ = 	snop  }
0x166: {  	[spmem:s2] =	stream.indirect.scatter.add.f32 [tilespmem:s10], [sflag:$0x3], $0x1, s19, s9, $0xb8;
	[tilespmem:$0x5880] =	vst v63  }
0x167: {  	_ = 	snop  }
0x168: {  	[spmem:s2] =	stream.indirect.scatter.add.f32 [tilespmem:s10], [sflag:$0x3], $0x1, s20, s9, $0xb8;
	[tilespmem:$0x5880] =	vst v63  }
0x169: {  	_ = 	snop  }
0x16a: {  	[spmem:s2] =	stream.indirect.scatter.add.f32 [tilespmem:s10], [sflag:$0x3], $0x1, s21, s9, $0xb8;
	[tilespmem:$0x5880] =	vst v63  }
0x16b: {  	_ = 	snop  }
0x16c: {  	[spmem:s2] =	stream.indirect.scatter.add.f32 [tilespmem:s10], [sflag:$0x3], $0x1, s22, s9, $0xb8;
	[tilespmem:$0x5880] =	vst v63  }
0x16d: {  	_ = 	snop  }
0x16e: {  	[spmem:s2] =	stream.indirect.scatter.add.f32 [tilespmem:s10], [sflag:$0x3], $0x1, s23, s9, $0xb8;
	[tilespmem:$0x5880] =	vst v63  }
0x16f: {  	_ = 	snop  }
0x170: {  	[spmem:s2] =	stream.indirect.scatter.add.f32 [tilespmem:s10], [sflag:$0x3], $0x1, s24, s9, $0xb8;
	[tilespmem:$0x5880] =	vst v63  }
0x171: {  	_ = 	snop  }
0x172: {  	[spmem:s2] =	stream.indirect.scatter.add.f32 [tilespmem:s10], [sflag:$0x3], $0x1, s25, s9, $0xb8;
	[tilespmem:$0x5880] =	vst v63  }
0x173: {  	_ =	swait.ge [sflag:s26], $0x80  }
0x174: {  	[sflag:s26] =	ssyncset.done $0x0  }
0x175: {  	[sflag:s26] =	ssyncadd.s32 $0xFFFFFF80  }
0x176: {  	_ =	swait.ge [sflag:s26], $0x80  }
0x177: {  	[sflag:s26] =	ssyncset.done $0x0  }
0x178: {  	[sflag:s26] =	ssyncadd.s32 $0xFFFFFF80  }
0x179: {  	_ =	swait.ge [sflag:s26], $0x80  }
0x17a: {  	[sflag:s26] =	ssyncset.done $0x0  }
0x17b: {  	[sflag:s26] =	ssyncadd.s32 $0xFFFFFF80  }
0x17c: {  	_ =	swait.ge [sflag:s26], $0x80  }
0x17d: {  	[sflag:s26] =	ssyncset.done $0x0  }
0x17e: {  	[sflag:s26] =	ssyncadd.s32 $0xFFFFFF80  }
0x17f: {  	_ =	swait.ge [sflag:s26], $0x80  }
0x180: {  	[sflag:s26] =	ssyncset.done $0x0  }
0x181: {  	[sflag:s26] =	ssyncadd.s32 $0xFFFFFF80  }
0x182: {  	_ =	swait.ge [sflag:s26], $0x80  }
0x183: {  	[sflag:s26] =	ssyncset.done $0x0  }
0x184: {  	[sflag:s26] =	ssyncadd.s32 $0xFFFFFF80  }
0x185: {  	_ =	swait.ge [sflag:s26], $0x80  }
0x186: {  	[sflag:s26] =	ssyncset.done $0x0  }
0x187: {  	[sflag:s26] =	ssyncadd.s32 $0xFFFFFF80  }
0x188: {  	_ =	swait.ge [sflag:s26], $0x80  }
0x189: {  	[sflag:s26] =	ssyncset.done $0x0  }
0x18a: {  	[sflag:s26] =	ssyncadd.s32 $0xFFFFFF80  }
0x18b: {  	_ =	swait.ge [sflag:s26], $0x80  }
0x18c: {  	[sflag:s26] =	ssyncset.done $0x0  }
0x18d: {  	[sflag:s26] =	ssyncadd.s32 $0xFFFFFF80  }
0x18e: {  	_ =	swait.ge [sflag:s26], $0x80  }
0x18f: {  	[sflag:s26] =	ssyncset.done $0x0  }
0x190: {  	[sflag:s26] =	ssyncadd.s32 $0xFFFFFF80  }
0x191: {  	_ =	swait.ge [sflag:s26], $0x80  }
0x192: {  	[sflag:s26] =	ssyncset.done $0x0  }
0x193: {  	[sflag:s26] =	ssyncadd.s32 $0xFFFFFF80  }
0x194: {  	_ =	swait.ge [sflag:s26], $0x80  }
0x195: {  	[sflag:s26] =	ssyncset.done $0x0  }
0x196: {  	[sflag:s26] =	ssyncadd.s32 $0xFFFFFF80  }
0x197: {  	_ =	swait.ge [sflag:s26], $0x80  }
0x198: {  	[sflag:s26] =	ssyncset.done $0x0  }
0x199: {  	[sflag:s26] =	ssyncadd.s32 $0xFFFFFF80  }
0x19a: {  	_ =	swait.ge [sflag:s26], $0x80  }
0x19b: {  	[sflag:s26] =	ssyncset.done $0x0  }
0x19c: {  	[sflag:s26] =	ssyncadd.s32 $0xFFFFFF80  }
0x19d: {  	_ =	swait.ge [sflag:s26], $0x80  }
0x19e: {  	[sflag:s26] =	ssyncset.done $0x0  }
0x19f: {  	[sflag:s26] =	ssyncadd.s32 $0xFFFFFF80  }
0x1a0: {  	_ =	swait.ge [sflag:s26], $0x80  }
0x1a1: {  	[sflag:s26] =	ssyncset.done $0x0  }
0x1a2: {  	s31 =	sshll.u32 s1, $0x6;
	[sflag:s26] =	ssyncadd.s32 $0xFFFFFF80  }
0x1a3: {  	p0 =	sne.s32 s5, $0x1;
	s30 =	sor.u32 $0x1C04, s31;
	[bflag:$0x0] =	sbarrier.arrive $0xFFFF  }
.Ltmp0:
0x1a4: {  	s31 =	sshrl.u32 s4, $0x3;
	s29 =	rddreg [dreg:$0xc];
	(pc) =	sbr.rel @p0 .LBB2_1-.Ltmp0, $4  }
0x1a5: {  	[hbm:s29], [sflag:s30] =	dma.local [spmem:s31], $0x800  }
0x1a6: {  	_ =	swait.ge [sflag:s28], $0x800  }
0x1a7: {  	[sflag:s28] =	ssyncset.done $0x0  }
0x1a8: {  	s5 =	sadd.s32 $0xFFFFFFFF, s5;
	[sflag:s28] =	ssyncadd.s32 $0xFFFFF800  }
0x1a9: {  	_ =	sfence.sel $0x180000  }
0x1aa: {  	[bflag:$0x0] =	sbarrier.arrive $0xFFFF  }
0x1ab: {  	p0 =	sne.s32 s1, $0x0;
	_ =	strace $0x90000047  }
0x1ac: {  	s0 =	sadd.s32 @!p0 $0x100000, s0;
	[bflag:$0x2] =	sbarrier.arrive $0xFFFF  }
0x1ad: {  	[sflag:s0] =	ssyncadd.tile.s32 @!p0 $0x1;
	_ =	shalt  }
.Lfunc_end2:
_tile_overlayer_lowered:
.L_overlay_start_2:
0x1ae: {  	(tag) =	ssettag $0x2  }
0x1af: {  	s0 =	rddreg [dreg:$0x0];
	s2 =	stileid.u32  }
0x1b0: {  	s1 =	rddreg [dreg:$0x1];
	p0 =	sne.s32 s2, $0x0  }
0x1b1: {  	s3 =	rddreg [dreg:$0x2];
	[bflag:$0x3] =	sbarrier.arrive $0xFFFF;
	s2 =	simm.s32 @!p0 $0x1C04  }
0x1b2: {  	[timem:s3], [sflag:s2] =	dma.local @!p0 [hbm:s0], s1  }
0x1b3: {  	s0 =	simm.s32 @!p0 $0x4  }
0x1b4: {  	_ =	swait.ge @!p0 [sflag:s0], s1  }
0x1b5: {  	s1 =	ssub.s32 @!p0 $0x0, s1;
	[sflag:s0] =	ssyncset.done @!p0 $0x0  }
0x1b6: {  	[sflag:s0] =	ssyncadd.s32 @!p0 s1  }
0x1b7: {  	[bflag:$0x3] =	sbarrier.arrive $0xFFFF  }
0x1b8: {  	_ =	shalt  }

</sc_bundles>
